<compile_context>
chip_gen: v7x
topology: tpu7x:2x2x1
jax: 0.10.2.dev20260603
libtpu: 0.0.44.dev20260713+nightly
codegen_flags: <defaults>
</compile_context>

<pallas_src>
import functools

import jax
import jax.numpy as jnp
from jax import lax
from jax.experimental import pallas as pl
from jax.experimental.pallas import tpu as pltpu
from jax.experimental.pallas import tpu_sc as plsc

D = 128
L = 16
NVEC = D // L
NC, NS = 2, 16
NW = NC * NS
B, SEQ = 1024, 200
N_ROWS = B * SEQ
ROWS_PER_W = N_ROWS // NW
G = 128
NG = ROWS_PER_W // G
NBUF = 4
EPS = 1e-12
INV_D = 1.0 / D


def _rsqrt_vec(v):
    i = plsc.bitcast(v, jnp.int32)
    i = jnp.int32(0x5F3759DF) - (i >> 1)
    y = plsc.bitcast(i, jnp.float32)
    vh = v * 0.5
    for _ in range(2):
        y = y * (1.5 - vh * y * y)
    return y


def _ln_group(buf, gs, bs):

    @pl.loop(0, G, unroll=2)
    def _(r):
        xs = [buf[r, pl.ds(L * k, L)] for k in range(NVEC)]
        s = xs[0]
        q = xs[0] * xs[0]
        for k in range(1, NVEC):
            s = s + xs[k]
            q = q + xs[k] * xs[k]
        mean = jnp.sum(s) * INV_D
        var = jnp.sum(q) * INV_D - mean * mean
        var = jnp.maximum(var, 0.0) + EPS
        inv = _rsqrt_vec(jnp.broadcast_to(var, (L,)))
        for k in range(NVEC):
            buf[r, pl.ds(L * k, L)] = (xs[k] - mean) * inv * gs[k] + bs[k]


def _body(seq_r, table_r, gamma_r, beta_r, out_r,
          idx_v, b0, b1, b2, b3, gamma_v, beta_v,
          gs0, gs1, gs2, gs3, os0, os1, os2, os3):
    bufs = (b0, b1, b2, b3)
    gsems = (gs0, gs1, gs2, gs3)
    osems = (os0, os1, os2, os3)

    wid = lax.axis_index("s") * NC + lax.axis_index("c")
    base = wid * ROWS_PER_W

    pltpu.sync_copy(seq_r.at[pl.ds(pl.multiple_of(base, G), ROWS_PER_W)], idx_v)
    pltpu.sync_copy(gamma_r, gamma_v)
    pltpu.sync_copy(beta_r, beta_v)
    gs = [gamma_v[pl.ds(L * k, L)] for k in range(NVEC)]
    bs = [beta_v[pl.ds(L * k, L)] for k in range(NVEC)]

    def idx_slice(g):
        return idx_v.at[pl.ds(pl.multiple_of(g * G, G), G)]

    def start_gather(g, b):
        pltpu.async_copy(table_r.at[idx_slice(g)], bufs[b], gsems[b])

    def wait_gather(g, b):
        pltpu.make_async_copy(table_r.at[idx_slice(g)], bufs[b], gsems[b]).wait()

    def start_out(g, b):
        pltpu.async_copy(bufs[b], out_r.at[pl.ds(base + g * G, G)], osems[b])

    def wait_out(g, b):
        pltpu.make_async_copy(bufs[b], out_r.at[pl.ds(base + g * G, G)], osems[b]).wait()

    for b in range(NBUF - 1):
        start_gather(b, b)

    @pl.loop(0, NG // NBUF)
    def _(gq):
        for s in range(NBUF):
            g = gq * NBUF + s
            wait_gather(g, s)
            nxt = (s + NBUF - 1) % NBUF

            @pl.when(g + NBUF - 1 < NG)
            def _():
                @pl.when(g >= 1)
                def _():
                    wait_out(g - 1, nxt)
                start_gather(g + NBUF - 1, nxt)

            _ln_group(bufs[s], gs, bs)
            start_out(g, s)

    for s in range(NG % NBUF):
        g = (NG // NBUF) * NBUF + s
        wait_gather(g, s)
        _ln_group(bufs[s], gs, bs)
        start_out(g, s)

    for g in range(NG - NBUF, NG):
        wait_out(g, g % NBUF)


@jax.jit
def _emb_ln(seq2, table, gamma, beta):
    mesh = plsc.VectorSubcoreMesh(core_axis_name="c", subcore_axis_name="s")
    f = pl.kernel(
        _body,
        out_type=jax.ShapeDtypeStruct((N_ROWS, D), jnp.float32),
        mesh=mesh,
        compiler_params=pltpu.CompilerParams(needs_layout_passes=False),
        scratch_types=[
            pltpu.VMEM((ROWS_PER_W,), jnp.int32),
            pltpu.VMEM((G, D), jnp.float32),
            pltpu.VMEM((G, D), jnp.float32),
            pltpu.VMEM((G, D), jnp.float32),
            pltpu.VMEM((G, D), jnp.float32),
            pltpu.VMEM((D,), jnp.float32),
            pltpu.VMEM((D,), jnp.float32),
            pltpu.SemaphoreType.DMA,
            pltpu.SemaphoreType.DMA,
            pltpu.SemaphoreType.DMA,
            pltpu.SemaphoreType.DMA,
            pltpu.SemaphoreType.DMA,
            pltpu.SemaphoreType.DMA,
            pltpu.SemaphoreType.DMA,
            pltpu.SemaphoreType.DMA,
        ],
    )
    return f(seq2, table, gamma, beta)


def kernel(seq, table, gamma, beta):
    seq2 = seq.reshape(N_ROWS).astype(jnp.int32)
    out = _emb_ln(seq2, table, gamma, beta)
    return out.reshape(B, SEQ, D)

# --- scband reference (transcript-rebuilt; emitter-appended) ---
"""Pipeline reference for scband-re-bert-embedding-19052474925387 (READ-ONLY COPY).

The authoritative reference and input builder live on the scoring server;
editing this copy changes nothing except your own understanding.
"""

import jax, jax.numpy as jnp
import numpy as np

VOCAB = 100000
D_MODEL = 128
PAD_IDX = 0
EPS = 1e-12


def setup_inputs(seed: int = 0) -> dict:
    key = jax.random.key(seed)
    k_seq, k_tab = jax.random.split(key, 2)
    seq = jax.random.randint(k_seq, (1024, 200), 0, VOCAB, dtype=jnp.int64 if jax.config.jax_enable_x64 else jnp.int32)
    table = jax.random.normal(k_tab, (VOCAB, D_MODEL), dtype=jnp.float32)
    # padding_idx row is zeroed, matching nn.Embedding(padding_idx=0)
    table = table.at[PAD_IDX].set(0.0)
    gamma = jnp.ones((D_MODEL,), dtype=jnp.float32)
    beta = jnp.zeros((D_MODEL,), dtype=jnp.float32)
    return {"seq": seq, "table": table, "gamma": gamma, "beta": beta}


def reference(seq, table, gamma, beta):
    # word embedding lookup (gather)
    emb = jnp.take(table, seq, axis=0)  # [B, L, D]
    # LayerNorm over last dim (biased variance, as in torch.nn.LayerNorm)
    mean = jnp.mean(emb, axis=-1, keepdims=True)
    var = jnp.mean(jnp.square(emb - mean), axis=-1, keepdims=True)
    normed = (emb - mean) / jnp.sqrt(var + EPS)
    out = normed * gamma + beta
    # dropout is identity in eval/reference mode
    return out

if __name__ == "__main__":
    import jax
    _d = setup_inputs()
    print(jax.jit(kernel)(*tuple(_d.values())))

</pallas_src>

<mosaic_0001>
#map = affine_map<(d0, d1) -> (0)>
#map1 = affine_map<(d0, d1) -> (0, 0)>
module attributes {stable_mosaic.version = 14 : i64} {
  func.func @_body(%arg0: i32, %arg1: i32, %arg2: memref<204800xi32, #tpu.memory_space<hbm>>, %arg3: memref<100000x128xf32, #tpu.memory_space<hbm>>, %arg4: memref<128xf32, #tpu.memory_space<hbm>>, %arg5: memref<128xf32, #tpu.memory_space<hbm>>, %arg6: memref<204800x128xf32, #tpu.memory_space<hbm>>, %arg7: memref<6400xi32, #tpu.memory_space<vmem>>, %arg8: memref<128x128xf32, #tpu.memory_space<vmem>>, %arg9: memref<128x128xf32, #tpu.memory_space<vmem>>, %arg10: memref<128x128xf32, #tpu.memory_space<vmem>>, %arg11: memref<128x128xf32, #tpu.memory_space<vmem>>, %arg12: memref<128xf32, #tpu.memory_space<vmem>>, %arg13: memref<128xf32, #tpu.memory_space<vmem>>, %arg14: memref<!tpu.dma_semaphore, #tpu.memory_space<semaphore_mem>>, %arg15: memref<!tpu.dma_semaphore, #tpu.memory_space<semaphore_mem>>, %arg16: memref<!tpu.dma_semaphore, #tpu.memory_space<semaphore_mem>>, %arg17: memref<!tpu.dma_semaphore, #tpu.memory_space<semaphore_mem>>, %arg18: memref<!tpu.dma_semaphore, #tpu.memory_space<semaphore_mem>>, %arg19: memref<!tpu.dma_semaphore, #tpu.memory_space<semaphore_mem>>, %arg20: memref<!tpu.dma_semaphore, #tpu.memory_space<semaphore_mem>>, %arg21: memref<!tpu.dma_semaphore, #tpu.memory_space<semaphore_mem>>) attributes {dimension_semantics = [#tpu.dimension_semantics<core_parallel>, #tpu.dimension_semantics<subcore_parallel>], iteration_bounds = array<i64: 2, 16>, scalar_prefetch = 0 : i64, scratch_operands = 15 : i64, tpu.core_type = #tpu.core_type<sc_vector_subcore>, window_params = [{transform_indices = #map}, {transform_indices = #map1}, {transform_indices = #map}, {transform_indices = #map}, {transform_indices = #map1}]} {
    %mul3A = arith.constant 2 : i32
    %mul3A_0 = arith.muli %arg1, %mul3A : i32
    %add3A = arith.addi %mul3A_0, %arg0 : i32
    %mul3A_1 = arith.constant 6400 : i32
    %mul3A_2 = arith.muli %add3A, %mul3A_1 : i32
    %multiple_of3A = tpu.assume_multiple %mul3A_2, 128 : i32
    "tpu.region"() ({
      %run_scoped3A = tpu.sem_alloc : memref<!tpu.dma_semaphore, #tpu.memory_space<semaphore_mem>>
      %dma_start3A_112 = tpu.memref_slice %arg2[%multiple_of3A] : memref<204800xi32, #tpu.memory_space<hbm>> -> memref<6400xi32, #tpu.memory_space<hbm>>
      %dma_start3A_113 = tpu.memref_slice %arg2[%multiple_of3A] : memref<204800xi32, #tpu.memory_space<hbm>> -> memref<6400xi32, #tpu.memory_space<hbm>>
      tpu.enqueue_dma source(%dma_start3A_113 : memref<6400xi32, #tpu.memory_space<hbm>>) target(%arg7 : memref<6400xi32, #tpu.memory_space<vmem>>) target_semaphore(%run_scoped3A : memref<!tpu.dma_semaphore, #tpu.memory_space<semaphore_mem>>)
      %dma_wait3A_114 = tpu.memref_slice %arg2[%multiple_of3A] : memref<204800xi32, #tpu.memory_space<hbm>> -> memref<6400xi32, #tpu.memory_space<hbm>>
      %dma_wait3A_115 = tpu.memref_slice %arg2[%multiple_of3A] : memref<204800xi32, #tpu.memory_space<hbm>> -> memref<6400xi32, #tpu.memory_space<hbm>>
      tpu.wait_dma2 semaphore(%run_scoped3A : memref<!tpu.dma_semaphore, #tpu.memory_space<semaphore_mem>>) src(%dma_wait3A_115 : memref<6400xi32, #tpu.memory_space<hbm>>) dst(%arg7 : memref<6400xi32, #tpu.memory_space<vmem>>)
      tpu.yield
    }) : () -> ()
    "tpu.region"() ({
      %run_scoped3A = tpu.sem_alloc : memref<!tpu.dma_semaphore, #tpu.memory_space<semaphore_mem>>
      tpu.enqueue_dma source(%arg4 : memref<128xf32, #tpu.memory_space<hbm>>) target(%arg12 : memref<128xf32, #tpu.memory_space<vmem>>) target_semaphore(%run_scoped3A : memref<!tpu.dma_semaphore, #tpu.memory_space<semaphore_mem>>)
      tpu.wait_dma2 semaphore(%run_scoped3A : memref<!tpu.dma_semaphore, #tpu.memory_space<semaphore_mem>>) src(%arg4 : memref<128xf32, #tpu.memory_space<hbm>>) dst(%arg12 : memref<128xf32, #tpu.memory_space<vmem>>)
      tpu.yield
    }) : () -> ()
    "tpu.region"() ({
      %run_scoped3A = tpu.sem_alloc : memref<!tpu.dma_semaphore, #tpu.memory_space<semaphore_mem>>
      tpu.enqueue_dma source(%arg5 : memref<128xf32, #tpu.memory_space<hbm>>) target(%arg13 : memref<128xf32, #tpu.memory_space<vmem>>) target_semaphore(%run_scoped3A : memref<!tpu.dma_semaphore, #tpu.memory_space<semaphore_mem>>)
      tpu.wait_dma2 semaphore(%run_scoped3A : memref<!tpu.dma_semaphore, #tpu.memory_space<semaphore_mem>>) src(%arg5 : memref<128xf32, #tpu.memory_space<hbm>>) dst(%arg13 : memref<128xf32, #tpu.memory_space<vmem>>)
      tpu.yield
    }) : () -> ()
    %get3A = arith.constant 0 : index
    %get3A_3 = tpu.vector_load %arg12[%get3A] {strides = array<i32>} : memref<128xf32, #tpu.memory_space<vmem>>, vector<16xf32>,
    %get3A_4 = arith.constant 16 : index
    %get3A_5 = tpu.vector_load %arg12[%get3A_4] {strides = array<i32>} : memref<128xf32, #tpu.memory_space<vmem>>, vector<16xf32>,
    %get3A_6 = arith.constant 32 : index
    %get3A_7 = tpu.vector_load %arg12[%get3A_6] {strides = array<i32>} : memref<128xf32, #tpu.memory_space<vmem>>, vector<16xf32>,
    %get3A_8 = arith.constant 48 : index
    %get3A_9 = tpu.vector_load %arg12[%get3A_8] {strides = array<i32>} : memref<128xf32, #tpu.memory_space<vmem>>, vector<16xf32>,
    %get3A_10 = arith.constant 64 : index
    %get3A_11 = tpu.vector_load %arg12[%get3A_10] {strides = array<i32>} : memref<128xf32, #tpu.memory_space<vmem>>, vector<16xf32>,
    %get3A_12 = arith.constant 80 : index
    %get3A_13 = tpu.vector_load %arg12[%get3A_12] {strides = array<i32>} : memref<128xf32, #tpu.memory_space<vmem>>, vector<16xf32>,
    %get3A_14 = arith.constant 96 : index
    %get3A_15 = tpu.vector_load %arg12[%get3A_14] {strides = array<i32>} : memref<128xf32, #tpu.memory_space<vmem>>, vector<16xf32>,
    %get3A_16 = arith.constant 112 : index
    %get3A_17 = tpu.vector_load %arg12[%get3A_16] {strides = array<i32>} : memref<128xf32, #tpu.memory_space<vmem>>, vector<16xf32>,
    %get3A_18 = arith.constant 0 : index
    %get3A_19 = tpu.vector_load %arg13[%get3A_18] {strides = array<i32>} : memref<128xf32, #tpu.memory_space<vmem>>, vector<16xf32>,
    %get3A_20 = arith.constant 16 : index
    %get3A_21 = tpu.vector_load %arg13[%get3A_20] {strides = array<i32>} : memref<128xf32, #tpu.memory_space<vmem>>, vector<16xf32>,
    %get3A_22 = arith.constant 32 : index
    %get3A_23 = tpu.vector_load %arg13[%get3A_22] {strides = array<i32>} : memref<128xf32, #tpu.memory_space<vmem>>, vector<16xf32>,
    %get3A_24 = arith.constant 48 : index
    %get3A_25 = tpu.vector_load %arg13[%get3A_24] {strides = array<i32>} : memref<128xf32, #tpu.memory_space<vmem>>, vector<16xf32>,
    %get3A_26 = arith.constant 64 : index
    %get3A_27 = tpu.vector_load %arg13[%get3A_26] {strides = array<i32>} : memref<128xf32, #tpu.memory_space<vmem>>, vector<16xf32>,
    %get3A_28 = arith.constant 80 : index
    %get3A_29 = tpu.vector_load %arg13[%get3A_28] {strides = array<i32>} : memref<128xf32, #tpu.memory_space<vmem>>, vector<16xf32>,
    %get3A_30 = arith.constant 96 : index
    %get3A_31 = tpu.vector_load %arg13[%get3A_30] {strides = array<i32>} : memref<128xf32, #tpu.memory_space<vmem>>, vector<16xf32>,
    %get3A_32 = arith.constant 112 : index
    %get3A_33 = tpu.vector_load %arg13[%get3A_32] {strides = array<i32>} : memref<128xf32, #tpu.memory_space<vmem>>, vector<16xf32>,
    %multiple_of3A_34 = arith.constant 0 : i32
    %multiple_of3A_35 = tpu.assume_multiple %multiple_of3A_34, 128 : i32
    %dma_start3A = tpu.memref_slice %arg7[%multiple_of3A_35] : memref<6400xi32, #tpu.memory_space<vmem>> -> memref<128xi32, #tpu.memory_space<vmem>>
    %dma_start3A_36 = arith.constant 0 : i32
    %dma_start3A_37 = arith.constant 0 : i32
    %dma_start3A_38 = tpu.memref_slice %arg3[%dma_start3A_36, %dma_start3A_37] : memref<100000x128xf32, #tpu.memory_space<hbm>> -> memref<100000x128xf32, #tpu.memory_space<hbm>>
    tpu.enqueue_indirect_dma source(%dma_start3A_38 : memref<100000x128xf32, #tpu.memory_space<hbm>>) target(%arg8 : memref<128x128xf32, #tpu.memory_space<vmem>>) offsets(%dma_start3A : memref<128xi32, #tpu.memory_space<vmem>>) semaphore(%arg14 : memref<!tpu.dma_semaphore, #tpu.memory_space<semaphore_mem>>)
    %multiple_of3A_39 = arith.constant 128 : i32
    %multiple_of3A_40 = tpu.assume_multiple %multiple_of3A_39, 128 : i32
    %dma_start3A_41 = tpu.memref_slice %arg7[%multiple_of3A_40] : memref<6400xi32, #tpu.memory_space<vmem>> -> memref<128xi32, #tpu.memory_space<vmem>>
    %dma_start3A_42 = arith.constant 0 : i32
    %dma_start3A_43 = arith.constant 0 : i32
    %dma_start3A_44 = tpu.memref_slice %arg3[%dma_start3A_42, %dma_start3A_43] : memref<100000x128xf32, #tpu.memory_space<hbm>> -> memref<100000x128xf32, #tpu.memory_space<hbm>>
    tpu.enqueue_indirect_dma source(%dma_start3A_44 : memref<100000x128xf32, #tpu.memory_space<hbm>>) target(%arg9 : memref<128x128xf32, #tpu.memory_space<vmem>>) offsets(%dma_start3A_41 : memref<128xi32, #tpu.memory_space<vmem>>) semaphore(%arg15 : memref<!tpu.dma_semaphore, #tpu.memory_space<semaphore_mem>>)
    %multiple_of3A_45 = arith.constant 256 : i32
    %multiple_of3A_46 = tpu.assume_multiple %multiple_of3A_45, 128 : i32
    %dma_start3A_47 = tpu.memref_slice %arg7[%multiple_of3A_46] : memref<6400xi32, #tpu.memory_space<vmem>> -> memref<128xi32, #tpu.memory_space<vmem>>
    %dma_start3A_48 = arith.constant 0 : i32
    %dma_start3A_49 = arith.constant 0 : i32
    %dma_start3A_50 = tpu.memref_slice %arg3[%dma_start3A_48, %dma_start3A_49] : memref<100000x128xf32, #tpu.memory_space<hbm>> -> memref<100000x128xf32, #tpu.memory_space<hbm>>
    tpu.enqueue_indirect_dma source(%dma_start3A_50 : memref<100000x128xf32, #tpu.memory_space<hbm>>) target(%arg10 : memref<128x128xf32, #tpu.memory_space<vmem>>) offsets(%dma_start3A_47 : memref<128xi32, #tpu.memory_space<vmem>>) semaphore(%arg16 : memref<!tpu.dma_semaphore, #tpu.memory_space<semaphore_mem>>)
    %scan3A = arith.constant 0 : i32
    %scan3A_51 = arith.constant 12 : i32
    %scan3A_52 = arith.addi %scan3A, %scan3A_51 : i32
    %scan3A_53 = arith.constant 1 : i32
    scf.for %scan3A_112 = %scan3A to %scan3A_52 step %scan3A_53  : i32 {
      %mul3A_113 = arith.constant 1 : i32
      %mul3A_114 = arith.muli %scan3A_112, %mul3A_113 : i32
      %add3A_115 = arith.constant 0 : i32
      %add3A_116 = arith.addi %add3A_115, %mul3A_114 : i32
      %mul3A_117 = arith.constant 4 : i32
      %mul3A_118 = arith.muli %add3A_116, %mul3A_117 : i32
      %add3A_119 = arith.constant 0 : i32
      %add3A_120 = arith.addi %mul3A_118, %add3A_119 : i32
      %mul3A_121 = arith.constant 128 : i32
      %mul3A_122 = arith.muli %add3A_120, %mul3A_121 : i32
      %multiple_of3A_123 = tpu.assume_multiple %mul3A_122, 128 : i32
      %dma_wait3A_124 = tpu.memref_slice %arg7[%multiple_of3A_123] : memref<6400xi32, #tpu.memory_space<vmem>> -> memref<128xi32, #tpu.memory_space<vmem>>
      %dma_wait3A_125 = arith.constant 0 : i32
      %dma_wait3A_126 = arith.constant 0 : i32
      %dma_wait3A_127 = tpu.memref_slice %arg3[%dma_wait3A_125, %dma_wait3A_126] : memref<100000x128xf32, #tpu.memory_space<hbm>> -> memref<100000x128xf32, #tpu.memory_space<hbm>>
      tpu.wait_indirect_dma semaphore(%arg14 : memref<!tpu.dma_semaphore, #tpu.memory_space<semaphore_mem>>) src(%dma_wait3A_127 : memref<100000x128xf32, #tpu.memory_space<hbm>>) dst(%arg8 : memref<128x128xf32, #tpu.memory_space<vmem>>)
      %add3A_128 = arith.constant 4 : i32
      %add3A_129 = arith.addi %add3A_120, %add3A_128 : i32
      %sub3A = arith.constant 1 : i32
      %sub3A_130 = arith.subi %add3A_129, %sub3A : i32
      %lt3A = arith.constant 50 : i32
      %lt3A_131 = arith.cmpi slt, %sub3A_130, %lt3A : i32
      %convert_element_type3A = arith.extui %lt3A_131 : i1 to i32
      %cond3A = arith.constant 0 : i32
      %cond3A_132 = arith.cmpi ne, %convert_element_type3A, %cond3A : i32
      scf.if %cond3A_132 {
        %ge3A = arith.constant 1 : i32
        %ge3A_241 = arith.cmpi sge, %add3A_120, %ge3A : i32
        %convert_element_type3A_242 = arith.extui %ge3A_241 : i1 to i32
        %cond3A_243 = arith.constant 0 : i32
        %cond3A_244 = arith.cmpi ne, %convert_element_type3A_242, %cond3A_243 : i32
        scf.if %cond3A_244 {
          %sub3A_256 = arith.constant 1 : i32
          %sub3A_257 = arith.subi %add3A_120, %sub3A_256 : i32
          %mul3A_258 = arith.constant 128 : i32
          %mul3A_259 = arith.muli %sub3A_257, %mul3A_258 : i32
          %add3A_260 = arith.addi %mul3A_2, %mul3A_259 : i32
          %dma_wait3A_261 = arith.constant 0 : i32
          %dma_wait3A_262 = tpu.memref_slice %arg6[%add3A_260, %dma_wait3A_261] : memref<204800x128xf32, #tpu.memory_space<hbm>> -> memref<128x128xf32, #tpu.memory_space<hbm>>
          %dma_wait3A_263 = arith.constant 0 : i32
          %dma_wait3A_264 = tpu.memref_slice %arg6[%add3A_260, %dma_wait3A_263] : memref<204800x128xf32, #tpu.memory_space<hbm>> -> memref<128x128xf32, #tpu.memory_space<hbm>>
          tpu.wait_dma2 semaphore(%arg21 : memref<!tpu.dma_semaphore, #tpu.memory_space<semaphore_mem>>) src(%arg11 : memref<128x128xf32, #tpu.memory_space<vmem>>) dst(%dma_wait3A_264 : memref<128x128xf32, #tpu.memory_space<hbm>>)
        } else {
        }
        %add3A_245 = arith.constant 4 : i32
        %add3A_246 = arith.addi %add3A_120, %add3A_245 : i32
        %sub3A_247 = arith.constant 1 : i32
        %sub3A_248 = arith.subi %add3A_246, %sub3A_247 : i32
        %mul3A_249 = arith.constant 128 : i32
        %mul3A_250 = arith.muli %sub3A_248, %mul3A_249 : i32
        %multiple_of3A_251 = tpu.assume_multiple %mul3A_250, 128 : i32
        %dma_start3A_252 = tpu.memref_slice %arg7[%multiple_of3A_251] : memref<6400xi32, #tpu.memory_space<vmem>> -> memref<128xi32, #tpu.memory_space<vmem>>
        %dma_start3A_253 = arith.constant 0 : i32
        %dma_start3A_254 = arith.constant 0 : i32
        %dma_start3A_255 = tpu.memref_slice %arg3[%dma_start3A_253, %dma_start3A_254] : memref<100000x128xf32, #tpu.memory_space<hbm>> -> memref<100000x128xf32, #tpu.memory_space<hbm>>
        tpu.enqueue_indirect_dma source(%dma_start3A_255 : memref<100000x128xf32, #tpu.memory_space<hbm>>) target(%arg11 : memref<128x128xf32, #tpu.memory_space<vmem>>) offsets(%dma_start3A_252 : memref<128xi32, #tpu.memory_space<vmem>>) semaphore(%arg17 : memref<!tpu.dma_semaphore, #tpu.memory_space<semaphore_mem>>)
      } else {
      }
      %scan3A_133 = arith.constant 0 : i32
      %scan3A_134 = arith.constant 128 : i32
      %scan3A_135 = arith.addi %scan3A_133, %scan3A_134 : i32
      %scan3A_136 = arith.constant 2 : i32
      scf.for %scan3A_241 = %scan3A_133 to %scan3A_135 step %scan3A_136  : i32 {
        %mul3A_242 = arith.constant 1 : i32
        %mul3A_243 = arith.muli %scan3A_241, %mul3A_242 : i32
        %add3A_244 = arith.constant 0 : i32
        %add3A_245 = arith.addi %add3A_244, %mul3A_243 : i32
        %get3A_246 = arith.index_cast %add3A_245 : i32 to index
        %get3A_247 = arith.constant 0 : index
        %get3A_248 = tpu.vector_load %arg8[%get3A_246, %get3A_247] {strides = array<i32>} : memref<128x128xf32, #tpu.memory_space<vmem>>, vector<16xf32>,
        %get3A_249 = arith.index_cast %add3A_245 : i32 to index
        %get3A_250 = arith.constant 16 : index
        %get3A_251 = tpu.vector_load %arg8[%get3A_249, %get3A_250] {strides = array<i32>} : memref<128x128xf32, #tpu.memory_space<vmem>>, vector<16xf32>,
        %get3A_252 = arith.index_cast %add3A_245 : i32 to index
        %get3A_253 = arith.constant 32 : index
        %get3A_254 = tpu.vector_load %arg8[%get3A_252, %get3A_253] {strides = array<i32>} : memref<128x128xf32, #tpu.memory_space<vmem>>, vector<16xf32>,
        %get3A_255 = arith.index_cast %add3A_245 : i32 to index
        %get3A_256 = arith.constant 48 : index
        %get3A_257 = tpu.vector_load %arg8[%get3A_255, %get3A_256] {strides = array<i32>} : memref<128x128xf32, #tpu.memory_space<vmem>>, vector<16xf32>,
        %get3A_258 = arith.index_cast %add3A_245 : i32 to index
        %get3A_259 = arith.constant 64 : index
        %get3A_260 = tpu.vector_load %arg8[%get3A_258, %get3A_259] {strides = array<i32>} : memref<128x128xf32, #tpu.memory_space<vmem>>, vector<16xf32>,
        %get3A_261 = arith.index_cast %add3A_245 : i32 to index
        %get3A_262 = arith.constant 80 : index
        %get3A_263 = tpu.vector_load %arg8[%get3A_261, %get3A_262] {strides = array<i32>} : memref<128x128xf32, #tpu.memory_space<vmem>>, vector<16xf32>,
        %get3A_264 = arith.index_cast %add3A_245 : i32 to index
        %get3A_265 = arith.constant 96 : index
        %get3A_266 = tpu.vector_load %arg8[%get3A_264, %get3A_265] {strides = array<i32>} : memref<128x128xf32, #tpu.memory_space<vmem>>, vector<16xf32>,
        %get3A_267 = arith.index_cast %add3A_245 : i32 to index
        %get3A_268 = arith.constant 112 : index
        %get3A_269 = tpu.vector_load %arg8[%get3A_267, %get3A_268] {strides = array<i32>} : memref<128x128xf32, #tpu.memory_space<vmem>>, vector<16xf32>,
        %mul3A_270 = arith.mulf %get3A_248, %get3A_248 : vector<16xf32>
        %add3A_271 = arith.addf %get3A_248, %get3A_251 : vector<16xf32>
        %mul3A_272 = arith.mulf %get3A_251, %get3A_251 : vector<16xf32>
        %add3A_273 = arith.addf %mul3A_270, %mul3A_272 : vector<16xf32>
        %add3A_274 = arith.addf %add3A_271, %get3A_254 : vector<16xf32>
        %mul3A_275 = arith.mulf %get3A_254, %get3A_254 : vector<16xf32>
        %add3A_276 = arith.addf %add3A_273, %mul3A_275 : vector<16xf32>
        %add3A_277 = arith.addf %add3A_274, %get3A_257 : vector<16xf32>
        %mul3A_278 = arith.mulf %get3A_257, %get3A_257 : vector<16xf32>
        %add3A_279 = arith.addf %add3A_276, %mul3A_278 : vector<16xf32>
        %add3A_280 = arith.addf %add3A_277, %get3A_260 : vector<16xf32>
        %mul3A_281 = arith.mulf %get3A_260, %get3A_260 : vector<16xf32>
        %add3A_282 = arith.addf %add3A_279, %mul3A_281 : vector<16xf32>
        %add3A_283 = arith.addf %add3A_280, %get3A_263 : vector<16xf32>
        %mul3A_284 = arith.mulf %get3A_263, %get3A_263 : vector<16xf32>
        %add3A_285 = arith.addf %add3A_282, %mul3A_284 : vector<16xf32>
        %add3A_286 = arith.addf %add3A_283, %get3A_266 : vector<16xf32>
        %mul3A_287 = arith.mulf %get3A_266, %get3A_266 : vector<16xf32>
        %add3A_288 = arith.addf %add3A_285, %mul3A_287 : vector<16xf32>
        %add3A_289 = arith.addf %add3A_286, %get3A_269 : vector<16xf32>
        %mul3A_290 = arith.mulf %get3A_269, %get3A_269 : vector<16xf32>
        %add3A_291 = arith.addf %add3A_288, %mul3A_290 : vector<16xf32>
        %reduce_sum3A = arith.constant true
        %reduce_sum3A_292 = vector.broadcast %reduce_sum3A : i1 to vector<16xi1>
        %reduce_sum3A_293 = tpu.scan <sum>, %add3A_289 masked %reduce_sum3A_292 : vector<16xf32>, vector<16xi1> -> vector<16xf32>
        %reduce_sum3A_294 = vector.extract %reduce_sum3A_293[15] : f32 from vector<16xf32>
        %mul3A_295 = arith.constant 7.812500e-03 : f32
        %mul3A_296 = arith.mulf %reduce_sum3A_294, %mul3A_295 : f32
        %reduce_sum3A_297 = arith.constant true
        %reduce_sum3A_298 = vector.broadcast %reduce_sum3A_297 : i1 to vector<16xi1>
        %reduce_sum3A_299 = tpu.scan <sum>, %add3A_291 masked %reduce_sum3A_298 : vector<16xf32>, vector<16xi1> -> vector<16xf32>
        %reduce_sum3A_300 = vector.extract %reduce_sum3A_299[15] : f32 from vector<16xf32>
        %mul3A_301 = arith.constant 7.812500e-03 : f32
        %mul3A_302 = arith.mulf %reduce_sum3A_300, %mul3A_301 : f32
        %mul3A_303 = arith.mulf %mul3A_296, %mul3A_296 : f32
        %sub3A_304 = arith.subf %mul3A_302, %mul3A_303 : f32
        %max3A = arith.constant 0.000000e+00 : f32
        %max3A_305 = arith.maximumf %sub3A_304, %max3A : f32
        %add3A_306 = arith.constant 9.99999996E-13 : f32
        %add3A_307 = arith.addf %max3A_305, %add3A_306 : f32
        %broadcast_in_dim3A = vector.broadcast %add3A_307 : f32 to vector<16xf32>
        %bitcast3A = vector.bitcast %broadcast_in_dim3A : vector<16xf32> to vector<16xi32>
        %shift_right_arithmetic3A = arith.constant 1 : i32
        %shift_right_arithmetic3A_308 = vector.broadcast %shift_right_arithmetic3A : i32 to vector<16xi32>
        %shift_right_arithmetic3A_309 = arith.shrsi %bitcast3A, %shift_right_arithmetic3A_308 : vector<16xi32>
        %sub3A_310 = arith.constant 1597463007 : i32
        %sub3A_311 = vector.broadcast %sub3A_310 : i32 to vector<16xi32>
        %sub3A_312 = arith.subi %sub3A_311, %shift_right_arithmetic3A_309 : vector<16xi32>
        %bitcast3A_313 = vector.bitcast %sub3A_312 : vector<16xi32> to vector<16xf32>
        %mul3A_314 = arith.constant 5.000000e-01 : f32
        %mul3A_315 = vector.broadcast %mul3A_314 : f32 to vector<16xf32>
        %mul3A_316 = arith.mulf %broadcast_in_dim3A, %mul3A_315 : vector<16xf32>
        %mul3A_317 = arith.mulf %mul3A_316, %bitcast3A_313 : vector<16xf32>
        %mul3A_318 = arith.mulf %mul3A_317, %bitcast3A_313 : vector<16xf32>
        %sub3A_319 = arith.constant 1.500000e+00 : f32
        %sub3A_320 = vector.broadcast %sub3A_319 : f32 to vector<16xf32>
        %sub3A_321 = arith.subf %sub3A_320, %mul3A_318 : vector<16xf32>
        %mul3A_322 = arith.mulf %bitcast3A_313, %sub3A_321 : vector<16xf32>
        %mul3A_323 = arith.mulf %mul3A_316, %mul3A_322 : vector<16xf32>
        %mul3A_324 = arith.mulf %mul3A_323, %mul3A_322 : vector<16xf32>
        %sub3A_325 = arith.constant 1.500000e+00 : f32
        %sub3A_326 = vector.broadcast %sub3A_325 : f32 to vector<16xf32>
        %sub3A_327 = arith.subf %sub3A_326, %mul3A_324 : vector<16xf32>
        %mul3A_328 = arith.mulf %mul3A_322, %sub3A_327 : vector<16xf32>
        %sub3A_329 = vector.broadcast %mul3A_296 : f32 to vector<16xf32>
        %sub3A_330 = arith.subf %get3A_248, %sub3A_329 : vector<16xf32>
        %mul3A_331 = arith.mulf %sub3A_330, %mul3A_328 : vector<16xf32>
        %mul3A_332 = arith.mulf %mul3A_331, %get3A_3 : vector<16xf32>
        %add3A_333 = arith.addf %mul3A_332, %get3A_19 : vector<16xf32>
        %swap3A = arith.index_cast %add3A_245 : i32 to index
        %swap3A_334 = arith.constant 0 : index
        %swap3A_335 = tpu.vector_load %arg8[%swap3A, %swap3A_334] {strides = array<i32>} : memref<128x128xf32, #tpu.memory_space<vmem>>, vector<16xf32>,
        tpu.vector_store %arg8[%swap3A, %swap3A_334], %add3A_333 {strides = array<i32>} : memref<128x128xf32, #tpu.memory_space<vmem>>, vector<16xf32>,
        %sub3A_336 = vector.broadcast %mul3A_296 : f32 to vector<16xf32>
        %sub3A_337 = arith.subf %get3A_251, %sub3A_336 : vector<16xf32>
        %mul3A_338 = arith.mulf %sub3A_337, %mul3A_328 : vector<16xf32>
        %mul3A_339 = arith.mulf %mul3A_338, %get3A_5 : vector<16xf32>
        %add3A_340 = arith.addf %mul3A_339, %get3A_21 : vector<16xf32>
        %swap3A_341 = arith.index_cast %add3A_245 : i32 to index
        %swap3A_342 = arith.constant 16 : index
        %swap3A_343 = tpu.vector_load %arg8[%swap3A_341, %swap3A_342] {strides = array<i32>} : memref<128x128xf32, #tpu.memory_space<vmem>>, vector<16xf32>,
        tpu.vector_store %arg8[%swap3A_341, %swap3A_342], %add3A_340 {strides = array<i32>} : memref<128x128xf32, #tpu.memory_space<vmem>>, vector<16xf32>,
        %sub3A_344 = vector.broadcast %mul3A_296 : f32 to vector<16xf32>
        %sub3A_345 = arith.subf %get3A_254, %sub3A_344 : vector<16xf32>
        %mul3A_346 = arith.mulf %sub3A_345, %mul3A_328 : vector<16xf32>
        %mul3A_347 = arith.mulf %mul3A_346, %get3A_7 : vector<16xf32>
        %add3A_348 = arith.addf %mul3A_347, %get3A_23 : vector<16xf32>
        %swap3A_349 = arith.index_cast %add3A_245 : i32 to index
        %swap3A_350 = arith.constant 32 : index
        %swap3A_351 = tpu.vector_load %arg8[%swap3A_349, %swap3A_350] {strides = array<i32>} : memref<128x128xf32, #tpu.memory_space<vmem>>, vector<16xf32>,
        tpu.vector_store %arg8[%swap3A_349, %swap3A_350], %add3A_348 {strides = array<i32>} : memref<128x128xf32, #tpu.memory_space<vmem>>, vector<16xf32>,
        %sub3A_352 = vector.broadcast %mul3A_296 : f32 to vector<16xf32>
        %sub3A_353 = arith.subf %get3A_257, %sub3A_352 : vector<16xf32>
        %mul3A_354 = arith.mulf %sub3A_353, %mul3A_328 : vector<16xf32>
        %mul3A_355 = arith.mulf %mul3A_354, %get3A_9 : vector<16xf32>
        %add3A_356 = arith.addf %mul3A_355, %get3A_25 : vector<16xf32>
        %swap3A_357 = arith.index_cast %add3A_245 : i32 to index
        %swap3A_358 = arith.constant 48 : index
        %swap3A_359 = tpu.vector_load %arg8[%swap3A_357, %swap3A_358] {strides = array<i32>} : memref<128x128xf32, #tpu.memory_space<vmem>>, vector<16xf32>,
        tpu.vector_store %arg8[%swap3A_357, %swap3A_358], %add3A_356 {strides = array<i32>} : memref<128x128xf32, #tpu.memory_space<vmem>>, vector<16xf32>,
        %sub3A_360 = vector.broadcast %mul3A_296 : f32 to vector<16xf32>
        %sub3A_361 = arith.subf %get3A_260, %sub3A_360 : vector<16xf32>
        %mul3A_362 = arith.mulf %sub3A_361, %mul3A_328 : vector<16xf32>
        %mul3A_363 = arith.mulf %mul3A_362, %get3A_11 : vector<16xf32>
        %add3A_364 = arith.addf %mul3A_363, %get3A_27 : vector<16xf32>
        %swap3A_365 = arith.index_cast %add3A_245 : i32 to index
        %swap3A_366 = arith.constant 64 : index
        %swap3A_367 = tpu.vector_load %arg8[%swap3A_365, %swap3A_366] {strides = array<i32>} : memref<128x128xf32, #tpu.memory_space<vmem>>, vector<16xf32>,
        tpu.vector_store %arg8[%swap3A_365, %swap3A_366], %add3A_364 {strides = array<i32>} : memref<128x128xf32, #tpu.memory_space<vmem>>, vector<16xf32>,
        %sub3A_368 = vector.broadcast %mul3A_296 : f32 to vector<16xf32>
        %sub3A_369 = arith.subf %get3A_263, %sub3A_368 : vector<16xf32>
        %mul3A_370 = arith.mulf %sub3A_369, %mul3A_328 : vector<16xf32>
        %mul3A_371 = arith.mulf %mul3A_370, %get3A_13 : vector<16xf32>
        %add3A_372 = arith.addf %mul3A_371, %get3A_29 : vector<16xf32>
        %swap3A_373 = arith.index_cast %add3A_245 : i32 to index
        %swap3A_374 = arith.constant 80 : index
        %swap3A_375 = tpu.vector_load %arg8[%swap3A_373, %swap3A_374] {strides = array<i32>} : memref<128x128xf32, #tpu.memory_space<vmem>>, vector<16xf32>,
        tpu.vector_store %arg8[%swap3A_373, %swap3A_374], %add3A_372 {strides = array<i32>} : memref<128x128xf32, #tpu.memory_space<vmem>>, vector<16xf32>,
        %sub3A_376 = vector.broadcast %mul3A_296 : f32 to vector<16xf32>
        %sub3A_377 = arith.subf %get3A_266, %sub3A_376 : vector<16xf32>
        %mul3A_378 = arith.mulf %sub3A_377, %mul3A_328 : vector<16xf32>
        %mul3A_379 = arith.mulf %mul3A_378, %get3A_15 : vector<16xf32>
        %add3A_380 = arith.addf %mul3A_379, %get3A_31 : vector<16xf32>
        %swap3A_381 = arith.index_cast %add3A_245 : i32 to index
        %swap3A_382 = arith.constant 96 : index
        %swap3A_383 = tpu.vector_load %arg8[%swap3A_381, %swap3A_382] {strides = array<i32>} : memref<128x128xf32, #tpu.memory_space<vmem>>, vector<16xf32>,
        tpu.vector_store %arg8[%swap3A_381, %swap3A_382], %add3A_380 {strides = array<i32>} : memref<128x128xf32, #tpu.memory_space<vmem>>, vector<16xf32>,
        %sub3A_384 = vector.broadcast %mul3A_296 : f32 to vector<16xf32>
        %sub3A_385 = arith.subf %get3A_269, %sub3A_384 : vector<16xf32>
        %mul3A_386 = arith.mulf %sub3A_385, %mul3A_328 : vector<16xf32>
        %mul3A_387 = arith.mulf %mul3A_386, %get3A_17 : vector<16xf32>
        %add3A_388 = arith.addf %mul3A_387, %get3A_33 : vector<16xf32>
        %swap3A_389 = arith.index_cast %add3A_245 : i32 to index
        %swap3A_390 = arith.constant 112 : index
        %swap3A_391 = tpu.vector_load %arg8[%swap3A_389, %swap3A_390] {strides = array<i32>} : memref<128x128xf32, #tpu.memory_space<vmem>>, vector<16xf32>,
        tpu.vector_store %arg8[%swap3A_389, %swap3A_390], %add3A_388 {strides = array<i32>} : memref<128x128xf32, #tpu.memory_space<vmem>>, vector<16xf32>,
        %scan3A_392 = arith.constant 1 : i32
        %scan3A_393 = arith.addi %scan3A_241, %scan3A_392 : i32
        %mul3A_394 = arith.constant 1 : i32
        %mul3A_395 = arith.muli %scan3A_393, %mul3A_394 : i32
        %add3A_396 = arith.constant 0 : i32
        %add3A_397 = arith.addi %add3A_396, %mul3A_395 : i32
        %get3A_398 = arith.index_cast %add3A_397 : i32 to index
        %get3A_399 = arith.constant 0 : index
        %get3A_400 = tpu.vector_load %arg8[%get3A_398, %get3A_399] {strides = array<i32>} : memref<128x128xf32, #tpu.memory_space<vmem>>, vector<16xf32>,
        %get3A_401 = arith.index_cast %add3A_397 : i32 to index
        %get3A_402 = arith.constant 16 : index
        %get3A_403 = tpu.vector_load %arg8[%get3A_401, %get3A_402] {strides = array<i32>} : memref<128x128xf32, #tpu.memory_space<vmem>>, vector<16xf32>,
        %get3A_404 = arith.index_cast %add3A_397 : i32 to index
        %get3A_405 = arith.constant 32 : index
        %get3A_406 = tpu.vector_load %arg8[%get3A_404, %get3A_405] {strides = array<i32>} : memref<128x128xf32, #tpu.memory_space<vmem>>, vector<16xf32>,
        %get3A_407 = arith.index_cast %add3A_397 : i32 to index
        %get3A_408 = arith.constant 48 : index
        %get3A_409 = tpu.vector_load %arg8[%get3A_407, %get3A_408] {strides = array<i32>} : memref<128x128xf32, #tpu.memory_space<vmem>>, vector<16xf32>,
        %get3A_410 = arith.index_cast %add3A_397 : i32 to index
        %get3A_411 = arith.constant 64 : index
        %get3A_412 = tpu.vector_load %arg8[%get3A_410, %get3A_411] {strides = array<i32>} : memref<128x128xf32, #tpu.memory_space<vmem>>, vector<16xf32>,
        %get3A_413 = arith.index_cast %add3A_397 : i32 to index
        %get3A_414 = arith.constant 80 : index
        %get3A_415 = tpu.vector_load %arg8[%get3A_413, %get3A_414] {strides = array<i32>} : memref<128x128xf32, #tpu.memory_space<vmem>>, vector<16xf32>,
        %get3A_416 = arith.index_cast %add3A_397 : i32 to index
        %get3A_417 = arith.constant 96 : index
        %get3A_418 = tpu.vector_load %arg8[%get3A_416, %get3A_417] {strides = array<i32>} : memref<128x128xf32, #tpu.memory_space<vmem>>, vector<16xf32>,
        %get3A_419 = arith.index_cast %add3A_397 : i32 to index
        %get3A_420 = arith.constant 112 : index
        %get3A_421 = tpu.vector_load %arg8[%get3A_419, %get3A_420] {strides = array<i32>} : memref<128x128xf32, #tpu.memory_space<vmem>>, vector<16xf32>,
        %mul3A_422 = arith.mulf %get3A_400, %get3A_400 : vector<16xf32>
        %add3A_423 = arith.addf %get3A_400, %get3A_403 : vector<16xf32>
        %mul3A_424 = arith.mulf %get3A_403, %get3A_403 : vector<16xf32>
        %add3A_425 = arith.addf %mul3A_422, %mul3A_424 : vector<16xf32>
        %add3A_426 = arith.addf %add3A_423, %get3A_406 : vector<16xf32>
        %mul3A_427 = arith.mulf %get3A_406, %get3A_406 : vector<16xf32>
        %add3A_428 = arith.addf %add3A_425, %mul3A_427 : vector<16xf32>
        %add3A_429 = arith.addf %add3A_426, %get3A_409 : vector<16xf32>
        %mul3A_430 = arith.mulf %get3A_409, %get3A_409 : vector<16xf32>
        %add3A_431 = arith.addf %add3A_428, %mul3A_430 : vector<16xf32>
        %add3A_432 = arith.addf %add3A_429, %get3A_412 : vector<16xf32>
        %mul3A_433 = arith.mulf %get3A_412, %get3A_412 : vector<16xf32>
        %add3A_434 = arith.addf %add3A_431, %mul3A_433 : vector<16xf32>
        %add3A_435 = arith.addf %add3A_432, %get3A_415 : vector<16xf32>
        %mul3A_436 = arith.mulf %get3A_415, %get3A_415 : vector<16xf32>
        %add3A_437 = arith.addf %add3A_434, %mul3A_436 : vector<16xf32>
        %add3A_438 = arith.addf %add3A_435, %get3A_418 : vector<16xf32>
        %mul3A_439 = arith.mulf %get3A_418, %get3A_418 : vector<16xf32>
        %add3A_440 = arith.addf %add3A_437, %mul3A_439 : vector<16xf32>
        %add3A_441 = arith.addf %add3A_438, %get3A_421 : vector<16xf32>
        %mul3A_442 = arith.mulf %get3A_421, %get3A_421 : vector<16xf32>
        %add3A_443 = arith.addf %add3A_440, %mul3A_442 : vector<16xf32>
        %reduce_sum3A_444 = arith.constant true
        %reduce_sum3A_445 = vector.broadcast %reduce_sum3A_444 : i1 to vector<16xi1>
        %reduce_sum3A_446 = tpu.scan <sum>, %add3A_441 masked %reduce_sum3A_445 : vector<16xf32>, vector<16xi1> -> vector<16xf32>
        %reduce_sum3A_447 = vector.extract %reduce_sum3A_446[15] : f32 from vector<16xf32>
        %mul3A_448 = arith.constant 7.812500e-03 : f32
        %mul3A_449 = arith.mulf %reduce_sum3A_447, %mul3A_448 : f32
        %reduce_sum3A_450 = arith.constant true
        %reduce_sum3A_451 = vector.broadcast %reduce_sum3A_450 : i1 to vector<16xi1>
        %reduce_sum3A_452 = tpu.scan <sum>, %add3A_443 masked %reduce_sum3A_451 : vector<16xf32>, vector<16xi1> -> vector<16xf32>
        %reduce_sum3A_453 = vector.extract %reduce_sum3A_452[15] : f32 from vector<16xf32>
        %mul3A_454 = arith.constant 7.812500e-03 : f32
        %mul3A_455 = arith.mulf %reduce_sum3A_453, %mul3A_454 : f32
        %mul3A_456 = arith.mulf %mul3A_449, %mul3A_449 : f32
        %sub3A_457 = arith.subf %mul3A_455, %mul3A_456 : f32
        %max3A_458 = arith.constant 0.000000e+00 : f32
        %max3A_459 = arith.maximumf %sub3A_457, %max3A_458 : f32
        %add3A_460 = arith.constant 9.99999996E-13 : f32
        %add3A_461 = arith.addf %max3A_459, %add3A_460 : f32
        %broadcast_in_dim3A_462 = vector.broadcast %add3A_461 : f32 to vector<16xf32>
        %bitcast3A_463 = vector.bitcast %broadcast_in_dim3A_462 : vector<16xf32> to vector<16xi32>
        %shift_right_arithmetic3A_464 = arith.constant 1 : i32
        %shift_right_arithmetic3A_465 = vector.broadcast %shift_right_arithmetic3A_464 : i32 to vector<16xi32>
        %shift_right_arithmetic3A_466 = arith.shrsi %bitcast3A_463, %shift_right_arithmetic3A_465 : vector<16xi32>
        %sub3A_467 = arith.constant 1597463007 : i32
        %sub3A_468 = vector.broadcast %sub3A_467 : i32 to vector<16xi32>
        %sub3A_469 = arith.subi %sub3A_468, %shift_right_arithmetic3A_466 : vector<16xi32>
        %bitcast3A_470 = vector.bitcast %sub3A_469 : vector<16xi32> to vector<16xf32>
        %mul3A_471 = arith.constant 5.000000e-01 : f32
        %mul3A_472 = vector.broadcast %mul3A_471 : f32 to vector<16xf32>
        %mul3A_473 = arith.mulf %broadcast_in_dim3A_462, %mul3A_472 : vector<16xf32>
        %mul3A_474 = arith.mulf %mul3A_473, %bitcast3A_470 : vector<16xf32>
        %mul3A_475 = arith.mulf %mul3A_474, %bitcast3A_470 : vector<16xf32>
        %sub3A_476 = arith.constant 1.500000e+00 : f32
        %sub3A_477 = vector.broadcast %sub3A_476 : f32 to vector<16xf32>
        %sub3A_478 = arith.subf %sub3A_477, %mul3A_475 : vector<16xf32>
        %mul3A_479 = arith.mulf %bitcast3A_470, %sub3A_478 : vector<16xf32>
        %mul3A_480 = arith.mulf %mul3A_473, %mul3A_479 : vector<16xf32>
        %mul3A_481 = arith.mulf %mul3A_480, %mul3A_479 : vector<16xf32>
        %sub3A_482 = arith.constant 1.500000e+00 : f32
        %sub3A_483 = vector.broadcast %sub3A_482 : f32 to vector<16xf32>
        %sub3A_484 = arith.subf %sub3A_483, %mul3A_481 : vector<16xf32>
        %mul3A_485 = arith.mulf %mul3A_479, %sub3A_484 : vector<16xf32>
        %sub3A_486 = vector.broadcast %mul3A_449 : f32 to vector<16xf32>
        %sub3A_487 = arith.subf %get3A_400, %sub3A_486 : vector<16xf32>
        %mul3A_488 = arith.mulf %sub3A_487, %mul3A_485 : vector<16xf32>
        %mul3A_489 = arith.mulf %mul3A_488, %get3A_3 : vector<16xf32>
        %add3A_490 = arith.addf %mul3A_489, %get3A_19 : vector<16xf32>
        %swap3A_491 = arith.index_cast %add3A_397 : i32 to index
        %swap3A_492 = arith.constant 0 : index
        %swap3A_493 = tpu.vector_load %arg8[%swap3A_491, %swap3A_492] {strides = array<i32>} : memref<128x128xf32, #tpu.memory_space<vmem>>, vector<16xf32>,
        tpu.vector_store %arg8[%swap3A_491, %swap3A_492], %add3A_490 {strides = array<i32>} : memref<128x128xf32, #tpu.memory_space<vmem>>, vector<16xf32>,
        %sub3A_494 = vector.broadcast %mul3A_449 : f32 to vector<16xf32>
        %sub3A_495 = arith.subf %get3A_403, %sub3A_494 : vector<16xf32>
        %mul3A_496 = arith.mulf %sub3A_495, %mul3A_485 : vector<16xf32>
        %mul3A_497 = arith.mulf %mul3A_496, %get3A_5 : vector<16xf32>
        %add3A_498 = arith.addf %mul3A_497, %get3A_21 : vector<16xf32>
        %swap3A_499 = arith.index_cast %add3A_397 : i32 to index
        %swap3A_500 = arith.constant 16 : index
        %swap3A_501 = tpu.vector_load %arg8[%swap3A_499, %swap3A_500] {strides = array<i32>} : memref<128x128xf32, #tpu.memory_space<vmem>>, vector<16xf32>,
        tpu.vector_store %arg8[%swap3A_499, %swap3A_500], %add3A_498 {strides = array<i32>} : memref<128x128xf32, #tpu.memory_space<vmem>>, vector<16xf32>,
        %sub3A_502 = vector.broadcast %mul3A_449 : f32 to vector<16xf32>
        %sub3A_503 = arith.subf %get3A_406, %sub3A_502 : vector<16xf32>
        %mul3A_504 = arith.mulf %sub3A_503, %mul3A_485 : vector<16xf32>
        %mul3A_505 = arith.mulf %mul3A_504, %get3A_7 : vector<16xf32>
        %add3A_506 = arith.addf %mul3A_505, %get3A_23 : vector<16xf32>
        %swap3A_507 = arith.index_cast %add3A_397 : i32 to index
        %swap3A_508 = arith.constant 32 : index
        %swap3A_509 = tpu.vector_load %arg8[%swap3A_507, %swap3A_508] {strides = array<i32>} : memref<128x128xf32, #tpu.memory_space<vmem>>, vector<16xf32>,
        tpu.vector_store %arg8[%swap3A_507, %swap3A_508], %add3A_506 {strides = array<i32>} : memref<128x128xf32, #tpu.memory_space<vmem>>, vector<16xf32>,
        %sub3A_510 = vector.broadcast %mul3A_449 : f32 to vector<16xf32>
        %sub3A_511 = arith.subf %get3A_409, %sub3A_510 : vector<16xf32>
        %mul3A_512 = arith.mulf %sub3A_511, %mul3A_485 : vector<16xf32>
        %mul3A_513 = arith.mulf %mul3A_512, %get3A_9 : vector<16xf32>
        %add3A_514 = arith.addf %mul3A_513, %get3A_25 : vector<16xf32>
        %swap3A_515 = arith.index_cast %add3A_397 : i32 to index
        %swap3A_516 = arith.constant 48 : index
        %swap3A_517 = tpu.vector_load %arg8[%swap3A_515, %swap3A_516] {strides = array<i32>} : memref<128x128xf32, #tpu.memory_space<vmem>>, vector<16xf32>,
        tpu.vector_store %arg8[%swap3A_515, %swap3A_516], %add3A_514 {strides = array<i32>} : memref<128x128xf32, #tpu.memory_space<vmem>>, vector<16xf32>,
        %sub3A_518 = vector.broadcast %mul3A_449 : f32 to vector<16xf32>
        %sub3A_519 = arith.subf %get3A_412, %sub3A_518 : vector<16xf32>
        %mul3A_520 = arith.mulf %sub3A_519, %mul3A_485 : vector<16xf32>
        %mul3A_521 = arith.mulf %mul3A_520, %get3A_11 : vector<16xf32>
        %add3A_522 = arith.addf %mul3A_521, %get3A_27 : vector<16xf32>
        %swap3A_523 = arith.index_cast %add3A_397 : i32 to index
        %swap3A_524 = arith.constant 64 : index
        %swap3A_525 = tpu.vector_load %arg8[%swap3A_523, %swap3A_524] {strides = array<i32>} : memref<128x128xf32, #tpu.memory_space<vmem>>, vector<16xf32>,
        tpu.vector_store %arg8[%swap3A_523, %swap3A_524], %add3A_522 {strides = array<i32>} : memref<128x128xf32, #tpu.memory_space<vmem>>, vector<16xf32>,
        %sub3A_526 = vector.broadcast %mul3A_449 : f32 to vector<16xf32>
        %sub3A_527 = arith.subf %get3A_415, %sub3A_526 : vector<16xf32>
        %mul3A_528 = arith.mulf %sub3A_527, %mul3A_485 : vector<16xf32>
        %mul3A_529 = arith.mulf %mul3A_528, %get3A_13 : vector<16xf32>
        %add3A_530 = arith.addf %mul3A_529, %get3A_29 : vector<16xf32>
        %swap3A_531 = arith.index_cast %add3A_397 : i32 to index
        %swap3A_532 = arith.constant 80 : index
        %swap3A_533 = tpu.vector_load %arg8[%swap3A_531, %swap3A_532] {strides = array<i32>} : memref<128x128xf32, #tpu.memory_space<vmem>>, vector<16xf32>,
        tpu.vector_store %arg8[%swap3A_531, %swap3A_532], %add3A_530 {strides = array<i32>} : memref<128x128xf32, #tpu.memory_space<vmem>>, vector<16xf32>,
        %sub3A_534 = vector.broadcast %mul3A_449 : f32 to vector<16xf32>
        %sub3A_535 = arith.subf %get3A_418, %sub3A_534 : vector<16xf32>
        %mul3A_536 = arith.mulf %sub3A_535, %mul3A_485 : vector<16xf32>
        %mul3A_537 = arith.mulf %mul3A_536, %get3A_15 : vector<16xf32>
        %add3A_538 = arith.addf %mul3A_537, %get3A_31 : vector<16xf32>
        %swap3A_539 = arith.index_cast %add3A_397 : i32 to index
        %swap3A_540 = arith.constant 96 : index
        %swap3A_541 = tpu.vector_load %arg8[%swap3A_539, %swap3A_540] {strides = array<i32>} : memref<128x128xf32, #tpu.memory_space<vmem>>, vector<16xf32>,
        tpu.vector_store %arg8[%swap3A_539, %swap3A_540], %add3A_538 {strides = array<i32>} : memref<128x128xf32, #tpu.memory_space<vmem>>, vector<16xf32>,
        %sub3A_542 = vector.broadcast %mul3A_449 : f32 to vector<16xf32>
        %sub3A_543 = arith.subf %get3A_421, %sub3A_542 : vector<16xf32>
        %mul3A_544 = arith.mulf %sub3A_543, %mul3A_485 : vector<16xf32>
        %mul3A_545 = arith.mulf %mul3A_544, %get3A_17 : vector<16xf32>
        %add3A_546 = arith.addf %mul3A_545, %get3A_33 : vector<16xf32>
        %swap3A_547 = arith.index_cast %add3A_397 : i32 to index
        %swap3A_548 = arith.constant 112 : index
        %swap3A_549 = tpu.vector_load %arg8[%swap3A_547, %swap3A_548] {strides = array<i32>} : memref<128x128xf32, #tpu.memory_space<vmem>>, vector<16xf32>,
        tpu.vector_store %arg8[%swap3A_547, %swap3A_548], %add3A_546 {strides = array<i32>} : memref<128x128xf32, #tpu.memory_space<vmem>>, vector<16xf32>,
      }
      %scan3A_137 = arith.constant 128 : i32
      %mul3A_138 = arith.constant 128 : i32
      %mul3A_139 = arith.muli %add3A_120, %mul3A_138 : i32
      %add3A_140 = arith.addi %mul3A_2, %mul3A_139 : i32
      %dma_start3A_141 = arith.constant 0 : i32
      %dma_start3A_142 = tpu.memref_slice %arg6[%add3A_140, %dma_start3A_141] : memref<204800x128xf32, #tpu.memory_space<hbm>> -> memref<128x128xf32, #tpu.memory_space<hbm>>
      %dma_start3A_143 = arith.constant 0 : i32
      %dma_start3A_144 = tpu.memref_slice %arg6[%add3A_140, %dma_start3A_143] : memref<204800x128xf32, #tpu.memory_space<hbm>> -> memref<128x128xf32, #tpu.memory_space<hbm>>
      tpu.enqueue_dma source(%arg8 : memref<128x128xf32, #tpu.memory_space<vmem>>) target(%dma_start3A_144 : memref<128x128xf32, #tpu.memory_space<hbm>>) target_semaphore(%arg18 : memref<!tpu.dma_semaphore, #tpu.memory_space<semaphore_mem>>)
      %mul3A_145 = arith.constant 4 : i32
      %mul3A_146 = arith.muli %add3A_116, %mul3A_145 : i32
      %add3A_147 = arith.constant 1 : i32
      %add3A_148 = arith.addi %mul3A_146, %add3A_147 : i32
      %mul3A_149 = arith.constant 128 : i32
      %mul3A_150 = arith.muli %add3A_148, %mul3A_149 : i32
      %multiple_of3A_151 = tpu.assume_multiple %mul3A_150, 128 : i32
      %dma_wait3A_152 = tpu.memref_slice %arg7[%multiple_of3A_151] : memref<6400xi32, #tpu.memory_space<vmem>> -> memref<128xi32, #tpu.memory_space<vmem>>
      %dma_wait3A_153 = arith.constant 0 : i32
      %dma_wait3A_154 = arith.constant 0 : i32
      %dma_wait3A_155 = tpu.memref_slice %arg3[%dma_wait3A_153, %dma_wait3A_154] : memref<100000x128xf32, #tpu.memory_space<hbm>> -> memref<100000x128xf32, #tpu.memory_space<hbm>>
      tpu.wait_indirect_dma semaphore(%arg15 : memref<!tpu.dma_semaphore, #tpu.memory_space<semaphore_mem>>) src(%dma_wait3A_155 : memref<100000x128xf32, #tpu.memory_space<hbm>>) dst(%arg9 : memref<128x128xf32, #tpu.memory_space<vmem>>)
      %add3A_156 = arith.constant 4 : i32
      %add3A_157 = arith.addi %add3A_148, %add3A_156 : i32
      %sub3A_158 = arith.constant 1 : i32
      %sub3A_159 = arith.subi %add3A_157, %sub3A_158 : i32
      %lt3A_160 = arith.constant 50 : i32
      %lt3A_161 = arith.cmpi slt, %sub3A_159, %lt3A_160 : i32
      %convert_element_type3A_162 = arith.extui %lt3A_161 : i1 to i32
      %cond3A_163 = arith.constant 0 : i32
      %cond3A_164 = arith.cmpi ne, %convert_element_type3A_162, %cond3A_163 : i32
      scf.if %cond3A_164 {
        %ge3A = arith.constant 1 : i32
        %ge3A_241 = arith.cmpi sge, %add3A_148, %ge3A : i32
        %convert_element_type3A_242 = arith.extui %ge3A_241 : i1 to i32
        %cond3A_243 = arith.constant 0 : i32
        %cond3A_244 = arith.cmpi ne, %convert_element_type3A_242, %cond3A_243 : i32
        scf.if %cond3A_244 {
          %sub3A_256 = arith.constant 1 : i32
          %sub3A_257 = arith.subi %add3A_148, %sub3A_256 : i32
          %mul3A_258 = arith.constant 128 : i32
          %mul3A_259 = arith.muli %sub3A_257, %mul3A_258 : i32
          %add3A_260 = arith.addi %mul3A_2, %mul3A_259 : i32
          %dma_wait3A_261 = arith.constant 0 : i32
          %dma_wait3A_262 = tpu.memref_slice %arg6[%add3A_260, %dma_wait3A_261] : memref<204800x128xf32, #tpu.memory_space<hbm>> -> memref<128x128xf32, #tpu.memory_space<hbm>>
          %dma_wait3A_263 = arith.constant 0 : i32
          %dma_wait3A_264 = tpu.memref_slice %arg6[%add3A_260, %dma_wait3A_263] : memref<204800x128xf32, #tpu.memory_space<hbm>> -> memref<128x128xf32, #tpu.memory_space<hbm>>
          tpu.wait_dma2 semaphore(%arg18 : memref<!tpu.dma_semaphore, #tpu.memory_space<semaphore_mem>>) src(%arg8 : memref<128x128xf32, #tpu.memory_space<vmem>>) dst(%dma_wait3A_264 : memref<128x128xf32, #tpu.memory_space<hbm>>)
        } else {
        }
        %add3A_245 = arith.constant 4 : i32
        %add3A_246 = arith.addi %add3A_148, %add3A_245 : i32
        %sub3A_247 = arith.constant 1 : i32
        %sub3A_248 = arith.subi %add3A_246, %sub3A_247 : i32
        %mul3A_249 = arith.constant 128 : i32
        %mul3A_250 = arith.muli %sub3A_248, %mul3A_249 : i32
        %multiple_of3A_251 = tpu.assume_multiple %mul3A_250, 128 : i32
        %dma_start3A_252 = tpu.memref_slice %arg7[%multiple_of3A_251] : memref<6400xi32, #tpu.memory_space<vmem>> -> memref<128xi32, #tpu.memory_space<vmem>>
        %dma_start3A_253 = arith.constant 0 : i32
        %dma_start3A_254 = arith.constant 0 : i32
        %dma_start3A_255 = tpu.memref_slice %arg3[%dma_start3A_253, %dma_start3A_254] : memref<100000x128xf32, #tpu.memory_space<hbm>> -> memref<100000x128xf32, #tpu.memory_space<hbm>>
        tpu.enqueue_indirect_dma source(%dma_start3A_255 : memref<100000x128xf32, #tpu.memory_space<hbm>>) target(%arg8 : memref<128x128xf32, #tpu.memory_space<vmem>>) offsets(%dma_start3A_252 : memref<128xi32, #tpu.memory_space<vmem>>) semaphore(%arg14 : memref<!tpu.dma_semaphore, #tpu.memory_space<semaphore_mem>>)
      } else {
      }
      %scan3A_165 = arith.constant 0 : i32
      %scan3A_166 = arith.constant 128 : i32
      %scan3A_167 = arith.addi %scan3A_165, %scan3A_166 : i32
      %scan3A_168 = arith.constant 2 : i32
      scf.for %scan3A_241 = %scan3A_165 to %scan3A_167 step %scan3A_168  : i32 {
        %mul3A_242 = arith.constant 1 : i32
        %mul3A_243 = arith.muli %scan3A_241, %mul3A_242 : i32
        %add3A_244 = arith.constant 0 : i32
        %add3A_245 = arith.addi %add3A_244, %mul3A_243 : i32
        %get3A_246 = arith.index_cast %add3A_245 : i32 to index
        %get3A_247 = arith.constant 0 : index
        %get3A_248 = tpu.vector_load %arg9[%get3A_246, %get3A_247] {strides = array<i32>} : memref<128x128xf32, #tpu.memory_space<vmem>>, vector<16xf32>,
        %get3A_249 = arith.index_cast %add3A_245 : i32 to index
        %get3A_250 = arith.constant 16 : index
        %get3A_251 = tpu.vector_load %arg9[%get3A_249, %get3A_250] {strides = array<i32>} : memref<128x128xf32, #tpu.memory_space<vmem>>, vector<16xf32>,
        %get3A_252 = arith.index_cast %add3A_245 : i32 to index
        %get3A_253 = arith.constant 32 : index
        %get3A_254 = tpu.vector_load %arg9[%get3A_252, %get3A_253] {strides = array<i32>} : memref<128x128xf32, #tpu.memory_space<vmem>>, vector<16xf32>,
        %get3A_255 = arith.index_cast %add3A_245 : i32 to index
        %get3A_256 = arith.constant 48 : index
        %get3A_257 = tpu.vector_load %arg9[%get3A_255, %get3A_256] {strides = array<i32>} : memref<128x128xf32, #tpu.memory_space<vmem>>, vector<16xf32>,
        %get3A_258 = arith.index_cast %add3A_245 : i32 to index
        %get3A_259 = arith.constant 64 : index
        %get3A_260 = tpu.vector_load %arg9[%get3A_258, %get3A_259] {strides = array<i32>} : memref<128x128xf32, #tpu.memory_space<vmem>>, vector<16xf32>,
        %get3A_261 = arith.index_cast %add3A_245 : i32 to index
        %get3A_262 = arith.constant 80 : index
        %get3A_263 = tpu.vector_load %arg9[%get3A_261, %get3A_262] {strides = array<i32>} : memref<128x128xf32, #tpu.memory_space<vmem>>, vector<16xf32>,
        %get3A_264 = arith.index_cast %add3A_245 : i32 to index
        %get3A_265 = arith.constant 96 : index
        %get3A_266 = tpu.vector_load %arg9[%get3A_264, %get3A_265] {strides = array<i32>} : memref<128x128xf32, #tpu.memory_space<vmem>>, vector<16xf32>,
        %get3A_267 = arith.index_cast %add3A_245 : i32 to index
        %get3A_268 = arith.constant 112 : index
        %get3A_269 = tpu.vector_load %arg9[%get3A_267, %get3A_268] {strides = array<i32>} : memref<128x128xf32, #tpu.memory_space<vmem>>, vector<16xf32>,
        %mul3A_270 = arith.mulf %get3A_248, %get3A_248 : vector<16xf32>
        %add3A_271 = arith.addf %get3A_248, %get3A_251 : vector<16xf32>
        %mul3A_272 = arith.mulf %get3A_251, %get3A_251 : vector<16xf32>
        %add3A_273 = arith.addf %mul3A_270, %mul3A_272 : vector<16xf32>
        %add3A_274 = arith.addf %add3A_271, %get3A_254 : vector<16xf32>
        %mul3A_275 = arith.mulf %get3A_254, %get3A_254 : vector<16xf32>
        %add3A_276 = arith.addf %add3A_273, %mul3A_275 : vector<16xf32>
        %add3A_277 = arith.addf %add3A_274, %get3A_257 : vector<16xf32>
        %mul3A_278 = arith.mulf %get3A_257, %get3A_257 : vector<16xf32>
        %add3A_279 = arith.addf %add3A_276, %mul3A_278 : vector<16xf32>
        %add3A_280 = arith.addf %add3A_277, %get3A_260 : vector<16xf32>
        %mul3A_281 = arith.mulf %get3A_260, %get3A_260 : vector<16xf32>
        %add3A_282 = arith.addf %add3A_279, %mul3A_281 : vector<16xf32>
        %add3A_283 = arith.addf %add3A_280, %get3A_263 : vector<16xf32>
        %mul3A_284 = arith.mulf %get3A_263, %get3A_263 : vector<16xf32>
        %add3A_285 = arith.addf %add3A_282, %mul3A_284 : vector<16xf32>
        %add3A_286 = arith.addf %add3A_283, %get3A_266 : vector<16xf32>
        %mul3A_287 = arith.mulf %get3A_266, %get3A_266 : vector<16xf32>
        %add3A_288 = arith.addf %add3A_285, %mul3A_287 : vector<16xf32>
        %add3A_289 = arith.addf %add3A_286, %get3A_269 : vector<16xf32>
        %mul3A_290 = arith.mulf %get3A_269, %get3A_269 : vector<16xf32>
        %add3A_291 = arith.addf %add3A_288, %mul3A_290 : vector<16xf32>
        %reduce_sum3A = arith.constant true
        %reduce_sum3A_292 = vector.broadcast %reduce_sum3A : i1 to vector<16xi1>
        %reduce_sum3A_293 = tpu.scan <sum>, %add3A_289 masked %reduce_sum3A_292 : vector<16xf32>, vector<16xi1> -> vector<16xf32>
        %reduce_sum3A_294 = vector.extract %reduce_sum3A_293[15] : f32 from vector<16xf32>
        %mul3A_295 = arith.constant 7.812500e-03 : f32
        %mul3A_296 = arith.mulf %reduce_sum3A_294, %mul3A_295 : f32
        %reduce_sum3A_297 = arith.constant true
        %reduce_sum3A_298 = vector.broadcast %reduce_sum3A_297 : i1 to vector<16xi1>
        %reduce_sum3A_299 = tpu.scan <sum>, %add3A_291 masked %reduce_sum3A_298 : vector<16xf32>, vector<16xi1> -> vector<16xf32>
        %reduce_sum3A_300 = vector.extract %reduce_sum3A_299[15] : f32 from vector<16xf32>
        %mul3A_301 = arith.constant 7.812500e-03 : f32
        %mul3A_302 = arith.mulf %reduce_sum3A_300, %mul3A_301 : f32
        %mul3A_303 = arith.mulf %mul3A_296, %mul3A_296 : f32
        %sub3A_304 = arith.subf %mul3A_302, %mul3A_303 : f32
        %max3A = arith.constant 0.000000e+00 : f32
        %max3A_305 = arith.maximumf %sub3A_304, %max3A : f32
        %add3A_306 = arith.constant 9.99999996E-13 : f32
        %add3A_307 = arith.addf %max3A_305, %add3A_306 : f32
        %broadcast_in_dim3A = vector.broadcast %add3A_307 : f32 to vector<16xf32>
        %bitcast3A = vector.bitcast %broadcast_in_dim3A : vector<16xf32> to vector<16xi32>
        %shift_right_arithmetic3A = arith.constant 1 : i32
        %shift_right_arithmetic3A_308 = vector.broadcast %shift_right_arithmetic3A : i32 to vector<16xi32>
        %shift_right_arithmetic3A_309 = arith.shrsi %bitcast3A, %shift_right_arithmetic3A_308 : vector<16xi32>
        %sub3A_310 = arith.constant 1597463007 : i32
        %sub3A_311 = vector.broadcast %sub3A_310 : i32 to vector<16xi32>
        %sub3A_312 = arith.subi %sub3A_311, %shift_right_arithmetic3A_309 : vector<16xi32>
        %bitcast3A_313 = vector.bitcast %sub3A_312 : vector<16xi32> to vector<16xf32>
        %mul3A_314 = arith.constant 5.000000e-01 : f32
        %mul3A_315 = vector.broadcast %mul3A_314 : f32 to vector<16xf32>
        %mul3A_316 = arith.mulf %broadcast_in_dim3A, %mul3A_315 : vector<16xf32>
        %mul3A_317 = arith.mulf %mul3A_316, %bitcast3A_313 : vector<16xf32>
        %mul3A_318 = arith.mulf %mul3A_317, %bitcast3A_313 : vector<16xf32>
        %sub3A_319 = arith.constant 1.500000e+00 : f32
        %sub3A_320 = vector.broadcast %sub3A_319 : f32 to vector<16xf32>
        %sub3A_321 = arith.subf %sub3A_320, %mul3A_318 : vector<16xf32>
        %mul3A_322 = arith.mulf %bitcast3A_313, %sub3A_321 : vector<16xf32>
        %mul3A_323 = arith.mulf %mul3A_316, %mul3A_322 : vector<16xf32>
        %mul3A_324 = arith.mulf %mul3A_323, %mul3A_322 : vector<16xf32>
        %sub3A_325 = arith.constant 1.500000e+00 : f32
        %sub3A_326 = vector.broadcast %sub3A_325 : f32 to vector<16xf32>
        %sub3A_327 = arith.subf %sub3A_326, %mul3A_324 : vector<16xf32>
        %mul3A_328 = arith.mulf %mul3A_322, %sub3A_327 : vector<16xf32>
        %sub3A_329 = vector.broadcast %mul3A_296 : f32 to vector<16xf32>
        %sub3A_330 = arith.subf %get3A_248, %sub3A_329 : vector<16xf32>
        %mul3A_331 = arith.mulf %sub3A_330, %mul3A_328 : vector<16xf32>
        %mul3A_332 = arith.mulf %mul3A_331, %get3A_3 : vector<16xf32>
        %add3A_333 = arith.addf %mul3A_332, %get3A_19 : vector<16xf32>
        %swap3A = arith.index_cast %add3A_245 : i32 to index
        %swap3A_334 = arith.constant 0 : index
        %swap3A_335 = tpu.vector_load %arg9[%swap3A, %swap3A_334] {strides = array<i32>} : memref<128x128xf32, #tpu.memory_space<vmem>>, vector<16xf32>,
        tpu.vector_store %arg9[%swap3A, %swap3A_334], %add3A_333 {strides = array<i32>} : memref<128x128xf32, #tpu.memory_space<vmem>>, vector<16xf32>,
        %sub3A_336 = vector.broadcast %mul3A_296 : f32 to vector<16xf32>
        %sub3A_337 = arith.subf %get3A_251, %sub3A_336 : vector<16xf32>
        %mul3A_338 = arith.mulf %sub3A_337, %mul3A_328 : vector<16xf32>
        %mul3A_339 = arith.mulf %mul3A_338, %get3A_5 : vector<16xf32>
        %add3A_340 = arith.addf %mul3A_339, %get3A_21 : vector<16xf32>
        %swap3A_341 = arith.index_cast %add3A_245 : i32 to index
        %swap3A_342 = arith.constant 16 : index
        %swap3A_343 = tpu.vector_load %arg9[%swap3A_341, %swap3A_342] {strides = array<i32>} : memref<128x128xf32, #tpu.memory_space<vmem>>, vector<16xf32>,
        tpu.vector_store %arg9[%swap3A_341, %swap3A_342], %add3A_340 {strides = array<i32>} : memref<128x128xf32, #tpu.memory_space<vmem>>, vector<16xf32>,
        %sub3A_344 = vector.broadcast %mul3A_296 : f32 to vector<16xf32>
        %sub3A_345 = arith.subf %get3A_254, %sub3A_344 : vector<16xf32>
        %mul3A_346 = arith.mulf %sub3A_345, %mul3A_328 : vector<16xf32>
        %mul3A_347 = arith.mulf %mul3A_346, %get3A_7 : vector<16xf32>
        %add3A_348 = arith.addf %mul3A_347, %get3A_23 : vector<16xf32>
        %swap3A_349 = arith.index_cast %add3A_245 : i32 to index
        %swap3A_350 = arith.constant 32 : index
        %swap3A_351 = tpu.vector_load %arg9[%swap3A_349, %swap3A_350] {strides = array<i32>} : memref<128x128xf32, #tpu.memory_space<vmem>>, vector<16xf32>,
        tpu.vector_store %arg9[%swap3A_349, %swap3A_350], %add3A_348 {strides = array<i32>} : memref<128x128xf32, #tpu.memory_space<vmem>>, vector<16xf32>,
        %sub3A_352 = vector.broadcast %mul3A_296 : f32 to vector<16xf32>
        %sub3A_353 = arith.subf %get3A_257, %sub3A_352 : vector<16xf32>
        %mul3A_354 = arith.mulf %sub3A_353, %mul3A_328 : vector<16xf32>
        %mul3A_355 = arith.mulf %mul3A_354, %get3A_9 : vector<16xf32>
        %add3A_356 = arith.addf %mul3A_355, %get3A_25 : vector<16xf32>
        %swap3A_357 = arith.index_cast %add3A_245 : i32 to index
        %swap3A_358 = arith.constant 48 : index
        %swap3A_359 = tpu.vector_load %arg9[%swap3A_357, %swap3A_358] {strides = array<i32>} : memref<128x128xf32, #tpu.memory_space<vmem>>, vector<16xf32>,
        tpu.vector_store %arg9[%swap3A_357, %swap3A_358], %add3A_356 {strides = array<i32>} : memref<128x128xf32, #tpu.memory_space<vmem>>, vector<16xf32>,
        %sub3A_360 = vector.broadcast %mul3A_296 : f32 to vector<16xf32>
        %sub3A_361 = arith.subf %get3A_260, %sub3A_360 : vector<16xf32>
        %mul3A_362 = arith.mulf %sub3A_361, %mul3A_328 : vector<16xf32>
        %mul3A_363 = arith.mulf %mul3A_362, %get3A_11 : vector<16xf32>
        %add3A_364 = arith.addf %mul3A_363, %get3A_27 : vector<16xf32>
        %swap3A_365 = arith.index_cast %add3A_245 : i32 to index
        %swap3A_366 = arith.constant 64 : index
        %swap3A_367 = tpu.vector_load %arg9[%swap3A_365, %swap3A_366] {strides = array<i32>} : memref<128x128xf32, #tpu.memory_space<vmem>>, vector<16xf32>,
        tpu.vector_store %arg9[%swap3A_365, %swap3A_366], %add3A_364 {strides = array<i32>} : memref<128x128xf32, #tpu.memory_space<vmem>>, vector<16xf32>,
        %sub3A_368 = vector.broadcast %mul3A_296 : f32 to vector<16xf32>
        %sub3A_369 = arith.subf %get3A_263, %sub3A_368 : vector<16xf32>
        %mul3A_370 = arith.mulf %sub3A_369, %mul3A_328 : vector<16xf32>
        %mul3A_371 = arith.mulf %mul3A_370, %get3A_13 : vector<16xf32>
        %add3A_372 = arith.addf %mul3A_371, %get3A_29 : vector<16xf32>
        %swap3A_373 = arith.index_cast %add3A_245 : i32 to index
        %swap3A_374 = arith.constant 80 : index
        %swap3A_375 = tpu.vector_load %arg9[%swap3A_373, %swap3A_374] {strides = array<i32>} : memref<128x128xf32, #tpu.memory_space<vmem>>, vector<16xf32>,
        tpu.vector_store %arg9[%swap3A_373, %swap3A_374], %add3A_372 {strides = array<i32>} : memref<128x128xf32, #tpu.memory_space<vmem>>, vector<16xf32>,
        %sub3A_376 = vector.broadcast %mul3A_296 : f32 to vector<16xf32>
        %sub3A_377 = arith.subf %get3A_266, %sub3A_376 : vector<16xf32>
        %mul3A_378 = arith.mulf %sub3A_377, %mul3A_328 : vector<16xf32>
        %mul3A_379 = arith.mulf %mul3A_378, %get3A_15 : vector<16xf32>
        %add3A_380 = arith.addf %mul3A_379, %get3A_31 : vector<16xf32>
        %swap3A_381 = arith.index_cast %add3A_245 : i32 to index
        %swap3A_382 = arith.constant 96 : index
        %swap3A_383 = tpu.vector_load %arg9[%swap3A_381, %swap3A_382] {strides = array<i32>} : memref<128x128xf32, #tpu.memory_space<vmem>>, vector<16xf32>,
        tpu.vector_store %arg9[%swap3A_381, %swap3A_382], %add3A_380 {strides = array<i32>} : memref<128x128xf32, #tpu.memory_space<vmem>>, vector<16xf32>,
        %sub3A_384 = vector.broadcast %mul3A_296 : f32 to vector<16xf32>
        %sub3A_385 = arith.subf %get3A_269, %sub3A_384 : vector<16xf32>
        %mul3A_386 = arith.mulf %sub3A_385, %mul3A_328 : vector<16xf32>
        %mul3A_387 = arith.mulf %mul3A_386, %get3A_17 : vector<16xf32>
        %add3A_388 = arith.addf %mul3A_387, %get3A_33 : vector<16xf32>
        %swap3A_389 = arith.index_cast %add3A_245 : i32 to index
        %swap3A_390 = arith.constant 112 : index
        %swap3A_391 = tpu.vector_load %arg9[%swap3A_389, %swap3A_390] {strides = array<i32>} : memref<128x128xf32, #tpu.memory_space<vmem>>, vector<16xf32>,
        tpu.vector_store %arg9[%swap3A_389, %swap3A_390], %add3A_388 {strides = array<i32>} : memref<128x128xf32, #tpu.memory_space<vmem>>, vector<16xf32>,
        %scan3A_392 = arith.constant 1 : i32
        %scan3A_393 = arith.addi %scan3A_241, %scan3A_392 : i32
        %mul3A_394 = arith.constant 1 : i32
        %mul3A_395 = arith.muli %scan3A_393, %mul3A_394 : i32
        %add3A_396 = arith.constant 0 : i32
        %add3A_397 = arith.addi %add3A_396, %mul3A_395 : i32
        %get3A_398 = arith.index_cast %add3A_397 : i32 to index
        %get3A_399 = arith.constant 0 : index
        %get3A_400 = tpu.vector_load %arg9[%get3A_398, %get3A_399] {strides = array<i32>} : memref<128x128xf32, #tpu.memory_space<vmem>>, vector<16xf32>,
        %get3A_401 = arith.index_cast %add3A_397 : i32 to index
        %get3A_402 = arith.constant 16 : index
        %get3A_403 = tpu.vector_load %arg9[%get3A_401, %get3A_402] {strides = array<i32>} : memref<128x128xf32, #tpu.memory_space<vmem>>, vector<16xf32>,
        %get3A_404 = arith.index_cast %add3A_397 : i32 to index
        %get3A_405 = arith.constant 32 : index
        %get3A_406 = tpu.vector_load %arg9[%get3A_404, %get3A_405] {strides = array<i32>} : memref<128x128xf32, #tpu.memory_space<vmem>>, vector<16xf32>,
        %get3A_407 = arith.index_cast %add3A_397 : i32 to index
        %get3A_408 = arith.constant 48 : index
        %get3A_409 = tpu.vector_load %arg9[%get3A_407, %get3A_408] {strides = array<i32>} : memref<128x128xf32, #tpu.memory_space<vmem>>, vector<16xf32>,
        %get3A_410 = arith.index_cast %add3A_397 : i32 to index
        %get3A_411 = arith.constant 64 : index
        %get3A_412 = tpu.vector_load %arg9[%get3A_410, %get3A_411] {strides = array<i32>} : memref<128x128xf32, #tpu.memory_space<vmem>>, vector<16xf32>,
        %get3A_413 = arith.index_cast %add3A_397 : i32 to index
        %get3A_414 = arith.constant 80 : index
        %get3A_415 = tpu.vector_load %arg9[%get3A_413, %get3A_414] {strides = array<i32>} : memref<128x128xf32, #tpu.memory_space<vmem>>, vector<16xf32>,
        %get3A_416 = arith.index_cast %add3A_397 : i32 to index
        %get3A_417 = arith.constant 96 : index
        %get3A_418 = tpu.vector_load %arg9[%get3A_416, %get3A_417] {strides = array<i32>} : memref<128x128xf32, #tpu.memory_space<vmem>>, vector<16xf32>,
        %get3A_419 = arith.index_cast %add3A_397 : i32 to index
        %get3A_420 = arith.constant 112 : index
        %get3A_421 = tpu.vector_load %arg9[%get3A_419, %get3A_420] {strides = array<i32>} : memref<128x128xf32, #tpu.memory_space<vmem>>, vector<16xf32>,
        %mul3A_422 = arith.mulf %get3A_400, %get3A_400 : vector<16xf32>
        %add3A_423 = arith.addf %get3A_400, %get3A_403 : vector<16xf32>
        %mul3A_424 = arith.mulf %get3A_403, %get3A_403 : vector<16xf32>
        %add3A_425 = arith.addf %mul3A_422, %mul3A_424 : vector<16xf32>
        %add3A_426 = arith.addf %add3A_423, %get3A_406 : vector<16xf32>
        %mul3A_427 = arith.mulf %get3A_406, %get3A_406 : vector<16xf32>
        %add3A_428 = arith.addf %add3A_425, %mul3A_427 : vector<16xf32>
        %add3A_429 = arith.addf %add3A_426, %get3A_409 : vector<16xf32>
        %mul3A_430 = arith.mulf %get3A_409, %get3A_409 : vector<16xf32>
        %add3A_431 = arith.addf %add3A_428, %mul3A_430 : vector<16xf32>
        %add3A_432 = arith.addf %add3A_429, %get3A_412 : vector<16xf32>
        %mul3A_433 = arith.mulf %get3A_412, %get3A_412 : vector<16xf32>
        %add3A_434 = arith.addf %add3A_431, %mul3A_433 : vector<16xf32>
        %add3A_435 = arith.addf %add3A_432, %get3A_415 : vector<16xf32>
        %mul3A_436 = arith.mulf %get3A_415, %get3A_415 : vector<16xf32>
        %add3A_437 = arith.addf %add3A_434, %mul3A_436 : vector<16xf32>
        %add3A_438 = arith.addf %add3A_435, %get3A_418 : vector<16xf32>
        %mul3A_439 = arith.mulf %get3A_418, %get3A_418 : vector<16xf32>
        %add3A_440 = arith.addf %add3A_437, %mul3A_439 : vector<16xf32>
        %add3A_441 = arith.addf %add3A_438, %get3A_421 : vector<16xf32>
        %mul3A_442 = arith.mulf %get3A_421, %get3A_421 : vector<16xf32>
        %add3A_443 = arith.addf %add3A_440, %mul3A_442 : vector<16xf32>
        %reduce_sum3A_444 = arith.constant true
        %reduce_sum3A_445 = vector.broadcast %reduce_sum3A_444 : i1 to vector<16xi1>
        %reduce_sum3A_446 = tpu.scan <sum>, %add3A_441 masked %reduce_sum3A_445 : vector<16xf32>, vector<16xi1> -> vector<16xf32>
        %reduce_sum3A_447 = vector.extract %reduce_sum3A_446[15] : f32 from vector<16xf32>
        %mul3A_448 = arith.constant 7.812500e-03 : f32
        %mul3A_449 = arith.mulf %reduce_sum3A_447, %mul3A_448 : f32
        %reduce_sum3A_450 = arith.constant true
        %reduce_sum3A_451 = vector.broadcast %reduce_sum3A_450 : i1 to vector<16xi1>
        %reduce_sum3A_452 = tpu.scan <sum>, %add3A_443 masked %reduce_sum3A_451 : vector<16xf32>, vector<16xi1> -> vector<16xf32>
        %reduce_sum3A_453 = vector.extract %reduce_sum3A_452[15] : f32 from vector<16xf32>
        %mul3A_454 = arith.constant 7.812500e-03 : f32
        %mul3A_455 = arith.mulf %reduce_sum3A_453, %mul3A_454 : f32
        %mul3A_456 = arith.mulf %mul3A_449, %mul3A_449 : f32
        %sub3A_457 = arith.subf %mul3A_455, %mul3A_456 : f32
        %max3A_458 = arith.constant 0.000000e+00 : f32
        %max3A_459 = arith.maximumf %sub3A_457, %max3A_458 : f32
        %add3A_460 = arith.constant 9.99999996E-13 : f32
        %add3A_461 = arith.addf %max3A_459, %add3A_460 : f32
        %broadcast_in_dim3A_462 = vector.broadcast %add3A_461 : f32 to vector<16xf32>
        %bitcast3A_463 = vector.bitcast %broadcast_in_dim3A_462 : vector<16xf32> to vector<16xi32>
        %shift_right_arithmetic3A_464 = arith.constant 1 : i32
        %shift_right_arithmetic3A_465 = vector.broadcast %shift_right_arithmetic3A_464 : i32 to vector<16xi32>
        %shift_right_arithmetic3A_466 = arith.shrsi %bitcast3A_463, %shift_right_arithmetic3A_465 : vector<16xi32>
        %sub3A_467 = arith.constant 1597463007 : i32
        %sub3A_468 = vector.broadcast %sub3A_467 : i32 to vector<16xi32>
        %sub3A_469 = arith.subi %sub3A_468, %shift_right_arithmetic3A_466 : vector<16xi32>
        %bitcast3A_470 = vector.bitcast %sub3A_469 : vector<16xi32> to vector<16xf32>
        %mul3A_471 = arith.constant 5.000000e-01 : f32
        %mul3A_472 = vector.broadcast %mul3A_471 : f32 to vector<16xf32>
        %mul3A_473 = arith.mulf %broadcast_in_dim3A_462, %mul3A_472 : vector<16xf32>
        %mul3A_474 = arith.mulf %mul3A_473, %bitcast3A_470 : vector<16xf32>
        %mul3A_475 = arith.mulf %mul3A_474, %bitcast3A_470 : vector<16xf32>
        %sub3A_476 = arith.constant 1.500000e+00 : f32
        %sub3A_477 = vector.broadcast %sub3A_476 : f32 to vector<16xf32>
        %sub3A_478 = arith.subf %sub3A_477, %mul3A_475 : vector<16xf32>
        %mul3A_479 = arith.mulf %bitcast3A_470, %sub3A_478 : vector<16xf32>
        %mul3A_480 = arith.mulf %mul3A_473, %mul3A_479 : vector<16xf32>
        %mul3A_481 = arith.mulf %mul3A_480, %mul3A_479 : vector<16xf32>
        %sub3A_482 = arith.constant 1.500000e+00 : f32
        %sub3A_483 = vector.broadcast %sub3A_482 : f32 to vector<16xf32>
        %sub3A_484 = arith.subf %sub3A_483, %mul3A_481 : vector<16xf32>
        %mul3A_485 = arith.mulf %mul3A_479, %sub3A_484 : vector<16xf32>
        %sub3A_486 = vector.broadcast %mul3A_449 : f32 to vector<16xf32>
        %sub3A_487 = arith.subf %get3A_400, %sub3A_486 : vector<16xf32>
        %mul3A_488 = arith.mulf %sub3A_487, %mul3A_485 : vector<16xf32>
        %mul3A_489 = arith.mulf %mul3A_488, %get3A_3 : vector<16xf32>
        %add3A_490 = arith.addf %mul3A_489, %get3A_19 : vector<16xf32>
        %swap3A_491 = arith.index_cast %add3A_397 : i32 to index
        %swap3A_492 = arith.constant 0 : index
        %swap3A_493 = tpu.vector_load %arg9[%swap3A_491, %swap3A_492] {strides = array<i32>} : memref<128x128xf32, #tpu.memory_space<vmem>>, vector<16xf32>,
        tpu.vector_store %arg9[%swap3A_491, %swap3A_492], %add3A_490 {strides = array<i32>} : memref<128x128xf32, #tpu.memory_space<vmem>>, vector<16xf32>,
        %sub3A_494 = vector.broadcast %mul3A_449 : f32 to vector<16xf32>
        %sub3A_495 = arith.subf %get3A_403, %sub3A_494 : vector<16xf32>
        %mul3A_496 = arith.mulf %sub3A_495, %mul3A_485 : vector<16xf32>
        %mul3A_497 = arith.mulf %mul3A_496, %get3A_5 : vector<16xf32>
        %add3A_498 = arith.addf %mul3A_497, %get3A_21 : vector<16xf32>
        %swap3A_499 = arith.index_cast %add3A_397 : i32 to index
        %swap3A_500 = arith.constant 16 : index
        %swap3A_501 = tpu.vector_load %arg9[%swap3A_499, %swap3A_500] {strides = array<i32>} : memref<128x128xf32, #tpu.memory_space<vmem>>, vector<16xf32>,
        tpu.vector_store %arg9[%swap3A_499, %swap3A_500], %add3A_498 {strides = array<i32>} : memref<128x128xf32, #tpu.memory_space<vmem>>, vector<16xf32>,
        %sub3A_502 = vector.broadcast %mul3A_449 : f32 to vector<16xf32>
        %sub3A_503 = arith.subf %get3A_406, %sub3A_502 : vector<16xf32>
        %mul3A_504 = arith.mulf %sub3A_503, %mul3A_485 : vector<16xf32>
        %mul3A_505 = arith.mulf %mul3A_504, %get3A_7 : vector<16xf32>
        %add3A_506 = arith.addf %mul3A_505, %get3A_23 : vector<16xf32>
        %swap3A_507 = arith.index_cast %add3A_397 : i32 to index
        %swap3A_508 = arith.constant 32 : index
        %swap3A_509 = tpu.vector_load %arg9[%swap3A_507, %swap3A_508] {strides = array<i32>} : memref<128x128xf32, #tpu.memory_space<vmem>>, vector<16xf32>,
        tpu.vector_store %arg9[%swap3A_507, %swap3A_508], %add3A_506 {strides = array<i32>} : memref<128x128xf32, #tpu.memory_space<vmem>>, vector<16xf32>,
        %sub3A_510 = vector.broadcast %mul3A_449 : f32 to vector<16xf32>
        %sub3A_511 = arith.subf %get3A_409, %sub3A_510 : vector<16xf32>
        %mul3A_512 = arith.mulf %sub3A_511, %mul3A_485 : vector<16xf32>
        %mul3A_513 = arith.mulf %mul3A_512, %get3A_9 : vector<16xf32>
        %add3A_514 = arith.addf %mul3A_513, %get3A_25 : vector<16xf32>
        %swap3A_515 = arith.index_cast %add3A_397 : i32 to index
        %swap3A_516 = arith.constant 48 : index
        %swap3A_517 = tpu.vector_load %arg9[%swap3A_515, %swap3A_516] {strides = array<i32>} : memref<128x128xf32, #tpu.memory_space<vmem>>, vector<16xf32>,
        tpu.vector_store %arg9[%swap3A_515, %swap3A_516], %add3A_514 {strides = array<i32>} : memref<128x128xf32, #tpu.memory_space<vmem>>, vector<16xf32>,
        %sub3A_518 = vector.broadcast %mul3A_449 : f32 to vector<16xf32>
        %sub3A_519 = arith.subf %get3A_412, %sub3A_518 : vector<16xf32>
        %mul3A_520 = arith.mulf %sub3A_519, %mul3A_485 : vector<16xf32>
        %mul3A_521 = arith.mulf %mul3A_520, %get3A_11 : vector<16xf32>
        %add3A_522 = arith.addf %mul3A_521, %get3A_27 : vector<16xf32>
        %swap3A_523 = arith.index_cast %add3A_397 : i32 to index
        %swap3A_524 = arith.constant 64 : index
        %swap3A_525 = tpu.vector_load %arg9[%swap3A_523, %swap3A_524] {strides = array<i32>} : memref<128x128xf32, #tpu.memory_space<vmem>>, vector<16xf32>,
        tpu.vector_store %arg9[%swap3A_523, %swap3A_524], %add3A_522 {strides = array<i32>} : memref<128x128xf32, #tpu.memory_space<vmem>>, vector<16xf32>,
        %sub3A_526 = vector.broadcast %mul3A_449 : f32 to vector<16xf32>
        %sub3A_527 = arith.subf %get3A_415, %sub3A_526 : vector<16xf32>
        %mul3A_528 = arith.mulf %sub3A_527, %mul3A_485 : vector<16xf32>
        %mul3A_529 = arith.mulf %mul3A_528, %get3A_13 : vector<16xf32>
        %add3A_530 = arith.addf %mul3A_529, %get3A_29 : vector<16xf32>
        %swap3A_531 = arith.index_cast %add3A_397 : i32 to index
        %swap3A_532 = arith.constant 80 : index
        %swap3A_533 = tpu.vector_load %arg9[%swap3A_531, %swap3A_532] {strides = array<i32>} : memref<128x128xf32, #tpu.memory_space<vmem>>, vector<16xf32>,
        tpu.vector_store %arg9[%swap3A_531, %swap3A_532], %add3A_530 {strides = array<i32>} : memref<128x128xf32, #tpu.memory_space<vmem>>, vector<16xf32>,
        %sub3A_534 = vector.broadcast %mul3A_449 : f32 to vector<16xf32>
        %sub3A_535 = arith.subf %get3A_418, %sub3A_534 : vector<16xf32>
        %mul3A_536 = arith.mulf %sub3A_535, %mul3A_485 : vector<16xf32>
        %mul3A_537 = arith.mulf %mul3A_536, %get3A_15 : vector<16xf32>
        %add3A_538 = arith.addf %mul3A_537, %get3A_31 : vector<16xf32>
        %swap3A_539 = arith.index_cast %add3A_397 : i32 to index
        %swap3A_540 = arith.constant 96 : index
        %swap3A_541 = tpu.vector_load %arg9[%swap3A_539, %swap3A_540] {strides = array<i32>} : memref<128x128xf32, #tpu.memory_space<vmem>>, vector<16xf32>,
        tpu.vector_store %arg9[%swap3A_539, %swap3A_540], %add3A_538 {strides = array<i32>} : memref<128x128xf32, #tpu.memory_space<vmem>>, vector<16xf32>,
        %sub3A_542 = vector.broadcast %mul3A_449 : f32 to vector<16xf32>
        %sub3A_543 = arith.subf %get3A_421, %sub3A_542 : vector<16xf32>
        %mul3A_544 = arith.mulf %sub3A_543, %mul3A_485 : vector<16xf32>
        %mul3A_545 = arith.mulf %mul3A_544, %get3A_17 : vector<16xf32>
        %add3A_546 = arith.addf %mul3A_545, %get3A_33 : vector<16xf32>
        %swap3A_547 = arith.index_cast %add3A_397 : i32 to index
        %swap3A_548 = arith.constant 112 : index
        %swap3A_549 = tpu.vector_load %arg9[%swap3A_547, %swap3A_548] {strides = array<i32>} : memref<128x128xf32, #tpu.memory_space<vmem>>, vector<16xf32>,
        tpu.vector_store %arg9[%swap3A_547, %swap3A_548], %add3A_546 {strides = array<i32>} : memref<128x128xf32, #tpu.memory_space<vmem>>, vector<16xf32>,
      }
      %scan3A_169 = arith.constant 128 : i32
      %mul3A_170 = arith.constant 128 : i32
      %mul3A_171 = arith.muli %add3A_148, %mul3A_170 : i32
      %add3A_172 = arith.addi %mul3A_2, %mul3A_171 : i32
      %dma_start3A_173 = arith.constant 0 : i32
      %dma_start3A_174 = tpu.memref_slice %arg6[%add3A_172, %dma_start3A_173] : memref<204800x128xf32, #tpu.memory_space<hbm>> -> memref<128x128xf32, #tpu.memory_space<hbm>>
      %dma_start3A_175 = arith.constant 0 : i32
      %dma_start3A_176 = tpu.memref_slice %arg6[%add3A_172, %dma_start3A_175] : memref<204800x128xf32, #tpu.memory_space<hbm>> -> memref<128x128xf32, #tpu.memory_space<hbm>>
      tpu.enqueue_dma source(%arg9 : memref<128x128xf32, #tpu.memory_space<vmem>>) target(%dma_start3A_176 : memref<128x128xf32, #tpu.memory_space<hbm>>) target_semaphore(%arg19 : memref<!tpu.dma_semaphore, #tpu.memory_space<semaphore_mem>>)
      %mul3A_177 = arith.constant 4 : i32
      %mul3A_178 = arith.muli %add3A_116, %mul3A_177 : i32
      %add3A_179 = arith.constant 2 : i32
      %add3A_180 = arith.addi %mul3A_178, %add3A_179 : i32
      %mul3A_181 = arith.constant 128 : i32
      %mul3A_182 = arith.muli %add3A_180, %mul3A_181 : i32
      %multiple_of3A_183 = tpu.assume_multiple %mul3A_182, 128 : i32
      %dma_wait3A_184 = tpu.memref_slice %arg7[%multiple_of3A_183] : memref<6400xi32, #tpu.memory_space<vmem>> -> memref<128xi32, #tpu.memory_space<vmem>>
      %dma_wait3A_185 = arith.constant 0 : i32
      %dma_wait3A_186 = arith.constant 0 : i32
      %dma_wait3A_187 = tpu.memref_slice %arg3[%dma_wait3A_185, %dma_wait3A_186] : memref<100000x128xf32, #tpu.memory_space<hbm>> -> memref<100000x128xf32, #tpu.memory_space<hbm>>
      tpu.wait_indirect_dma semaphore(%arg16 : memref<!tpu.dma_semaphore, #tpu.memory_space<semaphore_mem>>) src(%dma_wait3A_187 : memref<100000x128xf32, #tpu.memory_space<hbm>>) dst(%arg10 : memref<128x128xf32, #tpu.memory_space<vmem>>)
      %add3A_188 = arith.constant 4 : i32
      %add3A_189 = arith.addi %add3A_180, %add3A_188 : i32
      %sub3A_190 = arith.constant 1 : i32
      %sub3A_191 = arith.subi %add3A_189, %sub3A_190 : i32
      %lt3A_192 = arith.constant 50 : i32
      %lt3A_193 = arith.cmpi slt, %sub3A_191, %lt3A_192 : i32
      %convert_element_type3A_194 = arith.extui %lt3A_193 : i1 to i32
      %cond3A_195 = arith.constant 0 : i32
      %cond3A_196 = arith.cmpi ne, %convert_element_type3A_194, %cond3A_195 : i32
      scf.if %cond3A_196 {
        %ge3A = arith.constant 1 : i32
        %ge3A_241 = arith.cmpi sge, %add3A_180, %ge3A : i32
        %convert_element_type3A_242 = arith.extui %ge3A_241 : i1 to i32
        %cond3A_243 = arith.constant 0 : i32
        %cond3A_244 = arith.cmpi ne, %convert_element_type3A_242, %cond3A_243 : i32
        scf.if %cond3A_244 {
          %sub3A_256 = arith.constant 1 : i32
          %sub3A_257 = arith.subi %add3A_180, %sub3A_256 : i32
          %mul3A_258 = arith.constant 128 : i32
          %mul3A_259 = arith.muli %sub3A_257, %mul3A_258 : i32
          %add3A_260 = arith.addi %mul3A_2, %mul3A_259 : i32
          %dma_wait3A_261 = arith.constant 0 : i32
          %dma_wait3A_262 = tpu.memref_slice %arg6[%add3A_260, %dma_wait3A_261] : memref<204800x128xf32, #tpu.memory_space<hbm>> -> memref<128x128xf32, #tpu.memory_space<hbm>>
          %dma_wait3A_263 = arith.constant 0 : i32
          %dma_wait3A_264 = tpu.memref_slice %arg6[%add3A_260, %dma_wait3A_263] : memref<204800x128xf32, #tpu.memory_space<hbm>> -> memref<128x128xf32, #tpu.memory_space<hbm>>
          tpu.wait_dma2 semaphore(%arg19 : memref<!tpu.dma_semaphore, #tpu.memory_space<semaphore_mem>>) src(%arg9 : memref<128x128xf32, #tpu.memory_space<vmem>>) dst(%dma_wait3A_264 : memref<128x128xf32, #tpu.memory_space<hbm>>)
        } else {
        }
        %add3A_245 = arith.constant 4 : i32
        %add3A_246 = arith.addi %add3A_180, %add3A_245 : i32
        %sub3A_247 = arith.constant 1 : i32
        %sub3A_248 = arith.subi %add3A_246, %sub3A_247 : i32
        %mul3A_249 = arith.constant 128 : i32
        %mul3A_250 = arith.muli %sub3A_248, %mul3A_249 : i32
        %multiple_of3A_251 = tpu.assume_multiple %mul3A_250, 128 : i32
        %dma_start3A_252 = tpu.memref_slice %arg7[%multiple_of3A_251] : memref<6400xi32, #tpu.memory_space<vmem>> -> memref<128xi32, #tpu.memory_space<vmem>>
        %dma_start3A_253 = arith.constant 0 : i32
        %dma_start3A_254 = arith.constant 0 : i32
        %dma_start3A_255 = tpu.memref_slice %arg3[%dma_start3A_253, %dma_start3A_254] : memref<100000x128xf32, #tpu.memory_space<hbm>> -> memref<100000x128xf32, #tpu.memory_space<hbm>>
        tpu.enqueue_indirect_dma source(%dma_start3A_255 : memref<100000x128xf32, #tpu.memory_space<hbm>>) target(%arg9 : memref<128x128xf32, #tpu.memory_space<vmem>>) offsets(%dma_start3A_252 : memref<128xi32, #tpu.memory_space<vmem>>) semaphore(%arg15 : memref<!tpu.dma_semaphore, #tpu.memory_space<semaphore_mem>>)
      } else {
      }
      %scan3A_197 = arith.constant 0 : i32
      %scan3A_198 = arith.constant 128 : i32
      %scan3A_199 = arith.addi %scan3A_197, %scan3A_198 : i32
      %scan3A_200 = arith.constant 2 : i32
      scf.for %scan3A_241 = %scan3A_197 to %scan3A_199 step %scan3A_200  : i32 {
        %mul3A_242 = arith.constant 1 : i32
        %mul3A_243 = arith.muli %scan3A_241, %mul3A_242 : i32
        %add3A_244 = arith.constant 0 : i32
        %add3A_245 = arith.addi %add3A_244, %mul3A_243 : i32
        %get3A_246 = arith.index_cast %add3A_245 : i32 to index
        %get3A_247 = arith.constant 0 : index
        %get3A_248 = tpu.vector_load %arg10[%get3A_246, %get3A_247] {strides = array<i32>} : memref<128x128xf32, #tpu.memory_space<vmem>>, vector<16xf32>,
        %get3A_249 = arith.index_cast %add3A_245 : i32 to index
        %get3A_250 = arith.constant 16 : index
        %get3A_251 = tpu.vector_load %arg10[%get3A_249, %get3A_250] {strides = array<i32>} : memref<128x128xf32, #tpu.memory_space<vmem>>, vector<16xf32>,
        %get3A_252 = arith.index_cast %add3A_245 : i32 to index
        %get3A_253 = arith.constant 32 : index
        %get3A_254 = tpu.vector_load %arg10[%get3A_252, %get3A_253] {strides = array<i32>} : memref<128x128xf32, #tpu.memory_space<vmem>>, vector<16xf32>,
        %get3A_255 = arith.index_cast %add3A_245 : i32 to index
        %get3A_256 = arith.constant 48 : index
        %get3A_257 = tpu.vector_load %arg10[%get3A_255, %get3A_256] {strides = array<i32>} : memref<128x128xf32, #tpu.memory_space<vmem>>, vector<16xf32>,
        %get3A_258 = arith.index_cast %add3A_245 : i32 to index
        %get3A_259 = arith.constant 64 : index
        %get3A_260 = tpu.vector_load %arg10[%get3A_258, %get3A_259] {strides = array<i32>} : memref<128x128xf32, #tpu.memory_space<vmem>>, vector<16xf32>,
        %get3A_261 = arith.index_cast %add3A_245 : i32 to index
        %get3A_262 = arith.constant 80 : index
        %get3A_263 = tpu.vector_load %arg10[%get3A_261, %get3A_262] {strides = array<i32>} : memref<128x128xf32, #tpu.memory_space<vmem>>, vector<16xf32>,
        %get3A_264 = arith.index_cast %add3A_245 : i32 to index
        %get3A_265 = arith.constant 96 : index
        %get3A_266 = tpu.vector_load %arg10[%get3A_264, %get3A_265] {strides = array<i32>} : memref<128x128xf32, #tpu.memory_space<vmem>>, vector<16xf32>,
        %get3A_267 = arith.index_cast %add3A_245 : i32 to index
        %get3A_268 = arith.constant 112 : index
        %get3A_269 = tpu.vector_load %arg10[%get3A_267, %get3A_268] {strides = array<i32>} : memref<128x128xf32, #tpu.memory_space<vmem>>, vector<16xf32>,
        %mul3A_270 = arith.mulf %get3A_248, %get3A_248 : vector<16xf32>
        %add3A_271 = arith.addf %get3A_248, %get3A_251 : vector<16xf32>
        %mul3A_272 = arith.mulf %get3A_251, %get3A_251 : vector<16xf32>
        %add3A_273 = arith.addf %mul3A_270, %mul3A_272 : vector<16xf32>
        %add3A_274 = arith.addf %add3A_271, %get3A_254 : vector<16xf32>
        %mul3A_275 = arith.mulf %get3A_254, %get3A_254 : vector<16xf32>
        %add3A_276 = arith.addf %add3A_273, %mul3A_275 : vector<16xf32>
        %add3A_277 = arith.addf %add3A_274, %get3A_257 : vector<16xf32>
        %mul3A_278 = arith.mulf %get3A_257, %get3A_257 : vector<16xf32>
        %add3A_279 = arith.addf %add3A_276, %mul3A_278 : vector<16xf32>
        %add3A_280 = arith.addf %add3A_277, %get3A_260 : vector<16xf32>
        %mul3A_281 = arith.mulf %get3A_260, %get3A_260 : vector<16xf32>
        %add3A_282 = arith.addf %add3A_279, %mul3A_281 : vector<16xf32>
        %add3A_283 = arith.addf %add3A_280, %get3A_263 : vector<16xf32>
        %mul3A_284 = arith.mulf %get3A_263, %get3A_263 : vector<16xf32>
        %add3A_285 = arith.addf %add3A_282, %mul3A_284 : vector<16xf32>
        %add3A_286 = arith.addf %add3A_283, %get3A_266 : vector<16xf32>
        %mul3A_287 = arith.mulf %get3A_266, %get3A_266 : vector<16xf32>
        %add3A_288 = arith.addf %add3A_285, %mul3A_287 : vector<16xf32>
        %add3A_289 = arith.addf %add3A_286, %get3A_269 : vector<16xf32>
        %mul3A_290 = arith.mulf %get3A_269, %get3A_269 : vector<16xf32>
        %add3A_291 = arith.addf %add3A_288, %mul3A_290 : vector<16xf32>
        %reduce_sum3A = arith.constant true
        %reduce_sum3A_292 = vector.broadcast %reduce_sum3A : i1 to vector<16xi1>
        %reduce_sum3A_293 = tpu.scan <sum>, %add3A_289 masked %reduce_sum3A_292 : vector<16xf32>, vector<16xi1> -> vector<16xf32>
        %reduce_sum3A_294 = vector.extract %reduce_sum3A_293[15] : f32 from vector<16xf32>
        %mul3A_295 = arith.constant 7.812500e-03 : f32
        %mul3A_296 = arith.mulf %reduce_sum3A_294, %mul3A_295 : f32
        %reduce_sum3A_297 = arith.constant true
        %reduce_sum3A_298 = vector.broadcast %reduce_sum3A_297 : i1 to vector<16xi1>
        %reduce_sum3A_299 = tpu.scan <sum>, %add3A_291 masked %reduce_sum3A_298 : vector<16xf32>, vector<16xi1> -> vector<16xf32>
        %reduce_sum3A_300 = vector.extract %reduce_sum3A_299[15] : f32 from vector<16xf32>
        %mul3A_301 = arith.constant 7.812500e-03 : f32
        %mul3A_302 = arith.mulf %reduce_sum3A_300, %mul3A_301 : f32
        %mul3A_303 = arith.mulf %mul3A_296, %mul3A_296 : f32
        %sub3A_304 = arith.subf %mul3A_302, %mul3A_303 : f32
        %max3A = arith.constant 0.000000e+00 : f32
        %max3A_305 = arith.maximumf %sub3A_304, %max3A : f32
        %add3A_306 = arith.constant 9.99999996E-13 : f32
        %add3A_307 = arith.addf %max3A_305, %add3A_306 : f32
        %broadcast_in_dim3A = vector.broadcast %add3A_307 : f32 to vector<16xf32>
        %bitcast3A = vector.bitcast %broadcast_in_dim3A : vector<16xf32> to vector<16xi32>
        %shift_right_arithmetic3A = arith.constant 1 : i32
        %shift_right_arithmetic3A_308 = vector.broadcast %shift_right_arithmetic3A : i32 to vector<16xi32>
        %shift_right_arithmetic3A_309 = arith.shrsi %bitcast3A, %shift_right_arithmetic3A_308 : vector<16xi32>
        %sub3A_310 = arith.constant 1597463007 : i32
        %sub3A_311 = vector.broadcast %sub3A_310 : i32 to vector<16xi32>
        %sub3A_312 = arith.subi %sub3A_311, %shift_right_arithmetic3A_309 : vector<16xi32>
        %bitcast3A_313 = vector.bitcast %sub3A_312 : vector<16xi32> to vector<16xf32>
        %mul3A_314 = arith.constant 5.000000e-01 : f32
        %mul3A_315 = vector.broadcast %mul3A_314 : f32 to vector<16xf32>
        %mul3A_316 = arith.mulf %broadcast_in_dim3A, %mul3A_315 : vector<16xf32>
        %mul3A_317 = arith.mulf %mul3A_316, %bitcast3A_313 : vector<16xf32>
        %mul3A_318 = arith.mulf %mul3A_317, %bitcast3A_313 : vector<16xf32>
        %sub3A_319 = arith.constant 1.500000e+00 : f32
        %sub3A_320 = vector.broadcast %sub3A_319 : f32 to vector<16xf32>
        %sub3A_321 = arith.subf %sub3A_320, %mul3A_318 : vector<16xf32>
        %mul3A_322 = arith.mulf %bitcast3A_313, %sub3A_321 : vector<16xf32>
        %mul3A_323 = arith.mulf %mul3A_316, %mul3A_322 : vector<16xf32>
        %mul3A_324 = arith.mulf %mul3A_323, %mul3A_322 : vector<16xf32>
        %sub3A_325 = arith.constant 1.500000e+00 : f32
        %sub3A_326 = vector.broadcast %sub3A_325 : f32 to vector<16xf32>
        %sub3A_327 = arith.subf %sub3A_326, %mul3A_324 : vector<16xf32>
        %mul3A_328 = arith.mulf %mul3A_322, %sub3A_327 : vector<16xf32>
        %sub3A_329 = vector.broadcast %mul3A_296 : f32 to vector<16xf32>
        %sub3A_330 = arith.subf %get3A_248, %sub3A_329 : vector<16xf32>
        %mul3A_331 = arith.mulf %sub3A_330, %mul3A_328 : vector<16xf32>
        %mul3A_332 = arith.mulf %mul3A_331, %get3A_3 : vector<16xf32>
        %add3A_333 = arith.addf %mul3A_332, %get3A_19 : vector<16xf32>
        %swap3A = arith.index_cast %add3A_245 : i32 to index
        %swap3A_334 = arith.constant 0 : index
        %swap3A_335 = tpu.vector_load %arg10[%swap3A, %swap3A_334] {strides = array<i32>} : memref<128x128xf32, #tpu.memory_space<vmem>>, vector<16xf32>,
        tpu.vector_store %arg10[%swap3A, %swap3A_334], %add3A_333 {strides = array<i32>} : memref<128x128xf32, #tpu.memory_space<vmem>>, vector<16xf32>,
        %sub3A_336 = vector.broadcast %mul3A_296 : f32 to vector<16xf32>
        %sub3A_337 = arith.subf %get3A_251, %sub3A_336 : vector<16xf32>
        %mul3A_338 = arith.mulf %sub3A_337, %mul3A_328 : vector<16xf32>
        %mul3A_339 = arith.mulf %mul3A_338, %get3A_5 : vector<16xf32>
        %add3A_340 = arith.addf %mul3A_339, %get3A_21 : vector<16xf32>
        %swap3A_341 = arith.index_cast %add3A_245 : i32 to index
        %swap3A_342 = arith.constant 16 : index
        %swap3A_343 = tpu.vector_load %arg10[%swap3A_341, %swap3A_342] {strides = array<i32>} : memref<128x128xf32, #tpu.memory_space<vmem>>, vector<16xf32>,
        tpu.vector_store %arg10[%swap3A_341, %swap3A_342], %add3A_340 {strides = array<i32>} : memref<128x128xf32, #tpu.memory_space<vmem>>, vector<16xf32>,
        %sub3A_344 = vector.broadcast %mul3A_296 : f32 to vector<16xf32>
        %sub3A_345 = arith.subf %get3A_254, %sub3A_344 : vector<16xf32>
        %mul3A_346 = arith.mulf %sub3A_345, %mul3A_328 : vector<16xf32>
        %mul3A_347 = arith.mulf %mul3A_346, %get3A_7 : vector<16xf32>
        %add3A_348 = arith.addf %mul3A_347, %get3A_23 : vector<16xf32>
        %swap3A_349 = arith.index_cast %add3A_245 : i32 to index
        %swap3A_350 = arith.constant 32 : index
        %swap3A_351 = tpu.vector_load %arg10[%swap3A_349, %swap3A_350] {strides = array<i32>} : memref<128x128xf32, #tpu.memory_space<vmem>>, vector<16xf32>,
        tpu.vector_store %arg10[%swap3A_349, %swap3A_350], %add3A_348 {strides = array<i32>} : memref<128x128xf32, #tpu.memory_space<vmem>>, vector<16xf32>,
        %sub3A_352 = vector.broadcast %mul3A_296 : f32 to vector<16xf32>
        %sub3A_353 = arith.subf %get3A_257, %sub3A_352 : vector<16xf32>
        %mul3A_354 = arith.mulf %sub3A_353, %mul3A_328 : vector<16xf32>
        %mul3A_355 = arith.mulf %mul3A_354, %get3A_9 : vector<16xf32>
        %add3A_356 = arith.addf %mul3A_355, %get3A_25 : vector<16xf32>
        %swap3A_357 = arith.index_cast %add3A_245 : i32 to index
        %swap3A_358 = arith.constant 48 : index
        %swap3A_359 = tpu.vector_load %arg10[%swap3A_357, %swap3A_358] {strides = array<i32>} : memref<128x128xf32, #tpu.memory_space<vmem>>, vector<16xf32>,
        tpu.vector_store %arg10[%swap3A_357, %swap3A_358], %add3A_356 {strides = array<i32>} : memref<128x128xf32, #tpu.memory_space<vmem>>, vector<16xf32>,
        %sub3A_360 = vector.broadcast %mul3A_296 : f32 to vector<16xf32>
        %sub3A_361 = arith.subf %get3A_260, %sub3A_360 : vector<16xf32>
        %mul3A_362 = arith.mulf %sub3A_361, %mul3A_328 : vector<16xf32>
        %mul3A_363 = arith.mulf %mul3A_362, %get3A_11 : vector<16xf32>
        %add3A_364 = arith.addf %mul3A_363, %get3A_27 : vector<16xf32>
        %swap3A_365 = arith.index_cast %add3A_245 : i32 to index
        %swap3A_366 = arith.constant 64 : index
        %swap3A_367 = tpu.vector_load %arg10[%swap3A_365, %swap3A_366] {strides = array<i32>} : memref<128x128xf32, #tpu.memory_space<vmem>>, vector<16xf32>,
        tpu.vector_store %arg10[%swap3A_365, %swap3A_366], %add3A_364 {strides = array<i32>} : memref<128x128xf32, #tpu.memory_space<vmem>>, vector<16xf32>,
        %sub3A_368 = vector.broadcast %mul3A_296 : f32 to vector<16xf32>
        %sub3A_369 = arith.subf %get3A_263, %sub3A_368 : vector<16xf32>
        %mul3A_370 = arith.mulf %sub3A_369, %mul3A_328 : vector<16xf32>
        %mul3A_371 = arith.mulf %mul3A_370, %get3A_13 : vector<16xf32>
        %add3A_372 = arith.addf %mul3A_371, %get3A_29 : vector<16xf32>
        %swap3A_373 = arith.index_cast %add3A_245 : i32 to index
        %swap3A_374 = arith.constant 80 : index
        %swap3A_375 = tpu.vector_load %arg10[%swap3A_373, %swap3A_374] {strides = array<i32>} : memref<128x128xf32, #tpu.memory_space<vmem>>, vector<16xf32>,
        tpu.vector_store %arg10[%swap3A_373, %swap3A_374], %add3A_372 {strides = array<i32>} : memref<128x128xf32, #tpu.memory_space<vmem>>, vector<16xf32>,
        %sub3A_376 = vector.broadcast %mul3A_296 : f32 to vector<16xf32>
        %sub3A_377 = arith.subf %get3A_266, %sub3A_376 : vector<16xf32>
        %mul3A_378 = arith.mulf %sub3A_377, %mul3A_328 : vector<16xf32>
        %mul3A_379 = arith.mulf %mul3A_378, %get3A_15 : vector<16xf32>
        %add3A_380 = arith.addf %mul3A_379, %get3A_31 : vector<16xf32>
        %swap3A_381 = arith.index_cast %add3A_245 : i32 to index
        %swap3A_382 = arith.constant 96 : index
        %swap3A_383 = tpu.vector_load %arg10[%swap3A_381, %swap3A_382] {strides = array<i32>} : memref<128x128xf32, #tpu.memory_space<vmem>>, vector<16xf32>,
        tpu.vector_store %arg10[%swap3A_381, %swap3A_382], %add3A_380 {strides = array<i32>} : memref<128x128xf32, #tpu.memory_space<vmem>>, vector<16xf32>,
        %sub3A_384 = vector.broadcast %mul3A_296 : f32 to vector<16xf32>
        %sub3A_385 = arith.subf %get3A_269, %sub3A_384 : vector<16xf32>
        %mul3A_386 = arith.mulf %sub3A_385, %mul3A_328 : vector<16xf32>
        %mul3A_387 = arith.mulf %mul3A_386, %get3A_17 : vector<16xf32>
        %add3A_388 = arith.addf %mul3A_387, %get3A_33 : vector<16xf32>
        %swap3A_389 = arith.index_cast %add3A_245 : i32 to index
        %swap3A_390 = arith.constant 112 : index
        %swap3A_391 = tpu.vector_load %arg10[%swap3A_389, %swap3A_390] {strides = array<i32>} : memref<128x128xf32, #tpu.memory_space<vmem>>, vector<16xf32>,
        tpu.vector_store %arg10[%swap3A_389, %swap3A_390], %add3A_388 {strides = array<i32>} : memref<128x128xf32, #tpu.memory_space<vmem>>, vector<16xf32>,
        %scan3A_392 = arith.constant 1 : i32
        %scan3A_393 = arith.addi %scan3A_241, %scan3A_392 : i32
        %mul3A_394 = arith.constant 1 : i32
        %mul3A_395 = arith.muli %scan3A_393, %mul3A_394 : i32
        %add3A_396 = arith.constant 0 : i32
        %add3A_397 = arith.addi %add3A_396, %mul3A_395 : i32
        %get3A_398 = arith.index_cast %add3A_397 : i32 to index
        %get3A_399 = arith.constant 0 : index
        %get3A_400 = tpu.vector_load %arg10[%get3A_398, %get3A_399] {strides = array<i32>} : memref<128x128xf32, #tpu.memory_space<vmem>>, vector<16xf32>,
        %get3A_401 = arith.index_cast %add3A_397 : i32 to index
        %get3A_402 = arith.constant 16 : index
        %get3A_403 = tpu.vector_load %arg10[%get3A_401, %get3A_402] {strides = array<i32>} : memref<128x128xf32, #tpu.memory_space<vmem>>, vector<16xf32>,
        %get3A_404 = arith.index_cast %add3A_397 : i32 to index
        %get3A_405 = arith.constant 32 : index
        %get3A_406 = tpu.vector_load %arg10[%get3A_404, %get3A_405] {strides = array<i32>} : memref<128x128xf32, #tpu.memory_space<vmem>>, vector<16xf32>,
        %get3A_407 = arith.index_cast %add3A_397 : i32 to index
        %get3A_408 = arith.constant 48 : index
        %get3A_409 = tpu.vector_load %arg10[%get3A_407, %get3A_408] {strides = array<i32>} : memref<128x128xf32, #tpu.memory_space<vmem>>, vector<16xf32>,
        %get3A_410 = arith.index_cast %add3A_397 : i32 to index
        %get3A_411 = arith.constant 64 : index
        %get3A_412 = tpu.vector_load %arg10[%get3A_410, %get3A_411] {strides = array<i32>} : memref<128x128xf32, #tpu.memory_space<vmem>>, vector<16xf32>,
        %get3A_413 = arith.index_cast %add3A_397 : i32 to index
        %get3A_414 = arith.constant 80 : index
        %get3A_415 = tpu.vector_load %arg10[%get3A_413, %get3A_414] {strides = array<i32>} : memref<128x128xf32, #tpu.memory_space<vmem>>, vector<16xf32>,
        %get3A_416 = arith.index_cast %add3A_397 : i32 to index
        %get3A_417 = arith.constant 96 : index
        %get3A_418 = tpu.vector_load %arg10[%get3A_416, %get3A_417] {strides = array<i32>} : memref<128x128xf32, #tpu.memory_space<vmem>>, vector<16xf32>,
        %get3A_419 = arith.index_cast %add3A_397 : i32 to index
        %get3A_420 = arith.constant 112 : index
        %get3A_421 = tpu.vector_load %arg10[%get3A_419, %get3A_420] {strides = array<i32>} : memref<128x128xf32, #tpu.memory_space<vmem>>, vector<16xf32>,
        %mul3A_422 = arith.mulf %get3A_400, %get3A_400 : vector<16xf32>
        %add3A_423 = arith.addf %get3A_400, %get3A_403 : vector<16xf32>
        %mul3A_424 = arith.mulf %get3A_403, %get3A_403 : vector<16xf32>
        %add3A_425 = arith.addf %mul3A_422, %mul3A_424 : vector<16xf32>
        %add3A_426 = arith.addf %add3A_423, %get3A_406 : vector<16xf32>
        %mul3A_427 = arith.mulf %get3A_406, %get3A_406 : vector<16xf32>
        %add3A_428 = arith.addf %add3A_425, %mul3A_427 : vector<16xf32>
        %add3A_429 = arith.addf %add3A_426, %get3A_409 : vector<16xf32>
        %mul3A_430 = arith.mulf %get3A_409, %get3A_409 : vector<16xf32>
        %add3A_431 = arith.addf %add3A_428, %mul3A_430 : vector<16xf32>
        %add3A_432 = arith.addf %add3A_429, %get3A_412 : vector<16xf32>
        %mul3A_433 = arith.mulf %get3A_412, %get3A_412 : vector<16xf32>
        %add3A_434 = arith.addf %add3A_431, %mul3A_433 : vector<16xf32>
        %add3A_435 = arith.addf %add3A_432, %get3A_415 : vector<16xf32>
        %mul3A_436 = arith.mulf %get3A_415, %get3A_415 : vector<16xf32>
        %add3A_437 = arith.addf %add3A_434, %mul3A_436 : vector<16xf32>
        %add3A_438 = arith.addf %add3A_435, %get3A_418 : vector<16xf32>
        %mul3A_439 = arith.mulf %get3A_418, %get3A_418 : vector<16xf32>
        %add3A_440 = arith.addf %add3A_437, %mul3A_439 : vector<16xf32>
        %add3A_441 = arith.addf %add3A_438, %get3A_421 : vector<16xf32>
        %mul3A_442 = arith.mulf %get3A_421, %get3A_421 : vector<16xf32>
        %add3A_443 = arith.addf %add3A_440, %mul3A_442 : vector<16xf32>
        %reduce_sum3A_444 = arith.constant true
        %reduce_sum3A_445 = vector.broadcast %reduce_sum3A_444 : i1 to vector<16xi1>
        %reduce_sum3A_446 = tpu.scan <sum>, %add3A_441 masked %reduce_sum3A_445 : vector<16xf32>, vector<16xi1> -> vector<16xf32>
        %reduce_sum3A_447 = vector.extract %reduce_sum3A_446[15] : f32 from vector<16xf32>
        %mul3A_448 = arith.constant 7.812500e-03 : f32
        %mul3A_449 = arith.mulf %reduce_sum3A_447, %mul3A_448 : f32
        %reduce_sum3A_450 = arith.constant true
        %reduce_sum3A_451 = vector.broadcast %reduce_sum3A_450 : i1 to vector<16xi1>
        %reduce_sum3A_452 = tpu.scan <sum>, %add3A_443 masked %reduce_sum3A_451 : vector<16xf32>, vector<16xi1> -> vector<16xf32>
        %reduce_sum3A_453 = vector.extract %reduce_sum3A_452[15] : f32 from vector<16xf32>
        %mul3A_454 = arith.constant 7.812500e-03 : f32
        %mul3A_455 = arith.mulf %reduce_sum3A_453, %mul3A_454 : f32
        %mul3A_456 = arith.mulf %mul3A_449, %mul3A_449 : f32
        %sub3A_457 = arith.subf %mul3A_455, %mul3A_456 : f32
        %max3A_458 = arith.constant 0.000000e+00 : f32
        %max3A_459 = arith.maximumf %sub3A_457, %max3A_458 : f32
        %add3A_460 = arith.constant 9.99999996E-13 : f32
        %add3A_461 = arith.addf %max3A_459, %add3A_460 : f32
        %broadcast_in_dim3A_462 = vector.broadcast %add3A_461 : f32 to vector<16xf32>
        %bitcast3A_463 = vector.bitcast %broadcast_in_dim3A_462 : vector<16xf32> to vector<16xi32>
        %shift_right_arithmetic3A_464 = arith.constant 1 : i32
        %shift_right_arithmetic3A_465 = vector.broadcast %shift_right_arithmetic3A_464 : i32 to vector<16xi32>
        %shift_right_arithmetic3A_466 = arith.shrsi %bitcast3A_463, %shift_right_arithmetic3A_465 : vector<16xi32>
        %sub3A_467 = arith.constant 1597463007 : i32
        %sub3A_468 = vector.broadcast %sub3A_467 : i32 to vector<16xi32>
        %sub3A_469 = arith.subi %sub3A_468, %shift_right_arithmetic3A_466 : vector<16xi32>
        %bitcast3A_470 = vector.bitcast %sub3A_469 : vector<16xi32> to vector<16xf32>
        %mul3A_471 = arith.constant 5.000000e-01 : f32
        %mul3A_472 = vector.broadcast %mul3A_471 : f32 to vector<16xf32>
        %mul3A_473 = arith.mulf %broadcast_in_dim3A_462, %mul3A_472 : vector<16xf32>
        %mul3A_474 = arith.mulf %mul3A_473, %bitcast3A_470 : vector<16xf32>
        %mul3A_475 = arith.mulf %mul3A_474, %bitcast3A_470 : vector<16xf32>
        %sub3A_476 = arith.constant 1.500000e+00 : f32
        %sub3A_477 = vector.broadcast %sub3A_476 : f32 to vector<16xf32>
        %sub3A_478 = arith.subf %sub3A_477, %mul3A_475 : vector<16xf32>
        %mul3A_479 = arith.mulf %bitcast3A_470, %sub3A_478 : vector<16xf32>
        %mul3A_480 = arith.mulf %mul3A_473, %mul3A_479 : vector<16xf32>
        %mul3A_481 = arith.mulf %mul3A_480, %mul3A_479 : vector<16xf32>
        %sub3A_482 = arith.constant 1.500000e+00 : f32
        %sub3A_483 = vector.broadcast %sub3A_482 : f32 to vector<16xf32>
        %sub3A_484 = arith.subf %sub3A_483, %mul3A_481 : vector<16xf32>
        %mul3A_485 = arith.mulf %mul3A_479, %sub3A_484 : vector<16xf32>
        %sub3A_486 = vector.broadcast %mul3A_449 : f32 to vector<16xf32>
        %sub3A_487 = arith.subf %get3A_400, %sub3A_486 : vector<16xf32>
        %mul3A_488 = arith.mulf %sub3A_487, %mul3A_485 : vector<16xf32>
        %mul3A_489 = arith.mulf %mul3A_488, %get3A_3 : vector<16xf32>
        %add3A_490 = arith.addf %mul3A_489, %get3A_19 : vector<16xf32>
        %swap3A_491 = arith.index_cast %add3A_397 : i32 to index
        %swap3A_492 = arith.constant 0 : index
        %swap3A_493 = tpu.vector_load %arg10[%swap3A_491, %swap3A_492] {strides = array<i32>} : memref<128x128xf32, #tpu.memory_space<vmem>>, vector<16xf32>,
        tpu.vector_store %arg10[%swap3A_491, %swap3A_492], %add3A_490 {strides = array<i32>} : memref<128x128xf32, #tpu.memory_space<vmem>>, vector<16xf32>,
        %sub3A_494 = vector.broadcast %mul3A_449 : f32 to vector<16xf32>
        %sub3A_495 = arith.subf %get3A_403, %sub3A_494 : vector<16xf32>
        %mul3A_496 = arith.mulf %sub3A_495, %mul3A_485 : vector<16xf32>
        %mul3A_497 = arith.mulf %mul3A_496, %get3A_5 : vector<16xf32>
        %add3A_498 = arith.addf %mul3A_497, %get3A_21 : vector<16xf32>
        %swap3A_499 = arith.index_cast %add3A_397 : i32 to index
        %swap3A_500 = arith.constant 16 : index
        %swap3A_501 = tpu.vector_load %arg10[%swap3A_499, %swap3A_500] {strides = array<i32>} : memref<128x128xf32, #tpu.memory_space<vmem>>, vector<16xf32>,
        tpu.vector_store %arg10[%swap3A_499, %swap3A_500], %add3A_498 {strides = array<i32>} : memref<128x128xf32, #tpu.memory_space<vmem>>, vector<16xf32>,
        %sub3A_502 = vector.broadcast %mul3A_449 : f32 to vector<16xf32>
        %sub3A_503 = arith.subf %get3A_406, %sub3A_502 : vector<16xf32>
        %mul3A_504 = arith.mulf %sub3A_503, %mul3A_485 : vector<16xf32>
        %mul3A_505 = arith.mulf %mul3A_504, %get3A_7 : vector<16xf32>
        %add3A_506 = arith.addf %mul3A_505, %get3A_23 : vector<16xf32>
        %swap3A_507 = arith.index_cast %add3A_397 : i32 to index
        %swap3A_508 = arith.constant 32 : index
        %swap3A_509 = tpu.vector_load %arg10[%swap3A_507, %swap3A_508] {strides = array<i32>} : memref<128x128xf32, #tpu.memory_space<vmem>>, vector<16xf32>,
        tpu.vector_store %arg10[%swap3A_507, %swap3A_508], %add3A_506 {strides = array<i32>} : memref<128x128xf32, #tpu.memory_space<vmem>>, vector<16xf32>,
        %sub3A_510 = vector.broadcast %mul3A_449 : f32 to vector<16xf32>
        %sub3A_511 = arith.subf %get3A_409, %sub3A_510 : vector<16xf32>
        %mul3A_512 = arith.mulf %sub3A_511, %mul3A_485 : vector<16xf32>
        %mul3A_513 = arith.mulf %mul3A_512, %get3A_9 : vector<16xf32>
        %add3A_514 = arith.addf %mul3A_513, %get3A_25 : vector<16xf32>
        %swap3A_515 = arith.index_cast %add3A_397 : i32 to index
        %swap3A_516 = arith.constant 48 : index
        %swap3A_517 = tpu.vector_load %arg10[%swap3A_515, %swap3A_516] {strides = array<i32>} : memref<128x128xf32, #tpu.memory_space<vmem>>, vector<16xf32>,
        tpu.vector_store %arg10[%swap3A_515, %swap3A_516], %add3A_514 {strides = array<i32>} : memref<128x128xf32, #tpu.memory_space<vmem>>, vector<16xf32>,
        %sub3A_518 = vector.broadcast %mul3A_449 : f32 to vector<16xf32>
        %sub3A_519 = arith.subf %get3A_412, %sub3A_518 : vector<16xf32>
        %mul3A_520 = arith.mulf %sub3A_519, %mul3A_485 : vector<16xf32>
        %mul3A_521 = arith.mulf %mul3A_520, %get3A_11 : vector<16xf32>
        %add3A_522 = arith.addf %mul3A_521, %get3A_27 : vector<16xf32>
        %swap3A_523 = arith.index_cast %add3A_397 : i32 to index
        %swap3A_524 = arith.constant 64 : index
        %swap3A_525 = tpu.vector_load %arg10[%swap3A_523, %swap3A_524] {strides = array<i32>} : memref<128x128xf32, #tpu.memory_space<vmem>>, vector<16xf32>,
        tpu.vector_store %arg10[%swap3A_523, %swap3A_524], %add3A_522 {strides = array<i32>} : memref<128x128xf32, #tpu.memory_space<vmem>>, vector<16xf32>,
        %sub3A_526 = vector.broadcast %mul3A_449 : f32 to vector<16xf32>
        %sub3A_527 = arith.subf %get3A_415, %sub3A_526 : vector<16xf32>
        %mul3A_528 = arith.mulf %sub3A_527, %mul3A_485 : vector<16xf32>
        %mul3A_529 = arith.mulf %mul3A_528, %get3A_13 : vector<16xf32>
        %add3A_530 = arith.addf %mul3A_529, %get3A_29 : vector<16xf32>
        %swap3A_531 = arith.index_cast %add3A_397 : i32 to index
        %swap3A_532 = arith.constant 80 : index
        %swap3A_533 = tpu.vector_load %arg10[%swap3A_531, %swap3A_532] {strides = array<i32>} : memref<128x128xf32, #tpu.memory_space<vmem>>, vector<16xf32>,
        tpu.vector_store %arg10[%swap3A_531, %swap3A_532], %add3A_530 {strides = array<i32>} : memref<128x128xf32, #tpu.memory_space<vmem>>, vector<16xf32>,
        %sub3A_534 = vector.broadcast %mul3A_449 : f32 to vector<16xf32>
        %sub3A_535 = arith.subf %get3A_418, %sub3A_534 : vector<16xf32>
        %mul3A_536 = arith.mulf %sub3A_535, %mul3A_485 : vector<16xf32>
        %mul3A_537 = arith.mulf %mul3A_536, %get3A_15 : vector<16xf32>
        %add3A_538 = arith.addf %mul3A_537, %get3A_31 : vector<16xf32>
        %swap3A_539 = arith.index_cast %add3A_397 : i32 to index
        %swap3A_540 = arith.constant 96 : index
        %swap3A_541 = tpu.vector_load %arg10[%swap3A_539, %swap3A_540] {strides = array<i32>} : memref<128x128xf32, #tpu.memory_space<vmem>>, vector<16xf32>,
        tpu.vector_store %arg10[%swap3A_539, %swap3A_540], %add3A_538 {strides = array<i32>} : memref<128x128xf32, #tpu.memory_space<vmem>>, vector<16xf32>,
        %sub3A_542 = vector.broadcast %mul3A_449 : f32 to vector<16xf32>
        %sub3A_543 = arith.subf %get3A_421, %sub3A_542 : vector<16xf32>
        %mul3A_544 = arith.mulf %sub3A_543, %mul3A_485 : vector<16xf32>
        %mul3A_545 = arith.mulf %mul3A_544, %get3A_17 : vector<16xf32>
        %add3A_546 = arith.addf %mul3A_545, %get3A_33 : vector<16xf32>
        %swap3A_547 = arith.index_cast %add3A_397 : i32 to index
        %swap3A_548 = arith.constant 112 : index
        %swap3A_549 = tpu.vector_load %arg10[%swap3A_547, %swap3A_548] {strides = array<i32>} : memref<128x128xf32, #tpu.memory_space<vmem>>, vector<16xf32>,
        tpu.vector_store %arg10[%swap3A_547, %swap3A_548], %add3A_546 {strides = array<i32>} : memref<128x128xf32, #tpu.memory_space<vmem>>, vector<16xf32>,
      }
      %scan3A_201 = arith.constant 128 : i32
      %mul3A_202 = arith.constant 128 : i32
      %mul3A_203 = arith.muli %add3A_180, %mul3A_202 : i32
      %add3A_204 = arith.addi %mul3A_2, %mul3A_203 : i32
      %dma_start3A_205 = arith.constant 0 : i32
      %dma_start3A_206 = tpu.memref_slice %arg6[%add3A_204, %dma_start3A_205] : memref<204800x128xf32, #tpu.memory_space<hbm>> -> memref<128x128xf32, #tpu.memory_space<hbm>>
      %dma_start3A_207 = arith.constant 0 : i32
      %dma_start3A_208 = tpu.memref_slice %arg6[%add3A_204, %dma_start3A_207] : memref<204800x128xf32, #tpu.memory_space<hbm>> -> memref<128x128xf32, #tpu.memory_space<hbm>>
      tpu.enqueue_dma source(%arg10 : memref<128x128xf32, #tpu.memory_space<vmem>>) target(%dma_start3A_208 : memref<128x128xf32, #tpu.memory_space<hbm>>) target_semaphore(%arg20 : memref<!tpu.dma_semaphore, #tpu.memory_space<semaphore_mem>>)
      %mul3A_209 = arith.constant 4 : i32
      %mul3A_210 = arith.muli %add3A_116, %mul3A_209 : i32
      %add3A_211 = arith.constant 3 : i32
      %add3A_212 = arith.addi %mul3A_210, %add3A_211 : i32
      %mul3A_213 = arith.constant 128 : i32
      %mul3A_214 = arith.muli %add3A_212, %mul3A_213 : i32
      %multiple_of3A_215 = tpu.assume_multiple %mul3A_214, 128 : i32
      %dma_wait3A_216 = tpu.memref_slice %arg7[%multiple_of3A_215] : memref<6400xi32, #tpu.memory_space<vmem>> -> memref<128xi32, #tpu.memory_space<vmem>>
      %dma_wait3A_217 = arith.constant 0 : i32
      %dma_wait3A_218 = arith.constant 0 : i32
      %dma_wait3A_219 = tpu.memref_slice %arg3[%dma_wait3A_217, %dma_wait3A_218] : memref<100000x128xf32, #tpu.memory_space<hbm>> -> memref<100000x128xf32, #tpu.memory_space<hbm>>
      tpu.wait_indirect_dma semaphore(%arg17 : memref<!tpu.dma_semaphore, #tpu.memory_space<semaphore_mem>>) src(%dma_wait3A_219 : memref<100000x128xf32, #tpu.memory_space<hbm>>) dst(%arg11 : memref<128x128xf32, #tpu.memory_space<vmem>>)
      %add3A_220 = arith.constant 4 : i32
      %add3A_221 = arith.addi %add3A_212, %add3A_220 : i32
      %sub3A_222 = arith.constant 1 : i32
      %sub3A_223 = arith.subi %add3A_221, %sub3A_222 : i32
      %lt3A_224 = arith.constant 50 : i32
      %lt3A_225 = arith.cmpi slt, %sub3A_223, %lt3A_224 : i32
      %convert_element_type3A_226 = arith.extui %lt3A_225 : i1 to i32
      %cond3A_227 = arith.constant 0 : i32
      %cond3A_228 = arith.cmpi ne, %convert_element_type3A_226, %cond3A_227 : i32
      scf.if %cond3A_228 {
        %ge3A = arith.constant 1 : i32
        %ge3A_241 = arith.cmpi sge, %add3A_212, %ge3A : i32
        %convert_element_type3A_242 = arith.extui %ge3A_241 : i1 to i32
        %cond3A_243 = arith.constant 0 : i32
        %cond3A_244 = arith.cmpi ne, %convert_element_type3A_242, %cond3A_243 : i32
        scf.if %cond3A_244 {
          %sub3A_256 = arith.constant 1 : i32
          %sub3A_257 = arith.subi %add3A_212, %sub3A_256 : i32
          %mul3A_258 = arith.constant 128 : i32
          %mul3A_259 = arith.muli %sub3A_257, %mul3A_258 : i32
          %add3A_260 = arith.addi %mul3A_2, %mul3A_259 : i32
          %dma_wait3A_261 = arith.constant 0 : i32
          %dma_wait3A_262 = tpu.memref_slice %arg6[%add3A_260, %dma_wait3A_261] : memref<204800x128xf32, #tpu.memory_space<hbm>> -> memref<128x128xf32, #tpu.memory_space<hbm>>
          %dma_wait3A_263 = arith.constant 0 : i32
          %dma_wait3A_264 = tpu.memref_slice %arg6[%add3A_260, %dma_wait3A_263] : memref<204800x128xf32, #tpu.memory_space<hbm>> -> memref<128x128xf32, #tpu.memory_space<hbm>>
          tpu.wait_dma2 semaphore(%arg20 : memref<!tpu.dma_semaphore, #tpu.memory_space<semaphore_mem>>) src(%arg10 : memref<128x128xf32, #tpu.memory_space<vmem>>) dst(%dma_wait3A_264 : memref<128x128xf32, #tpu.memory_space<hbm>>)
        } else {
        }
        %add3A_245 = arith.constant 4 : i32
        %add3A_246 = arith.addi %add3A_212, %add3A_245 : i32
        %sub3A_247 = arith.constant 1 : i32
        %sub3A_248 = arith.subi %add3A_246, %sub3A_247 : i32
        %mul3A_249 = arith.constant 128 : i32
        %mul3A_250 = arith.muli %sub3A_248, %mul3A_249 : i32
        %multiple_of3A_251 = tpu.assume_multiple %mul3A_250, 128 : i32
        %dma_start3A_252 = tpu.memref_slice %arg7[%multiple_of3A_251] : memref<6400xi32, #tpu.memory_space<vmem>> -> memref<128xi32, #tpu.memory_space<vmem>>
        %dma_start3A_253 = arith.constant 0 : i32
        %dma_start3A_254 = arith.constant 0 : i32
        %dma_start3A_255 = tpu.memref_slice %arg3[%dma_start3A_253, %dma_start3A_254] : memref<100000x128xf32, #tpu.memory_space<hbm>> -> memref<100000x128xf32, #tpu.memory_space<hbm>>
        tpu.enqueue_indirect_dma source(%dma_start3A_255 : memref<100000x128xf32, #tpu.memory_space<hbm>>) target(%arg10 : memref<128x128xf32, #tpu.memory_space<vmem>>) offsets(%dma_start3A_252 : memref<128xi32, #tpu.memory_space<vmem>>) semaphore(%arg16 : memref<!tpu.dma_semaphore, #tpu.memory_space<semaphore_mem>>)
      } else {
      }
      %scan3A_229 = arith.constant 0 : i32
      %scan3A_230 = arith.constant 128 : i32
      %scan3A_231 = arith.addi %scan3A_229, %scan3A_230 : i32
      %scan3A_232 = arith.constant 2 : i32
      scf.for %scan3A_241 = %scan3A_229 to %scan3A_231 step %scan3A_232  : i32 {
        %mul3A_242 = arith.constant 1 : i32
        %mul3A_243 = arith.muli %scan3A_241, %mul3A_242 : i32
        %add3A_244 = arith.constant 0 : i32
        %add3A_245 = arith.addi %add3A_244, %mul3A_243 : i32
        %get3A_246 = arith.index_cast %add3A_245 : i32 to index
        %get3A_247 = arith.constant 0 : index
        %get3A_248 = tpu.vector_load %arg11[%get3A_246, %get3A_247] {strides = array<i32>} : memref<128x128xf32, #tpu.memory_space<vmem>>, vector<16xf32>,
        %get3A_249 = arith.index_cast %add3A_245 : i32 to index
        %get3A_250 = arith.constant 16 : index
        %get3A_251 = tpu.vector_load %arg11[%get3A_249, %get3A_250] {strides = array<i32>} : memref<128x128xf32, #tpu.memory_space<vmem>>, vector<16xf32>,
        %get3A_252 = arith.index_cast %add3A_245 : i32 to index
        %get3A_253 = arith.constant 32 : index
        %get3A_254 = tpu.vector_load %arg11[%get3A_252, %get3A_253] {strides = array<i32>} : memref<128x128xf32, #tpu.memory_space<vmem>>, vector<16xf32>,
        %get3A_255 = arith.index_cast %add3A_245 : i32 to index
        %get3A_256 = arith.constant 48 : index
        %get3A_257 = tpu.vector_load %arg11[%get3A_255, %get3A_256] {strides = array<i32>} : memref<128x128xf32, #tpu.memory_space<vmem>>, vector<16xf32>,
        %get3A_258 = arith.index_cast %add3A_245 : i32 to index
        %get3A_259 = arith.constant 64 : index
        %get3A_260 = tpu.vector_load %arg11[%get3A_258, %get3A_259] {strides = array<i32>} : memref<128x128xf32, #tpu.memory_space<vmem>>, vector<16xf32>,
        %get3A_261 = arith.index_cast %add3A_245 : i32 to index
        %get3A_262 = arith.constant 80 : index
        %get3A_263 = tpu.vector_load %arg11[%get3A_261, %get3A_262] {strides = array<i32>} : memref<128x128xf32, #tpu.memory_space<vmem>>, vector<16xf32>,
        %get3A_264 = arith.index_cast %add3A_245 : i32 to index
        %get3A_265 = arith.constant 96 : index
        %get3A_266 = tpu.vector_load %arg11[%get3A_264, %get3A_265] {strides = array<i32>} : memref<128x128xf32, #tpu.memory_space<vmem>>, vector<16xf32>,
        %get3A_267 = arith.index_cast %add3A_245 : i32 to index
        %get3A_268 = arith.constant 112 : index
        %get3A_269 = tpu.vector_load %arg11[%get3A_267, %get3A_268] {strides = array<i32>} : memref<128x128xf32, #tpu.memory_space<vmem>>, vector<16xf32>,
        %mul3A_270 = arith.mulf %get3A_248, %get3A_248 : vector<16xf32>
        %add3A_271 = arith.addf %get3A_248, %get3A_251 : vector<16xf32>
        %mul3A_272 = arith.mulf %get3A_251, %get3A_251 : vector<16xf32>
        %add3A_273 = arith.addf %mul3A_270, %mul3A_272 : vector<16xf32>
        %add3A_274 = arith.addf %add3A_271, %get3A_254 : vector<16xf32>
        %mul3A_275 = arith.mulf %get3A_254, %get3A_254 : vector<16xf32>
        %add3A_276 = arith.addf %add3A_273, %mul3A_275 : vector<16xf32>
        %add3A_277 = arith.addf %add3A_274, %get3A_257 : vector<16xf32>
        %mul3A_278 = arith.mulf %get3A_257, %get3A_257 : vector<16xf32>
        %add3A_279 = arith.addf %add3A_276, %mul3A_278 : vector<16xf32>
        %add3A_280 = arith.addf %add3A_277, %get3A_260 : vector<16xf32>
        %mul3A_281 = arith.mulf %get3A_260, %get3A_260 : vector<16xf32>
        %add3A_282 = arith.addf %add3A_279, %mul3A_281 : vector<16xf32>
        %add3A_283 = arith.addf %add3A_280, %get3A_263 : vector<16xf32>
        %mul3A_284 = arith.mulf %get3A_263, %get3A_263 : vector<16xf32>
        %add3A_285 = arith.addf %add3A_282, %mul3A_284 : vector<16xf32>
        %add3A_286 = arith.addf %add3A_283, %get3A_266 : vector<16xf32>
        %mul3A_287 = arith.mulf %get3A_266, %get3A_266 : vector<16xf32>
        %add3A_288 = arith.addf %add3A_285, %mul3A_287 : vector<16xf32>
        %add3A_289 = arith.addf %add3A_286, %get3A_269 : vector<16xf32>
        %mul3A_290 = arith.mulf %get3A_269, %get3A_269 : vector<16xf32>
        %add3A_291 = arith.addf %add3A_288, %mul3A_290 : vector<16xf32>
        %reduce_sum3A = arith.constant true
        %reduce_sum3A_292 = vector.broadcast %reduce_sum3A : i1 to vector<16xi1>
        %reduce_sum3A_293 = tpu.scan <sum>, %add3A_289 masked %reduce_sum3A_292 : vector<16xf32>, vector<16xi1> -> vector<16xf32>
        %reduce_sum3A_294 = vector.extract %reduce_sum3A_293[15] : f32 from vector<16xf32>
        %mul3A_295 = arith.constant 7.812500e-03 : f32
        %mul3A_296 = arith.mulf %reduce_sum3A_294, %mul3A_295 : f32
        %reduce_sum3A_297 = arith.constant true
        %reduce_sum3A_298 = vector.broadcast %reduce_sum3A_297 : i1 to vector<16xi1>
        %reduce_sum3A_299 = tpu.scan <sum>, %add3A_291 masked %reduce_sum3A_298 : vector<16xf32>, vector<16xi1> -> vector<16xf32>
        %reduce_sum3A_300 = vector.extract %reduce_sum3A_299[15] : f32 from vector<16xf32>
        %mul3A_301 = arith.constant 7.812500e-03 : f32
        %mul3A_302 = arith.mulf %reduce_sum3A_300, %mul3A_301 : f32
        %mul3A_303 = arith.mulf %mul3A_296, %mul3A_296 : f32
        %sub3A_304 = arith.subf %mul3A_302, %mul3A_303 : f32
        %max3A = arith.constant 0.000000e+00 : f32
        %max3A_305 = arith.maximumf %sub3A_304, %max3A : f32
        %add3A_306 = arith.constant 9.99999996E-13 : f32
        %add3A_307 = arith.addf %max3A_305, %add3A_306 : f32
        %broadcast_in_dim3A = vector.broadcast %add3A_307 : f32 to vector<16xf32>
        %bitcast3A = vector.bitcast %broadcast_in_dim3A : vector<16xf32> to vector<16xi32>
        %shift_right_arithmetic3A = arith.constant 1 : i32
        %shift_right_arithmetic3A_308 = vector.broadcast %shift_right_arithmetic3A : i32 to vector<16xi32>
        %shift_right_arithmetic3A_309 = arith.shrsi %bitcast3A, %shift_right_arithmetic3A_308 : vector<16xi32>
        %sub3A_310 = arith.constant 1597463007 : i32
        %sub3A_311 = vector.broadcast %sub3A_310 : i32 to vector<16xi32>
        %sub3A_312 = arith.subi %sub3A_311, %shift_right_arithmetic3A_309 : vector<16xi32>
        %bitcast3A_313 = vector.bitcast %sub3A_312 : vector<16xi32> to vector<16xf32>
        %mul3A_314 = arith.constant 5.000000e-01 : f32
        %mul3A_315 = vector.broadcast %mul3A_314 : f32 to vector<16xf32>
        %mul3A_316 = arith.mulf %broadcast_in_dim3A, %mul3A_315 : vector<16xf32>
        %mul3A_317 = arith.mulf %mul3A_316, %bitcast3A_313 : vector<16xf32>
        %mul3A_318 = arith.mulf %mul3A_317, %bitcast3A_313 : vector<16xf32>
        %sub3A_319 = arith.constant 1.500000e+00 : f32
        %sub3A_320 = vector.broadcast %sub3A_319 : f32 to vector<16xf32>
        %sub3A_321 = arith.subf %sub3A_320, %mul3A_318 : vector<16xf32>
        %mul3A_322 = arith.mulf %bitcast3A_313, %sub3A_321 : vector<16xf32>
        %mul3A_323 = arith.mulf %mul3A_316, %mul3A_322 : vector<16xf32>
        %mul3A_324 = arith.mulf %mul3A_323, %mul3A_322 : vector<16xf32>
        %sub3A_325 = arith.constant 1.500000e+00 : f32
        %sub3A_326 = vector.broadcast %sub3A_325 : f32 to vector<16xf32>
        %sub3A_327 = arith.subf %sub3A_326, %mul3A_324 : vector<16xf32>
        %mul3A_328 = arith.mulf %mul3A_322, %sub3A_327 : vector<16xf32>
        %sub3A_329 = vector.broadcast %mul3A_296 : f32 to vector<16xf32>
        %sub3A_330 = arith.subf %get3A_248, %sub3A_329 : vector<16xf32>
        %mul3A_331 = arith.mulf %sub3A_330, %mul3A_328 : vector<16xf32>
        %mul3A_332 = arith.mulf %mul3A_331, %get3A_3 : vector<16xf32>
        %add3A_333 = arith.addf %mul3A_332, %get3A_19 : vector<16xf32>
        %swap3A = arith.index_cast %add3A_245 : i32 to index
        %swap3A_334 = arith.constant 0 : index
        %swap3A_335 = tpu.vector_load %arg11[%swap3A, %swap3A_334] {strides = array<i32>} : memref<128x128xf32, #tpu.memory_space<vmem>>, vector<16xf32>,
        tpu.vector_store %arg11[%swap3A, %swap3A_334], %add3A_333 {strides = array<i32>} : memref<128x128xf32, #tpu.memory_space<vmem>>, vector<16xf32>,
        %sub3A_336 = vector.broadcast %mul3A_296 : f32 to vector<16xf32>
        %sub3A_337 = arith.subf %get3A_251, %sub3A_336 : vector<16xf32>
        %mul3A_338 = arith.mulf %sub3A_337, %mul3A_328 : vector<16xf32>
        %mul3A_339 = arith.mulf %mul3A_338, %get3A_5 : vector<16xf32>
        %add3A_340 = arith.addf %mul3A_339, %get3A_21 : vector<16xf32>
        %swap3A_341 = arith.index_cast %add3A_245 : i32 to index
        %swap3A_342 = arith.constant 16 : index
        %swap3A_343 = tpu.vector_load %arg11[%swap3A_341, %swap3A_342] {strides = array<i32>} : memref<128x128xf32, #tpu.memory_space<vmem>>, vector<16xf32>,
        tpu.vector_store %arg11[%swap3A_341, %swap3A_342], %add3A_340 {strides = array<i32>} : memref<128x128xf32, #tpu.memory_space<vmem>>, vector<16xf32>,
        %sub3A_344 = vector.broadcast %mul3A_296 : f32 to vector<16xf32>
        %sub3A_345 = arith.subf %get3A_254, %sub3A_344 : vector<16xf32>
        %mul3A_346 = arith.mulf %sub3A_345, %mul3A_328 : vector<16xf32>
        %mul3A_347 = arith.mulf %mul3A_346, %get3A_7 : vector<16xf32>
        %add3A_348 = arith.addf %mul3A_347, %get3A_23 : vector<16xf32>
        %swap3A_349 = arith.index_cast %add3A_245 : i32 to index
        %swap3A_350 = arith.constant 32 : index
        %swap3A_351 = tpu.vector_load %arg11[%swap3A_349, %swap3A_350] {strides = array<i32>} : memref<128x128xf32, #tpu.memory_space<vmem>>, vector<16xf32>,
        tpu.vector_store %arg11[%swap3A_349, %swap3A_350], %add3A_348 {strides = array<i32>} : memref<128x128xf32, #tpu.memory_space<vmem>>, vector<16xf32>,
        %sub3A_352 = vector.broadcast %mul3A_296 : f32 to vector<16xf32>
        %sub3A_353 = arith.subf %get3A_257, %sub3A_352 : vector<16xf32>
        %mul3A_354 = arith.mulf %sub3A_353, %mul3A_328 : vector<16xf32>
        %mul3A_355 = arith.mulf %mul3A_354, %get3A_9 : vector<16xf32>
        %add3A_356 = arith.addf %mul3A_355, %get3A_25 : vector<16xf32>
        %swap3A_357 = arith.index_cast %add3A_245 : i32 to index
        %swap3A_358 = arith.constant 48 : index
        %swap3A_359 = tpu.vector_load %arg11[%swap3A_357, %swap3A_358] {strides = array<i32>} : memref<128x128xf32, #tpu.memory_space<vmem>>, vector<16xf32>,
        tpu.vector_store %arg11[%swap3A_357, %swap3A_358], %add3A_356 {strides = array<i32>} : memref<128x128xf32, #tpu.memory_space<vmem>>, vector<16xf32>,
        %sub3A_360 = vector.broadcast %mul3A_296 : f32 to vector<16xf32>
        %sub3A_361 = arith.subf %get3A_260, %sub3A_360 : vector<16xf32>
        %mul3A_362 = arith.mulf %sub3A_361, %mul3A_328 : vector<16xf32>
        %mul3A_363 = arith.mulf %mul3A_362, %get3A_11 : vector<16xf32>
        %add3A_364 = arith.addf %mul3A_363, %get3A_27 : vector<16xf32>
        %swap3A_365 = arith.index_cast %add3A_245 : i32 to index
        %swap3A_366 = arith.constant 64 : index
        %swap3A_367 = tpu.vector_load %arg11[%swap3A_365, %swap3A_366] {strides = array<i32>} : memref<128x128xf32, #tpu.memory_space<vmem>>, vector<16xf32>,
        tpu.vector_store %arg11[%swap3A_365, %swap3A_366], %add3A_364 {strides = array<i32>} : memref<128x128xf32, #tpu.memory_space<vmem>>, vector<16xf32>,
        %sub3A_368 = vector.broadcast %mul3A_296 : f32 to vector<16xf32>
        %sub3A_369 = arith.subf %get3A_263, %sub3A_368 : vector<16xf32>
        %mul3A_370 = arith.mulf %sub3A_369, %mul3A_328 : vector<16xf32>
        %mul3A_371 = arith.mulf %mul3A_370, %get3A_13 : vector<16xf32>
        %add3A_372 = arith.addf %mul3A_371, %get3A_29 : vector<16xf32>
        %swap3A_373 = arith.index_cast %add3A_245 : i32 to index
        %swap3A_374 = arith.constant 80 : index
        %swap3A_375 = tpu.vector_load %arg11[%swap3A_373, %swap3A_374] {strides = array<i32>} : memref<128x128xf32, #tpu.memory_space<vmem>>, vector<16xf32>,
        tpu.vector_store %arg11[%swap3A_373, %swap3A_374], %add3A_372 {strides = array<i32>} : memref<128x128xf32, #tpu.memory_space<vmem>>, vector<16xf32>,
        %sub3A_376 = vector.broadcast %mul3A_296 : f32 to vector<16xf32>
        %sub3A_377 = arith.subf %get3A_266, %sub3A_376 : vector<16xf32>
        %mul3A_378 = arith.mulf %sub3A_377, %mul3A_328 : vector<16xf32>
        %mul3A_379 = arith.mulf %mul3A_378, %get3A_15 : vector<16xf32>
        %add3A_380 = arith.addf %mul3A_379, %get3A_31 : vector<16xf32>
        %swap3A_381 = arith.index_cast %add3A_245 : i32 to index
        %swap3A_382 = arith.constant 96 : index
        %swap3A_383 = tpu.vector_load %arg11[%swap3A_381, %swap3A_382] {strides = array<i32>} : memref<128x128xf32, #tpu.memory_space<vmem>>, vector<16xf32>,
        tpu.vector_store %arg11[%swap3A_381, %swap3A_382], %add3A_380 {strides = array<i32>} : memref<128x128xf32, #tpu.memory_space<vmem>>, vector<16xf32>,
        %sub3A_384 = vector.broadcast %mul3A_296 : f32 to vector<16xf32>
        %sub3A_385 = arith.subf %get3A_269, %sub3A_384 : vector<16xf32>
        %mul3A_386 = arith.mulf %sub3A_385, %mul3A_328 : vector<16xf32>
        %mul3A_387 = arith.mulf %mul3A_386, %get3A_17 : vector<16xf32>
        %add3A_388 = arith.addf %mul3A_387, %get3A_33 : vector<16xf32>
        %swap3A_389 = arith.index_cast %add3A_245 : i32 to index
        %swap3A_390 = arith.constant 112 : index
        %swap3A_391 = tpu.vector_load %arg11[%swap3A_389, %swap3A_390] {strides = array<i32>} : memref<128x128xf32, #tpu.memory_space<vmem>>, vector<16xf32>,
        tpu.vector_store %arg11[%swap3A_389, %swap3A_390], %add3A_388 {strides = array<i32>} : memref<128x128xf32, #tpu.memory_space<vmem>>, vector<16xf32>,
        %scan3A_392 = arith.constant 1 : i32
        %scan3A_393 = arith.addi %scan3A_241, %scan3A_392 : i32
        %mul3A_394 = arith.constant 1 : i32
        %mul3A_395 = arith.muli %scan3A_393, %mul3A_394 : i32
        %add3A_396 = arith.constant 0 : i32
        %add3A_397 = arith.addi %add3A_396, %mul3A_395 : i32
        %get3A_398 = arith.index_cast %add3A_397 : i32 to index
        %get3A_399 = arith.constant 0 : index
        %get3A_400 = tpu.vector_load %arg11[%get3A_398, %get3A_399] {strides = array<i32>} : memref<128x128xf32, #tpu.memory_space<vmem>>, vector<16xf32>,
        %get3A_401 = arith.index_cast %add3A_397 : i32 to index
        %get3A_402 = arith.constant 16 : index
        %get3A_403 = tpu.vector_load %arg11[%get3A_401, %get3A_402] {strides = array<i32>} : memref<128x128xf32, #tpu.memory_space<vmem>>, vector<16xf32>,
        %get3A_404 = arith.index_cast %add3A_397 : i32 to index
        %get3A_405 = arith.constant 32 : index
        %get3A_406 = tpu.vector_load %arg11[%get3A_404, %get3A_405] {strides = array<i32>} : memref<128x128xf32, #tpu.memory_space<vmem>>, vector<16xf32>,
        %get3A_407 = arith.index_cast %add3A_397 : i32 to index
        %get3A_408 = arith.constant 48 : index
        %get3A_409 = tpu.vector_load %arg11[%get3A_407, %get3A_408] {strides = array<i32>} : memref<128x128xf32, #tpu.memory_space<vmem>>, vector<16xf32>,
        %get3A_410 = arith.index_cast %add3A_397 : i32 to index
        %get3A_411 = arith.constant 64 : index
        %get3A_412 = tpu.vector_load %arg11[%get3A_410, %get3A_411] {strides = array<i32>} : memref<128x128xf32, #tpu.memory_space<vmem>>, vector<16xf32>,
        %get3A_413 = arith.index_cast %add3A_397 : i32 to index
        %get3A_414 = arith.constant 80 : index
        %get3A_415 = tpu.vector_load %arg11[%get3A_413, %get3A_414] {strides = array<i32>} : memref<128x128xf32, #tpu.memory_space<vmem>>, vector<16xf32>,
        %get3A_416 = arith.index_cast %add3A_397 : i32 to index
        %get3A_417 = arith.constant 96 : index
        %get3A_418 = tpu.vector_load %arg11[%get3A_416, %get3A_417] {strides = array<i32>} : memref<128x128xf32, #tpu.memory_space<vmem>>, vector<16xf32>,
        %get3A_419 = arith.index_cast %add3A_397 : i32 to index
        %get3A_420 = arith.constant 112 : index
        %get3A_421 = tpu.vector_load %arg11[%get3A_419, %get3A_420] {strides = array<i32>} : memref<128x128xf32, #tpu.memory_space<vmem>>, vector<16xf32>,
        %mul3A_422 = arith.mulf %get3A_400, %get3A_400 : vector<16xf32>
        %add3A_423 = arith.addf %get3A_400, %get3A_403 : vector<16xf32>
        %mul3A_424 = arith.mulf %get3A_403, %get3A_403 : vector<16xf32>
        %add3A_425 = arith.addf %mul3A_422, %mul3A_424 : vector<16xf32>
        %add3A_426 = arith.addf %add3A_423, %get3A_406 : vector<16xf32>
        %mul3A_427 = arith.mulf %get3A_406, %get3A_406 : vector<16xf32>
        %add3A_428 = arith.addf %add3A_425, %mul3A_427 : vector<16xf32>
        %add3A_429 = arith.addf %add3A_426, %get3A_409 : vector<16xf32>
        %mul3A_430 = arith.mulf %get3A_409, %get3A_409 : vector<16xf32>
        %add3A_431 = arith.addf %add3A_428, %mul3A_430 : vector<16xf32>
        %add3A_432 = arith.addf %add3A_429, %get3A_412 : vector<16xf32>
        %mul3A_433 = arith.mulf %get3A_412, %get3A_412 : vector<16xf32>
        %add3A_434 = arith.addf %add3A_431, %mul3A_433 : vector<16xf32>
        %add3A_435 = arith.addf %add3A_432, %get3A_415 : vector<16xf32>
        %mul3A_436 = arith.mulf %get3A_415, %get3A_415 : vector<16xf32>
        %add3A_437 = arith.addf %add3A_434, %mul3A_436 : vector<16xf32>
        %add3A_438 = arith.addf %add3A_435, %get3A_418 : vector<16xf32>
        %mul3A_439 = arith.mulf %get3A_418, %get3A_418 : vector<16xf32>
        %add3A_440 = arith.addf %add3A_437, %mul3A_439 : vector<16xf32>
        %add3A_441 = arith.addf %add3A_438, %get3A_421 : vector<16xf32>
        %mul3A_442 = arith.mulf %get3A_421, %get3A_421 : vector<16xf32>
        %add3A_443 = arith.addf %add3A_440, %mul3A_442 : vector<16xf32>
        %reduce_sum3A_444 = arith.constant true
        %reduce_sum3A_445 = vector.broadcast %reduce_sum3A_444 : i1 to vector<16xi1>
        %reduce_sum3A_446 = tpu.scan <sum>, %add3A_441 masked %reduce_sum3A_445 : vector<16xf32>, vector<16xi1> -> vector<16xf32>
        %reduce_sum3A_447 = vector.extract %reduce_sum3A_446[15] : f32 from vector<16xf32>
        %mul3A_448 = arith.constant 7.812500e-03 : f32
        %mul3A_449 = arith.mulf %reduce_sum3A_447, %mul3A_448 : f32
        %reduce_sum3A_450 = arith.constant true
        %reduce_sum3A_451 = vector.broadcast %reduce_sum3A_450 : i1 to vector<16xi1>
        %reduce_sum3A_452 = tpu.scan <sum>, %add3A_443 masked %reduce_sum3A_451 : vector<16xf32>, vector<16xi1> -> vector<16xf32>
        %reduce_sum3A_453 = vector.extract %reduce_sum3A_452[15] : f32 from vector<16xf32>
        %mul3A_454 = arith.constant 7.812500e-03 : f32
        %mul3A_455 = arith.mulf %reduce_sum3A_453, %mul3A_454 : f32
        %mul3A_456 = arith.mulf %mul3A_449, %mul3A_449 : f32
        %sub3A_457 = arith.subf %mul3A_455, %mul3A_456 : f32
        %max3A_458 = arith.constant 0.000000e+00 : f32
        %max3A_459 = arith.maximumf %sub3A_457, %max3A_458 : f32
        %add3A_460 = arith.constant 9.99999996E-13 : f32
        %add3A_461 = arith.addf %max3A_459, %add3A_460 : f32
        %broadcast_in_dim3A_462 = vector.broadcast %add3A_461 : f32 to vector<16xf32>
        %bitcast3A_463 = vector.bitcast %broadcast_in_dim3A_462 : vector<16xf32> to vector<16xi32>
        %shift_right_arithmetic3A_464 = arith.constant 1 : i32
        %shift_right_arithmetic3A_465 = vector.broadcast %shift_right_arithmetic3A_464 : i32 to vector<16xi32>
        %shift_right_arithmetic3A_466 = arith.shrsi %bitcast3A_463, %shift_right_arithmetic3A_465 : vector<16xi32>
        %sub3A_467 = arith.constant 1597463007 : i32
        %sub3A_468 = vector.broadcast %sub3A_467 : i32 to vector<16xi32>
        %sub3A_469 = arith.subi %sub3A_468, %shift_right_arithmetic3A_466 : vector<16xi32>
        %bitcast3A_470 = vector.bitcast %sub3A_469 : vector<16xi32> to vector<16xf32>
        %mul3A_471 = arith.constant 5.000000e-01 : f32
        %mul3A_472 = vector.broadcast %mul3A_471 : f32 to vector<16xf32>
        %mul3A_473 = arith.mulf %broadcast_in_dim3A_462, %mul3A_472 : vector<16xf32>
        %mul3A_474 = arith.mulf %mul3A_473, %bitcast3A_470 : vector<16xf32>
        %mul3A_475 = arith.mulf %mul3A_474, %bitcast3A_470 : vector<16xf32>
        %sub3A_476 = arith.constant 1.500000e+00 : f32
        %sub3A_477 = vector.broadcast %sub3A_476 : f32 to vector<16xf32>
        %sub3A_478 = arith.subf %sub3A_477, %mul3A_475 : vector<16xf32>
        %mul3A_479 = arith.mulf %bitcast3A_470, %sub3A_478 : vector<16xf32>
        %mul3A_480 = arith.mulf %mul3A_473, %mul3A_479 : vector<16xf32>
        %mul3A_481 = arith.mulf %mul3A_480, %mul3A_479 : vector<16xf32>
        %sub3A_482 = arith.constant 1.500000e+00 : f32
        %sub3A_483 = vector.broadcast %sub3A_482 : f32 to vector<16xf32>
        %sub3A_484 = arith.subf %sub3A_483, %mul3A_481 : vector<16xf32>
        %mul3A_485 = arith.mulf %mul3A_479, %sub3A_484 : vector<16xf32>
        %sub3A_486 = vector.broadcast %mul3A_449 : f32 to vector<16xf32>
        %sub3A_487 = arith.subf %get3A_400, %sub3A_486 : vector<16xf32>
        %mul3A_488 = arith.mulf %sub3A_487, %mul3A_485 : vector<16xf32>
        %mul3A_489 = arith.mulf %mul3A_488, %get3A_3 : vector<16xf32>
        %add3A_490 = arith.addf %mul3A_489, %get3A_19 : vector<16xf32>
        %swap3A_491 = arith.index_cast %add3A_397 : i32 to index
        %swap3A_492 = arith.constant 0 : index
        %swap3A_493 = tpu.vector_load %arg11[%swap3A_491, %swap3A_492] {strides = array<i32>} : memref<128x128xf32, #tpu.memory_space<vmem>>, vector<16xf32>,
        tpu.vector_store %arg11[%swap3A_491, %swap3A_492], %add3A_490 {strides = array<i32>} : memref<128x128xf32, #tpu.memory_space<vmem>>, vector<16xf32>,
        %sub3A_494 = vector.broadcast %mul3A_449 : f32 to vector<16xf32>
        %sub3A_495 = arith.subf %get3A_403, %sub3A_494 : vector<16xf32>
        %mul3A_496 = arith.mulf %sub3A_495, %mul3A_485 : vector<16xf32>
        %mul3A_497 = arith.mulf %mul3A_496, %get3A_5 : vector<16xf32>
        %add3A_498 = arith.addf %mul3A_497, %get3A_21 : vector<16xf32>
        %swap3A_499 = arith.index_cast %add3A_397 : i32 to index
        %swap3A_500 = arith.constant 16 : index
        %swap3A_501 = tpu.vector_load %arg11[%swap3A_499, %swap3A_500] {strides = array<i32>} : memref<128x128xf32, #tpu.memory_space<vmem>>, vector<16xf32>,
        tpu.vector_store %arg11[%swap3A_499, %swap3A_500], %add3A_498 {strides = array<i32>} : memref<128x128xf32, #tpu.memory_space<vmem>>, vector<16xf32>,
        %sub3A_502 = vector.broadcast %mul3A_449 : f32 to vector<16xf32>
        %sub3A_503 = arith.subf %get3A_406, %sub3A_502 : vector<16xf32>
        %mul3A_504 = arith.mulf %sub3A_503, %mul3A_485 : vector<16xf32>
        %mul3A_505 = arith.mulf %mul3A_504, %get3A_7 : vector<16xf32>
        %add3A_506 = arith.addf %mul3A_505, %get3A_23 : vector<16xf32>
        %swap3A_507 = arith.index_cast %add3A_397 : i32 to index
        %swap3A_508 = arith.constant 32 : index
        %swap3A_509 = tpu.vector_load %arg11[%swap3A_507, %swap3A_508] {strides = array<i32>} : memref<128x128xf32, #tpu.memory_space<vmem>>, vector<16xf32>,
        tpu.vector_store %arg11[%swap3A_507, %swap3A_508], %add3A_506 {strides = array<i32>} : memref<128x128xf32, #tpu.memory_space<vmem>>, vector<16xf32>,
        %sub3A_510 = vector.broadcast %mul3A_449 : f32 to vector<16xf32>
        %sub3A_511 = arith.subf %get3A_409, %sub3A_510 : vector<16xf32>
        %mul3A_512 = arith.mulf %sub3A_511, %mul3A_485 : vector<16xf32>
        %mul3A_513 = arith.mulf %mul3A_512, %get3A_9 : vector<16xf32>
        %add3A_514 = arith.addf %mul3A_513, %get3A_25 : vector<16xf32>
        %swap3A_515 = arith.index_cast %add3A_397 : i32 to index
        %swap3A_516 = arith.constant 48 : index
        %swap3A_517 = tpu.vector_load %arg11[%swap3A_515, %swap3A_516] {strides = array<i32>} : memref<128x128xf32, #tpu.memory_space<vmem>>, vector<16xf32>,
        tpu.vector_store %arg11[%swap3A_515, %swap3A_516], %add3A_514 {strides = array<i32>} : memref<128x128xf32, #tpu.memory_space<vmem>>, vector<16xf32>,
        %sub3A_518 = vector.broadcast %mul3A_449 : f32 to vector<16xf32>
        %sub3A_519 = arith.subf %get3A_412, %sub3A_518 : vector<16xf32>
        %mul3A_520 = arith.mulf %sub3A_519, %mul3A_485 : vector<16xf32>
        %mul3A_521 = arith.mulf %mul3A_520, %get3A_11 : vector<16xf32>
        %add3A_522 = arith.addf %mul3A_521, %get3A_27 : vector<16xf32>
        %swap3A_523 = arith.index_cast %add3A_397 : i32 to index
        %swap3A_524 = arith.constant 64 : index
        %swap3A_525 = tpu.vector_load %arg11[%swap3A_523, %swap3A_524] {strides = array<i32>} : memref<128x128xf32, #tpu.memory_space<vmem>>, vector<16xf32>,
        tpu.vector_store %arg11[%swap3A_523, %swap3A_524], %add3A_522 {strides = array<i32>} : memref<128x128xf32, #tpu.memory_space<vmem>>, vector<16xf32>,
        %sub3A_526 = vector.broadcast %mul3A_449 : f32 to vector<16xf32>
        %sub3A_527 = arith.subf %get3A_415, %sub3A_526 : vector<16xf32>
        %mul3A_528 = arith.mulf %sub3A_527, %mul3A_485 : vector<16xf32>
        %mul3A_529 = arith.mulf %mul3A_528, %get3A_13 : vector<16xf32>
        %add3A_530 = arith.addf %mul3A_529, %get3A_29 : vector<16xf32>
        %swap3A_531 = arith.index_cast %add3A_397 : i32 to index
        %swap3A_532 = arith.constant 80 : index
        %swap3A_533 = tpu.vector_load %arg11[%swap3A_531, %swap3A_532] {strides = array<i32>} : memref<128x128xf32, #tpu.memory_space<vmem>>, vector<16xf32>,
        tpu.vector_store %arg11[%swap3A_531, %swap3A_532], %add3A_530 {strides = array<i32>} : memref<128x128xf32, #tpu.memory_space<vmem>>, vector<16xf32>,
        %sub3A_534 = vector.broadcast %mul3A_449 : f32 to vector<16xf32>
        %sub3A_535 = arith.subf %get3A_418, %sub3A_534 : vector<16xf32>
        %mul3A_536 = arith.mulf %sub3A_535, %mul3A_485 : vector<16xf32>
        %mul3A_537 = arith.mulf %mul3A_536, %get3A_15 : vector<16xf32>
        %add3A_538 = arith.addf %mul3A_537, %get3A_31 : vector<16xf32>
        %swap3A_539 = arith.index_cast %add3A_397 : i32 to index
        %swap3A_540 = arith.constant 96 : index
        %swap3A_541 = tpu.vector_load %arg11[%swap3A_539, %swap3A_540] {strides = array<i32>} : memref<128x128xf32, #tpu.memory_space<vmem>>, vector<16xf32>,
        tpu.vector_store %arg11[%swap3A_539, %swap3A_540], %add3A_538 {strides = array<i32>} : memref<128x128xf32, #tpu.memory_space<vmem>>, vector<16xf32>,
        %sub3A_542 = vector.broadcast %mul3A_449 : f32 to vector<16xf32>
        %sub3A_543 = arith.subf %get3A_421, %sub3A_542 : vector<16xf32>
        %mul3A_544 = arith.mulf %sub3A_543, %mul3A_485 : vector<16xf32>
        %mul3A_545 = arith.mulf %mul3A_544, %get3A_17 : vector<16xf32>
        %add3A_546 = arith.addf %mul3A_545, %get3A_33 : vector<16xf32>
        %swap3A_547 = arith.index_cast %add3A_397 : i32 to index
        %swap3A_548 = arith.constant 112 : index
        %swap3A_549 = tpu.vector_load %arg11[%swap3A_547, %swap3A_548] {strides = array<i32>} : memref<128x128xf32, #tpu.memory_space<vmem>>, vector<16xf32>,
        tpu.vector_store %arg11[%swap3A_547, %swap3A_548], %add3A_546 {strides = array<i32>} : memref<128x128xf32, #tpu.memory_space<vmem>>, vector<16xf32>,
      }
      %scan3A_233 = arith.constant 128 : i32
      %mul3A_234 = arith.constant 128 : i32
      %mul3A_235 = arith.muli %add3A_212, %mul3A_234 : i32
      %add3A_236 = arith.addi %mul3A_2, %mul3A_235 : i32
      %dma_start3A_237 = arith.constant 0 : i32
      %dma_start3A_238 = tpu.memref_slice %arg6[%add3A_236, %dma_start3A_237] : memref<204800x128xf32, #tpu.memory_space<hbm>> -> memref<128x128xf32, #tpu.memory_space<hbm>>
      %dma_start3A_239 = arith.constant 0 : i32
      %dma_start3A_240 = tpu.memref_slice %arg6[%add3A_236, %dma_start3A_239] : memref<204800x128xf32, #tpu.memory_space<hbm>> -> memref<128x128xf32, #tpu.memory_space<hbm>>
      tpu.enqueue_dma source(%arg11 : memref<128x128xf32, #tpu.memory_space<vmem>>) target(%dma_start3A_240 : memref<128x128xf32, #tpu.memory_space<hbm>>) target_semaphore(%arg21 : memref<!tpu.dma_semaphore, #tpu.memory_space<semaphore_mem>>)
    }
    %scan3A_54 = arith.constant 12 : i32
    %multiple_of3A_55 = arith.constant 6144 : i32
    %multiple_of3A_56 = tpu.assume_multiple %multiple_of3A_55, 128 : i32
    %dma_wait3A = tpu.memref_slice %arg7[%multiple_of3A_56] : memref<6400xi32, #tpu.memory_space<vmem>> -> memref<128xi32, #tpu.memory_space<vmem>>
    %dma_wait3A_57 = arith.constant 0 : i32
    %dma_wait3A_58 = arith.constant 0 : i32
    %dma_wait3A_59 = tpu.memref_slice %arg3[%dma_wait3A_57, %dma_wait3A_58] : memref<100000x128xf32, #tpu.memory_space<hbm>> -> memref<100000x128xf32, #tpu.memory_space<hbm>>
    tpu.wait_indirect_dma semaphore(%arg14 : memref<!tpu.dma_semaphore, #tpu.memory_space<semaphore_mem>>) src(%dma_wait3A_59 : memref<100000x128xf32, #tpu.memory_space<hbm>>) dst(%arg8 : memref<128x128xf32, #tpu.memory_space<vmem>>)
    %scan3A_60 = arith.constant 0 : i32
    %scan3A_61 = arith.constant 128 : i32
    %scan3A_62 = arith.addi %scan3A_60, %scan3A_61 : i32
    %scan3A_63 = arith.constant 2 : i32
    scf.for %scan3A_112 = %scan3A_60 to %scan3A_62 step %scan3A_63  : i32 {
      %mul3A_113 = arith.constant 1 : i32
      %mul3A_114 = arith.muli %scan3A_112, %mul3A_113 : i32
      %add3A_115 = arith.constant 0 : i32
      %add3A_116 = arith.addi %add3A_115, %mul3A_114 : i32
      %get3A_117 = arith.index_cast %add3A_116 : i32 to index
      %get3A_118 = arith.constant 0 : index
      %get3A_119 = tpu.vector_load %arg8[%get3A_117, %get3A_118] {strides = array<i32>} : memref<128x128xf32, #tpu.memory_space<vmem>>, vector<16xf32>,
      %get3A_120 = arith.index_cast %add3A_116 : i32 to index
      %get3A_121 = arith.constant 16 : index
      %get3A_122 = tpu.vector_load %arg8[%get3A_120, %get3A_121] {strides = array<i32>} : memref<128x128xf32, #tpu.memory_space<vmem>>, vector<16xf32>,
      %get3A_123 = arith.index_cast %add3A_116 : i32 to index
      %get3A_124 = arith.constant 32 : index
      %get3A_125 = tpu.vector_load %arg8[%get3A_123, %get3A_124] {strides = array<i32>} : memref<128x128xf32, #tpu.memory_space<vmem>>, vector<16xf32>,
      %get3A_126 = arith.index_cast %add3A_116 : i32 to index
      %get3A_127 = arith.constant 48 : index
      %get3A_128 = tpu.vector_load %arg8[%get3A_126, %get3A_127] {strides = array<i32>} : memref<128x128xf32, #tpu.memory_space<vmem>>, vector<16xf32>,
      %get3A_129 = arith.index_cast %add3A_116 : i32 to index
      %get3A_130 = arith.constant 64 : index
      %get3A_131 = tpu.vector_load %arg8[%get3A_129, %get3A_130] {strides = array<i32>} : memref<128x128xf32, #tpu.memory_space<vmem>>, vector<16xf32>,
      %get3A_132 = arith.index_cast %add3A_116 : i32 to index
      %get3A_133 = arith.constant 80 : index
      %get3A_134 = tpu.vector_load %arg8[%get3A_132, %get3A_133] {strides = array<i32>} : memref<128x128xf32, #tpu.memory_space<vmem>>, vector<16xf32>,
      %get3A_135 = arith.index_cast %add3A_116 : i32 to index
      %get3A_136 = arith.constant 96 : index
      %get3A_137 = tpu.vector_load %arg8[%get3A_135, %get3A_136] {strides = array<i32>} : memref<128x128xf32, #tpu.memory_space<vmem>>, vector<16xf32>,
      %get3A_138 = arith.index_cast %add3A_116 : i32 to index
      %get3A_139 = arith.constant 112 : index
      %get3A_140 = tpu.vector_load %arg8[%get3A_138, %get3A_139] {strides = array<i32>} : memref<128x128xf32, #tpu.memory_space<vmem>>, vector<16xf32>,
      %mul3A_141 = arith.mulf %get3A_119, %get3A_119 : vector<16xf32>
      %add3A_142 = arith.addf %get3A_119, %get3A_122 : vector<16xf32>
      %mul3A_143 = arith.mulf %get3A_122, %get3A_122 : vector<16xf32>
      %add3A_144 = arith.addf %mul3A_141, %mul3A_143 : vector<16xf32>
      %add3A_145 = arith.addf %add3A_142, %get3A_125 : vector<16xf32>
      %mul3A_146 = arith.mulf %get3A_125, %get3A_125 : vector<16xf32>
      %add3A_147 = arith.addf %add3A_144, %mul3A_146 : vector<16xf32>
      %add3A_148 = arith.addf %add3A_145, %get3A_128 : vector<16xf32>
      %mul3A_149 = arith.mulf %get3A_128, %get3A_128 : vector<16xf32>
      %add3A_150 = arith.addf %add3A_147, %mul3A_149 : vector<16xf32>
      %add3A_151 = arith.addf %add3A_148, %get3A_131 : vector<16xf32>
      %mul3A_152 = arith.mulf %get3A_131, %get3A_131 : vector<16xf32>
      %add3A_153 = arith.addf %add3A_150, %mul3A_152 : vector<16xf32>
      %add3A_154 = arith.addf %add3A_151, %get3A_134 : vector<16xf32>
      %mul3A_155 = arith.mulf %get3A_134, %get3A_134 : vector<16xf32>
      %add3A_156 = arith.addf %add3A_153, %mul3A_155 : vector<16xf32>
      %add3A_157 = arith.addf %add3A_154, %get3A_137 : vector<16xf32>
      %mul3A_158 = arith.mulf %get3A_137, %get3A_137 : vector<16xf32>
      %add3A_159 = arith.addf %add3A_156, %mul3A_158 : vector<16xf32>
      %add3A_160 = arith.addf %add3A_157, %get3A_140 : vector<16xf32>
      %mul3A_161 = arith.mulf %get3A_140, %get3A_140 : vector<16xf32>
      %add3A_162 = arith.addf %add3A_159, %mul3A_161 : vector<16xf32>
      %reduce_sum3A = arith.constant true
      %reduce_sum3A_163 = vector.broadcast %reduce_sum3A : i1 to vector<16xi1>
      %reduce_sum3A_164 = tpu.scan <sum>, %add3A_160 masked %reduce_sum3A_163 : vector<16xf32>, vector<16xi1> -> vector<16xf32>
      %reduce_sum3A_165 = vector.extract %reduce_sum3A_164[15] : f32 from vector<16xf32>
      %mul3A_166 = arith.constant 7.812500e-03 : f32
      %mul3A_167 = arith.mulf %reduce_sum3A_165, %mul3A_166 : f32
      %reduce_sum3A_168 = arith.constant true
      %reduce_sum3A_169 = vector.broadcast %reduce_sum3A_168 : i1 to vector<16xi1>
      %reduce_sum3A_170 = tpu.scan <sum>, %add3A_162 masked %reduce_sum3A_169 : vector<16xf32>, vector<16xi1> -> vector<16xf32>
      %reduce_sum3A_171 = vector.extract %reduce_sum3A_170[15] : f32 from vector<16xf32>
      %mul3A_172 = arith.constant 7.812500e-03 : f32
      %mul3A_173 = arith.mulf %reduce_sum3A_171, %mul3A_172 : f32
      %mul3A_174 = arith.mulf %mul3A_167, %mul3A_167 : f32
      %sub3A = arith.subf %mul3A_173, %mul3A_174 : f32
      %max3A = arith.constant 0.000000e+00 : f32
      %max3A_175 = arith.maximumf %sub3A, %max3A : f32
      %add3A_176 = arith.constant 9.99999996E-13 : f32
      %add3A_177 = arith.addf %max3A_175, %add3A_176 : f32
      %broadcast_in_dim3A = vector.broadcast %add3A_177 : f32 to vector<16xf32>
      %bitcast3A = vector.bitcast %broadcast_in_dim3A : vector<16xf32> to vector<16xi32>
      %shift_right_arithmetic3A = arith.constant 1 : i32
      %shift_right_arithmetic3A_178 = vector.broadcast %shift_right_arithmetic3A : i32 to vector<16xi32>
      %shift_right_arithmetic3A_179 = arith.shrsi %bitcast3A, %shift_right_arithmetic3A_178 : vector<16xi32>
      %sub3A_180 = arith.constant 1597463007 : i32
      %sub3A_181 = vector.broadcast %sub3A_180 : i32 to vector<16xi32>
      %sub3A_182 = arith.subi %sub3A_181, %shift_right_arithmetic3A_179 : vector<16xi32>
      %bitcast3A_183 = vector.bitcast %sub3A_182 : vector<16xi32> to vector<16xf32>
      %mul3A_184 = arith.constant 5.000000e-01 : f32
      %mul3A_185 = vector.broadcast %mul3A_184 : f32 to vector<16xf32>
      %mul3A_186 = arith.mulf %broadcast_in_dim3A, %mul3A_185 : vector<16xf32>
      %mul3A_187 = arith.mulf %mul3A_186, %bitcast3A_183 : vector<16xf32>
      %mul3A_188 = arith.mulf %mul3A_187, %bitcast3A_183 : vector<16xf32>
      %sub3A_189 = arith.constant 1.500000e+00 : f32
      %sub3A_190 = vector.broadcast %sub3A_189 : f32 to vector<16xf32>
      %sub3A_191 = arith.subf %sub3A_190, %mul3A_188 : vector<16xf32>
      %mul3A_192 = arith.mulf %bitcast3A_183, %sub3A_191 : vector<16xf32>
      %mul3A_193 = arith.mulf %mul3A_186, %mul3A_192 : vector<16xf32>
      %mul3A_194 = arith.mulf %mul3A_193, %mul3A_192 : vector<16xf32>
      %sub3A_195 = arith.constant 1.500000e+00 : f32
      %sub3A_196 = vector.broadcast %sub3A_195 : f32 to vector<16xf32>
      %sub3A_197 = arith.subf %sub3A_196, %mul3A_194 : vector<16xf32>
      %mul3A_198 = arith.mulf %mul3A_192, %sub3A_197 : vector<16xf32>
      %sub3A_199 = vector.broadcast %mul3A_167 : f32 to vector<16xf32>
      %sub3A_200 = arith.subf %get3A_119, %sub3A_199 : vector<16xf32>
      %mul3A_201 = arith.mulf %sub3A_200, %mul3A_198 : vector<16xf32>
      %mul3A_202 = arith.mulf %mul3A_201, %get3A_3 : vector<16xf32>
      %add3A_203 = arith.addf %mul3A_202, %get3A_19 : vector<16xf32>
      %swap3A = arith.index_cast %add3A_116 : i32 to index
      %swap3A_204 = arith.constant 0 : index
      %swap3A_205 = tpu.vector_load %arg8[%swap3A, %swap3A_204] {strides = array<i32>} : memref<128x128xf32, #tpu.memory_space<vmem>>, vector<16xf32>,
      tpu.vector_store %arg8[%swap3A, %swap3A_204], %add3A_203 {strides = array<i32>} : memref<128x128xf32, #tpu.memory_space<vmem>>, vector<16xf32>,
      %sub3A_206 = vector.broadcast %mul3A_167 : f32 to vector<16xf32>
      %sub3A_207 = arith.subf %get3A_122, %sub3A_206 : vector<16xf32>
      %mul3A_208 = arith.mulf %sub3A_207, %mul3A_198 : vector<16xf32>
      %mul3A_209 = arith.mulf %mul3A_208, %get3A_5 : vector<16xf32>
      %add3A_210 = arith.addf %mul3A_209, %get3A_21 : vector<16xf32>
      %swap3A_211 = arith.index_cast %add3A_116 : i32 to index
      %swap3A_212 = arith.constant 16 : index
      %swap3A_213 = tpu.vector_load %arg8[%swap3A_211, %swap3A_212] {strides = array<i32>} : memref<128x128xf32, #tpu.memory_space<vmem>>, vector<16xf32>,
      tpu.vector_store %arg8[%swap3A_211, %swap3A_212], %add3A_210 {strides = array<i32>} : memref<128x128xf32, #tpu.memory_space<vmem>>, vector<16xf32>,
      %sub3A_214 = vector.broadcast %mul3A_167 : f32 to vector<16xf32>
      %sub3A_215 = arith.subf %get3A_125, %sub3A_214 : vector<16xf32>
      %mul3A_216 = arith.mulf %sub3A_215, %mul3A_198 : vector<16xf32>
      %mul3A_217 = arith.mulf %mul3A_216, %get3A_7 : vector<16xf32>
      %add3A_218 = arith.addf %mul3A_217, %get3A_23 : vector<16xf32>
      %swap3A_219 = arith.index_cast %add3A_116 : i32 to index
      %swap3A_220 = arith.constant 32 : index
      %swap3A_221 = tpu.vector_load %arg8[%swap3A_219, %swap3A_220] {strides = array<i32>} : memref<128x128xf32, #tpu.memory_space<vmem>>, vector<16xf32>,
      tpu.vector_store %arg8[%swap3A_219, %swap3A_220], %add3A_218 {strides = array<i32>} : memref<128x128xf32, #tpu.memory_space<vmem>>, vector<16xf32>,
      %sub3A_222 = vector.broadcast %mul3A_167 : f32 to vector<16xf32>
      %sub3A_223 = arith.subf %get3A_128, %sub3A_222 : vector<16xf32>
      %mul3A_224 = arith.mulf %sub3A_223, %mul3A_198 : vector<16xf32>
      %mul3A_225 = arith.mulf %mul3A_224, %get3A_9 : vector<16xf32>
      %add3A_226 = arith.addf %mul3A_225, %get3A_25 : vector<16xf32>
      %swap3A_227 = arith.index_cast %add3A_116 : i32 to index
      %swap3A_228 = arith.constant 48 : index
      %swap3A_229 = tpu.vector_load %arg8[%swap3A_227, %swap3A_228] {strides = array<i32>} : memref<128x128xf32, #tpu.memory_space<vmem>>, vector<16xf32>,
      tpu.vector_store %arg8[%swap3A_227, %swap3A_228], %add3A_226 {strides = array<i32>} : memref<128x128xf32, #tpu.memory_space<vmem>>, vector<16xf32>,
      %sub3A_230 = vector.broadcast %mul3A_167 : f32 to vector<16xf32>
      %sub3A_231 = arith.subf %get3A_131, %sub3A_230 : vector<16xf32>
      %mul3A_232 = arith.mulf %sub3A_231, %mul3A_198 : vector<16xf32>
      %mul3A_233 = arith.mulf %mul3A_232, %get3A_11 : vector<16xf32>
      %add3A_234 = arith.addf %mul3A_233, %get3A_27 : vector<16xf32>
      %swap3A_235 = arith.index_cast %add3A_116 : i32 to index
      %swap3A_236 = arith.constant 64 : index
      %swap3A_237 = tpu.vector_load %arg8[%swap3A_235, %swap3A_236] {strides = array<i32>} : memref<128x128xf32, #tpu.memory_space<vmem>>, vector<16xf32>,
      tpu.vector_store %arg8[%swap3A_235, %swap3A_236], %add3A_234 {strides = array<i32>} : memref<128x128xf32, #tpu.memory_space<vmem>>, vector<16xf32>,
      %sub3A_238 = vector.broadcast %mul3A_167 : f32 to vector<16xf32>
      %sub3A_239 = arith.subf %get3A_134, %sub3A_238 : vector<16xf32>
      %mul3A_240 = arith.mulf %sub3A_239, %mul3A_198 : vector<16xf32>
      %mul3A_241 = arith.mulf %mul3A_240, %get3A_13 : vector<16xf32>
      %add3A_242 = arith.addf %mul3A_241, %get3A_29 : vector<16xf32>
      %swap3A_243 = arith.index_cast %add3A_116 : i32 to index
      %swap3A_244 = arith.constant 80 : index
      %swap3A_245 = tpu.vector_load %arg8[%swap3A_243, %swap3A_244] {strides = array<i32>} : memref<128x128xf32, #tpu.memory_space<vmem>>, vector<16xf32>,
      tpu.vector_store %arg8[%swap3A_243, %swap3A_244], %add3A_242 {strides = array<i32>} : memref<128x128xf32, #tpu.memory_space<vmem>>, vector<16xf32>,
      %sub3A_246 = vector.broadcast %mul3A_167 : f32 to vector<16xf32>
      %sub3A_247 = arith.subf %get3A_137, %sub3A_246 : vector<16xf32>
      %mul3A_248 = arith.mulf %sub3A_247, %mul3A_198 : vector<16xf32>
      %mul3A_249 = arith.mulf %mul3A_248, %get3A_15 : vector<16xf32>
      %add3A_250 = arith.addf %mul3A_249, %get3A_31 : vector<16xf32>
      %swap3A_251 = arith.index_cast %add3A_116 : i32 to index
      %swap3A_252 = arith.constant 96 : index
      %swap3A_253 = tpu.vector_load %arg8[%swap3A_251, %swap3A_252] {strides = array<i32>} : memref<128x128xf32, #tpu.memory_space<vmem>>, vector<16xf32>,
      tpu.vector_store %arg8[%swap3A_251, %swap3A_252], %add3A_250 {strides = array<i32>} : memref<128x128xf32, #tpu.memory_space<vmem>>, vector<16xf32>,
      %sub3A_254 = vector.broadcast %mul3A_167 : f32 to vector<16xf32>
      %sub3A_255 = arith.subf %get3A_140, %sub3A_254 : vector<16xf32>
      %mul3A_256 = arith.mulf %sub3A_255, %mul3A_198 : vector<16xf32>
      %mul3A_257 = arith.mulf %mul3A_256, %get3A_17 : vector<16xf32>
      %add3A_258 = arith.addf %mul3A_257, %get3A_33 : vector<16xf32>
      %swap3A_259 = arith.index_cast %add3A_116 : i32 to index
      %swap3A_260 = arith.constant 112 : index
      %swap3A_261 = tpu.vector_load %arg8[%swap3A_259, %swap3A_260] {strides = array<i32>} : memref<128x128xf32, #tpu.memory_space<vmem>>, vector<16xf32>,
      tpu.vector_store %arg8[%swap3A_259, %swap3A_260], %add3A_258 {strides = array<i32>} : memref<128x128xf32, #tpu.memory_space<vmem>>, vector<16xf32>,
      %scan3A_262 = arith.constant 1 : i32
      %scan3A_263 = arith.addi %scan3A_112, %scan3A_262 : i32
      %mul3A_264 = arith.constant 1 : i32
      %mul3A_265 = arith.muli %scan3A_263, %mul3A_264 : i32
      %add3A_266 = arith.constant 0 : i32
      %add3A_267 = arith.addi %add3A_266, %mul3A_265 : i32
      %get3A_268 = arith.index_cast %add3A_267 : i32 to index
      %get3A_269 = arith.constant 0 : index
      %get3A_270 = tpu.vector_load %arg8[%get3A_268, %get3A_269] {strides = array<i32>} : memref<128x128xf32, #tpu.memory_space<vmem>>, vector<16xf32>,
      %get3A_271 = arith.index_cast %add3A_267 : i32 to index
      %get3A_272 = arith.constant 16 : index
      %get3A_273 = tpu.vector_load %arg8[%get3A_271, %get3A_272] {strides = array<i32>} : memref<128x128xf32, #tpu.memory_space<vmem>>, vector<16xf32>,
      %get3A_274 = arith.index_cast %add3A_267 : i32 to index
      %get3A_275 = arith.constant 32 : index
      %get3A_276 = tpu.vector_load %arg8[%get3A_274, %get3A_275] {strides = array<i32>} : memref<128x128xf32, #tpu.memory_space<vmem>>, vector<16xf32>,
      %get3A_277 = arith.index_cast %add3A_267 : i32 to index
      %get3A_278 = arith.constant 48 : index
      %get3A_279 = tpu.vector_load %arg8[%get3A_277, %get3A_278] {strides = array<i32>} : memref<128x128xf32, #tpu.memory_space<vmem>>, vector<16xf32>,
      %get3A_280 = arith.index_cast %add3A_267 : i32 to index
      %get3A_281 = arith.constant 64 : index
      %get3A_282 = tpu.vector_load %arg8[%get3A_280, %get3A_281] {strides = array<i32>} : memref<128x128xf32, #tpu.memory_space<vmem>>, vector<16xf32>,
      %get3A_283 = arith.index_cast %add3A_267 : i32 to index
      %get3A_284 = arith.constant 80 : index
      %get3A_285 = tpu.vector_load %arg8[%get3A_283, %get3A_284] {strides = array<i32>} : memref<128x128xf32, #tpu.memory_space<vmem>>, vector<16xf32>,
      %get3A_286 = arith.index_cast %add3A_267 : i32 to index
      %get3A_287 = arith.constant 96 : index
      %get3A_288 = tpu.vector_load %arg8[%get3A_286, %get3A_287] {strides = array<i32>} : memref<128x128xf32, #tpu.memory_space<vmem>>, vector<16xf32>,
      %get3A_289 = arith.index_cast %add3A_267 : i32 to index
      %get3A_290 = arith.constant 112 : index
      %get3A_291 = tpu.vector_load %arg8[%get3A_289, %get3A_290] {strides = array<i32>} : memref<128x128xf32, #tpu.memory_space<vmem>>, vector<16xf32>,
      %mul3A_292 = arith.mulf %get3A_270, %get3A_270 : vector<16xf32>
      %add3A_293 = arith.addf %get3A_270, %get3A_273 : vector<16xf32>
      %mul3A_294 = arith.mulf %get3A_273, %get3A_273 : vector<16xf32>
      %add3A_295 = arith.addf %mul3A_292, %mul3A_294 : vector<16xf32>
      %add3A_296 = arith.addf %add3A_293, %get3A_276 : vector<16xf32>
      %mul3A_297 = arith.mulf %get3A_276, %get3A_276 : vector<16xf32>
      %add3A_298 = arith.addf %add3A_295, %mul3A_297 : vector<16xf32>
      %add3A_299 = arith.addf %add3A_296, %get3A_279 : vector<16xf32>
      %mul3A_300 = arith.mulf %get3A_279, %get3A_279 : vector<16xf32>
      %add3A_301 = arith.addf %add3A_298, %mul3A_300 : vector<16xf32>
      %add3A_302 = arith.addf %add3A_299, %get3A_282 : vector<16xf32>
      %mul3A_303 = arith.mulf %get3A_282, %get3A_282 : vector<16xf32>
      %add3A_304 = arith.addf %add3A_301, %mul3A_303 : vector<16xf32>
      %add3A_305 = arith.addf %add3A_302, %get3A_285 : vector<16xf32>
      %mul3A_306 = arith.mulf %get3A_285, %get3A_285 : vector<16xf32>
      %add3A_307 = arith.addf %add3A_304, %mul3A_306 : vector<16xf32>
      %add3A_308 = arith.addf %add3A_305, %get3A_288 : vector<16xf32>
      %mul3A_309 = arith.mulf %get3A_288, %get3A_288 : vector<16xf32>
      %add3A_310 = arith.addf %add3A_307, %mul3A_309 : vector<16xf32>
      %add3A_311 = arith.addf %add3A_308, %get3A_291 : vector<16xf32>
      %mul3A_312 = arith.mulf %get3A_291, %get3A_291 : vector<16xf32>
      %add3A_313 = arith.addf %add3A_310, %mul3A_312 : vector<16xf32>
      %reduce_sum3A_314 = arith.constant true
      %reduce_sum3A_315 = vector.broadcast %reduce_sum3A_314 : i1 to vector<16xi1>
      %reduce_sum3A_316 = tpu.scan <sum>, %add3A_311 masked %reduce_sum3A_315 : vector<16xf32>, vector<16xi1> -> vector<16xf32>
      %reduce_sum3A_317 = vector.extract %reduce_sum3A_316[15] : f32 from vector<16xf32>
      %mul3A_318 = arith.constant 7.812500e-03 : f32
      %mul3A_319 = arith.mulf %reduce_sum3A_317, %mul3A_318 : f32
      %reduce_sum3A_320 = arith.constant true
      %reduce_sum3A_321 = vector.broadcast %reduce_sum3A_320 : i1 to vector<16xi1>
      %reduce_sum3A_322 = tpu.scan <sum>, %add3A_313 masked %reduce_sum3A_321 : vector<16xf32>, vector<16xi1> -> vector<16xf32>
      %reduce_sum3A_323 = vector.extract %reduce_sum3A_322[15] : f32 from vector<16xf32>
      %mul3A_324 = arith.constant 7.812500e-03 : f32
      %mul3A_325 = arith.mulf %reduce_sum3A_323, %mul3A_324 : f32
      %mul3A_326 = arith.mulf %mul3A_319, %mul3A_319 : f32
      %sub3A_327 = arith.subf %mul3A_325, %mul3A_326 : f32
      %max3A_328 = arith.constant 0.000000e+00 : f32
      %max3A_329 = arith.maximumf %sub3A_327, %max3A_328 : f32
      %add3A_330 = arith.constant 9.99999996E-13 : f32
      %add3A_331 = arith.addf %max3A_329, %add3A_330 : f32
      %broadcast_in_dim3A_332 = vector.broadcast %add3A_331 : f32 to vector<16xf32>
      %bitcast3A_333 = vector.bitcast %broadcast_in_dim3A_332 : vector<16xf32> to vector<16xi32>
      %shift_right_arithmetic3A_334 = arith.constant 1 : i32
      %shift_right_arithmetic3A_335 = vector.broadcast %shift_right_arithmetic3A_334 : i32 to vector<16xi32>
      %shift_right_arithmetic3A_336 = arith.shrsi %bitcast3A_333, %shift_right_arithmetic3A_335 : vector<16xi32>
      %sub3A_337 = arith.constant 1597463007 : i32
      %sub3A_338 = vector.broadcast %sub3A_337 : i32 to vector<16xi32>
      %sub3A_339 = arith.subi %sub3A_338, %shift_right_arithmetic3A_336 : vector<16xi32>
      %bitcast3A_340 = vector.bitcast %sub3A_339 : vector<16xi32> to vector<16xf32>
      %mul3A_341 = arith.constant 5.000000e-01 : f32
      %mul3A_342 = vector.broadcast %mul3A_341 : f32 to vector<16xf32>
      %mul3A_343 = arith.mulf %broadcast_in_dim3A_332, %mul3A_342 : vector<16xf32>
      %mul3A_344 = arith.mulf %mul3A_343, %bitcast3A_340 : vector<16xf32>
      %mul3A_345 = arith.mulf %mul3A_344, %bitcast3A_340 : vector<16xf32>
      %sub3A_346 = arith.constant 1.500000e+00 : f32
      %sub3A_347 = vector.broadcast %sub3A_346 : f32 to vector<16xf32>
      %sub3A_348 = arith.subf %sub3A_347, %mul3A_345 : vector<16xf32>
      %mul3A_349 = arith.mulf %bitcast3A_340, %sub3A_348 : vector<16xf32>
      %mul3A_350 = arith.mulf %mul3A_343, %mul3A_349 : vector<16xf32>
      %mul3A_351 = arith.mulf %mul3A_350, %mul3A_349 : vector<16xf32>
      %sub3A_352 = arith.constant 1.500000e+00 : f32
      %sub3A_353 = vector.broadcast %sub3A_352 : f32 to vector<16xf32>
      %sub3A_354 = arith.subf %sub3A_353, %mul3A_351 : vector<16xf32>
      %mul3A_355 = arith.mulf %mul3A_349, %sub3A_354 : vector<16xf32>
      %sub3A_356 = vector.broadcast %mul3A_319 : f32 to vector<16xf32>
      %sub3A_357 = arith.subf %get3A_270, %sub3A_356 : vector<16xf32>
      %mul3A_358 = arith.mulf %sub3A_357, %mul3A_355 : vector<16xf32>
      %mul3A_359 = arith.mulf %mul3A_358, %get3A_3 : vector<16xf32>
      %add3A_360 = arith.addf %mul3A_359, %get3A_19 : vector<16xf32>
      %swap3A_361 = arith.index_cast %add3A_267 : i32 to index
      %swap3A_362 = arith.constant 0 : index
      %swap3A_363 = tpu.vector_load %arg8[%swap3A_361, %swap3A_362] {strides = array<i32>} : memref<128x128xf32, #tpu.memory_space<vmem>>, vector<16xf32>,
      tpu.vector_store %arg8[%swap3A_361, %swap3A_362], %add3A_360 {strides = array<i32>} : memref<128x128xf32, #tpu.memory_space<vmem>>, vector<16xf32>,
      %sub3A_364 = vector.broadcast %mul3A_319 : f32 to vector<16xf32>
      %sub3A_365 = arith.subf %get3A_273, %sub3A_364 : vector<16xf32>
      %mul3A_366 = arith.mulf %sub3A_365, %mul3A_355 : vector<16xf32>
      %mul3A_367 = arith.mulf %mul3A_366, %get3A_5 : vector<16xf32>
      %add3A_368 = arith.addf %mul3A_367, %get3A_21 : vector<16xf32>
      %swap3A_369 = arith.index_cast %add3A_267 : i32 to index
      %swap3A_370 = arith.constant 16 : index
      %swap3A_371 = tpu.vector_load %arg8[%swap3A_369, %swap3A_370] {strides = array<i32>} : memref<128x128xf32, #tpu.memory_space<vmem>>, vector<16xf32>,
      tpu.vector_store %arg8[%swap3A_369, %swap3A_370], %add3A_368 {strides = array<i32>} : memref<128x128xf32, #tpu.memory_space<vmem>>, vector<16xf32>,
      %sub3A_372 = vector.broadcast %mul3A_319 : f32 to vector<16xf32>
      %sub3A_373 = arith.subf %get3A_276, %sub3A_372 : vector<16xf32>
      %mul3A_374 = arith.mulf %sub3A_373, %mul3A_355 : vector<16xf32>
      %mul3A_375 = arith.mulf %mul3A_374, %get3A_7 : vector<16xf32>
      %add3A_376 = arith.addf %mul3A_375, %get3A_23 : vector<16xf32>
      %swap3A_377 = arith.index_cast %add3A_267 : i32 to index
      %swap3A_378 = arith.constant 32 : index
      %swap3A_379 = tpu.vector_load %arg8[%swap3A_377, %swap3A_378] {strides = array<i32>} : memref<128x128xf32, #tpu.memory_space<vmem>>, vector<16xf32>,
      tpu.vector_store %arg8[%swap3A_377, %swap3A_378], %add3A_376 {strides = array<i32>} : memref<128x128xf32, #tpu.memory_space<vmem>>, vector<16xf32>,
      %sub3A_380 = vector.broadcast %mul3A_319 : f32 to vector<16xf32>
      %sub3A_381 = arith.subf %get3A_279, %sub3A_380 : vector<16xf32>
      %mul3A_382 = arith.mulf %sub3A_381, %mul3A_355 : vector<16xf32>
      %mul3A_383 = arith.mulf %mul3A_382, %get3A_9 : vector<16xf32>
      %add3A_384 = arith.addf %mul3A_383, %get3A_25 : vector<16xf32>
      %swap3A_385 = arith.index_cast %add3A_267 : i32 to index
      %swap3A_386 = arith.constant 48 : index
      %swap3A_387 = tpu.vector_load %arg8[%swap3A_385, %swap3A_386] {strides = array<i32>} : memref<128x128xf32, #tpu.memory_space<vmem>>, vector<16xf32>,
      tpu.vector_store %arg8[%swap3A_385, %swap3A_386], %add3A_384 {strides = array<i32>} : memref<128x128xf32, #tpu.memory_space<vmem>>, vector<16xf32>,
      %sub3A_388 = vector.broadcast %mul3A_319 : f32 to vector<16xf32>
      %sub3A_389 = arith.subf %get3A_282, %sub3A_388 : vector<16xf32>
      %mul3A_390 = arith.mulf %sub3A_389, %mul3A_355 : vector<16xf32>
      %mul3A_391 = arith.mulf %mul3A_390, %get3A_11 : vector<16xf32>
      %add3A_392 = arith.addf %mul3A_391, %get3A_27 : vector<16xf32>
      %swap3A_393 = arith.index_cast %add3A_267 : i32 to index
      %swap3A_394 = arith.constant 64 : index
      %swap3A_395 = tpu.vector_load %arg8[%swap3A_393, %swap3A_394] {strides = array<i32>} : memref<128x128xf32, #tpu.memory_space<vmem>>, vector<16xf32>,
      tpu.vector_store %arg8[%swap3A_393, %swap3A_394], %add3A_392 {strides = array<i32>} : memref<128x128xf32, #tpu.memory_space<vmem>>, vector<16xf32>,
      %sub3A_396 = vector.broadcast %mul3A_319 : f32 to vector<16xf32>
      %sub3A_397 = arith.subf %get3A_285, %sub3A_396 : vector<16xf32>
      %mul3A_398 = arith.mulf %sub3A_397, %mul3A_355 : vector<16xf32>
      %mul3A_399 = arith.mulf %mul3A_398, %get3A_13 : vector<16xf32>
      %add3A_400 = arith.addf %mul3A_399, %get3A_29 : vector<16xf32>
      %swap3A_401 = arith.index_cast %add3A_267 : i32 to index
      %swap3A_402 = arith.constant 80 : index
      %swap3A_403 = tpu.vector_load %arg8[%swap3A_401, %swap3A_402] {strides = array<i32>} : memref<128x128xf32, #tpu.memory_space<vmem>>, vector<16xf32>,
      tpu.vector_store %arg8[%swap3A_401, %swap3A_402], %add3A_400 {strides = array<i32>} : memref<128x128xf32, #tpu.memory_space<vmem>>, vector<16xf32>,
      %sub3A_404 = vector.broadcast %mul3A_319 : f32 to vector<16xf32>
      %sub3A_405 = arith.subf %get3A_288, %sub3A_404 : vector<16xf32>
      %mul3A_406 = arith.mulf %sub3A_405, %mul3A_355 : vector<16xf32>
      %mul3A_407 = arith.mulf %mul3A_406, %get3A_15 : vector<16xf32>
      %add3A_408 = arith.addf %mul3A_407, %get3A_31 : vector<16xf32>
      %swap3A_409 = arith.index_cast %add3A_267 : i32 to index
      %swap3A_410 = arith.constant 96 : index
      %swap3A_411 = tpu.vector_load %arg8[%swap3A_409, %swap3A_410] {strides = array<i32>} : memref<128x128xf32, #tpu.memory_space<vmem>>, vector<16xf32>,
      tpu.vector_store %arg8[%swap3A_409, %swap3A_410], %add3A_408 {strides = array<i32>} : memref<128x128xf32, #tpu.memory_space<vmem>>, vector<16xf32>,
      %sub3A_412 = vector.broadcast %mul3A_319 : f32 to vector<16xf32>
      %sub3A_413 = arith.subf %get3A_291, %sub3A_412 : vector<16xf32>
      %mul3A_414 = arith.mulf %sub3A_413, %mul3A_355 : vector<16xf32>
      %mul3A_415 = arith.mulf %mul3A_414, %get3A_17 : vector<16xf32>
      %add3A_416 = arith.addf %mul3A_415, %get3A_33 : vector<16xf32>
      %swap3A_417 = arith.index_cast %add3A_267 : i32 to index
      %swap3A_418 = arith.constant 112 : index
      %swap3A_419 = tpu.vector_load %arg8[%swap3A_417, %swap3A_418] {strides = array<i32>} : memref<128x128xf32, #tpu.memory_space<vmem>>, vector<16xf32>,
      tpu.vector_store %arg8[%swap3A_417, %swap3A_418], %add3A_416 {strides = array<i32>} : memref<128x128xf32, #tpu.memory_space<vmem>>, vector<16xf32>,
    }
    %scan3A_64 = arith.constant 128 : i32
    %add3A_65 = arith.constant 6144 : i32
    %add3A_66 = arith.addi %mul3A_2, %add3A_65 : i32
    %dma_start3A_67 = arith.constant 0 : i32
    %dma_start3A_68 = tpu.memref_slice %arg6[%add3A_66, %dma_start3A_67] : memref<204800x128xf32, #tpu.memory_space<hbm>> -> memref<128x128xf32, #tpu.memory_space<hbm>>
    %dma_start3A_69 = arith.constant 0 : i32
    %dma_start3A_70 = tpu.memref_slice %arg6[%add3A_66, %dma_start3A_69] : memref<204800x128xf32, #tpu.memory_space<hbm>> -> memref<128x128xf32, #tpu.memory_space<hbm>>
    tpu.enqueue_dma source(%arg8 : memref<128x128xf32, #tpu.memory_space<vmem>>) target(%dma_start3A_70 : memref<128x128xf32, #tpu.memory_space<hbm>>) target_semaphore(%arg18 : memref<!tpu.dma_semaphore, #tpu.memory_space<semaphore_mem>>)
    %multiple_of3A_71 = arith.constant 6272 : i32
    %multiple_of3A_72 = tpu.assume_multiple %multiple_of3A_71, 128 : i32
    %dma_wait3A_73 = tpu.memref_slice %arg7[%multiple_of3A_72] : memref<6400xi32, #tpu.memory_space<vmem>> -> memref<128xi32, #tpu.memory_space<vmem>>
    %dma_wait3A_74 = arith.constant 0 : i32
    %dma_wait3A_75 = arith.constant 0 : i32
    %dma_wait3A_76 = tpu.memref_slice %arg3[%dma_wait3A_74, %dma_wait3A_75] : memref<100000x128xf32, #tpu.memory_space<hbm>> -> memref<100000x128xf32, #tpu.memory_space<hbm>>
    tpu.wait_indirect_dma semaphore(%arg15 : memref<!tpu.dma_semaphore, #tpu.memory_space<semaphore_mem>>) src(%dma_wait3A_76 : memref<100000x128xf32, #tpu.memory_space<hbm>>) dst(%arg9 : memref<128x128xf32, #tpu.memory_space<vmem>>)
    %scan3A_77 = arith.constant 0 : i32
    %scan3A_78 = arith.constant 128 : i32
    %scan3A_79 = arith.addi %scan3A_77, %scan3A_78 : i32
    %scan3A_80 = arith.constant 2 : i32
    scf.for %scan3A_112 = %scan3A_77 to %scan3A_79 step %scan3A_80  : i32 {
      %mul3A_113 = arith.constant 1 : i32
      %mul3A_114 = arith.muli %scan3A_112, %mul3A_113 : i32
      %add3A_115 = arith.constant 0 : i32
      %add3A_116 = arith.addi %add3A_115, %mul3A_114 : i32
      %get3A_117 = arith.index_cast %add3A_116 : i32 to index
      %get3A_118 = arith.constant 0 : index
      %get3A_119 = tpu.vector_load %arg9[%get3A_117, %get3A_118] {strides = array<i32>} : memref<128x128xf32, #tpu.memory_space<vmem>>, vector<16xf32>,
      %get3A_120 = arith.index_cast %add3A_116 : i32 to index
      %get3A_121 = arith.constant 16 : index
      %get3A_122 = tpu.vector_load %arg9[%get3A_120, %get3A_121] {strides = array<i32>} : memref<128x128xf32, #tpu.memory_space<vmem>>, vector<16xf32>,
      %get3A_123 = arith.index_cast %add3A_116 : i32 to index
      %get3A_124 = arith.constant 32 : index
      %get3A_125 = tpu.vector_load %arg9[%get3A_123, %get3A_124] {strides = array<i32>} : memref<128x128xf32, #tpu.memory_space<vmem>>, vector<16xf32>,
      %get3A_126 = arith.index_cast %add3A_116 : i32 to index
      %get3A_127 = arith.constant 48 : index
      %get3A_128 = tpu.vector_load %arg9[%get3A_126, %get3A_127] {strides = array<i32>} : memref<128x128xf32, #tpu.memory_space<vmem>>, vector<16xf32>,
      %get3A_129 = arith.index_cast %add3A_116 : i32 to index
      %get3A_130 = arith.constant 64 : index
      %get3A_131 = tpu.vector_load %arg9[%get3A_129, %get3A_130] {strides = array<i32>} : memref<128x128xf32, #tpu.memory_space<vmem>>, vector<16xf32>,
      %get3A_132 = arith.index_cast %add3A_116 : i32 to index
      %get3A_133 = arith.constant 80 : index
      %get3A_134 = tpu.vector_load %arg9[%get3A_132, %get3A_133] {strides = array<i32>} : memref<128x128xf32, #tpu.memory_space<vmem>>, vector<16xf32>,
      %get3A_135 = arith.index_cast %add3A_116 : i32 to index
      %get3A_136 = arith.constant 96 : index
      %get3A_137 = tpu.vector_load %arg9[%get3A_135, %get3A_136] {strides = array<i32>} : memref<128x128xf32, #tpu.memory_space<vmem>>, vector<16xf32>,
      %get3A_138 = arith.index_cast %add3A_116 : i32 to index
      %get3A_139 = arith.constant 112 : index
      %get3A_140 = tpu.vector_load %arg9[%get3A_138, %get3A_139] {strides = array<i32>} : memref<128x128xf32, #tpu.memory_space<vmem>>, vector<16xf32>,
      %mul3A_141 = arith.mulf %get3A_119, %get3A_119 : vector<16xf32>
      %add3A_142 = arith.addf %get3A_119, %get3A_122 : vector<16xf32>
      %mul3A_143 = arith.mulf %get3A_122, %get3A_122 : vector<16xf32>
      %add3A_144 = arith.addf %mul3A_141, %mul3A_143 : vector<16xf32>
      %add3A_145 = arith.addf %add3A_142, %get3A_125 : vector<16xf32>
      %mul3A_146 = arith.mulf %get3A_125, %get3A_125 : vector<16xf32>
      %add3A_147 = arith.addf %add3A_144, %mul3A_146 : vector<16xf32>
      %add3A_148 = arith.addf %add3A_145, %get3A_128 : vector<16xf32>
      %mul3A_149 = arith.mulf %get3A_128, %get3A_128 : vector<16xf32>
      %add3A_150 = arith.addf %add3A_147, %mul3A_149 : vector<16xf32>
      %add3A_151 = arith.addf %add3A_148, %get3A_131 : vector<16xf32>
      %mul3A_152 = arith.mulf %get3A_131, %get3A_131 : vector<16xf32>
      %add3A_153 = arith.addf %add3A_150, %mul3A_152 : vector<16xf32>
      %add3A_154 = arith.addf %add3A_151, %get3A_134 : vector<16xf32>
      %mul3A_155 = arith.mulf %get3A_134, %get3A_134 : vector<16xf32>
      %add3A_156 = arith.addf %add3A_153, %mul3A_155 : vector<16xf32>
      %add3A_157 = arith.addf %add3A_154, %get3A_137 : vector<16xf32>
      %mul3A_158 = arith.mulf %get3A_137, %get3A_137 : vector<16xf32>
      %add3A_159 = arith.addf %add3A_156, %mul3A_158 : vector<16xf32>
      %add3A_160 = arith.addf %add3A_157, %get3A_140 : vector<16xf32>
      %mul3A_161 = arith.mulf %get3A_140, %get3A_140 : vector<16xf32>
      %add3A_162 = arith.addf %add3A_159, %mul3A_161 : vector<16xf32>
      %reduce_sum3A = arith.constant true
      %reduce_sum3A_163 = vector.broadcast %reduce_sum3A : i1 to vector<16xi1>
      %reduce_sum3A_164 = tpu.scan <sum>, %add3A_160 masked %reduce_sum3A_163 : vector<16xf32>, vector<16xi1> -> vector<16xf32>
      %reduce_sum3A_165 = vector.extract %reduce_sum3A_164[15] : f32 from vector<16xf32>
      %mul3A_166 = arith.constant 7.812500e-03 : f32
      %mul3A_167 = arith.mulf %reduce_sum3A_165, %mul3A_166 : f32
      %reduce_sum3A_168 = arith.constant true
      %reduce_sum3A_169 = vector.broadcast %reduce_sum3A_168 : i1 to vector<16xi1>
      %reduce_sum3A_170 = tpu.scan <sum>, %add3A_162 masked %reduce_sum3A_169 : vector<16xf32>, vector<16xi1> -> vector<16xf32>
      %reduce_sum3A_171 = vector.extract %reduce_sum3A_170[15] : f32 from vector<16xf32>
      %mul3A_172 = arith.constant 7.812500e-03 : f32
      %mul3A_173 = arith.mulf %reduce_sum3A_171, %mul3A_172 : f32
      %mul3A_174 = arith.mulf %mul3A_167, %mul3A_167 : f32
      %sub3A = arith.subf %mul3A_173, %mul3A_174 : f32
      %max3A = arith.constant 0.000000e+00 : f32
      %max3A_175 = arith.maximumf %sub3A, %max3A : f32
      %add3A_176 = arith.constant 9.99999996E-13 : f32
      %add3A_177 = arith.addf %max3A_175, %add3A_176 : f32
      %broadcast_in_dim3A = vector.broadcast %add3A_177 : f32 to vector<16xf32>
      %bitcast3A = vector.bitcast %broadcast_in_dim3A : vector<16xf32> to vector<16xi32>
      %shift_right_arithmetic3A = arith.constant 1 : i32
      %shift_right_arithmetic3A_178 = vector.broadcast %shift_right_arithmetic3A : i32 to vector<16xi32>
      %shift_right_arithmetic3A_179 = arith.shrsi %bitcast3A, %shift_right_arithmetic3A_178 : vector<16xi32>
      %sub3A_180 = arith.constant 1597463007 : i32
      %sub3A_181 = vector.broadcast %sub3A_180 : i32 to vector<16xi32>
      %sub3A_182 = arith.subi %sub3A_181, %shift_right_arithmetic3A_179 : vector<16xi32>
      %bitcast3A_183 = vector.bitcast %sub3A_182 : vector<16xi32> to vector<16xf32>
      %mul3A_184 = arith.constant 5.000000e-01 : f32
      %mul3A_185 = vector.broadcast %mul3A_184 : f32 to vector<16xf32>
      %mul3A_186 = arith.mulf %broadcast_in_dim3A, %mul3A_185 : vector<16xf32>
      %mul3A_187 = arith.mulf %mul3A_186, %bitcast3A_183 : vector<16xf32>
      %mul3A_188 = arith.mulf %mul3A_187, %bitcast3A_183 : vector<16xf32>
      %sub3A_189 = arith.constant 1.500000e+00 : f32
      %sub3A_190 = vector.broadcast %sub3A_189 : f32 to vector<16xf32>
      %sub3A_191 = arith.subf %sub3A_190, %mul3A_188 : vector<16xf32>
      %mul3A_192 = arith.mulf %bitcast3A_183, %sub3A_191 : vector<16xf32>
      %mul3A_193 = arith.mulf %mul3A_186, %mul3A_192 : vector<16xf32>
      %mul3A_194 = arith.mulf %mul3A_193, %mul3A_192 : vector<16xf32>
      %sub3A_195 = arith.constant 1.500000e+00 : f32
      %sub3A_196 = vector.broadcast %sub3A_195 : f32 to vector<16xf32>
      %sub3A_197 = arith.subf %sub3A_196, %mul3A_194 : vector<16xf32>
      %mul3A_198 = arith.mulf %mul3A_192, %sub3A_197 : vector<16xf32>
      %sub3A_199 = vector.broadcast %mul3A_167 : f32 to vector<16xf32>
      %sub3A_200 = arith.subf %get3A_119, %sub3A_199 : vector<16xf32>
      %mul3A_201 = arith.mulf %sub3A_200, %mul3A_198 : vector<16xf32>
      %mul3A_202 = arith.mulf %mul3A_201, %get3A_3 : vector<16xf32>
      %add3A_203 = arith.addf %mul3A_202, %get3A_19 : vector<16xf32>
      %swap3A = arith.index_cast %add3A_116 : i32 to index
      %swap3A_204 = arith.constant 0 : index
      %swap3A_205 = tpu.vector_load %arg9[%swap3A, %swap3A_204] {strides = array<i32>} : memref<128x128xf32, #tpu.memory_space<vmem>>, vector<16xf32>,
      tpu.vector_store %arg9[%swap3A, %swap3A_204], %add3A_203 {strides = array<i32>} : memref<128x128xf32, #tpu.memory_space<vmem>>, vector<16xf32>,
      %sub3A_206 = vector.broadcast %mul3A_167 : f32 to vector<16xf32>
      %sub3A_207 = arith.subf %get3A_122, %sub3A_206 : vector<16xf32>
      %mul3A_208 = arith.mulf %sub3A_207, %mul3A_198 : vector<16xf32>
      %mul3A_209 = arith.mulf %mul3A_208, %get3A_5 : vector<16xf32>
      %add3A_210 = arith.addf %mul3A_209, %get3A_21 : vector<16xf32>
      %swap3A_211 = arith.index_cast %add3A_116 : i32 to index
      %swap3A_212 = arith.constant 16 : index
      %swap3A_213 = tpu.vector_load %arg9[%swap3A_211, %swap3A_212] {strides = array<i32>} : memref<128x128xf32, #tpu.memory_space<vmem>>, vector<16xf32>,
      tpu.vector_store %arg9[%swap3A_211, %swap3A_212], %add3A_210 {strides = array<i32>} : memref<128x128xf32, #tpu.memory_space<vmem>>, vector<16xf32>,
      %sub3A_214 = vector.broadcast %mul3A_167 : f32 to vector<16xf32>
      %sub3A_215 = arith.subf %get3A_125, %sub3A_214 : vector<16xf32>
      %mul3A_216 = arith.mulf %sub3A_215, %mul3A_198 : vector<16xf32>
      %mul3A_217 = arith.mulf %mul3A_216, %get3A_7 : vector<16xf32>
      %add3A_218 = arith.addf %mul3A_217, %get3A_23 : vector<16xf32>
      %swap3A_219 = arith.index_cast %add3A_116 : i32 to index
      %swap3A_220 = arith.constant 32 : index
      %swap3A_221 = tpu.vector_load %arg9[%swap3A_219, %swap3A_220] {strides = array<i32>} : memref<128x128xf32, #tpu.memory_space<vmem>>, vector<16xf32>,
      tpu.vector_store %arg9[%swap3A_219, %swap3A_220], %add3A_218 {strides = array<i32>} : memref<128x128xf32, #tpu.memory_space<vmem>>, vector<16xf32>,
      %sub3A_222 = vector.broadcast %mul3A_167 : f32 to vector<16xf32>
      %sub3A_223 = arith.subf %get3A_128, %sub3A_222 : vector<16xf32>
      %mul3A_224 = arith.mulf %sub3A_223, %mul3A_198 : vector<16xf32>
      %mul3A_225 = arith.mulf %mul3A_224, %get3A_9 : vector<16xf32>
      %add3A_226 = arith.addf %mul3A_225, %get3A_25 : vector<16xf32>
      %swap3A_227 = arith.index_cast %add3A_116 : i32 to index
      %swap3A_228 = arith.constant 48 : index
      %swap3A_229 = tpu.vector_load %arg9[%swap3A_227, %swap3A_228] {strides = array<i32>} : memref<128x128xf32, #tpu.memory_space<vmem>>, vector<16xf32>,
      tpu.vector_store %arg9[%swap3A_227, %swap3A_228], %add3A_226 {strides = array<i32>} : memref<128x128xf32, #tpu.memory_space<vmem>>, vector<16xf32>,
      %sub3A_230 = vector.broadcast %mul3A_167 : f32 to vector<16xf32>
      %sub3A_231 = arith.subf %get3A_131, %sub3A_230 : vector<16xf32>
      %mul3A_232 = arith.mulf %sub3A_231, %mul3A_198 : vector<16xf32>
      %mul3A_233 = arith.mulf %mul3A_232, %get3A_11 : vector<16xf32>
      %add3A_234 = arith.addf %mul3A_233, %get3A_27 : vector<16xf32>
      %swap3A_235 = arith.index_cast %add3A_116 : i32 to index
      %swap3A_236 = arith.constant 64 : index
      %swap3A_237 = tpu.vector_load %arg9[%swap3A_235, %swap3A_236] {strides = array<i32>} : memref<128x128xf32, #tpu.memory_space<vmem>>, vector<16xf32>,
      tpu.vector_store %arg9[%swap3A_235, %swap3A_236], %add3A_234 {strides = array<i32>} : memref<128x128xf32, #tpu.memory_space<vmem>>, vector<16xf32>,
      %sub3A_238 = vector.broadcast %mul3A_167 : f32 to vector<16xf32>
      %sub3A_239 = arith.subf %get3A_134, %sub3A_238 : vector<16xf32>
      %mul3A_240 = arith.mulf %sub3A_239, %mul3A_198 : vector<16xf32>
      %mul3A_241 = arith.mulf %mul3A_240, %get3A_13 : vector<16xf32>
      %add3A_242 = arith.addf %mul3A_241, %get3A_29 : vector<16xf32>
      %swap3A_243 = arith.index_cast %add3A_116 : i32 to index
      %swap3A_244 = arith.constant 80 : index
      %swap3A_245 = tpu.vector_load %arg9[%swap3A_243, %swap3A_244] {strides = array<i32>} : memref<128x128xf32, #tpu.memory_space<vmem>>, vector<16xf32>,
      tpu.vector_store %arg9[%swap3A_243, %swap3A_244], %add3A_242 {strides = array<i32>} : memref<128x128xf32, #tpu.memory_space<vmem>>, vector<16xf32>,
      %sub3A_246 = vector.broadcast %mul3A_167 : f32 to vector<16xf32>
      %sub3A_247 = arith.subf %get3A_137, %sub3A_246 : vector<16xf32>
      %mul3A_248 = arith.mulf %sub3A_247, %mul3A_198 : vector<16xf32>
      %mul3A_249 = arith.mulf %mul3A_248, %get3A_15 : vector<16xf32>
      %add3A_250 = arith.addf %mul3A_249, %get3A_31 : vector<16xf32>
      %swap3A_251 = arith.index_cast %add3A_116 : i32 to index
      %swap3A_252 = arith.constant 96 : index
      %swap3A_253 = tpu.vector_load %arg9[%swap3A_251, %swap3A_252] {strides = array<i32>} : memref<128x128xf32, #tpu.memory_space<vmem>>, vector<16xf32>,
      tpu.vector_store %arg9[%swap3A_251, %swap3A_252], %add3A_250 {strides = array<i32>} : memref<128x128xf32, #tpu.memory_space<vmem>>, vector<16xf32>,
      %sub3A_254 = vector.broadcast %mul3A_167 : f32 to vector<16xf32>
      %sub3A_255 = arith.subf %get3A_140, %sub3A_254 : vector<16xf32>
      %mul3A_256 = arith.mulf %sub3A_255, %mul3A_198 : vector<16xf32>
      %mul3A_257 = arith.mulf %mul3A_256, %get3A_17 : vector<16xf32>
      %add3A_258 = arith.addf %mul3A_257, %get3A_33 : vector<16xf32>
      %swap3A_259 = arith.index_cast %add3A_116 : i32 to index
      %swap3A_260 = arith.constant 112 : index
      %swap3A_261 = tpu.vector_load %arg9[%swap3A_259, %swap3A_260] {strides = array<i32>} : memref<128x128xf32, #tpu.memory_space<vmem>>, vector<16xf32>,
      tpu.vector_store %arg9[%swap3A_259, %swap3A_260], %add3A_258 {strides = array<i32>} : memref<128x128xf32, #tpu.memory_space<vmem>>, vector<16xf32>,
      %scan3A_262 = arith.constant 1 : i32
      %scan3A_263 = arith.addi %scan3A_112, %scan3A_262 : i32
      %mul3A_264 = arith.constant 1 : i32
      %mul3A_265 = arith.muli %scan3A_263, %mul3A_264 : i32
      %add3A_266 = arith.constant 0 : i32
      %add3A_267 = arith.addi %add3A_266, %mul3A_265 : i32
      %get3A_268 = arith.index_cast %add3A_267 : i32 to index
      %get3A_269 = arith.constant 0 : index
      %get3A_270 = tpu.vector_load %arg9[%get3A_268, %get3A_269] {strides = array<i32>} : memref<128x128xf32, #tpu.memory_space<vmem>>, vector<16xf32>,
      %get3A_271 = arith.index_cast %add3A_267 : i32 to index
      %get3A_272 = arith.constant 16 : index
      %get3A_273 = tpu.vector_load %arg9[%get3A_271, %get3A_272] {strides = array<i32>} : memref<128x128xf32, #tpu.memory_space<vmem>>, vector<16xf32>,
      %get3A_274 = arith.index_cast %add3A_267 : i32 to index
      %get3A_275 = arith.constant 32 : index
      %get3A_276 = tpu.vector_load %arg9[%get3A_274, %get3A_275] {strides = array<i32>} : memref<128x128xf32, #tpu.memory_space<vmem>>, vector<16xf32>,
      %get3A_277 = arith.index_cast %add3A_267 : i32 to index
      %get3A_278 = arith.constant 48 : index
      %get3A_279 = tpu.vector_load %arg9[%get3A_277, %get3A_278] {strides = array<i32>} : memref<128x128xf32, #tpu.memory_space<vmem>>, vector<16xf32>,
      %get3A_280 = arith.index_cast %add3A_267 : i32 to index
      %get3A_281 = arith.constant 64 : index
      %get3A_282 = tpu.vector_load %arg9[%get3A_280, %get3A_281] {strides = array<i32>} : memref<128x128xf32, #tpu.memory_space<vmem>>, vector<16xf32>,
      %get3A_283 = arith.index_cast %add3A_267 : i32 to index
      %get3A_284 = arith.constant 80 : index
      %get3A_285 = tpu.vector_load %arg9[%get3A_283, %get3A_284] {strides = array<i32>} : memref<128x128xf32, #tpu.memory_space<vmem>>, vector<16xf32>,
      %get3A_286 = arith.index_cast %add3A_267 : i32 to index
      %get3A_287 = arith.constant 96 : index
      %get3A_288 = tpu.vector_load %arg9[%get3A_286, %get3A_287] {strides = array<i32>} : memref<128x128xf32, #tpu.memory_space<vmem>>, vector<16xf32>,
      %get3A_289 = arith.index_cast %add3A_267 : i32 to index
      %get3A_290 = arith.constant 112 : index
      %get3A_291 = tpu.vector_load %arg9[%get3A_289, %get3A_290] {strides = array<i32>} : memref<128x128xf32, #tpu.memory_space<vmem>>, vector<16xf32>,
      %mul3A_292 = arith.mulf %get3A_270, %get3A_270 : vector<16xf32>
      %add3A_293 = arith.addf %get3A_270, %get3A_273 : vector<16xf32>
      %mul3A_294 = arith.mulf %get3A_273, %get3A_273 : vector<16xf32>
      %add3A_295 = arith.addf %mul3A_292, %mul3A_294 : vector<16xf32>
      %add3A_296 = arith.addf %add3A_293, %get3A_276 : vector<16xf32>
      %mul3A_297 = arith.mulf %get3A_276, %get3A_276 : vector<16xf32>
      %add3A_298 = arith.addf %add3A_295, %mul3A_297 : vector<16xf32>
      %add3A_299 = arith.addf %add3A_296, %get3A_279 : vector<16xf32>
      %mul3A_300 = arith.mulf %get3A_279, %get3A_279 : vector<16xf32>
      %add3A_301 = arith.addf %add3A_298, %mul3A_300 : vector<16xf32>
      %add3A_302 = arith.addf %add3A_299, %get3A_282 : vector<16xf32>
      %mul3A_303 = arith.mulf %get3A_282, %get3A_282 : vector<16xf32>
      %add3A_304 = arith.addf %add3A_301, %mul3A_303 : vector<16xf32>
      %add3A_305 = arith.addf %add3A_302, %get3A_285 : vector<16xf32>
      %mul3A_306 = arith.mulf %get3A_285, %get3A_285 : vector<16xf32>
      %add3A_307 = arith.addf %add3A_304, %mul3A_306 : vector<16xf32>
      %add3A_308 = arith.addf %add3A_305, %get3A_288 : vector<16xf32>
      %mul3A_309 = arith.mulf %get3A_288, %get3A_288 : vector<16xf32>
      %add3A_310 = arith.addf %add3A_307, %mul3A_309 : vector<16xf32>
      %add3A_311 = arith.addf %add3A_308, %get3A_291 : vector<16xf32>
      %mul3A_312 = arith.mulf %get3A_291, %get3A_291 : vector<16xf32>
      %add3A_313 = arith.addf %add3A_310, %mul3A_312 : vector<16xf32>
      %reduce_sum3A_314 = arith.constant true
      %reduce_sum3A_315 = vector.broadcast %reduce_sum3A_314 : i1 to vector<16xi1>
      %reduce_sum3A_316 = tpu.scan <sum>, %add3A_311 masked %reduce_sum3A_315 : vector<16xf32>, vector<16xi1> -> vector<16xf32>
      %reduce_sum3A_317 = vector.extract %reduce_sum3A_316[15] : f32 from vector<16xf32>
      %mul3A_318 = arith.constant 7.812500e-03 : f32
      %mul3A_319 = arith.mulf %reduce_sum3A_317, %mul3A_318 : f32
      %reduce_sum3A_320 = arith.constant true
      %reduce_sum3A_321 = vector.broadcast %reduce_sum3A_320 : i1 to vector<16xi1>
      %reduce_sum3A_322 = tpu.scan <sum>, %add3A_313 masked %reduce_sum3A_321 : vector<16xf32>, vector<16xi1> -> vector<16xf32>
      %reduce_sum3A_323 = vector.extract %reduce_sum3A_322[15] : f32 from vector<16xf32>
      %mul3A_324 = arith.constant 7.812500e-03 : f32
      %mul3A_325 = arith.mulf %reduce_sum3A_323, %mul3A_324 : f32
      %mul3A_326 = arith.mulf %mul3A_319, %mul3A_319 : f32
      %sub3A_327 = arith.subf %mul3A_325, %mul3A_326 : f32
      %max3A_328 = arith.constant 0.000000e+00 : f32
      %max3A_329 = arith.maximumf %sub3A_327, %max3A_328 : f32
      %add3A_330 = arith.constant 9.99999996E-13 : f32
      %add3A_331 = arith.addf %max3A_329, %add3A_330 : f32
      %broadcast_in_dim3A_332 = vector.broadcast %add3A_331 : f32 to vector<16xf32>
      %bitcast3A_333 = vector.bitcast %broadcast_in_dim3A_332 : vector<16xf32> to vector<16xi32>
      %shift_right_arithmetic3A_334 = arith.constant 1 : i32
      %shift_right_arithmetic3A_335 = vector.broadcast %shift_right_arithmetic3A_334 : i32 to vector<16xi32>
      %shift_right_arithmetic3A_336 = arith.shrsi %bitcast3A_333, %shift_right_arithmetic3A_335 : vector<16xi32>
      %sub3A_337 = arith.constant 1597463007 : i32
      %sub3A_338 = vector.broadcast %sub3A_337 : i32 to vector<16xi32>
      %sub3A_339 = arith.subi %sub3A_338, %shift_right_arithmetic3A_336 : vector<16xi32>
      %bitcast3A_340 = vector.bitcast %sub3A_339 : vector<16xi32> to vector<16xf32>
      %mul3A_341 = arith.constant 5.000000e-01 : f32
      %mul3A_342 = vector.broadcast %mul3A_341 : f32 to vector<16xf32>
      %mul3A_343 = arith.mulf %broadcast_in_dim3A_332, %mul3A_342 : vector<16xf32>
      %mul3A_344 = arith.mulf %mul3A_343, %bitcast3A_340 : vector<16xf32>
      %mul3A_345 = arith.mulf %mul3A_344, %bitcast3A_340 : vector<16xf32>
      %sub3A_346 = arith.constant 1.500000e+00 : f32
      %sub3A_347 = vector.broadcast %sub3A_346 : f32 to vector<16xf32>
      %sub3A_348 = arith.subf %sub3A_347, %mul3A_345 : vector<16xf32>
      %mul3A_349 = arith.mulf %bitcast3A_340, %sub3A_348 : vector<16xf32>
      %mul3A_350 = arith.mulf %mul3A_343, %mul3A_349 : vector<16xf32>
      %mul3A_351 = arith.mulf %mul3A_350, %mul3A_349 : vector<16xf32>
      %sub3A_352 = arith.constant 1.500000e+00 : f32
      %sub3A_353 = vector.broadcast %sub3A_352 : f32 to vector<16xf32>
      %sub3A_354 = arith.subf %sub3A_353, %mul3A_351 : vector<16xf32>
      %mul3A_355 = arith.mulf %mul3A_349, %sub3A_354 : vector<16xf32>
      %sub3A_356 = vector.broadcast %mul3A_319 : f32 to vector<16xf32>
      %sub3A_357 = arith.subf %get3A_270, %sub3A_356 : vector<16xf32>
      %mul3A_358 = arith.mulf %sub3A_357, %mul3A_355 : vector<16xf32>
      %mul3A_359 = arith.mulf %mul3A_358, %get3A_3 : vector<16xf32>
      %add3A_360 = arith.addf %mul3A_359, %get3A_19 : vector<16xf32>
      %swap3A_361 = arith.index_cast %add3A_267 : i32 to index
      %swap3A_362 = arith.constant 0 : index
      %swap3A_363 = tpu.vector_load %arg9[%swap3A_361, %swap3A_362] {strides = array<i32>} : memref<128x128xf32, #tpu.memory_space<vmem>>, vector<16xf32>,
      tpu.vector_store %arg9[%swap3A_361, %swap3A_362], %add3A_360 {strides = array<i32>} : memref<128x128xf32, #tpu.memory_space<vmem>>, vector<16xf32>,
      %sub3A_364 = vector.broadcast %mul3A_319 : f32 to vector<16xf32>
      %sub3A_365 = arith.subf %get3A_273, %sub3A_364 : vector<16xf32>
      %mul3A_366 = arith.mulf %sub3A_365, %mul3A_355 : vector<16xf32>
      %mul3A_367 = arith.mulf %mul3A_366, %get3A_5 : vector<16xf32>
      %add3A_368 = arith.addf %mul3A_367, %get3A_21 : vector<16xf32>
      %swap3A_369 = arith.index_cast %add3A_267 : i32 to index
      %swap3A_370 = arith.constant 16 : index
      %swap3A_371 = tpu.vector_load %arg9[%swap3A_369, %swap3A_370] {strides = array<i32>} : memref<128x128xf32, #tpu.memory_space<vmem>>, vector<16xf32>,
      tpu.vector_store %arg9[%swap3A_369, %swap3A_370], %add3A_368 {strides = array<i32>} : memref<128x128xf32, #tpu.memory_space<vmem>>, vector<16xf32>,
      %sub3A_372 = vector.broadcast %mul3A_319 : f32 to vector<16xf32>
      %sub3A_373 = arith.subf %get3A_276, %sub3A_372 : vector<16xf32>
      %mul3A_374 = arith.mulf %sub3A_373, %mul3A_355 : vector<16xf32>
      %mul3A_375 = arith.mulf %mul3A_374, %get3A_7 : vector<16xf32>
      %add3A_376 = arith.addf %mul3A_375, %get3A_23 : vector<16xf32>
      %swap3A_377 = arith.index_cast %add3A_267 : i32 to index
      %swap3A_378 = arith.constant 32 : index
      %swap3A_379 = tpu.vector_load %arg9[%swap3A_377, %swap3A_378] {strides = array<i32>} : memref<128x128xf32, #tpu.memory_space<vmem>>, vector<16xf32>,
      tpu.vector_store %arg9[%swap3A_377, %swap3A_378], %add3A_376 {strides = array<i32>} : memref<128x128xf32, #tpu.memory_space<vmem>>, vector<16xf32>,
      %sub3A_380 = vector.broadcast %mul3A_319 : f32 to vector<16xf32>
      %sub3A_381 = arith.subf %get3A_279, %sub3A_380 : vector<16xf32>
      %mul3A_382 = arith.mulf %sub3A_381, %mul3A_355 : vector<16xf32>
      %mul3A_383 = arith.mulf %mul3A_382, %get3A_9 : vector<16xf32>
      %add3A_384 = arith.addf %mul3A_383, %get3A_25 : vector<16xf32>
      %swap3A_385 = arith.index_cast %add3A_267 : i32 to index
      %swap3A_386 = arith.constant 48 : index
      %swap3A_387 = tpu.vector_load %arg9[%swap3A_385, %swap3A_386] {strides = array<i32>} : memref<128x128xf32, #tpu.memory_space<vmem>>, vector<16xf32>,
      tpu.vector_store %arg9[%swap3A_385, %swap3A_386], %add3A_384 {strides = array<i32>} : memref<128x128xf32, #tpu.memory_space<vmem>>, vector<16xf32>,
      %sub3A_388 = vector.broadcast %mul3A_319 : f32 to vector<16xf32>
      %sub3A_389 = arith.subf %get3A_282, %sub3A_388 : vector<16xf32>
      %mul3A_390 = arith.mulf %sub3A_389, %mul3A_355 : vector<16xf32>
      %mul3A_391 = arith.mulf %mul3A_390, %get3A_11 : vector<16xf32>
      %add3A_392 = arith.addf %mul3A_391, %get3A_27 : vector<16xf32>
      %swap3A_393 = arith.index_cast %add3A_267 : i32 to index
      %swap3A_394 = arith.constant 64 : index
      %swap3A_395 = tpu.vector_load %arg9[%swap3A_393, %swap3A_394] {strides = array<i32>} : memref<128x128xf32, #tpu.memory_space<vmem>>, vector<16xf32>,
      tpu.vector_store %arg9[%swap3A_393, %swap3A_394], %add3A_392 {strides = array<i32>} : memref<128x128xf32, #tpu.memory_space<vmem>>, vector<16xf32>,
      %sub3A_396 = vector.broadcast %mul3A_319 : f32 to vector<16xf32>
      %sub3A_397 = arith.subf %get3A_285, %sub3A_396 : vector<16xf32>
      %mul3A_398 = arith.mulf %sub3A_397, %mul3A_355 : vector<16xf32>
      %mul3A_399 = arith.mulf %mul3A_398, %get3A_13 : vector<16xf32>
      %add3A_400 = arith.addf %mul3A_399, %get3A_29 : vector<16xf32>
      %swap3A_401 = arith.index_cast %add3A_267 : i32 to index
      %swap3A_402 = arith.constant 80 : index
      %swap3A_403 = tpu.vector_load %arg9[%swap3A_401, %swap3A_402] {strides = array<i32>} : memref<128x128xf32, #tpu.memory_space<vmem>>, vector<16xf32>,
      tpu.vector_store %arg9[%swap3A_401, %swap3A_402], %add3A_400 {strides = array<i32>} : memref<128x128xf32, #tpu.memory_space<vmem>>, vector<16xf32>,
      %sub3A_404 = vector.broadcast %mul3A_319 : f32 to vector<16xf32>
      %sub3A_405 = arith.subf %get3A_288, %sub3A_404 : vector<16xf32>
      %mul3A_406 = arith.mulf %sub3A_405, %mul3A_355 : vector<16xf32>
      %mul3A_407 = arith.mulf %mul3A_406, %get3A_15 : vector<16xf32>
      %add3A_408 = arith.addf %mul3A_407, %get3A_31 : vector<16xf32>
      %swap3A_409 = arith.index_cast %add3A_267 : i32 to index
      %swap3A_410 = arith.constant 96 : index
      %swap3A_411 = tpu.vector_load %arg9[%swap3A_409, %swap3A_410] {strides = array<i32>} : memref<128x128xf32, #tpu.memory_space<vmem>>, vector<16xf32>,
      tpu.vector_store %arg9[%swap3A_409, %swap3A_410], %add3A_408 {strides = array<i32>} : memref<128x128xf32, #tpu.memory_space<vmem>>, vector<16xf32>,
      %sub3A_412 = vector.broadcast %mul3A_319 : f32 to vector<16xf32>
      %sub3A_413 = arith.subf %get3A_291, %sub3A_412 : vector<16xf32>
      %mul3A_414 = arith.mulf %sub3A_413, %mul3A_355 : vector<16xf32>
      %mul3A_415 = arith.mulf %mul3A_414, %get3A_17 : vector<16xf32>
      %add3A_416 = arith.addf %mul3A_415, %get3A_33 : vector<16xf32>
      %swap3A_417 = arith.index_cast %add3A_267 : i32 to index
      %swap3A_418 = arith.constant 112 : index
      %swap3A_419 = tpu.vector_load %arg9[%swap3A_417, %swap3A_418] {strides = array<i32>} : memref<128x128xf32, #tpu.memory_space<vmem>>, vector<16xf32>,
      tpu.vector_store %arg9[%swap3A_417, %swap3A_418], %add3A_416 {strides = array<i32>} : memref<128x128xf32, #tpu.memory_space<vmem>>, vector<16xf32>,
    }
    %scan3A_81 = arith.constant 128 : i32
    %add3A_82 = arith.constant 6272 : i32
    %add3A_83 = arith.addi %mul3A_2, %add3A_82 : i32
    %dma_start3A_84 = arith.constant 0 : i32
    %dma_start3A_85 = tpu.memref_slice %arg6[%add3A_83, %dma_start3A_84] : memref<204800x128xf32, #tpu.memory_space<hbm>> -> memref<128x128xf32, #tpu.memory_space<hbm>>
    %dma_start3A_86 = arith.constant 0 : i32
    %dma_start3A_87 = tpu.memref_slice %arg6[%add3A_83, %dma_start3A_86] : memref<204800x128xf32, #tpu.memory_space<hbm>> -> memref<128x128xf32, #tpu.memory_space<hbm>>
    tpu.enqueue_dma source(%arg9 : memref<128x128xf32, #tpu.memory_space<vmem>>) target(%dma_start3A_87 : memref<128x128xf32, #tpu.memory_space<hbm>>) target_semaphore(%arg19 : memref<!tpu.dma_semaphore, #tpu.memory_space<semaphore_mem>>)
    %add3A_88 = arith.constant 5888 : i32
    %add3A_89 = arith.addi %mul3A_2, %add3A_88 : i32
    %dma_wait3A_90 = arith.constant 0 : i32
    %dma_wait3A_91 = tpu.memref_slice %arg6[%add3A_89, %dma_wait3A_90] : memref<204800x128xf32, #tpu.memory_space<hbm>> -> memref<128x128xf32, #tpu.memory_space<hbm>>
    %dma_wait3A_92 = arith.constant 0 : i32
    %dma_wait3A_93 = tpu.memref_slice %arg6[%add3A_89, %dma_wait3A_92] : memref<204800x128xf32, #tpu.memory_space<hbm>> -> memref<128x128xf32, #tpu.memory_space<hbm>>
    tpu.wait_dma2 semaphore(%arg20 : memref<!tpu.dma_semaphore, #tpu.memory_space<semaphore_mem>>) src(%arg10 : memref<128x128xf32, #tpu.memory_space<vmem>>) dst(%dma_wait3A_93 : memref<128x128xf32, #tpu.memory_space<hbm>>)
    %add3A_94 = arith.constant 6016 : i32
    %add3A_95 = arith.addi %mul3A_2, %add3A_94 : i32
    %dma_wait3A_96 = arith.constant 0 : i32
    %dma_wait3A_97 = tpu.memref_slice %arg6[%add3A_95, %dma_wait3A_96] : memref<204800x128xf32, #tpu.memory_space<hbm>> -> memref<128x128xf32, #tpu.memory_space<hbm>>
    %dma_wait3A_98 = arith.constant 0 : i32
    %dma_wait3A_99 = tpu.memref_slice %arg6[%add3A_95, %dma_wait3A_98] : memref<204800x128xf32, #tpu.memory_space<hbm>> -> memref<128x128xf32, #tpu.memory_space<hbm>>
    tpu.wait_dma2 semaphore(%arg21 : memref<!tpu.dma_semaphore, #tpu.memory_space<semaphore_mem>>) src(%arg11 : memref<128x128xf32, #tpu.memory_space<vmem>>) dst(%dma_wait3A_99 : memref<128x128xf32, #tpu.memory_space<hbm>>)
    %add3A_100 = arith.constant 6144 : i32
    %add3A_101 = arith.addi %mul3A_2, %add3A_100 : i32
    %dma_wait3A_102 = arith.constant 0 : i32
    %dma_wait3A_103 = tpu.memref_slice %arg6[%add3A_101, %dma_wait3A_102] : memref<204800x128xf32, #tpu.memory_space<hbm>> -> memref<128x128xf32, #tpu.memory_space<hbm>>
    %dma_wait3A_104 = arith.constant 0 : i32
    %dma_wait3A_105 = tpu.memref_slice %arg6[%add3A_101, %dma_wait3A_104] : memref<204800x128xf32, #tpu.memory_space<hbm>> -> memref<128x128xf32, #tpu.memory_space<hbm>>
    tpu.wait_dma2 semaphore(%arg18 : memref<!tpu.dma_semaphore, #tpu.memory_space<semaphore_mem>>) src(%arg8 : memref<128x128xf32, #tpu.memory_space<vmem>>) dst(%dma_wait3A_105 : memref<128x128xf32, #tpu.memory_space<hbm>>)
    %add3A_106 = arith.constant 6272 : i32
    %add3A_107 = arith.addi %mul3A_2, %add3A_106 : i32
    %dma_wait3A_108 = arith.constant 0 : i32
    %dma_wait3A_109 = tpu.memref_slice %arg6[%add3A_107, %dma_wait3A_108] : memref<204800x128xf32, #tpu.memory_space<hbm>> -> memref<128x128xf32, #tpu.memory_space<hbm>>
    %dma_wait3A_110 = arith.constant 0 : i32
    %dma_wait3A_111 = tpu.memref_slice %arg6[%add3A_107, %dma_wait3A_110] : memref<204800x128xf32, #tpu.memory_space<hbm>> -> memref<128x128xf32, #tpu.memory_space<hbm>>
    tpu.wait_dma2 semaphore(%arg19 : memref<!tpu.dma_semaphore, #tpu.memory_space<semaphore_mem>>) src(%arg9 : memref<128x128xf32, #tpu.memory_space<vmem>>) dst(%dma_wait3A_111 : memref<128x128xf32, #tpu.memory_space<hbm>>)
    return
  }
}

</mosaic_0001>

<sc_bundles>
// kernel: _emb_ln.3.cloned.1.call-start
scs
__scs_entry_jumppad:
0x0: {  	(pc) =	sbr.rel $0x88, $3  }
0x1: {  	(tag) =	ssettag $0x0;
	lr =	simm.s32 $0x1  }
0x2: {  	[smem:$0x3F9D] =	sst lr;
	_ =	strace $0xD0000000  }
0x3: {  	_ = 	snop  }
0x4: {  	_ = 	snop  }
0x5: {  	_ = 	snop  }
0x6: {  	_ = 	snop  }
0x7: {  	_ = 	snop  }
__scs_overlays_trampoline_lowered:
0x8: {  	[smem:$0x3FAC] =	sst s0  }
0x9: {  	[smem:$0x3FAD] =	sst s1  }
0xa: {  	[smem:$0x3FAE] =	sst s2  }
0xb: {  	[smem:$0x3FAF] =	sst s3  }
0xc: {  	[smem:$0x3FB0] =	sst s4  }
0xd: {  	[smem:$0x3FB1] =	sst s5  }
0xe: {  	[smem:$0x3FB2] =	sst s6  }
0xf: {  	[smem:$0x3FB3] =	sst s7  }
0x10: {  	[smem:$0x3FB4] =	sst s8  }
0x11: {  	[smem:$0x3FB5] =	sst s9;
	s0 =	simm.s32 @!p0 $0x0  }
0x12: {  	s1 =	sld [smem:$0x3F9B];
	s0 =	simm.s32 @p0 $0x1  }
0x13: {  	[smem:$0x3FB6] =	sst s0;
	s0 =	simm.s32 @!p1 $0x0  }
0x14: {  	s2 =	sld [smem:$0x3F9A];
	s0 =	simm.s32 @p1 $0x1  }
0x15: {  	[smem:$0x3FB7] =	sst s0;
	s0 =	simm.s32 @!p2 $0x0  }
0x16: {  	s3 =	sld [smem:$0x3FDB];
	s0 =	simm.s32 @p2 $0x1  }
0x17: {  	s4 =	simm.s32 $0x1BF5;
	[smem:$0x3FB9] =	sst s0  }
0x18: {  	s0 =	sld [smem:$0x3F9C];
	_ =	swait.ge [sflag:s4], $0x0  }
0x19: {  	s7 =	sld [smem:$0x3F9D]  }
0x1a: {  	s8 =	sadd.s32 $0xFFFFE003, lr  }
0x1b: {  	s9 =	sadd.s32 $0xFFFFFEF7, lr;
	s5 =	simm.s32 $0xFFFFFFFF;
	p2 =	slt.u32 s8, $0xFFFFF086  }
0x1c: {  	p1 =	slt.u32 s9, $0xF7A;
	s5 =	simm.s32 @!p2 $0x0  }
0x1d: {  	s5 =	simm.s32 @p1 $0x1;
	p0 =	seq.s32 s7, s2  }
0x1e: {  	s7 =	smul.u32 @!p0 $0xF7A, s2;
	p2 =	seq.s32 @!p0 s5, $0x0  }
0x1f: {  	s9 =	smul.u32 $0xF7A, s1;
	s8 =	simm.s32 @!p0 $0x1BF5;
	p2 =	por !p2, p0  }
0x20: {  	[sflag:s8] =	ssyncset.s32 @!p0 $0xFFFFF086;
	s6 =	sadd.s32 @!p0 s3, s7;
	s7 =	simm.s32 @!p0 $0x108  }
0x21: {  	s3 =	sadd.s32 s3, s9;
	s6 =	sadd.s32 @!p0 $0x88, s6;
	s7 =	simm.s32 @p2 $0x1082  }
0x22: {  	[simem:s7], [sflag:s8] =	dma.local @!p0 [hbm:s6], $0xF7A  }
0x23: {  	s9 =	sor.u32 $0xD0000000, s2;
	s6 =	simm.s32 $0x108;
	_ =	swait.ge @!p0 [sflag:s8], $0x0  }
0x24: {  	s3 =	sadd.s32 $0x88, s3;
	s6 =	simm.s32 @!p1 $0x1082;
	[sflag:s4] =	ssyncset.s32 $0xFFFFF086  }
0x25: {  	[simem:s6], [sflag:s4] =	dma.local [hbm:s3], $0xF7A  }
0x26: {  	[smem:$0x3F9D] =	sst s1;
	(tag) =	ssettag s2;
	_ =	strace s9  }
0x27: {  	s1 =	sld [smem:$0x3FAD]  }
0x28: {  	s2 =	sld [smem:$0x3FAE]  }
0x29: {  	s4 =	sld [smem:$0x3FB0]  }
0x2a: {  	p0 =	seq.s32 s5, $0x0;
	s5 =	sld [smem:$0x3FB1]  }
0x2b: {  	s6 =	sld [smem:$0x3FB2]  }
0x2c: {  	s7 =	sld [smem:$0x3FB3]  }
0x2d: {  	s3 =	simm.s32 $0x108;
	s8 =	sld [smem:$0x3FB4]  }
0x2e: {  	s3 =	simm.s32 @!p0 $0x1082;
	s9 =	sld [smem:$0x3FB5]  }
0x2f: {  	lr =	sadd.s32 s0, s3;
	s0 =	sld [smem:$0x3FAC]  }
0x30: {  	s3 =	sld [smem:$0x3FAF]  }
0x31: {  	[smem:$0x3FB8] =	sst s10  }
0x32: {  	s10 =	sld [smem:$0x3FB6];
	_ =	sdelay $0x3  }
0x33: {  	p0 =	seq.s32 s10, $0x1;
	s10 =	sld [smem:$0x3FB8];
	_ =	sdelay $0x3  }
0x34: {  	[smem:$0x3FB8] =	sst s10  }
0x35: {  	s10 =	sld [smem:$0x3FB7];
	_ =	sdelay $0x3  }
0x36: {  	p1 =	seq.s32 s10, $0x1;
	s10 =	sld [smem:$0x3FB8];
	_ =	sdelay $0x3  }
0x37: {  	[smem:$0x3FB8] =	sst s10  }
0x38: {  	s10 =	sld [smem:$0x3FB9]  }
0x39: {  	_ = 	snop;
	(pc) =	sbr.ind lr, $3  }
0x3a: {  	_ = 	snop  }
0x3b: {  	_ = 	snop  }
0x3c: {  	p2 =	seq.s32 s10, $0x1;
	s10 =	sld [smem:$0x3FB8]  }
0x3d: {  	_ =	shalt  }
0x3e: {  	_ =	shalt  }
0x3f: {  	_ =	shalt  }
0x40: {  	_ =	shalt  }
0x41: {  	_ =	shalt  }
0x42: {  	_ =	shalt  }
0x43: {  	_ =	shalt  }
0x44: {  	_ =	shalt  }
0x45: {  	_ =	shalt  }
0x46: {  	_ =	shalt  }
0x47: {  	_ =	shalt  }
0x48: {  	_ =	shalt  }
0x49: {  	_ =	shalt  }
0x4a: {  	_ =	shalt  }
0x4b: {  	_ =	shalt  }
0x4c: {  	_ =	shalt  }
0x4d: {  	_ =	shalt  }
0x4e: {  	_ =	shalt  }
0x4f: {  	_ =	shalt  }
0x50: {  	_ =	shalt  }
0x51: {  	_ =	shalt  }
0x52: {  	_ =	shalt  }
0x53: {  	_ =	shalt  }
0x54: {  	_ =	shalt  }
0x55: {  	_ =	shalt  }
0x56: {  	_ =	shalt  }
0x57: {  	_ =	shalt  }
0x58: {  	_ =	shalt  }
0x59: {  	_ =	shalt  }
0x5a: {  	_ =	shalt  }
0x5b: {  	_ =	shalt  }
0x5c: {  	_ =	shalt  }
0x5d: {  	_ =	shalt  }
0x5e: {  	_ =	shalt  }
0x5f: {  	_ =	shalt  }
0x60: {  	_ =	shalt  }
0x61: {  	_ =	shalt  }
0x62: {  	_ =	shalt  }
0x63: {  	_ =	shalt  }
0x64: {  	_ =	shalt  }
0x65: {  	_ =	shalt  }
0x66: {  	_ =	shalt  }
0x67: {  	_ =	shalt  }
0x68: {  	_ =	shalt  }
0x69: {  	_ =	shalt  }
0x6a: {  	_ =	shalt  }
0x6b: {  	_ =	shalt  }
0x6c: {  	_ =	shalt  }
0x6d: {  	_ =	shalt  }
0x6e: {  	_ =	shalt  }
0x6f: {  	_ =	shalt  }
0x70: {  	_ =	shalt  }
0x71: {  	_ =	shalt  }
0x72: {  	_ =	shalt  }
0x73: {  	_ =	shalt  }
0x74: {  	_ =	shalt  }
0x75: {  	_ =	shalt  }
0x76: {  	_ =	shalt  }
0x77: {  	_ =	shalt  }
0x78: {  	_ =	shalt  }
0x79: {  	_ =	shalt  }
0x7a: {  	_ =	shalt  }
0x7b: {  	_ =	shalt  }
0x7c: {  	_ =	shalt  }
0x7d: {  	_ =	shalt  }
0x7e: {  	_ =	shalt  }
0x7f: {  	_ =	shalt  }
0x80: {  	_ =	shalt  }
0x81: {  	_ =	shalt  }
0x82: {  	_ =	shalt  }
0x83: {  	_ =	shalt  }
0x84: {  	_ =	shalt  }
0x85: {  	_ =	shalt  }
0x86: {  	_ =	shalt  }
0x87: {  	_ =	shalt  }
.Lfunc_end0:
.L_simem_size_0:
called_computation_lowered:
.L_overlay_start_0:
0x88: {  	s2 =	sld [smem:$0x3FD9]  }
0x89: {  	s3 =	sld [smem:$0x3FFE];
	_ =	sdelay $0x1  }
0x8a: {  	s1 =	srdreg.scid  }
0x8b: {  	s0 =	sand.u32 $0x1, s1  }
0x8c: {  	s18 =	sshll.u32 s0, $0xA;
	s2 =	sadd.s32 s3, s2  }
0x8d: {  	s2 =	sadd.s32 s2, s18  }
0x8e: {  	[smem:$0x3FC4] =	sst s2  }
0x8f: {  	_ = 	snop  }
0x90: {  	s2 =	sld [smem:$0x3FC9]  }
0x91: {  	s19 =	sld [smem:$0x3FC8]  }
0x92: {  	s4 =	sld [smem:$0x3FC7]  }
0x93: {  	s5 =	sld [smem:$0x3FC6]  }
0x94: {  	s6 =	sld [smem:$0x3FD0];
	(tm) =	ssettm $0x1  }
0x95: {  	s7 =	sld [smem:$0x3FFB];
	_ =	sdelay $0x3  }
0x96: {  	_ =	strace s7  }
0x97: {  	s7 =	sld [smem:$0x3FFC];
	_ =	sdelay $0x3  }
0x98: {  	_ =	strace s7  }
0x99: {  	s7 =	sld [smem:$0x3FFD];
	_ =	sdelay $0x3  }
0x9a: {  	_ =	strace s7  }
0x9b: {  	_ =	strace $0x8FFFFFFF  }
0x9c: {  	s20 =	sld [smem:$0x3FDB];
	_ =	sdelay $0x1  }
0x9d: {  	s8 =	simm.s32 $_scs_section_size  }
0x9e: {  	s9 =	simm.s32 $_size__tile_overlayer_lowered;
	s10 =	simm.s32 $_tile_overlayer_lowered  }
0x9f: {  	s23 =	simm.s32 $0x1BFF;
	s22 =	sshll.u32 s10, $0x1;
	s7 =	sadd.s32 s8, s20  }
0xa0: {  	s11 =	simm.s32 $0x0;
	s21 =	sshll.u32 s9, $0x1;
	s9 =	sadd.s32 s22, s7  }
0xa1: {  	[timem:s11], [sflag:s23] =	dma.local [hbm:s9], s21  }
0xa2: {  	_ =	swait.ge [sflag:s23], s21  }
0xa3: {  	s8 =	ssub.s32 $0x0, s21;
	[sflag:s23] =	ssyncset.done $0x0  }
0xa4: {  	[sflag:s23] =	ssyncadd.s32 s8;
	_ =	sdelay $0x1  }
0xa5: {  	s24 =	simm.s32 $0x1B8B  }
0xa6: {  	_ =	swait.ge [sflag:s24], $0x1  }
0xa7: {  	[sflag:s24] =	ssyncset.done $0x0  }
0xa8: {  	s25 =	simm.s32 $0x1B8E;
	[sflag:s24] =	ssyncadd.s32 $0xFFFFFFFF  }
0xa9: {  	s26 =	simm.s32 $execute0_lowered;
	[smem:$0x3FD2] =	sst s25  }
0xaa: {  	s8 =	sshll.u32 s26, $0x1;
	_ =	strace $0x80000046;
	[dreg:$0x1] =	wrdreg $0xFFFFFFFF  }
0xab: {  	s28 =	simm.s32 $_size_execute0_lowered;
	s7 =	sadd.s32 s7, s8;
	[dreg:$0x0] =	wrdreg $0x0  }
0xac: {  	s8 =	sshll.u32 s28, $0x1;
	[dreg:$0x2] =	wrdreg s7  }
0xad: {  	[dreg:$0x3] =	wrdreg s8  }
0xae: {  	[dreg:$0x4] =	wrdreg $0xC0  }
0xaf: {  	_ =	task [dreg:s11], $0x5FFFF  }
0xb0: {  	[dreg:$0x1] =	wrdreg $0xFFFFFFFF  }
0xb1: {  	[dreg:$0x0] =	wrdreg $0x60  }
0xb2: {  	[dreg:$0x2] =	wrdreg s2  }
0xb3: {  	[dreg:$0x3] =	wrdreg s19  }
0xb4: {  	[dreg:$0x4] =	wrdreg s4  }
0xb5: {  	[dreg:$0x5] =	wrdreg s5  }
0xb6: {  	[dreg:$0x6] =	wrdreg s6  }
0xb7: {  	[dreg:$0x7] =	wrdreg $0x9  }
0xb8: {  	_ =	task.clear_ibuf [dreg:s11], $0x8FFFF;
	_ =	strace $0x90000046  }
0xb9: {  	s29 =	simm.s32 $0x9;
	_ =	strace $0x80000048  }
0xba: {  	_ =	swait.ge [sflag:s29], $0x1  }
0xbb: {  	[sflag:s29] =	ssyncadd.s32 $0xFFFFFFFF  }
0xbc: {  	_ =	strace $0x90000048  }
0xbd: {  	_ =	sfence  }
0xbe: {  	s30 =	sld [smem:$0x0];
	_ =	sdelay $0x2  }
0xbf: {  	s31 =	sshll.u32 s1, $0xD;
	s1 =	sshrl.u32 s1, $0x2  }
0xc0: {  	s3 =	sand.u32 $0x4000, s31;
	s1 =	sadd.s32 s1, s30  }
0xc1: {  	s0 =	sor.u32 s3, s0;
	s1 =	sshll.u32 s1, $0x11  }
0xc2: {  	s0 =	sor.u32 s1, s0  }
0xc3: {  	s0 =	sadd.s32 $0x8F2B, s0  }
0xc4: {  	[sflag:s0] =	ssyncadd.remote.s32 $0x1  }
0xc5: {  	_ =	sfence.sel $0xFFFF  }
0xc6: {  	[dreg:$0x0] =	wrdreg $0xFFFFFFFF;
	(pc) =	sbr.abs _section_cstart, $3  }
0xc7: {  	[dreg:$0x1] =	wrdreg $0xFFFFFFFF  }
0xc8: {  	_ =	task.clear_ibuf [dreg:s11], $0x2FFFF;
	_ =	strace $0x9FFFFFFF  }
0xc9: {  	(tm) =	ssettm $0x7FFFFFFF  }
tec
execute0_lowered:
.L_overlay_start_1:
0x0: {  	(tag) =	ssettag $0x1  }
0x1: {  	s0 =	rddreg [dreg:$0x0]  }
0x2: {  	s1 =	rddreg [dreg:$0x1]  }
0x3: {  	s2 =	srdreg.scid;
	s3 =	stileid.u32  }
0x4: {  	s5 =	rddreg [dreg:$0x4];
	s6 =	simm.s32 $0x0;
	s14 =	simm.s32 $0x9  }
0x5: {  	s17 =	simm.s32 $0x80;
	s18 =	simm.s32 $0x1900;
	s19 =	simm.s32 $0x5900  }
0x6: {  	s21 =	simm.s32 $0x9900;
	s22 =	simm.s32 $0x1;
	s23 =	simm.s32 $0xD900  }
0x7: {  	s28 =	simm.s32 $0x6;
	s2 =	sand.u32 $0x1, s2;
	s3 =	sshll.u32 s3, $0x1  }
0x8: {  	s29 =	simm.s32 $0x4;
	s30 =	simm.s32 $0x7;
	s3 =	sor.u32 s2, s3  }
0x9: {  	s31 =	simm.s32 $0x8;
	[smem:$0x7FF] =	sst s6;
	s4 =	smul.u32 $0x1900, s3  }
0xa: {  	s2 =	ssub.s32 $0x2, s2;
	_ =	strace $0x80000047;
	s7 =	smul.u32 $0xC8000, s3  }
0xb: {  	s24 =	sshrl.u32 s2, $0x1;
	s3 =	simm.s32 $0x0;
	s8 =	sshrl.u32 s4, $0x3  }
0xc: {  	s2 =	ssub.s32 s2, s24;
	s25 =	sshrl.u32 s7, $0x3;
	s0 =	sadd.s32 s0, s8  }
0xd: {  	s24 =	simm.s32 $0x2;
	[dreg:$0x6] =	wrdreg s0;
	s0 =	sadd.s32 s5, s25  }
0xe: {  	s9 =	sor.u32 $0x80, s4;
	s10 =	sadd.s32 $0x100, s4;
	s26 =	sadd.s32 $0x18000, s0  }
0xf: {  	s13 =	smax.u32 s2, $0x1;
	s0 =	sadd.s32 $0x18800, s0;
	[dreg:$0x7] =	wrdreg s26  }
0x10: {  	s25 =	simm.s32 $0x5;
	[dreg:$0x8] =	wrdreg s0;
	s26 =	simm.s32 $0x3  }
.LBB2_1:
0x11: {  	s0 =	rddreg [dreg:$0x6]  }
0x12: {  	[tilespmem:s6], [sflag:$0x9] =	stream.linear.gather [hbm4b:s0+s6], $0x1900, $0x38;
	[tilespmem:$0x11A00] =	vst v63  }
0x13: {  	_ =	swait.ge [sflag:s14], $0x1900  }
0x14: {  	[sflag:s14] =	ssyncset.done $0x0  }
0x15: {  	[sflag:s14] =	ssyncadd.s32 $0xFFFFE700  }
0x16: {  	s2 =	simm.s32 $0x11900;
	s12 =	rddreg [dreg:$0x2]  }
0x17: {  	[tilespmem:s2], [sflag:$0x9] =	stream.linear.gather [hbm4b:s12+s6], $0x80, $0x38;
	[tilespmem:$0x11A00] =	vst v63  }
0x18: {  	_ =	swait.ge [sflag:s14], $0x80  }
0x19: {  	[sflag:s14] =	ssyncset.done $0x0  }
0x1a: {  	[sflag:s14] =	ssyncadd.s32 $0xFFFFFF80  }
0x1b: {  	s16 =	simm.s32 $0x11980;
	s15 =	rddreg [dreg:$0x3]  }
0x1c: {  	[tilespmem:s16], [sflag:$0x9] =	stream.linear.gather [hbm4b:s15+s6], $0x80, $0x38;
	[tilespmem:$0x11A00] =	vst v63  }
0x1d: {  	_ =	swait.ge [sflag:s14], $0x80  }
0x1e: {  	[sflag:s14] =	ssyncset.done $0x0  }
0x1f: {  	[sflag:s14] =	ssyncadd.s32 $0xFFFFFF80  }
0x20: {  	v14 =	vld [tilespmem:$0x11900]  }
0x21: {  	v11 =	vld [tilespmem:$0x11910]  }
0x22: {  	v10 =	vld [tilespmem:$0x11920]  }
0x23: {  	v8 =	vld [tilespmem:$0x11930]  }
0x24: {  	v1 =	vld [tilespmem:$0x11940]  }
0x25: {  	v0 =	vld [tilespmem:$0x11950]  }
0x26: {  	v6 =	vld [tilespmem:$0x11960]  }
0x27: {  	v3 =	vld [tilespmem:$0x11970]  }
0x28: {  	v15 =	vld [tilespmem:$0x11980]  }
0x29: {  	v13 =	vld [tilespmem:$0x11990]  }
0x2a: {  	v12 =	vld [tilespmem:$0x119A0]  }
0x2b: {  	v9 =	vld [tilespmem:$0x119B0]  }
0x2c: {  	v4 =	vld [tilespmem:$0x119C0]  }
0x2d: {  	v2 =	vld [tilespmem:$0x119D0]  }
0x2e: {  	v7 =	vld [tilespmem:$0x119E0]  }
0x2f: {  	v5 =	vld [tilespmem:$0x119F0];
	[tilespmem:s18], [sflag:$0x1] =	stream.indirect.gather [hbm4b:s1+s17], $0x80, s6, s17, $0xb8  }
0x30: {  	_ = 	snop  }
0x31: {  	[tilespmem:s19], [sflag:$0x2] =	stream.indirect.gather [hbm4b:s1+s17], $0x80, s17, s17, $0xb8;
	[tilespmem:$0x11A00] =	vst v63  }
0x32: {  	s20 =	simm.s32 $0x100;
	s0 =	simm.s32 $0x0  }
0x33: {  	[tilespmem:s21], [sflag:$0x3] =	stream.indirect.gather [hbm4b:s1+s17], $0x80, s20, s17, $0xb8;
	[tilespmem:$0x11A00] =	vst v63  }
.LBB2_2:
0x34: {  	_ =	swait.ge [sflag:s22], $0x4000  }
0x35: {  	p0 =	seq.s32 s0, $0x0;
	[sflag:s22] =	ssyncset.done $0x0  }
0x36: {  	s4 =	simm.s32 @!p0 $0x8;
	[sflag:s22] =	ssyncadd.s32 $0xFFFFC000  }
0x37: {  	s2 =	sshllo.u32 s0, $0x2;
	_ =	swait.ge @!p0 [sflag:s4], $0x4000  }
0x38: {  	s8 =	sshll.u32 s2, $0x7;
	[sflag:s4] =	ssyncset.done @!p0 $0x0  }
0x39: {  	s16 =	sand.u32 $0x3FFFFF80, s8;
	[sflag:s4] =	ssyncadd.s32 @!p0 $0xFFFFC000;
	s4 =	simm.s32 $0x1980  }
0x3a: {  	[tilespmem:s23], [sflag:$0x4] =	stream.indirect.gather [hbm4b:s1+s17], $0x80, s16, s17, $0xb8;
	[tilespmem:$0x11A00] =	vst v63  }
0x3b: {  	v24 =	vld [tilespmem:s4+$0xFFFFFF80]  }
0x3c: {  	v25 =	vld [tilespmem:s4+$0xFFFFFF90];
	_ =	sdelay $0x1  }
0x3d: {  	v26 =	vld [tilespmem:s4+$0xFFFFFFA0];
	_ =	sdelay $0x1  }
0x3e: {  	v27 =	vld [tilespmem:s4+$0xFFFFFFB0]  }
0x3f: {  	v16 =	vadd.f32 v25, v24  }
0x40: {  	v28 =	vld [tilespmem:s4+$0xFFFFFFC0];
	v17 =	vmul.f32 v24, v24;
	v18 =	vmul.f32 v25, v25  }
0x41: {  	v16 =	vadd.f32 v26, v16  }
0x42: {  	v29 =	vld [tilespmem:s4+$0xFFFFFFD0];
	v17 =	vadd.f32 v18, v17;
	v18 =	vmul.f32 v26, v26  }
0x43: {  	v16 =	vadd.f32 v27, v16  }
0x44: {  	v30 =	vld [tilespmem:s4+$0xFFFFFFE0];
	v19 =	vmul.f32 v27, v27;
	v17 =	vadd.f32 v18, v17  }
0x45: {  	v16 =	vadd.f32 v28, v16  }
0x46: {  	v31 =	vld [tilespmem:s4+$0xFFFFFFF0];
	v18 =	vmul.f32 v28, v28;
	v17 =	vadd.f32 v19, v17  }
0x47: {  	v16 =	vadd.f32 v29, v16  }
0x48: {  	v17 =	vadd.f32 v18, v17;
	v18 =	vmul.f32 v29, v29  }
0x49: {  	v16 =	vadd.f32 v30, v16  }
0x4a: {  	v17 =	vadd.f32 v18, v17;
	v18 =	vmul.f32 v30, v30  }
0x4b: {  	v16 =	vadd.f32 v31, v16  }
0x4c: {  	v17 =	vadd.f32 v18, v17;
	v18 =	vmul.f32 v31, v31  }
0x4d: {  	(xrf2) =	vadd.scan.msk.f32 $0xffff, v16  }
0x4e: {  	v16 =	vadd.f32 v18, v17;
	_ =	sdelay $0x1  }
0x4f: {  	(xrf2) =	vadd.scan.msk.f32 $0xffff, v16;
	_ =	sdelay $0x6  }
0x50: {  	v16, _, _ =	vpop (xrf2)  }
0x51: {  	(v2sf) =	vpush v16, $0xF;
	_ =	sdelay $0x1  }
0x52: {  	v16, _, _ =	vpop (xrf2)  }
0x53: {  	(v2sf) =	vpush v16, $0xF  }
0x54: {  	v17 =	vld [tilespmem:s4+$0x0]  }
0x55: {  	v16 =	vld [tilespmem:s4+$0x10];
	_ =	sdelay $0x1  }
0x56: {  	v18 =	vld [tilespmem:s4+$0x20];
	_ =	sdelay $0x1  }
0x57: {  	v19 =	vld [tilespmem:s4+$0x30]  }
0x58: {  	v22 =	vmul.f32 v17, v17;
	v23 =	vmul.f32 v16, v16;
	v32 =	vadd.f32 v16, v17  }
0x59: {  	v20 =	vld [tilespmem:s4+$0x40]  }
0x5a: {  	v22 =	vadd.f32 v23, v22;
	v23 =	vadd.f32 v18, v32  }
0x5b: {  	v21 =	vld [tilespmem:s4+$0x50];
	v33 =	vmul.f32 v18, v18  }
0x5c: {  	v52 =	vadd.f32 v19, v23  }
0x5d: {  	v51 =	vmul.f32 v19, v19;
	v22 =	vadd.f32 v33, v22;
	v23 =	vld [tilespmem:s4+$0x60];
	s20 =	spop (v2sf)  }
0x5e: {  	v33 =	vadd.f32 v20, v52;
	s8 =	smul.f32 $7.812500000e-03, s20  }
0x5f: {  	v34 =	vmul.f32 v20, v20;
	v32 =	vadd.f32 v51, v22;
	v22 =	vld [tilespmem:s4+$0x70]  }
0x60: {  	v33 =	vadd.f32 v21, v33;
	s16 =	spop (v2sf);
	s15 =	smul.f32 s8, s8  }
0x61: {  	v35 =	vmul.f32 v21, v21;
	v32 =	vadd.f32 v34, v32;
	s16 =	smul.f32 $7.812500000e-03, s16  }
0x62: {  	v33 =	vadd.f32 v23, v33  }
0x63: {  	v54 =	vmul.f32 v23, v23;
	v32 =	vadd.f32 v35, v32;
	s15 =	ssub.f32 s16, s15  }
0x64: {  	v33 =	vadd.f32 v22, v33  }
0x65: {  	v55 =	vmul.f32 v22, v22;
	v32 =	vadd.f32 v54, v32;
	s15 =	smax.f32 s15, $0.0e+00  }
0x66: {  	(xrf2) =	vadd.scan.msk.f32 $0xffff, v33;
	s15 =	sadd.f32 $9.999999960e-13, s15  }
0x67: {  	v32 =	vadd.f32 v55, v32  }
0x68: {  	v36 =	vmov s15  }
0x69: {  	(xrf2) =	vadd.scan.msk.f32 $0xffff, v32;
	v53 =	vshra.s32 v36, $0x1;
	v36 =	vmul.f32 $5.000000000e-01, v36  }
0x6a: {  	v34 =	vsub.s32 $0x5F3759DF, v53  }
0x6b: {  	v37 =	vmul.f32 v34, v36;
	_ =	sdelay $0x1  }
0x6c: {  	v37 =	vmul.f32 v34, v37;
	_ =	sdelay $0x1  }
0x6d: {  	v59 =	vmov s8;
	v56 =	vsub.f32 $1.500000000e+00, v37  }
0x6e: {  	v62 =	vsub.f32 v26, v59;
	v26 =	vsub.f32 v29, v59;
	v29, _, _ =	vpop (xrf2)  }
0x6f: {  	(v2sf) =	vpush v29, $0xF;
	v57 =	vmul.f32 v34, v56;
	_ =	sdelay $0x1  }
0x70: {  	v29, _, _ =	vpop (xrf2);
	v58 =	vmul.f32 v57, v36  }
0x71: {  	(v2sf) =	vpush v29, $0xF  }
0x72: {  	v33 =	vmul.f32 v58, v57;
	_ =	sdelay $0x1  }
0x73: {  	v60 =	vsub.f32 v24, v59;
	v24 =	vsub.f32 $1.500000000e+00, v33  }
0x74: {  	v61 =	vsub.f32 v25, v59  }
0x75: {  	v63 =	vsub.f32 v27, v59;
	v27 =	vsub.f32 v28, v59;
	v28 =	vmul.f32 v24, v57;
	_ =	sdelay $0x1  }
0x76: {  	v24 =	vsub.f32 v30, v59;
	v32 =	vmul.f32 v28, v60;
	v30 =	vmul.f32 v28, v61  }
0x77: {  	v25 =	vsub.f32 v31, v59;
	s16 =	simm.s32 $0x0;
	s15 =	simm.s32 $0x1980;
	v29 =	vmul.f32 v28, v62;
	v31 =	vmul.f32 v28, v63  }
.LBB2_3:
0x78: {  	s16 =	sadd.s32 $0x2, s16;
	v32 =	vmul.f32 v32, v14;
	v27 =	vmul.f32 v28, v27;
	s4 =	sadd.s32 $0x100, s4  }
0x79: {  	v30 =	vmul.f32 v30, v11;
	p0 =	slt.u32 s16, $0x7E;
	v31 =	vmul.f32 v31, v8  }
0x7a: {  	v29 =	vmul.f32 v29, v10;
	v32 =	vadd.f32 v32, v15;
	v27 =	vmul.f32 v27, v1  }
0x7b: {  	v26 =	vmul.f32 v28, v26;
	v30 =	vadd.f32 v30, v13;
	v31 =	vadd.f32 v31, v9;
	s8 =	spop (v2sf)  }
0x7c: {  	v29 =	vadd.f32 v29, v12;
	[tilespmem:s15+$0xFFFFFF80] =	vst v32;
	v27 =	vadd.f32 v27, v4;
	v32 =	vmul.f32 v28, v24;
	s8 =	smul.f32 $7.812500000e-03, s8  }
0x7d: {  	v28 =	vmul.f32 v28, v25;
	v24 =	vld [tilespmem:s4+$0xFFFFFF80];
	[tilespmem:s15+$0xFFFFFF90] =	vst v30;
	v30 =	vmul.f32 v26, v0  }
0x7e: {  	v26 =	vld [tilespmem:s4+$0xFFFFFF90];
	[tilespmem:s15+$0xFFFFFFB0] =	vst v31;
	v31 =	vmul.f32 v32, v6;
	s20 =	smul.f32 s8, s8;
	v32 =	vmov s8;
	s8 =	spop (v2sf)  }
0x7f: {  	v25 =	vld [tilespmem:s4+$0xFFFFFFB0];
	[tilespmem:s15+$0xFFFFFFA0] =	vst v29;
	v29 =	vadd.f32 v30, v2;
	v30 =	vmul.f32 v28, v3;
	s8 =	smul.f32 $7.812500000e-03, s8;
	v17 =	vsub.f32 v17, v32  }
0x80: {  	v23 =	vsub.f32 v23, v32;
	[tilespmem:s15+$0xFFFFFFC0] =	vst v27;
	v28 =	vadd.f32 v31, v7  }
0x81: {  	v16 =	vsub.f32 v16, v32;
	v18 =	vsub.f32 v18, v32;
	v27 =	vld [tilespmem:s4+$0xFFFFFFA0];
	[tilespmem:s15+$0xFFFFFFD0] =	vst v29;
	s8 =	ssub.f32 s8, s20  }
0x82: {  	v19 =	vsub.f32 v19, v32;
	v20 =	vsub.f32 v20, v32;
	[tilespmem:s15+$0xFFFFFFE0] =	vst v28  }
0x83: {  	v21 =	vsub.f32 v21, v32;
	v31 =	vmul.f32 v24, v24;
	v33 =	vadd.f32 v26, v24;
	s8 =	smax.f32 s8, $0.0e+00  }
0x84: {  	v22 =	vsub.f32 v22, v32;
	v30 =	vadd.f32 v30, v5;
	v34 =	vmul.f32 v26, v26;
	v28 =	vld [tilespmem:s4+$0xFFFFFFC0];
	s8 =	sadd.f32 $9.999999960e-13, s8;
	_ =	sdelay $0x1  }
0x85: {  	v31 =	vadd.f32 v34, v31;
	v29 =	vld [tilespmem:s4+$0xFFFFFFD0];
	v32 =	vadd.f32 v27, v33;
	[tilespmem:s15+$0xFFFFFFF0] =	vst v30;
	v30 =	vmov s8  }
0x86: {  	v33 =	vmul.f32 v27, v27;
	v34 =	vshra.s32 v30, $0x1;
	v35 =	vmul.f32 $5.000000000e-01, v30  }
0x87: {  	v36 =	vmul.f32 v25, v25;
	v32 =	vadd.f32 v25, v32;
	v34 =	vsub.s32 $0x5F3759DF, v34  }
0x88: {  	v33 =	vadd.f32 v33, v31;
	v30 =	vld [tilespmem:s4+$0xFFFFFFE0];
	v37 =	vmul.f32 v34, v35  }
0x89: {  	v32 =	vadd.f32 v28, v32  }
0x8a: {  	v33 =	vadd.f32 v36, v33;
	v36 =	vmul.f32 v28, v28;
	v31 =	vld [tilespmem:s4+$0xFFFFFFF0];
	v37 =	vmul.f32 v34, v37  }
0x8b: {  	v32 =	vadd.f32 v29, v32  }
0x8c: {  	v33 =	vadd.f32 v36, v33;
	v36 =	vmul.f32 v29, v29;
	v37 =	vsub.f32 $1.500000000e+00, v37  }
0x8d: {  	v32 =	vadd.f32 v30, v32  }
0x8e: {  	v33 =	vadd.f32 v36, v33;
	v36 =	vmul.f32 v30, v30;
	v34 =	vmul.f32 v34, v37  }
0x8f: {  	v32 =	vadd.f32 v31, v32  }
0x90: {  	v33 =	vadd.f32 v36, v33;
	v36 =	vmul.f32 v31, v31;
	v35 =	vmul.f32 v34, v35  }
0x91: {  	(xrf2) =	vadd.scan.msk.f32 $0xffff, v32  }
0x92: {  	v32 =	vadd.f32 v36, v33;
	v33 =	vmul.f32 v35, v34;
	_ =	sdelay $0x1  }
0x93: {  	(xrf2) =	vadd.scan.msk.f32 $0xffff, v32;
	v32 =	vsub.f32 $1.500000000e+00, v33;
	_ =	sdelay $0x1  }
0x94: {  	v32 =	vmul.f32 v32, v34;
	_ =	sdelay $0x1  }
0x95: {  	v17 =	vmul.f32 v32, v17;
	v23 =	vmul.f32 v32, v23  }
0x96: {  	v16 =	vmul.f32 v32, v16;
	v18 =	vmul.f32 v32, v18  }
0x97: {  	v19 =	vmul.f32 v32, v19;
	v17 =	vmul.f32 v17, v14  }
0x98: {  	v16 =	vmul.f32 v16, v11;
	v18 =	vmul.f32 v18, v10;
	v33, _, _ =	vpop (xrf2)  }
0x99: {  	v19 =	vmul.f32 v19, v8;
	(v2sf) =	vpush v33, $0xF;
	v17 =	vadd.f32 v17, v15  }
0x9a: {  	v20 =	vmul.f32 v32, v20;
	v16 =	vadd.f32 v16, v13;
	v18 =	vadd.f32 v18, v12  }
0x9b: {  	v21 =	vmul.f32 v32, v21;
	v22 =	vmul.f32 v32, v22;
	v19 =	vadd.f32 v19, v9;
	v33, _, _ =	vpop (xrf2);
	[tilespmem:s15+$0x0] =	vst v17  }
0x9c: {  	v20 =	vmul.f32 v20, v1;
	v23 =	vmul.f32 v23, v6;
	v17 =	vld [tilespmem:s4+$0x0];
	(v2sf) =	vpush v33, $0xF;
	[tilespmem:s15+$0x10] =	vst v16  }
0x9d: {  	v21 =	vmul.f32 v21, v0;
	v22 =	vmul.f32 v22, v3;
	[tilespmem:s15+$0x20] =	vst v18  }
0x9e: {  	v20 =	vadd.f32 v20, v4;
	v16 =	vld [tilespmem:s4+$0x10];
	[tilespmem:s15+$0x30] =	vst v19;
	v19 =	vadd.f32 v23, v7  }
0x9f: {  	v21 =	vadd.f32 v21, v2;
	v22 =	vadd.f32 v22, v5;
	v18 =	vld [tilespmem:s4+$0x20]  }
0xa0: {  	[tilespmem:s15+$0x60] =	vst v19  }
0xa1: {  	v19 =	vld [tilespmem:s4+$0x30];
	[tilespmem:s15+$0x40] =	vst v20  }
0xa2: {  	v23 =	vmul.f32 v17, v17;
	[tilespmem:s15+$0x70] =	vst v22  }
0xa3: {  	v20 =	vld [tilespmem:s4+$0x40];
	v22 =	vadd.f32 v16, v17;
	v32 =	vmul.f32 v16, v16;
	[tilespmem:s15+$0x50] =	vst v21;
	s15 =	smov.u32 s4  }
0xa4: {  	v33 =	vmul.f32 v18, v18  }
0xa5: {  	v21 =	vld [tilespmem:s4+$0x50];
	v23 =	vadd.f32 v32, v23;
	v22 =	vadd.f32 v18, v22  }
0xa6: {  	v32 =	vmul.f32 v19, v19  }
0xa7: {  	v33 =	vadd.f32 v33, v23;
	v22 =	vadd.f32 v19, v22  }
0xa8: {  	v23 =	vld [tilespmem:s4+$0x60];
	v34 =	vmul.f32 v20, v20;
	s8 =	spop (v2sf)  }
0xa9: {  	s8 =	smul.f32 $7.812500000e-03, s8;
	v32 =	vadd.f32 v32, v33;
	v33 =	vadd.f32 v20, v22  }
0xaa: {  	v22 =	vld [tilespmem:s4+$0x70];
	v35 =	vmul.f32 v21, v21  }
0xab: {  	s20 =	smul.f32 s8, s8;
	v36 =	vmov s8;
	v32 =	vadd.f32 v34, v32;
	v33 =	vadd.f32 v21, v33;
	s8 =	spop (v2sf)  }
0xac: {  	s8 =	smul.f32 $7.812500000e-03, s8;
	v34 =	vsub.f32 v24, v36;
	v37 =	vsub.f32 v26, v36  }
0xad: {  	v24 =	vadd.f32 v35, v32;
	v26 =	vadd.f32 v23, v33;
	v32 =	vmul.f32 v23, v23  }
0xae: {  	v33 =	vsub.f32 v27, v36;
	v35 =	vsub.f32 v25, v36;
	s8 =	ssub.f32 s8, s20  }
0xaf: {  	v25 =	vadd.f32 v32, v24;
	v32 =	vadd.f32 v22, v26;
	v38 =	vmul.f32 v22, v22  }
0xb0: {  	v27 =	vsub.f32 v28, v36;
	v26 =	vsub.f32 v29, v36;
	s8 =	smax.f32 s8, $0.0e+00  }
0xb1: {  	v24 =	vsub.f32 v30, v36;
	s8 =	sadd.f32 $9.999999960e-13, s8;
	v28 =	vadd.f32 v38, v25;
	(xrf2) =	vadd.scan.msk.f32 $0xffff, v32  }
0xb2: {  	v25 =	vsub.f32 v31, v36  }
0xb3: {  	v29 =	vmov s8  }
0xb4: {  	v30 =	vshra.s32 v29, $0x1;
	v29 =	vmul.f32 $5.000000000e-01, v29;
	(xrf2) =	vadd.scan.msk.f32 $0xffff, v28  }
0xb5: {  	v28 =	vsub.s32 $0x5F3759DF, v30  }
0xb6: {  	v30 =	vmul.f32 v28, v29;
	_ =	sdelay $0x1  }
0xb7: {  	v30 =	vmul.f32 v28, v30;
	_ =	sdelay $0x1  }
0xb8: {  	v30 =	vsub.f32 $1.500000000e+00, v30  }
0xb9: {  	v31, _, _ =	vpop (xrf2)  }
0xba: {  	v28 =	vmul.f32 v28, v30;
	(v2sf) =	vpush v31, $0xF;
	_ =	sdelay $0x1  }
0xbb: {  	v29 =	vmul.f32 v28, v29;
	v30, _, _ =	vpop (xrf2)  }
0xbc: {  	(v2sf) =	vpush v30, $0xF  }
0xbd: {  	v29 =	vmul.f32 v29, v28;
	_ =	sdelay $0x1  }
0xbe: {  	v29 =	vsub.f32 $1.500000000e+00, v29  }
.Ltmp0:
0xbf: {  	(pc) =	sbr.rel @p0 .LBB2_3-.Ltmp0, $3  }
0xc0: {  	v28 =	vmul.f32 v29, v28;
	_ =	sdelay $0x1  }
0xc1: {  	v32 =	vmul.f32 v28, v34;
	v30 =	vmul.f32 v28, v37  }
0xc2: {  	v29 =	vmul.f32 v28, v33;
	v31 =	vmul.f32 v28, v35  }
0xc3: {  	_ =	sdelay $0x2  }
0xc4: {  	s4 =	spop (v2sf)  }
0xc5: {  	s4 =	smul.f32 $7.812500000e-03, s4;
	_ =	sdelay $0x1  }
0xc6: {  	s8 =	smul.f32 s4, s4;
	s16 =	spop (v2sf)  }
0xc7: {  	s16 =	smul.f32 $7.812500000e-03, s16;
	_ =	sdelay $0x1  }
0xc8: {  	s8 =	ssub.f32 s16, s8;
	_ =	sdelay $0x1  }
0xc9: {  	s8 =	smax.f32 s8, $0.0e+00  }
0xca: {  	s8 =	sadd.f32 $9.999999960e-13, s8;
	_ =	sdelay $0x1  }
0xcb: {  	v33 =	vmov s8  }
0xcc: {  	v34 =	vshra.s32 v33, $0x1;
	v33 =	vmul.f32 $5.000000000e-01, v33  }
0xcd: {  	v34 =	vsub.s32 $0x5F3759DF, v34  }
0xce: {  	v35 =	vmul.f32 v34, v33;
	_ =	sdelay $0x1  }
0xcf: {  	v35 =	vmul.f32 v34, v35;
	_ =	sdelay $0x1  }
0xd0: {  	v35 =	vsub.f32 $1.500000000e+00, v35  }
0xd1: {  	v32 =	vmul.f32 v32, v14;
	v27 =	vmul.f32 v28, v27  }
0xd2: {  	v30 =	vmul.f32 v30, v11;
	v34 =	vmul.f32 v34, v35  }
0xd3: {  	v26 =	vmul.f32 v28, v26;
	v24 =	vmul.f32 v28, v24  }
0xd4: {  	v25 =	vmul.f32 v28, v25;
	v33 =	vmul.f32 v34, v33  }
0xd5: {  	v31 =	vmul.f32 v31, v8;
	v29 =	vmul.f32 v29, v10;
	v32 =	vadd.f32 v32, v15  }
0xd6: {  	v27 =	vmul.f32 v27, v1;
	v30 =	vadd.f32 v30, v13;
	v33 =	vmul.f32 v33, v34  }
0xd7: {  	v26 =	vmul.f32 v26, v0;
	v24 =	vmul.f32 v24, v6;
	v31 =	vadd.f32 v31, v9  }
0xd8: {  	v25 =	vmul.f32 v25, v3;
	v29 =	vadd.f32 v29, v12;
	v33 =	vsub.f32 $1.500000000e+00, v33  }
0xd9: {  	v27 =	vadd.f32 v27, v4;
	v26 =	vadd.f32 v26, v2;
	v28 =	vmov s4  }
0xda: {  	[tilespmem:s15+$0xFFFFFF80] =	vst v32;
	v24 =	vadd.f32 v24, v7;
	v17 =	vsub.f32 v17, v28;
	v46 =	vmul.f32 v33, v34  }
0xdb: {  	[tilespmem:s15+$0xFFFFFF90] =	vst v30;
	v25 =	vadd.f32 v25, v5;
	v16 =	vsub.f32 v16, v28  }
0xdc: {  	[tilespmem:s15+$0xFFFFFFB0] =	vst v31;
	v23 =	vsub.f32 v23, v28;
	v18 =	vsub.f32 v18, v28;
	v17 =	vmul.f32 v46, v17  }
0xdd: {  	[tilespmem:s15+$0xFFFFFFA0] =	vst v29;
	v19 =	vsub.f32 v19, v28;
	v20 =	vsub.f32 v20, v28;
	v16 =	vmul.f32 v46, v16  }
0xde: {  	[tilespmem:s15+$0xFFFFFFC0] =	vst v27;
	v21 =	vsub.f32 v21, v28;
	v18 =	vmul.f32 v46, v18;
	v17 =	vmul.f32 v17, v14  }
0xdf: {  	[tilespmem:s15+$0xFFFFFFD0] =	vst v26;
	v22 =	vsub.f32 v22, v28;
	v19 =	vmul.f32 v46, v19;
	v16 =	vmul.f32 v16, v11  }
0xe0: {  	[tilespmem:s15+$0xFFFFFFE0] =	vst v24;
	v23 =	vmul.f32 v46, v23;
	v18 =	vmul.f32 v18, v10;
	v17 =	vadd.f32 v17, v15  }
0xe1: {  	[tilespmem:s15+$0xFFFFFFF0] =	vst v25;
	v20 =	vmul.f32 v46, v20;
	v19 =	vmul.f32 v19, v8;
	v16 =	vadd.f32 v16, v13  }
0xe2: {  	v18 =	vadd.f32 v18, v12;
	[tilespmem:s15+$0x0] =	vst v17;
	v17 =	vmul.f32 v46, v22;
	v22 =	vmul.f32 v23, v6  }
0xe3: {  	v21 =	vmul.f32 v46, v21;
	v19 =	vadd.f32 v19, v9;
	[tilespmem:s15+$0x10] =	vst v16;
	v16 =	vmul.f32 v20, v1  }
0xe4: {  	[tilespmem:s15+$0x20] =	vst v18;
	v17 =	vmul.f32 v17, v3;
	v18 =	vadd.f32 v22, v7  }
0xe5: {  	v20 =	vmul.f32 v21, v0;
	[tilespmem:s15+$0x30] =	vst v19;
	v16 =	vadd.f32 v16, v4  }
0xe6: {  	s12 =	sshll.u32 s0, $0x10;
	v17 =	vadd.f32 v17, v5;
	[tilespmem:s15+$0x60] =	vst v18  }
0xe7: {  	s4 =	sadd.s32 s7, s12;
	v18 =	vadd.f32 v20, v2;
	[tilespmem:s15+$0x40] =	vst v16  }
0xe8: {  	s4 =	sshrl.u32 s4, $0x3;
	[tilespmem:s15+$0x70] =	vst v17  }
0xe9: {  	s4 =	sadd.s32 s5, s4;
	[tilespmem:s15+$0x50] =	vst v18  }
0xea: {  	[hbm4b:s4+s6] =	stream.linear.scatter [tilespmem:s18], [sflag:$0x5], $0x4000, $0x38;
	[tilespmem:$0x11A00] =	vst v63  }
0xeb: {  	_ =	swait.ge [sflag:s24], $0x4000  }
0xec: {  	[sflag:s24] =	ssyncset.done $0x0  }
0xed: {  	[sflag:s24] =	ssyncadd.s32 $0xFFFFC000  }
0xee: {  	s15 =	sshll.u32 s0, $0x9;
	_ =	swait.ge [sflag:s25], $0x4000  }
0xef: {  	s4 =	sand.u32 $0x3FFFFE00, s15;
	[sflag:s25] =	ssyncset.done $0x0  }
0xf0: {  	s16 =	sadd.s32 $0x200, s4;
	[sflag:s25] =	ssyncadd.s32 $0xFFFFC000  }
0xf1: {  	[tilespmem:s18], [sflag:$0x1] =	stream.indirect.gather [hbm4b:s1+s17], $0x80, s16, s17, $0xb8;
	[tilespmem:$0x11A00] =	vst v63  }
0xf2: {  	s16 =	simm.s32 $0x5980  }
0xf3: {  	v24 =	vld [tilespmem:s16+$0xFFFFFF80]  }
0xf4: {  	v25 =	vld [tilespmem:s16+$0xFFFFFF90];
	_ =	sdelay $0x1  }
0xf5: {  	v26 =	vld [tilespmem:s16+$0xFFFFFFA0];
	_ =	sdelay $0x1  }
0xf6: {  	v27 =	vld [tilespmem:s16+$0xFFFFFFB0]  }
0xf7: {  	v16 =	vadd.f32 v25, v24  }
0xf8: {  	v28 =	vld [tilespmem:s16+$0xFFFFFFC0];
	v17 =	vmul.f32 v24, v24;
	v18 =	vmul.f32 v25, v25  }
0xf9: {  	v16 =	vadd.f32 v26, v16  }
0xfa: {  	v29 =	vld [tilespmem:s16+$0xFFFFFFD0];
	v17 =	vadd.f32 v18, v17;
	v18 =	vmul.f32 v26, v26  }
0xfb: {  	v16 =	vadd.f32 v27, v16  }
0xfc: {  	v30 =	vld [tilespmem:s16+$0xFFFFFFE0];
	v19 =	vmul.f32 v27, v27;
	v17 =	vadd.f32 v18, v17  }
0xfd: {  	v16 =	vadd.f32 v28, v16  }
0xfe: {  	v31 =	vld [tilespmem:s16+$0xFFFFFFF0];
	v18 =	vmul.f32 v28, v28;
	v17 =	vadd.f32 v19, v17  }
0xff: {  	v16 =	vadd.f32 v29, v16  }
0x100: {  	v17 =	vadd.f32 v18, v17;
	v18 =	vmul.f32 v29, v29  }
0x101: {  	v16 =	vadd.f32 v30, v16  }
0x102: {  	v17 =	vadd.f32 v18, v17;
	v18 =	vmul.f32 v30, v30  }
0x103: {  	v16 =	vadd.f32 v31, v16  }
0x104: {  	v17 =	vadd.f32 v18, v17;
	v18 =	vmul.f32 v31, v31  }
0x105: {  	(xrf2) =	vadd.scan.msk.f32 $0xffff, v16  }
0x106: {  	v16 =	vadd.f32 v18, v17;
	_ =	sdelay $0x1  }
0x107: {  	(xrf2) =	vadd.scan.msk.f32 $0xffff, v16;
	_ =	sdelay $0x6  }
0x108: {  	v16, _, _ =	vpop (xrf2)  }
0x109: {  	(v2sf) =	vpush v16, $0xF;
	_ =	sdelay $0x1  }
0x10a: {  	v16, _, _ =	vpop (xrf2)  }
0x10b: {  	(v2sf) =	vpush v16, $0xF  }
0x10c: {  	v17 =	vld [tilespmem:s16+$0x0]  }
0x10d: {  	v16 =	vld [tilespmem:s16+$0x10];
	_ =	sdelay $0x1  }
0x10e: {  	v18 =	vld [tilespmem:s16+$0x20];
	_ =	sdelay $0x1  }
0x10f: {  	v19 =	vld [tilespmem:s16+$0x30]  }
0x110: {  	v22 =	vmul.f32 v17, v17;
	v23 =	vmul.f32 v16, v16;
	v47 =	vadd.f32 v16, v17  }
0x111: {  	v20 =	vld [tilespmem:s16+$0x40]  }
0x112: {  	v22 =	vadd.f32 v23, v22;
	v23 =	vadd.f32 v18, v47  }
0x113: {  	v21 =	vld [tilespmem:s16+$0x50];
	v48 =	vmul.f32 v18, v18  }
0x114: {  	v50 =	vadd.f32 v19, v23  }
0x115: {  	v49 =	vmul.f32 v19, v19;
	v22 =	vadd.f32 v48, v22;
	v23 =	vld [tilespmem:s16+$0x60];
	s20 =	spop (v2sf)  }
0x116: {  	v33 =	vadd.f32 v20, v50;
	s8 =	smul.f32 $7.812500000e-03, s20  }
0x117: {  	v51 =	vmul.f32 v20, v20;
	v32 =	vadd.f32 v49, v22;
	v22 =	vld [tilespmem:s16+$0x70]  }
0x118: {  	v33 =	vadd.f32 v21, v33;
	s11 =	spop (v2sf);
	s20 =	smul.f32 s8, s8  }
0x119: {  	v52 =	vmul.f32 v21, v21;
	v32 =	vadd.f32 v51, v32;
	s11 =	smul.f32 $7.812500000e-03, s11  }
0x11a: {  	v33 =	vadd.f32 v23, v33  }
0x11b: {  	v54 =	vmul.f32 v23, v23;
	v32 =	vadd.f32 v52, v32;
	s11 =	ssub.f32 s11, s20  }
0x11c: {  	v33 =	vadd.f32 v22, v33  }
0x11d: {  	v55 =	vmul.f32 v22, v22;
	v32 =	vadd.f32 v54, v32;
	s11 =	smax.f32 s11, $0.0e+00  }
0x11e: {  	(xrf2) =	vadd.scan.msk.f32 $0xffff, v33;
	s11 =	sadd.f32 $9.999999960e-13, s11  }
0x11f: {  	v32 =	vadd.f32 v55, v32  }
0x120: {  	v36 =	vmov s11  }
0x121: {  	(xrf2) =	vadd.scan.msk.f32 $0xffff, v32;
	v53 =	vshra.s32 v36, $0x1;
	v36 =	vmul.f32 $5.000000000e-01, v36  }
0x122: {  	v34 =	vsub.s32 $0x5F3759DF, v53  }
0x123: {  	v37 =	vmul.f32 v34, v36;
	_ =	sdelay $0x1  }
0x124: {  	v37 =	vmul.f32 v34, v37;
	_ =	sdelay $0x1  }
0x125: {  	v59 =	vmov s8;
	v56 =	vsub.f32 $1.500000000e+00, v37  }
0x126: {  	v62 =	vsub.f32 v26, v59;
	v26 =	vsub.f32 v29, v59;
	v29, _, _ =	vpop (xrf2)  }
0x127: {  	(v2sf) =	vpush v29, $0xF;
	v57 =	vmul.f32 v34, v56;
	_ =	sdelay $0x1  }
0x128: {  	v29, _, _ =	vpop (xrf2);
	v58 =	vmul.f32 v57, v36  }
0x129: {  	(v2sf) =	vpush v29, $0xF  }
0x12a: {  	v33 =	vmul.f32 v58, v57;
	_ =	sdelay $0x1  }
0x12b: {  	v60 =	vsub.f32 v24, v59;
	v24 =	vsub.f32 $1.500000000e+00, v33  }
0x12c: {  	v61 =	vsub.f32 v25, v59  }
0x12d: {  	v63 =	vsub.f32 v27, v59;
	v27 =	vsub.f32 v28, v59;
	v28 =	vmul.f32 v24, v57;
	_ =	sdelay $0x1  }
0x12e: {  	v24 =	vsub.f32 v30, v59;
	v32 =	vmul.f32 v28, v60;
	v30 =	vmul.f32 v28, v61  }
0x12f: {  	s8 =	simm.s32 $0x0;
	v25 =	vsub.f32 v31, v59;
	s20 =	simm.s32 $0x5980;
	v29 =	vmul.f32 v28, v62;
	v31 =	vmul.f32 v28, v63  }
.LBB2_5:
0x130: {  	s8 =	sadd.s32 $0x2, s8;
	v32 =	vmul.f32 v32, v14;
	v27 =	vmul.f32 v28, v27;
	s16 =	sadd.s32 $0x100, s16  }
0x131: {  	v30 =	vmul.f32 v30, v11;
	p0 =	slt.u32 s8, $0x7E;
	v31 =	vmul.f32 v31, v8  }
0x132: {  	v29 =	vmul.f32 v29, v10;
	v32 =	vadd.f32 v32, v15;
	v27 =	vmul.f32 v27, v1  }
0x133: {  	v26 =	vmul.f32 v28, v26;
	v30 =	vadd.f32 v30, v13;
	v31 =	vadd.f32 v31, v9;
	s11 =	spop (v2sf)  }
0x134: {  	v29 =	vadd.f32 v29, v12;
	[tilespmem:s20+$0xFFFFFF80] =	vst v32;
	v27 =	vadd.f32 v27, v4;
	v32 =	vmul.f32 v28, v24;
	s11 =	smul.f32 $7.812500000e-03, s11  }
0x135: {  	v28 =	vmul.f32 v28, v25;
	v24 =	vld [tilespmem:s16+$0xFFFFFF80];
	[tilespmem:s20+$0xFFFFFF90] =	vst v30;
	v30 =	vmul.f32 v26, v0  }
0x136: {  	v26 =	vld [tilespmem:s16+$0xFFFFFF90];
	[tilespmem:s20+$0xFFFFFFB0] =	vst v31;
	v31 =	vmul.f32 v32, v6;
	s12 =	smul.f32 s11, s11;
	v32 =	vmov s11;
	s11 =	spop (v2sf)  }
0x137: {  	v25 =	vld [tilespmem:s16+$0xFFFFFFB0];
	[tilespmem:s20+$0xFFFFFFA0] =	vst v29;
	v29 =	vadd.f32 v30, v2;
	v30 =	vmul.f32 v28, v3;
	s11 =	smul.f32 $7.812500000e-03, s11;
	v17 =	vsub.f32 v17, v32  }
0x138: {  	v23 =	vsub.f32 v23, v32;
	[tilespmem:s20+$0xFFFFFFC0] =	vst v27;
	v28 =	vadd.f32 v31, v7  }
0x139: {  	v16 =	vsub.f32 v16, v32;
	v18 =	vsub.f32 v18, v32;
	v27 =	vld [tilespmem:s16+$0xFFFFFFA0];
	[tilespmem:s20+$0xFFFFFFD0] =	vst v29;
	s11 =	ssub.f32 s11, s12  }
0x13a: {  	v19 =	vsub.f32 v19, v32;
	v20 =	vsub.f32 v20, v32;
	[tilespmem:s20+$0xFFFFFFE0] =	vst v28  }
0x13b: {  	v21 =	vsub.f32 v21, v32;
	v31 =	vmul.f32 v24, v24;
	v33 =	vadd.f32 v26, v24;
	s11 =	smax.f32 s11, $0.0e+00  }
0x13c: {  	v22 =	vsub.f32 v22, v32;
	v30 =	vadd.f32 v30, v5;
	v34 =	vmul.f32 v26, v26;
	v28 =	vld [tilespmem:s16+$0xFFFFFFC0];
	s11 =	sadd.f32 $9.999999960e-13, s11;
	_ =	sdelay $0x1  }
0x13d: {  	v31 =	vadd.f32 v34, v31;
	v29 =	vld [tilespmem:s16+$0xFFFFFFD0];
	v32 =	vadd.f32 v27, v33;
	[tilespmem:s20+$0xFFFFFFF0] =	vst v30;
	v30 =	vmov s11  }
0x13e: {  	v33 =	vmul.f32 v27, v27;
	v34 =	vshra.s32 v30, $0x1;
	v35 =	vmul.f32 $5.000000000e-01, v30  }
0x13f: {  	v36 =	vmul.f32 v25, v25;
	v32 =	vadd.f32 v25, v32;
	v34 =	vsub.s32 $0x5F3759DF, v34  }
0x140: {  	v33 =	vadd.f32 v33, v31;
	v30 =	vld [tilespmem:s16+$0xFFFFFFE0];
	v37 =	vmul.f32 v34, v35  }
0x141: {  	v32 =	vadd.f32 v28, v32  }
0x142: {  	v33 =	vadd.f32 v36, v33;
	v36 =	vmul.f32 v28, v28;
	v31 =	vld [tilespmem:s16+$0xFFFFFFF0];
	v37 =	vmul.f32 v34, v37  }
0x143: {  	v32 =	vadd.f32 v29, v32  }
0x144: {  	v33 =	vadd.f32 v36, v33;
	v36 =	vmul.f32 v29, v29;
	v37 =	vsub.f32 $1.500000000e+00, v37  }
0x145: {  	v32 =	vadd.f32 v30, v32  }
0x146: {  	v33 =	vadd.f32 v36, v33;
	v36 =	vmul.f32 v30, v30;
	v34 =	vmul.f32 v34, v37  }
0x147: {  	v32 =	vadd.f32 v31, v32  }
0x148: {  	v33 =	vadd.f32 v36, v33;
	v36 =	vmul.f32 v31, v31;
	v35 =	vmul.f32 v34, v35  }
0x149: {  	(xrf2) =	vadd.scan.msk.f32 $0xffff, v32  }
0x14a: {  	v32 =	vadd.f32 v36, v33;
	v33 =	vmul.f32 v35, v34;
	_ =	sdelay $0x1  }
0x14b: {  	(xrf2) =	vadd.scan.msk.f32 $0xffff, v32;
	v32 =	vsub.f32 $1.500000000e+00, v33;
	_ =	sdelay $0x1  }
0x14c: {  	v32 =	vmul.f32 v32, v34;
	_ =	sdelay $0x1  }
0x14d: {  	v17 =	vmul.f32 v32, v17;
	v23 =	vmul.f32 v32, v23  }
0x14e: {  	v16 =	vmul.f32 v32, v16;
	v18 =	vmul.f32 v32, v18  }
0x14f: {  	v19 =	vmul.f32 v32, v19;
	v17 =	vmul.f32 v17, v14  }
0x150: {  	v16 =	vmul.f32 v16, v11;
	v18 =	vmul.f32 v18, v10;
	v33, _, _ =	vpop (xrf2)  }
0x151: {  	v19 =	vmul.f32 v19, v8;
	(v2sf) =	vpush v33, $0xF;
	v17 =	vadd.f32 v17, v15  }
0x152: {  	v20 =	vmul.f32 v32, v20;
	v16 =	vadd.f32 v16, v13;
	v18 =	vadd.f32 v18, v12  }
0x153: {  	v21 =	vmul.f32 v32, v21;
	v22 =	vmul.f32 v32, v22;
	v19 =	vadd.f32 v19, v9;
	v33, _, _ =	vpop (xrf2);
	[tilespmem:s20+$0x0] =	vst v17  }
0x154: {  	v20 =	vmul.f32 v20, v1;
	v23 =	vmul.f32 v23, v6;
	v17 =	vld [tilespmem:s16+$0x0];
	(v2sf) =	vpush v33, $0xF;
	[tilespmem:s20+$0x10] =	vst v16  }
0x155: {  	v21 =	vmul.f32 v21, v0;
	v22 =	vmul.f32 v22, v3;
	[tilespmem:s20+$0x20] =	vst v18  }
0x156: {  	v20 =	vadd.f32 v20, v4;
	v16 =	vld [tilespmem:s16+$0x10];
	[tilespmem:s20+$0x30] =	vst v19;
	v19 =	vadd.f32 v23, v7  }
0x157: {  	v21 =	vadd.f32 v21, v2;
	v22 =	vadd.f32 v22, v5;
	v18 =	vld [tilespmem:s16+$0x20]  }
0x158: {  	[tilespmem:s20+$0x60] =	vst v19  }
0x159: {  	v19 =	vld [tilespmem:s16+$0x30];
	[tilespmem:s20+$0x40] =	vst v20  }
0x15a: {  	v23 =	vmul.f32 v17, v17;
	[tilespmem:s20+$0x70] =	vst v22  }
0x15b: {  	v20 =	vld [tilespmem:s16+$0x40];
	v22 =	vadd.f32 v16, v17;
	v32 =	vmul.f32 v16, v16;
	[tilespmem:s20+$0x50] =	vst v21;
	s20 =	smov.u32 s16  }
0x15c: {  	v33 =	vmul.f32 v18, v18  }
0x15d: {  	v21 =	vld [tilespmem:s16+$0x50];
	v23 =	vadd.f32 v32, v23;
	v22 =	vadd.f32 v18, v22  }
0x15e: {  	v32 =	vmul.f32 v19, v19  }
0x15f: {  	v33 =	vadd.f32 v33, v23;
	v22 =	vadd.f32 v19, v22  }
0x160: {  	v23 =	vld [tilespmem:s16+$0x60];
	v34 =	vmul.f32 v20, v20;
	s11 =	spop (v2sf)  }
0x161: {  	s11 =	smul.f32 $7.812500000e-03, s11;
	v32 =	vadd.f32 v32, v33;
	v33 =	vadd.f32 v20, v22  }
0x162: {  	v22 =	vld [tilespmem:s16+$0x70];
	v35 =	vmul.f32 v21, v21  }
0x163: {  	s12 =	smul.f32 s11, s11;
	v36 =	vmov s11;
	v32 =	vadd.f32 v34, v32;
	v33 =	vadd.f32 v21, v33;
	s11 =	spop (v2sf)  }
0x164: {  	s11 =	smul.f32 $7.812500000e-03, s11;
	v34 =	vsub.f32 v24, v36;
	v37 =	vsub.f32 v26, v36  }
0x165: {  	v24 =	vadd.f32 v35, v32;
	v26 =	vadd.f32 v23, v33;
	v32 =	vmul.f32 v23, v23  }
0x166: {  	v33 =	vsub.f32 v27, v36;
	v35 =	vsub.f32 v25, v36;
	s11 =	ssub.f32 s11, s12  }
0x167: {  	v25 =	vadd.f32 v32, v24;
	v32 =	vadd.f32 v22, v26;
	v38 =	vmul.f32 v22, v22  }
0x168: {  	v27 =	vsub.f32 v28, v36;
	v26 =	vsub.f32 v29, v36;
	s11 =	smax.f32 s11, $0.0e+00  }
0x169: {  	v24 =	vsub.f32 v30, v36;
	s11 =	sadd.f32 $9.999999960e-13, s11;
	v28 =	vadd.f32 v38, v25;
	(xrf2) =	vadd.scan.msk.f32 $0xffff, v32  }
0x16a: {  	v25 =	vsub.f32 v31, v36  }
0x16b: {  	v29 =	vmov s11  }
0x16c: {  	v30 =	vshra.s32 v29, $0x1;
	v29 =	vmul.f32 $5.000000000e-01, v29;
	(xrf2) =	vadd.scan.msk.f32 $0xffff, v28  }
0x16d: {  	v28 =	vsub.s32 $0x5F3759DF, v30  }
0x16e: {  	v30 =	vmul.f32 v28, v29;
	_ =	sdelay $0x1  }
0x16f: {  	v30 =	vmul.f32 v28, v30;
	_ =	sdelay $0x1  }
0x170: {  	v30 =	vsub.f32 $1.500000000e+00, v30  }
0x171: {  	v31, _, _ =	vpop (xrf2)  }
0x172: {  	v28 =	vmul.f32 v28, v30;
	(v2sf) =	vpush v31, $0xF;
	_ =	sdelay $0x1  }
0x173: {  	v29 =	vmul.f32 v28, v29;
	v30, _, _ =	vpop (xrf2)  }
0x174: {  	(v2sf) =	vpush v30, $0xF  }
0x175: {  	v29 =	vmul.f32 v29, v28;
	_ =	sdelay $0x1  }
0x176: {  	v29 =	vsub.f32 $1.500000000e+00, v29  }
.Ltmp1:
0x177: {  	(pc) =	sbr.rel @p0 .LBB2_5-.Ltmp1, $3  }
0x178: {  	v28 =	vmul.f32 v29, v28;
	_ =	sdelay $0x1  }
0x179: {  	v32 =	vmul.f32 v28, v34;
	v30 =	vmul.f32 v28, v37  }
0x17a: {  	v29 =	vmul.f32 v28, v33;
	v31 =	vmul.f32 v28, v35  }
0x17b: {  	_ =	sdelay $0x2  }
0x17c: {  	s8 =	spop (v2sf)  }
0x17d: {  	s8 =	smul.f32 $7.812500000e-03, s8;
	_ =	sdelay $0x1  }
0x17e: {  	s11 =	smul.f32 s8, s8;
	s12 =	spop (v2sf)  }
0x17f: {  	s12 =	smul.f32 $7.812500000e-03, s12;
	_ =	sdelay $0x1  }
0x180: {  	s11 =	ssub.f32 s12, s11;
	_ =	sdelay $0x1  }
0x181: {  	s11 =	smax.f32 s11, $0.0e+00  }
0x182: {  	s11 =	sadd.f32 $9.999999960e-13, s11;
	_ =	sdelay $0x1  }
0x183: {  	v33 =	vmov s11  }
0x184: {  	v34 =	vshra.s32 v33, $0x1;
	v33 =	vmul.f32 $5.000000000e-01, v33  }
0x185: {  	v34 =	vsub.s32 $0x5F3759DF, v34  }
0x186: {  	v35 =	vmul.f32 v34, v33;
	_ =	sdelay $0x1  }
0x187: {  	v35 =	vmul.f32 v34, v35;
	_ =	sdelay $0x1  }
0x188: {  	v35 =	vsub.f32 $1.500000000e+00, v35  }
0x189: {  	v32 =	vmul.f32 v32, v14;
	v27 =	vmul.f32 v28, v27  }
0x18a: {  	v30 =	vmul.f32 v30, v11;
	v34 =	vmul.f32 v34, v35  }
0x18b: {  	v26 =	vmul.f32 v28, v26;
	v24 =	vmul.f32 v28, v24  }
0x18c: {  	v25 =	vmul.f32 v28, v25;
	v33 =	vmul.f32 v34, v33  }
0x18d: {  	v31 =	vmul.f32 v31, v8;
	v29 =	vmul.f32 v29, v10;
	v32 =	vadd.f32 v32, v15  }
0x18e: {  	v27 =	vmul.f32 v27, v1;
	v30 =	vadd.f32 v30, v13;
	v33 =	vmul.f32 v33, v34  }
0x18f: {  	v26 =	vmul.f32 v26, v0;
	v24 =	vmul.f32 v24, v6;
	v31 =	vadd.f32 v31, v9  }
0x190: {  	v25 =	vmul.f32 v25, v3;
	v29 =	vadd.f32 v29, v12;
	v33 =	vsub.f32 $1.500000000e+00, v33  }
0x191: {  	v27 =	vadd.f32 v27, v4;
	v26 =	vadd.f32 v26, v2;
	v28 =	vmov s8  }
0x192: {  	[tilespmem:s20+$0xFFFFFF80] =	vst v32;
	v24 =	vadd.f32 v24, v7;
	v17 =	vsub.f32 v17, v28;
	v46 =	vmul.f32 v33, v34  }
0x193: {  	[tilespmem:s20+$0xFFFFFF90] =	vst v30;
	v25 =	vadd.f32 v25, v5;
	v16 =	vsub.f32 v16, v28  }
0x194: {  	[tilespmem:s20+$0xFFFFFFB0] =	vst v31;
	v23 =	vsub.f32 v23, v28;
	v18 =	vsub.f32 v18, v28;
	v17 =	vmul.f32 v46, v17  }
0x195: {  	[tilespmem:s20+$0xFFFFFFA0] =	vst v29;
	v19 =	vsub.f32 v19, v28;
	v20 =	vsub.f32 v20, v28;
	v16 =	vmul.f32 v46, v16  }
0x196: {  	[tilespmem:s20+$0xFFFFFFC0] =	vst v27;
	v21 =	vsub.f32 v21, v28;
	v18 =	vmul.f32 v46, v18;
	v17 =	vmul.f32 v17, v14  }
0x197: {  	[tilespmem:s20+$0xFFFFFFD0] =	vst v26;
	v22 =	vsub.f32 v22, v28;
	v19 =	vmul.f32 v46, v19;
	v16 =	vmul.f32 v16, v11  }
0x198: {  	[tilespmem:s20+$0xFFFFFFE0] =	vst v24;
	v23 =	vmul.f32 v46, v23;
	v18 =	vmul.f32 v18, v10;
	v17 =	vadd.f32 v17, v15  }
0x199: {  	[tilespmem:s20+$0xFFFFFFF0] =	vst v25;
	v20 =	vmul.f32 v46, v20;
	v19 =	vmul.f32 v19, v8;
	v16 =	vadd.f32 v16, v13  }
0x19a: {  	v18 =	vadd.f32 v18, v12;
	[tilespmem:s20+$0x0] =	vst v17;
	v17 =	vmul.f32 v46, v22;
	v22 =	vmul.f32 v23, v6  }
0x19b: {  	v21 =	vmul.f32 v46, v21;
	v19 =	vadd.f32 v19, v9;
	[tilespmem:s20+$0x10] =	vst v16;
	v16 =	vmul.f32 v20, v1  }
0x19c: {  	[tilespmem:s20+$0x20] =	vst v18;
	v17 =	vmul.f32 v17, v3;
	v18 =	vadd.f32 v22, v7  }
0x19d: {  	v20 =	vmul.f32 v21, v0;
	[tilespmem:s20+$0x30] =	vst v19;
	v16 =	vadd.f32 v16, v4  }
0x19e: {  	v17 =	vadd.f32 v17, v5;
	[tilespmem:s20+$0x60] =	vst v18  }
0x19f: {  	s16 =	sadd.s32 s15, s9;
	v18 =	vadd.f32 v20, v2;
	[tilespmem:s20+$0x40] =	vst v16  }
0x1a0: {  	s8 =	sshll.u32 s16, $0x4;
	[tilespmem:s20+$0x70] =	vst v17  }
0x1a1: {  	s8 =	sadd.s32 s5, s8;
	[tilespmem:s20+$0x50] =	vst v18  }
0x1a2: {  	[hbm4b:s8+s6] =	stream.linear.scatter [tilespmem:s19], [sflag:$0x6], $0x4000, $0x38;
	[tilespmem:$0x11A00] =	vst v63  }
0x1a3: {  	_ =	swait.ge [sflag:s26], $0x4000  }
0x1a4: {  	[sflag:s26] =	ssyncset.done $0x0  }
0x1a5: {  	[sflag:s26] =	ssyncadd.s32 $0xFFFFC000  }
0x1a6: {  	_ =	swait.ge [sflag:s28], $0x4000  }
0x1a7: {  	[sflag:s28] =	ssyncset.done $0x0  }
0x1a8: {  	s16 =	simm.s32 $0x9980;
	s11 =	sadd.s32 $0x280, s4;
	[sflag:s28] =	ssyncadd.s32 $0xFFFFC000  }
0x1a9: {  	[tilespmem:s19], [sflag:$0x2] =	stream.indirect.gather [hbm4b:s1+s17], $0x80, s11, s17, $0xb8;
	[tilespmem:$0x11A00] =	vst v63  }
0x1aa: {  	v24 =	vld [tilespmem:s16+$0xFFFFFF80]  }
0x1ab: {  	v25 =	vld [tilespmem:s16+$0xFFFFFF90];
	_ =	sdelay $0x1  }
0x1ac: {  	v26 =	vld [tilespmem:s16+$0xFFFFFFA0];
	_ =	sdelay $0x1  }
0x1ad: {  	v27 =	vld [tilespmem:s16+$0xFFFFFFB0]  }
0x1ae: {  	v16 =	vadd.f32 v25, v24  }
0x1af: {  	v28 =	vld [tilespmem:s16+$0xFFFFFFC0];
	v17 =	vmul.f32 v24, v24;
	v18 =	vmul.f32 v25, v25  }
0x1b0: {  	v16 =	vadd.f32 v26, v16  }
0x1b1: {  	v29 =	vld [tilespmem:s16+$0xFFFFFFD0];
	v17 =	vadd.f32 v18, v17;
	v18 =	vmul.f32 v26, v26  }
0x1b2: {  	v16 =	vadd.f32 v27, v16  }
0x1b3: {  	v30 =	vld [tilespmem:s16+$0xFFFFFFE0];
	v19 =	vmul.f32 v27, v27;
	v17 =	vadd.f32 v18, v17  }
0x1b4: {  	v16 =	vadd.f32 v28, v16  }
0x1b5: {  	v31 =	vld [tilespmem:s16+$0xFFFFFFF0];
	v18 =	vmul.f32 v28, v28;
	v17 =	vadd.f32 v19, v17  }
0x1b6: {  	v16 =	vadd.f32 v29, v16  }
0x1b7: {  	v17 =	vadd.f32 v18, v17;
	v18 =	vmul.f32 v29, v29  }
0x1b8: {  	v16 =	vadd.f32 v30, v16  }
0x1b9: {  	v17 =	vadd.f32 v18, v17;
	v18 =	vmul.f32 v30, v30  }
0x1ba: {  	v16 =	vadd.f32 v31, v16  }
0x1bb: {  	v17 =	vadd.f32 v18, v17;
	v18 =	vmul.f32 v31, v31  }
0x1bc: {  	(xrf2) =	vadd.scan.msk.f32 $0xffff, v16  }
0x1bd: {  	v16 =	vadd.f32 v18, v17;
	_ =	sdelay $0x1  }
0x1be: {  	(xrf2) =	vadd.scan.msk.f32 $0xffff, v16;
	_ =	sdelay $0x6  }
0x1bf: {  	v16, _, _ =	vpop (xrf2)  }
0x1c0: {  	(v2sf) =	vpush v16, $0xF;
	_ =	sdelay $0x1  }
0x1c1: {  	v16, _, _ =	vpop (xrf2)  }
0x1c2: {  	(v2sf) =	vpush v16, $0xF  }
0x1c3: {  	v17 =	vld [tilespmem:s16+$0x0]  }
0x1c4: {  	v16 =	vld [tilespmem:s16+$0x10];
	_ =	sdelay $0x1  }
0x1c5: {  	v18 =	vld [tilespmem:s16+$0x20];
	_ =	sdelay $0x1  }
0x1c6: {  	v19 =	vld [tilespmem:s16+$0x30]  }
0x1c7: {  	v22 =	vmul.f32 v17, v17;
	v23 =	vmul.f32 v16, v16;
	v47 =	vadd.f32 v16, v17  }
0x1c8: {  	v20 =	vld [tilespmem:s16+$0x40]  }
0x1c9: {  	v22 =	vadd.f32 v23, v22;
	v23 =	vadd.f32 v18, v47  }
0x1ca: {  	v21 =	vld [tilespmem:s16+$0x50];
	v48 =	vmul.f32 v18, v18  }
0x1cb: {  	v50 =	vadd.f32 v19, v23  }
0x1cc: {  	v49 =	vmul.f32 v19, v19;
	v22 =	vadd.f32 v48, v22;
	v23 =	vld [tilespmem:s16+$0x60];
	s12 =	spop (v2sf)  }
0x1cd: {  	v33 =	vadd.f32 v20, v50;
	s8 =	smul.f32 $7.812500000e-03, s12  }
0x1ce: {  	v51 =	vmul.f32 v20, v20;
	v32 =	vadd.f32 v49, v22;
	v22 =	vld [tilespmem:s16+$0x70]  }
0x1cf: {  	v33 =	vadd.f32 v21, v33;
	s20 =	spop (v2sf);
	s11 =	smul.f32 s8, s8  }
0x1d0: {  	v52 =	vmul.f32 v21, v21;
	v32 =	vadd.f32 v51, v32;
	s12 =	smul.f32 $7.812500000e-03, s20  }
0x1d1: {  	v33 =	vadd.f32 v23, v33  }
0x1d2: {  	v54 =	vmul.f32 v23, v23;
	v32 =	vadd.f32 v52, v32;
	s11 =	ssub.f32 s12, s11  }
0x1d3: {  	v33 =	vadd.f32 v22, v33  }
0x1d4: {  	v55 =	vmul.f32 v22, v22;
	v32 =	vadd.f32 v54, v32;
	s11 =	smax.f32 s11, $0.0e+00  }
0x1d5: {  	(xrf2) =	vadd.scan.msk.f32 $0xffff, v33;
	s11 =	sadd.f32 $9.999999960e-13, s11  }
0x1d6: {  	v32 =	vadd.f32 v55, v32  }
0x1d7: {  	v36 =	vmov s11  }
0x1d8: {  	(xrf2) =	vadd.scan.msk.f32 $0xffff, v32;
	v53 =	vshra.s32 v36, $0x1;
	v36 =	vmul.f32 $5.000000000e-01, v36  }
0x1d9: {  	v34 =	vsub.s32 $0x5F3759DF, v53  }
0x1da: {  	v37 =	vmul.f32 v34, v36;
	_ =	sdelay $0x1  }
0x1db: {  	v37 =	vmul.f32 v34, v37;
	_ =	sdelay $0x1  }
0x1dc: {  	v59 =	vmov s8;
	v56 =	vsub.f32 $1.500000000e+00, v37  }
0x1dd: {  	v62 =	vsub.f32 v26, v59;
	v26 =	vsub.f32 v29, v59;
	v29, _, _ =	vpop (xrf2)  }
0x1de: {  	(v2sf) =	vpush v29, $0xF;
	v57 =	vmul.f32 v34, v56;
	_ =	sdelay $0x1  }
0x1df: {  	v29, _, _ =	vpop (xrf2);
	v58 =	vmul.f32 v57, v36  }
0x1e0: {  	(v2sf) =	vpush v29, $0xF  }
0x1e1: {  	v33 =	vmul.f32 v58, v57;
	_ =	sdelay $0x1  }
0x1e2: {  	v60 =	vsub.f32 v24, v59;
	v24 =	vsub.f32 $1.500000000e+00, v33  }
0x1e3: {  	v61 =	vsub.f32 v25, v59  }
0x1e4: {  	v63 =	vsub.f32 v27, v59;
	v27 =	vsub.f32 v28, v59;
	v28 =	vmul.f32 v24, v57;
	_ =	sdelay $0x1  }
0x1e5: {  	v24 =	vsub.f32 v30, v59;
	v32 =	vmul.f32 v28, v60;
	v30 =	vmul.f32 v28, v61  }
0x1e6: {  	s8 =	simm.s32 $0x0;
	s20 =	simm.s32 $0x9980;
	v25 =	vsub.f32 v31, v59;
	v29 =	vmul.f32 v28, v62;
	v31 =	vmul.f32 v28, v63  }
.LBB2_7:
0x1e7: {  	s8 =	sadd.s32 $0x2, s8;
	v32 =	vmul.f32 v32, v14;
	v27 =	vmul.f32 v28, v27;
	s16 =	sadd.s32 $0x100, s16  }
0x1e8: {  	v30 =	vmul.f32 v30, v11;
	p0 =	slt.u32 s8, $0x7E;
	v31 =	vmul.f32 v31, v8  }
0x1e9: {  	v29 =	vmul.f32 v29, v10;
	v32 =	vadd.f32 v32, v15;
	v27 =	vmul.f32 v27, v1  }
0x1ea: {  	v26 =	vmul.f32 v28, v26;
	v30 =	vadd.f32 v30, v13;
	v31 =	vadd.f32 v31, v9;
	s11 =	spop (v2sf)  }
0x1eb: {  	v29 =	vadd.f32 v29, v12;
	[tilespmem:s20+$0xFFFFFF80] =	vst v32;
	v27 =	vadd.f32 v27, v4;
	v32 =	vmul.f32 v28, v24;
	s11 =	smul.f32 $7.812500000e-03, s11  }
0x1ec: {  	v28 =	vmul.f32 v28, v25;
	v24 =	vld [tilespmem:s16+$0xFFFFFF80];
	[tilespmem:s20+$0xFFFFFF90] =	vst v30;
	v30 =	vmul.f32 v26, v0  }
0x1ed: {  	v26 =	vld [tilespmem:s16+$0xFFFFFF90];
	[tilespmem:s20+$0xFFFFFFB0] =	vst v31;
	v31 =	vmul.f32 v32, v6;
	s12 =	smul.f32 s11, s11;
	v32 =	vmov s11;
	s11 =	spop (v2sf)  }
0x1ee: {  	v25 =	vld [tilespmem:s16+$0xFFFFFFB0];
	[tilespmem:s20+$0xFFFFFFA0] =	vst v29;
	v29 =	vadd.f32 v30, v2;
	v30 =	vmul.f32 v28, v3;
	s11 =	smul.f32 $7.812500000e-03, s11;
	v17 =	vsub.f32 v17, v32  }
0x1ef: {  	v23 =	vsub.f32 v23, v32;
	[tilespmem:s20+$0xFFFFFFC0] =	vst v27;
	v28 =	vadd.f32 v31, v7  }
0x1f0: {  	v16 =	vsub.f32 v16, v32;
	v18 =	vsub.f32 v18, v32;
	v27 =	vld [tilespmem:s16+$0xFFFFFFA0];
	[tilespmem:s20+$0xFFFFFFD0] =	vst v29;
	s11 =	ssub.f32 s11, s12  }
0x1f1: {  	v19 =	vsub.f32 v19, v32;
	v20 =	vsub.f32 v20, v32;
	[tilespmem:s20+$0xFFFFFFE0] =	vst v28  }
0x1f2: {  	v21 =	vsub.f32 v21, v32;
	v31 =	vmul.f32 v24, v24;
	v33 =	vadd.f32 v26, v24;
	s11 =	smax.f32 s11, $0.0e+00  }
0x1f3: {  	v22 =	vsub.f32 v22, v32;
	v30 =	vadd.f32 v30, v5;
	v34 =	vmul.f32 v26, v26;
	v28 =	vld [tilespmem:s16+$0xFFFFFFC0];
	s11 =	sadd.f32 $9.999999960e-13, s11;
	_ =	sdelay $0x1  }
0x1f4: {  	v31 =	vadd.f32 v34, v31;
	v29 =	vld [tilespmem:s16+$0xFFFFFFD0];
	v32 =	vadd.f32 v27, v33;
	[tilespmem:s20+$0xFFFFFFF0] =	vst v30;
	v30 =	vmov s11  }
0x1f5: {  	v33 =	vmul.f32 v27, v27;
	v34 =	vshra.s32 v30, $0x1;
	v35 =	vmul.f32 $5.000000000e-01, v30  }
0x1f6: {  	v36 =	vmul.f32 v25, v25;
	v32 =	vadd.f32 v25, v32;
	v34 =	vsub.s32 $0x5F3759DF, v34  }
0x1f7: {  	v33 =	vadd.f32 v33, v31;
	v30 =	vld [tilespmem:s16+$0xFFFFFFE0];
	v37 =	vmul.f32 v34, v35  }
0x1f8: {  	v32 =	vadd.f32 v28, v32  }
0x1f9: {  	v33 =	vadd.f32 v36, v33;
	v36 =	vmul.f32 v28, v28;
	v31 =	vld [tilespmem:s16+$0xFFFFFFF0];
	v37 =	vmul.f32 v34, v37  }
0x1fa: {  	v32 =	vadd.f32 v29, v32  }
0x1fb: {  	v33 =	vadd.f32 v36, v33;
	v36 =	vmul.f32 v29, v29;
	v37 =	vsub.f32 $1.500000000e+00, v37  }
0x1fc: {  	v32 =	vadd.f32 v30, v32  }
0x1fd: {  	v33 =	vadd.f32 v36, v33;
	v36 =	vmul.f32 v30, v30;
	v34 =	vmul.f32 v34, v37  }
0x1fe: {  	v32 =	vadd.f32 v31, v32  }
0x1ff: {  	v33 =	vadd.f32 v36, v33;
	v36 =	vmul.f32 v31, v31;
	v35 =	vmul.f32 v34, v35  }
0x200: {  	(xrf2) =	vadd.scan.msk.f32 $0xffff, v32  }
0x201: {  	v32 =	vadd.f32 v36, v33;
	v33 =	vmul.f32 v35, v34;
	_ =	sdelay $0x1  }
0x202: {  	(xrf2) =	vadd.scan.msk.f32 $0xffff, v32;
	v32 =	vsub.f32 $1.500000000e+00, v33;
	_ =	sdelay $0x1  }
0x203: {  	v32 =	vmul.f32 v32, v34;
	_ =	sdelay $0x1  }
0x204: {  	v17 =	vmul.f32 v32, v17;
	v23 =	vmul.f32 v32, v23  }
0x205: {  	v16 =	vmul.f32 v32, v16;
	v18 =	vmul.f32 v32, v18  }
0x206: {  	v19 =	vmul.f32 v32, v19;
	v17 =	vmul.f32 v17, v14  }
0x207: {  	v16 =	vmul.f32 v16, v11;
	v18 =	vmul.f32 v18, v10;
	v33, _, _ =	vpop (xrf2)  }
0x208: {  	v19 =	vmul.f32 v19, v8;
	(v2sf) =	vpush v33, $0xF;
	v17 =	vadd.f32 v17, v15  }
0x209: {  	v20 =	vmul.f32 v32, v20;
	v16 =	vadd.f32 v16, v13;
	v18 =	vadd.f32 v18, v12  }
0x20a: {  	v21 =	vmul.f32 v32, v21;
	v22 =	vmul.f32 v32, v22;
	v19 =	vadd.f32 v19, v9;
	v33, _, _ =	vpop (xrf2);
	[tilespmem:s20+$0x0] =	vst v17  }
0x20b: {  	v20 =	vmul.f32 v20, v1;
	v23 =	vmul.f32 v23, v6;
	v17 =	vld [tilespmem:s16+$0x0];
	(v2sf) =	vpush v33, $0xF;
	[tilespmem:s20+$0x10] =	vst v16  }
0x20c: {  	v21 =	vmul.f32 v21, v0;
	v22 =	vmul.f32 v22, v3;
	[tilespmem:s20+$0x20] =	vst v18  }
0x20d: {  	v20 =	vadd.f32 v20, v4;
	v16 =	vld [tilespmem:s16+$0x10];
	[tilespmem:s20+$0x30] =	vst v19;
	v19 =	vadd.f32 v23, v7  }
0x20e: {  	v21 =	vadd.f32 v21, v2;
	v22 =	vadd.f32 v22, v5;
	v18 =	vld [tilespmem:s16+$0x20]  }
0x20f: {  	[tilespmem:s20+$0x60] =	vst v19  }
0x210: {  	v19 =	vld [tilespmem:s16+$0x30];
	[tilespmem:s20+$0x40] =	vst v20  }
0x211: {  	v23 =	vmul.f32 v17, v17;
	[tilespmem:s20+$0x70] =	vst v22  }
0x212: {  	v20 =	vld [tilespmem:s16+$0x40];
	v22 =	vadd.f32 v16, v17;
	v32 =	vmul.f32 v16, v16;
	[tilespmem:s20+$0x50] =	vst v21;
	s20 =	smov.u32 s16  }
0x213: {  	v33 =	vmul.f32 v18, v18  }
0x214: {  	v21 =	vld [tilespmem:s16+$0x50];
	v23 =	vadd.f32 v32, v23;
	v22 =	vadd.f32 v18, v22  }
0x215: {  	v32 =	vmul.f32 v19, v19  }
0x216: {  	v33 =	vadd.f32 v33, v23;
	v22 =	vadd.f32 v19, v22  }
0x217: {  	v23 =	vld [tilespmem:s16+$0x60];
	v34 =	vmul.f32 v20, v20;
	s11 =	spop (v2sf)  }
0x218: {  	s11 =	smul.f32 $7.812500000e-03, s11;
	v32 =	vadd.f32 v32, v33;
	v33 =	vadd.f32 v20, v22  }
0x219: {  	v22 =	vld [tilespmem:s16+$0x70];
	v35 =	vmul.f32 v21, v21  }
0x21a: {  	s12 =	smul.f32 s11, s11;
	v36 =	vmov s11;
	v32 =	vadd.f32 v34, v32;
	v33 =	vadd.f32 v21, v33;
	s11 =	spop (v2sf)  }
0x21b: {  	s11 =	smul.f32 $7.812500000e-03, s11;
	v34 =	vsub.f32 v24, v36;
	v37 =	vsub.f32 v26, v36  }
0x21c: {  	v24 =	vadd.f32 v35, v32;
	v26 =	vadd.f32 v23, v33;
	v32 =	vmul.f32 v23, v23  }
0x21d: {  	v33 =	vsub.f32 v27, v36;
	v35 =	vsub.f32 v25, v36;
	s11 =	ssub.f32 s11, s12  }
0x21e: {  	v25 =	vadd.f32 v32, v24;
	v32 =	vadd.f32 v22, v26;
	v38 =	vmul.f32 v22, v22  }
0x21f: {  	v27 =	vsub.f32 v28, v36;
	v26 =	vsub.f32 v29, v36;
	s11 =	smax.f32 s11, $0.0e+00  }
0x220: {  	v24 =	vsub.f32 v30, v36;
	s11 =	sadd.f32 $9.999999960e-13, s11;
	v28 =	vadd.f32 v38, v25;
	(xrf2) =	vadd.scan.msk.f32 $0xffff, v32  }
0x221: {  	v25 =	vsub.f32 v31, v36  }
0x222: {  	v29 =	vmov s11  }
0x223: {  	v30 =	vshra.s32 v29, $0x1;
	v29 =	vmul.f32 $5.000000000e-01, v29;
	(xrf2) =	vadd.scan.msk.f32 $0xffff, v28  }
0x224: {  	v28 =	vsub.s32 $0x5F3759DF, v30  }
0x225: {  	v30 =	vmul.f32 v28, v29;
	_ =	sdelay $0x1  }
0x226: {  	v30 =	vmul.f32 v28, v30;
	_ =	sdelay $0x1  }
0x227: {  	v30 =	vsub.f32 $1.500000000e+00, v30  }
0x228: {  	v31, _, _ =	vpop (xrf2)  }
0x229: {  	v28 =	vmul.f32 v28, v30;
	(v2sf) =	vpush v31, $0xF;
	_ =	sdelay $0x1  }
0x22a: {  	v29 =	vmul.f32 v28, v29;
	v30, _, _ =	vpop (xrf2)  }
0x22b: {  	(v2sf) =	vpush v30, $0xF  }
0x22c: {  	v29 =	vmul.f32 v29, v28;
	_ =	sdelay $0x1  }
0x22d: {  	v29 =	vsub.f32 $1.500000000e+00, v29  }
.Ltmp2:
0x22e: {  	(pc) =	sbr.rel @p0 .LBB2_7-.Ltmp2, $3  }
0x22f: {  	v28 =	vmul.f32 v29, v28;
	_ =	sdelay $0x1  }
0x230: {  	v32 =	vmul.f32 v28, v34;
	v30 =	vmul.f32 v28, v37  }
0x231: {  	v29 =	vmul.f32 v28, v33;
	v31 =	vmul.f32 v28, v35  }
0x232: {  	_ =	sdelay $0x2  }
0x233: {  	s8 =	spop (v2sf)  }
0x234: {  	s8 =	smul.f32 $7.812500000e-03, s8;
	_ =	sdelay $0x1  }
0x235: {  	s11 =	smul.f32 s8, s8;
	s12 =	spop (v2sf)  }
0x236: {  	s12 =	smul.f32 $7.812500000e-03, s12;
	_ =	sdelay $0x1  }
0x237: {  	s11 =	ssub.f32 s12, s11;
	_ =	sdelay $0x1  }
0x238: {  	s11 =	smax.f32 s11, $0.0e+00  }
0x239: {  	s11 =	sadd.f32 $9.999999960e-13, s11;
	_ =	sdelay $0x1  }
0x23a: {  	v33 =	vmov s11  }
0x23b: {  	v34 =	vshra.s32 v33, $0x1;
	v33 =	vmul.f32 $5.000000000e-01, v33  }
0x23c: {  	v34 =	vsub.s32 $0x5F3759DF, v34  }
0x23d: {  	v35 =	vmul.f32 v34, v33;
	_ =	sdelay $0x1  }
0x23e: {  	v35 =	vmul.f32 v34, v35;
	_ =	sdelay $0x1  }
0x23f: {  	v35 =	vsub.f32 $1.500000000e+00, v35  }
0x240: {  	v32 =	vmul.f32 v32, v14;
	v27 =	vmul.f32 v28, v27  }
0x241: {  	v30 =	vmul.f32 v30, v11;
	v34 =	vmul.f32 v34, v35  }
0x242: {  	v26 =	vmul.f32 v28, v26;
	v24 =	vmul.f32 v28, v24  }
0x243: {  	v25 =	vmul.f32 v28, v25;
	v33 =	vmul.f32 v34, v33  }
0x244: {  	v31 =	vmul.f32 v31, v8;
	v29 =	vmul.f32 v29, v10;
	v32 =	vadd.f32 v32, v15  }
0x245: {  	v27 =	vmul.f32 v27, v1;
	v30 =	vadd.f32 v30, v13;
	v33 =	vmul.f32 v33, v34  }
0x246: {  	v26 =	vmul.f32 v26, v0;
	v24 =	vmul.f32 v24, v6;
	v31 =	vadd.f32 v31, v9  }
0x247: {  	v25 =	vmul.f32 v25, v3;
	v29 =	vadd.f32 v29, v12;
	v33 =	vsub.f32 $1.500000000e+00, v33  }
0x248: {  	v27 =	vadd.f32 v27, v4;
	v26 =	vadd.f32 v26, v2;
	v28 =	vmov s8  }
0x249: {  	[tilespmem:s20+$0xFFFFFF80] =	vst v32;
	v24 =	vadd.f32 v24, v7;
	v17 =	vsub.f32 v17, v28;
	v46 =	vmul.f32 v33, v34  }
0x24a: {  	[tilespmem:s20+$0xFFFFFF90] =	vst v30;
	v25 =	vadd.f32 v25, v5;
	v16 =	vsub.f32 v16, v28  }
0x24b: {  	[tilespmem:s20+$0xFFFFFFB0] =	vst v31;
	v23 =	vsub.f32 v23, v28;
	v18 =	vsub.f32 v18, v28;
	v17 =	vmul.f32 v46, v17  }
0x24c: {  	[tilespmem:s20+$0xFFFFFFA0] =	vst v29;
	v19 =	vsub.f32 v19, v28;
	v20 =	vsub.f32 v20, v28;
	v16 =	vmul.f32 v46, v16  }
0x24d: {  	[tilespmem:s20+$0xFFFFFFC0] =	vst v27;
	v21 =	vsub.f32 v21, v28;
	v18 =	vmul.f32 v46, v18;
	v17 =	vmul.f32 v17, v14  }
0x24e: {  	[tilespmem:s20+$0xFFFFFFD0] =	vst v26;
	v22 =	vsub.f32 v22, v28;
	v19 =	vmul.f32 v46, v19;
	v16 =	vmul.f32 v16, v11  }
0x24f: {  	[tilespmem:s20+$0xFFFFFFE0] =	vst v24;
	v23 =	vmul.f32 v46, v23;
	v18 =	vmul.f32 v18, v10;
	v17 =	vadd.f32 v17, v15  }
0x250: {  	[tilespmem:s20+$0xFFFFFFF0] =	vst v25;
	v20 =	vmul.f32 v46, v20;
	v19 =	vmul.f32 v19, v8;
	v16 =	vadd.f32 v16, v13  }
0x251: {  	v18 =	vadd.f32 v18, v12;
	[tilespmem:s20+$0x0] =	vst v17;
	v17 =	vmul.f32 v46, v22;
	v22 =	vmul.f32 v23, v6  }
0x252: {  	v21 =	vmul.f32 v46, v21;
	v19 =	vadd.f32 v19, v9;
	[tilespmem:s20+$0x10] =	vst v16;
	v16 =	vmul.f32 v20, v1  }
0x253: {  	[tilespmem:s20+$0x20] =	vst v18;
	v17 =	vmul.f32 v17, v3;
	v18 =	vadd.f32 v22, v7  }
0x254: {  	v20 =	vmul.f32 v21, v0;
	[tilespmem:s20+$0x30] =	vst v19;
	v16 =	vadd.f32 v16, v4  }
0x255: {  	v17 =	vadd.f32 v17, v5;
	[tilespmem:s20+$0x60] =	vst v18  }
0x256: {  	s12 =	sadd.s32 s15, s10;
	v18 =	vadd.f32 v20, v2;
	[tilespmem:s20+$0x40] =	vst v16  }
0x257: {  	s8 =	sshll.u32 s12, $0x4;
	[tilespmem:s20+$0x70] =	vst v17  }
0x258: {  	s8 =	sadd.s32 s5, s8;
	[tilespmem:s20+$0x50] =	vst v18  }
0x259: {  	[hbm4b:s8+s6] =	stream.linear.scatter [tilespmem:s21], [sflag:$0x7], $0x4000, $0x38;
	[tilespmem:$0x11A00] =	vst v63  }
0x25a: {  	_ =	swait.ge [sflag:s29], $0x4000  }
0x25b: {  	p0 =	seq.s32 s0, $0xB;
	[sflag:s29] =	ssyncset.done $0x0  }
0x25c: {  	s8 =	simm.s32 @!p0 $0x7;
	[sflag:s29] =	ssyncadd.s32 $0xFFFFC000  }
0x25d: {  	_ =	swait.ge @!p0 [sflag:s8], $0x4000  }
0x25e: {  	s4 =	sadd.s32 @!p0 $0x300, s4;
	[sflag:s8] =	ssyncset.done @!p0 $0x0  }
0x25f: {  	s11 =	simm.s32 @!p0 $0x9900;
	[sflag:s8] =	ssyncadd.s32 @!p0 $0xFFFFC000;
	s8 =	simm.s32 @!p0 $0x80  }
0x260: {  	[tilespmem:s11], [sflag:$0x3] =	stream.indirect.gather @!p0 [hbm4b:s1+s8], $0x80, s4, s8, $0xb8;
	[tilespmem:$0x11A00] =	vst v63  }
0x261: {  	s4 =	simm.s32 $0xD980  }
0x262: {  	v24 =	vld [tilespmem:s4+$0xFFFFFF80]  }
0x263: {  	v25 =	vld [tilespmem:s4+$0xFFFFFF90];
	_ =	sdelay $0x1  }
0x264: {  	v26 =	vld [tilespmem:s4+$0xFFFFFFA0];
	_ =	sdelay $0x1  }
0x265: {  	v27 =	vld [tilespmem:s4+$0xFFFFFFB0]  }
0x266: {  	v16 =	vadd.f32 v25, v24  }
0x267: {  	v28 =	vld [tilespmem:s4+$0xFFFFFFC0];
	v17 =	vmul.f32 v24, v24;
	v18 =	vmul.f32 v25, v25  }
0x268: {  	v16 =	vadd.f32 v26, v16  }
0x269: {  	v29 =	vld [tilespmem:s4+$0xFFFFFFD0];
	v17 =	vadd.f32 v18, v17;
	v18 =	vmul.f32 v26, v26  }
0x26a: {  	v16 =	vadd.f32 v27, v16  }
0x26b: {  	v30 =	vld [tilespmem:s4+$0xFFFFFFE0];
	v19 =	vmul.f32 v27, v27;
	v17 =	vadd.f32 v18, v17  }
0x26c: {  	v16 =	vadd.f32 v28, v16  }
0x26d: {  	v31 =	vld [tilespmem:s4+$0xFFFFFFF0];
	v18 =	vmul.f32 v28, v28;
	v17 =	vadd.f32 v19, v17  }
0x26e: {  	v16 =	vadd.f32 v29, v16  }
0x26f: {  	v17 =	vadd.f32 v18, v17;
	v18 =	vmul.f32 v29, v29  }
0x270: {  	v16 =	vadd.f32 v30, v16  }
0x271: {  	v17 =	vadd.f32 v18, v17;
	v18 =	vmul.f32 v30, v30  }
0x272: {  	v16 =	vadd.f32 v31, v16  }
0x273: {  	v17 =	vadd.f32 v18, v17;
	v18 =	vmul.f32 v31, v31  }
0x274: {  	(xrf2) =	vadd.scan.msk.f32 $0xffff, v16  }
0x275: {  	v16 =	vadd.f32 v18, v17;
	_ =	sdelay $0x1  }
0x276: {  	(xrf2) =	vadd.scan.msk.f32 $0xffff, v16;
	_ =	sdelay $0x6  }
0x277: {  	v16, _, _ =	vpop (xrf2)  }
0x278: {  	(v2sf) =	vpush v16, $0xF;
	_ =	sdelay $0x1  }
0x279: {  	v16, _, _ =	vpop (xrf2)  }
0x27a: {  	(v2sf) =	vpush v16, $0xF  }
0x27b: {  	v17 =	vld [tilespmem:s4+$0x0]  }
0x27c: {  	v16 =	vld [tilespmem:s4+$0x10];
	_ =	sdelay $0x1  }
0x27d: {  	v18 =	vld [tilespmem:s4+$0x20];
	_ =	sdelay $0x1  }
0x27e: {  	v19 =	vld [tilespmem:s4+$0x30]  }
0x27f: {  	v22 =	vmul.f32 v17, v17;
	v23 =	vmul.f32 v16, v16;
	v47 =	vadd.f32 v16, v17  }
0x280: {  	v20 =	vld [tilespmem:s4+$0x40]  }
0x281: {  	v22 =	vadd.f32 v23, v22;
	v23 =	vadd.f32 v18, v47  }
0x282: {  	v21 =	vld [tilespmem:s4+$0x50];
	v48 =	vmul.f32 v18, v18  }
0x283: {  	v50 =	vadd.f32 v19, v23  }
0x284: {  	v49 =	vmul.f32 v19, v19;
	v22 =	vadd.f32 v48, v22;
	v23 =	vld [tilespmem:s4+$0x60];
	s15 =	spop (v2sf)  }
0x285: {  	v33 =	vadd.f32 v20, v50;
	s8 =	smul.f32 $7.812500000e-03, s15  }
0x286: {  	v51 =	vmul.f32 v20, v20;
	v32 =	vadd.f32 v49, v22;
	v22 =	vld [tilespmem:s4+$0x70]  }
0x287: {  	v33 =	vadd.f32 v21, v33;
	s20 =	spop (v2sf);
	s16 =	smul.f32 s8, s8  }
0x288: {  	v52 =	vmul.f32 v21, v21;
	v32 =	vadd.f32 v51, v32;
	s12 =	smul.f32 $7.812500000e-03, s20  }
0x289: {  	v33 =	vadd.f32 v23, v33  }
0x28a: {  	v54 =	vmul.f32 v23, v23;
	v32 =	vadd.f32 v52, v32;
	s11 =	ssub.f32 s12, s16  }
0x28b: {  	v33 =	vadd.f32 v22, v33  }
0x28c: {  	v55 =	vmul.f32 v22, v22;
	v32 =	vadd.f32 v54, v32;
	s11 =	smax.f32 s11, $0.0e+00  }
0x28d: {  	(xrf2) =	vadd.scan.msk.f32 $0xffff, v33;
	s11 =	sadd.f32 $9.999999960e-13, s11  }
0x28e: {  	v32 =	vadd.f32 v55, v32  }
0x28f: {  	v36 =	vmov s11  }
0x290: {  	(xrf2) =	vadd.scan.msk.f32 $0xffff, v32;
	v53 =	vshra.s32 v36, $0x1;
	v36 =	vmul.f32 $5.000000000e-01, v36  }
0x291: {  	v34 =	vsub.s32 $0x5F3759DF, v53  }
0x292: {  	v37 =	vmul.f32 v34, v36;
	_ =	sdelay $0x1  }
0x293: {  	v37 =	vmul.f32 v34, v37;
	_ =	sdelay $0x1  }
0x294: {  	v59 =	vmov s8;
	v56 =	vsub.f32 $1.500000000e+00, v37  }
0x295: {  	v62 =	vsub.f32 v26, v59;
	v26 =	vsub.f32 v29, v59;
	v29, _, _ =	vpop (xrf2)  }
0x296: {  	(v2sf) =	vpush v29, $0xF;
	v57 =	vmul.f32 v34, v56;
	_ =	sdelay $0x1  }
0x297: {  	v29, _, _ =	vpop (xrf2);
	v58 =	vmul.f32 v57, v36  }
0x298: {  	(v2sf) =	vpush v29, $0xF  }
0x299: {  	v33 =	vmul.f32 v58, v57;
	_ =	sdelay $0x1  }
0x29a: {  	v60 =	vsub.f32 v24, v59;
	v24 =	vsub.f32 $1.500000000e+00, v33  }
0x29b: {  	v61 =	vsub.f32 v25, v59  }
0x29c: {  	v63 =	vsub.f32 v27, v59;
	v27 =	vsub.f32 v28, v59;
	v28 =	vmul.f32 v24, v57  }
0x29d: {  	v25 =	vsub.f32 v31, v59  }
0x29e: {  	v24 =	vsub.f32 v30, v59;
	v31 =	vmul.f32 v28, v60;
	v30 =	vmul.f32 v28, v61  }
0x29f: {  	s15 =	simm.s32 $0xD980;
	s8 =	simm.s32 $0x0;
	v29 =	vmul.f32 v28, v62;
	v32 =	vmul.f32 v28, v63  }
.LBB2_9:
0x2a0: {  	s8 =	sadd.s32 $0x2, s8;
	v31 =	vmul.f32 v31, v14;
	v27 =	vmul.f32 v28, v27;
	s4 =	sadd.s32 $0x100, s4  }
0x2a1: {  	v30 =	vmul.f32 v30, v11;
	p0 =	slt.u32 s8, $0x7E;
	v32 =	vmul.f32 v32, v8  }
0x2a2: {  	v29 =	vmul.f32 v29, v10;
	v31 =	vadd.f32 v31, v15;
	v27 =	vmul.f32 v27, v1  }
0x2a3: {  	v26 =	vmul.f32 v28, v26;
	v30 =	vadd.f32 v30, v13;
	v32 =	vadd.f32 v32, v9;
	s11 =	spop (v2sf)  }
0x2a4: {  	v29 =	vadd.f32 v29, v12;
	[tilespmem:s15+$0xFFFFFF80] =	vst v31;
	v27 =	vadd.f32 v27, v4;
	v31 =	vmul.f32 v28, v24;
	s11 =	smul.f32 $7.812500000e-03, s11  }
0x2a5: {  	v28 =	vmul.f32 v28, v25;
	v24 =	vld [tilespmem:s4+$0xFFFFFF80];
	[tilespmem:s15+$0xFFFFFF90] =	vst v30;
	v30 =	vmul.f32 v26, v0  }
0x2a6: {  	v26 =	vld [tilespmem:s4+$0xFFFFFF90];
	[tilespmem:s15+$0xFFFFFFB0] =	vst v32;
	v31 =	vmul.f32 v31, v6;
	s12 =	smul.f32 s11, s11;
	v32 =	vmov s11;
	s11 =	spop (v2sf)  }
0x2a7: {  	v25 =	vld [tilespmem:s4+$0xFFFFFFB0];
	[tilespmem:s15+$0xFFFFFFA0] =	vst v29;
	v29 =	vadd.f32 v30, v2;
	v30 =	vmul.f32 v28, v3;
	s11 =	smul.f32 $7.812500000e-03, s11;
	v17 =	vsub.f32 v17, v32  }
0x2a8: {  	v23 =	vsub.f32 v23, v32;
	[tilespmem:s15+$0xFFFFFFC0] =	vst v27;
	v28 =	vadd.f32 v31, v7  }
0x2a9: {  	v16 =	vsub.f32 v16, v32;
	v18 =	vsub.f32 v18, v32;
	v27 =	vld [tilespmem:s4+$0xFFFFFFA0];
	[tilespmem:s15+$0xFFFFFFD0] =	vst v29;
	s11 =	ssub.f32 s11, s12  }
0x2aa: {  	v19 =	vsub.f32 v19, v32;
	v20 =	vsub.f32 v20, v32;
	[tilespmem:s15+$0xFFFFFFE0] =	vst v28  }
0x2ab: {  	v21 =	vsub.f32 v21, v32;
	v31 =	vmul.f32 v24, v24;
	v33 =	vadd.f32 v26, v24;
	s11 =	smax.f32 s11, $0.0e+00  }
0x2ac: {  	v22 =	vsub.f32 v22, v32;
	v30 =	vadd.f32 v30, v5;
	v34 =	vmul.f32 v26, v26;
	v28 =	vld [tilespmem:s4+$0xFFFFFFC0];
	s11 =	sadd.f32 $9.999999960e-13, s11;
	_ =	sdelay $0x1  }
0x2ad: {  	v31 =	vadd.f32 v34, v31;
	v29 =	vld [tilespmem:s4+$0xFFFFFFD0];
	v32 =	vadd.f32 v27, v33;
	[tilespmem:s15+$0xFFFFFFF0] =	vst v30;
	v30 =	vmov s11  }
0x2ae: {  	v33 =	vmul.f32 v27, v27;
	v34 =	vshra.s32 v30, $0x1;
	v35 =	vmul.f32 $5.000000000e-01, v30  }
0x2af: {  	v36 =	vmul.f32 v25, v25;
	v32 =	vadd.f32 v25, v32;
	v34 =	vsub.s32 $0x5F3759DF, v34  }
0x2b0: {  	v33 =	vadd.f32 v33, v31;
	v30 =	vld [tilespmem:s4+$0xFFFFFFE0];
	v37 =	vmul.f32 v34, v35  }
0x2b1: {  	v32 =	vadd.f32 v28, v32  }
0x2b2: {  	v33 =	vadd.f32 v36, v33;
	v36 =	vmul.f32 v28, v28;
	v31 =	vld [tilespmem:s4+$0xFFFFFFF0];
	v37 =	vmul.f32 v34, v37  }
0x2b3: {  	v32 =	vadd.f32 v29, v32  }
0x2b4: {  	v33 =	vadd.f32 v36, v33;
	v36 =	vmul.f32 v29, v29;
	v37 =	vsub.f32 $1.500000000e+00, v37  }
0x2b5: {  	v32 =	vadd.f32 v30, v32  }
0x2b6: {  	v33 =	vadd.f32 v36, v33;
	v36 =	vmul.f32 v30, v30;
	v34 =	vmul.f32 v34, v37  }
0x2b7: {  	v32 =	vadd.f32 v31, v32  }
0x2b8: {  	v33 =	vadd.f32 v36, v33;
	v36 =	vmul.f32 v31, v31;
	v35 =	vmul.f32 v34, v35  }
0x2b9: {  	(xrf2) =	vadd.scan.msk.f32 $0xffff, v32  }
0x2ba: {  	v32 =	vadd.f32 v36, v33;
	v33 =	vmul.f32 v35, v34;
	_ =	sdelay $0x1  }
0x2bb: {  	(xrf2) =	vadd.scan.msk.f32 $0xffff, v32;
	v32 =	vsub.f32 $1.500000000e+00, v33;
	_ =	sdelay $0x1  }
0x2bc: {  	v32 =	vmul.f32 v32, v34;
	_ =	sdelay $0x1  }
0x2bd: {  	v17 =	vmul.f32 v32, v17;
	v23 =	vmul.f32 v32, v23  }
0x2be: {  	v16 =	vmul.f32 v32, v16;
	v18 =	vmul.f32 v32, v18  }
0x2bf: {  	v19 =	vmul.f32 v32, v19;
	v17 =	vmul.f32 v17, v14  }
0x2c0: {  	v16 =	vmul.f32 v16, v11;
	v18 =	vmul.f32 v18, v10;
	v33, _, _ =	vpop (xrf2)  }
0x2c1: {  	v19 =	vmul.f32 v19, v8;
	(v2sf) =	vpush v33, $0xF;
	v17 =	vadd.f32 v17, v15  }
0x2c2: {  	v20 =	vmul.f32 v32, v20;
	v16 =	vadd.f32 v16, v13;
	v18 =	vadd.f32 v18, v12  }
0x2c3: {  	v21 =	vmul.f32 v32, v21;
	v22 =	vmul.f32 v32, v22;
	v19 =	vadd.f32 v19, v9;
	v33, _, _ =	vpop (xrf2);
	[tilespmem:s15+$0x0] =	vst v17  }
0x2c4: {  	v20 =	vmul.f32 v20, v1;
	v23 =	vmul.f32 v23, v6;
	v17 =	vld [tilespmem:s4+$0x0];
	(v2sf) =	vpush v33, $0xF;
	[tilespmem:s15+$0x10] =	vst v16  }
0x2c5: {  	v21 =	vmul.f32 v21, v0;
	v22 =	vmul.f32 v22, v3;
	[tilespmem:s15+$0x20] =	vst v18  }
0x2c6: {  	v20 =	vadd.f32 v20, v4;
	v16 =	vld [tilespmem:s4+$0x10];
	[tilespmem:s15+$0x30] =	vst v19;
	v19 =	vadd.f32 v23, v7  }
0x2c7: {  	v21 =	vadd.f32 v21, v2;
	v22 =	vadd.f32 v22, v5;
	v18 =	vld [tilespmem:s4+$0x20]  }
0x2c8: {  	[tilespmem:s15+$0x60] =	vst v19  }
0x2c9: {  	v19 =	vld [tilespmem:s4+$0x30];
	[tilespmem:s15+$0x40] =	vst v20  }
0x2ca: {  	v23 =	vmul.f32 v17, v17;
	[tilespmem:s15+$0x70] =	vst v22  }
0x2cb: {  	v20 =	vld [tilespmem:s4+$0x40];
	v22 =	vadd.f32 v16, v17;
	v32 =	vmul.f32 v16, v16;
	[tilespmem:s15+$0x50] =	vst v21;
	s15 =	smov.u32 s4  }
0x2cc: {  	v33 =	vmul.f32 v18, v18  }
0x2cd: {  	v21 =	vld [tilespmem:s4+$0x50];
	v23 =	vadd.f32 v32, v23;
	v22 =	vadd.f32 v18, v22  }
0x2ce: {  	v32 =	vmul.f32 v19, v19  }
0x2cf: {  	v33 =	vadd.f32 v33, v23;
	v22 =	vadd.f32 v19, v22  }
0x2d0: {  	v23 =	vld [tilespmem:s4+$0x60];
	v34 =	vmul.f32 v20, v20;
	s11 =	spop (v2sf)  }
0x2d1: {  	s11 =	smul.f32 $7.812500000e-03, s11;
	v32 =	vadd.f32 v32, v33;
	v33 =	vadd.f32 v20, v22  }
0x2d2: {  	v22 =	vld [tilespmem:s4+$0x70];
	v35 =	vmul.f32 v21, v21  }
0x2d3: {  	s12 =	smul.f32 s11, s11;
	v36 =	vmov s11;
	v32 =	vadd.f32 v34, v32;
	v33 =	vadd.f32 v21, v33;
	s11 =	spop (v2sf)  }
0x2d4: {  	s11 =	smul.f32 $7.812500000e-03, s11;
	v34 =	vsub.f32 v24, v36;
	v37 =	vsub.f32 v26, v36  }
0x2d5: {  	v24 =	vadd.f32 v35, v32;
	v26 =	vadd.f32 v23, v33;
	v32 =	vmul.f32 v23, v23  }
0x2d6: {  	v33 =	vsub.f32 v27, v36;
	v35 =	vsub.f32 v25, v36;
	s11 =	ssub.f32 s11, s12  }
0x2d7: {  	v25 =	vadd.f32 v32, v24;
	v32 =	vadd.f32 v22, v26;
	v38 =	vmul.f32 v22, v22  }
0x2d8: {  	v27 =	vsub.f32 v28, v36;
	v26 =	vsub.f32 v29, v36;
	s11 =	smax.f32 s11, $0.0e+00  }
0x2d9: {  	v24 =	vsub.f32 v30, v36;
	s11 =	sadd.f32 $9.999999960e-13, s11;
	v28 =	vadd.f32 v38, v25;
	(xrf2) =	vadd.scan.msk.f32 $0xffff, v32  }
0x2da: {  	v25 =	vsub.f32 v31, v36  }
0x2db: {  	v29 =	vmov s11  }
0x2dc: {  	v30 =	vshra.s32 v29, $0x1;
	v29 =	vmul.f32 $5.000000000e-01, v29;
	(xrf2) =	vadd.scan.msk.f32 $0xffff, v28  }
0x2dd: {  	v28 =	vsub.s32 $0x5F3759DF, v30  }
0x2de: {  	v30 =	vmul.f32 v28, v29;
	_ =	sdelay $0x1  }
0x2df: {  	v30 =	vmul.f32 v28, v30;
	_ =	sdelay $0x1  }
0x2e0: {  	v30 =	vsub.f32 $1.500000000e+00, v30  }
0x2e1: {  	v31, _, _ =	vpop (xrf2)  }
0x2e2: {  	v28 =	vmul.f32 v28, v30;
	(v2sf) =	vpush v31, $0xF;
	_ =	sdelay $0x1  }
0x2e3: {  	v29 =	vmul.f32 v28, v29;
	v30, _, _ =	vpop (xrf2)  }
0x2e4: {  	(v2sf) =	vpush v30, $0xF  }
0x2e5: {  	v29 =	vmul.f32 v29, v28;
	_ =	sdelay $0x1  }
0x2e6: {  	v29 =	vsub.f32 $1.500000000e+00, v29  }
.Ltmp3:
0x2e7: {  	(pc) =	sbr.rel @p0 .LBB2_9-.Ltmp3, $3  }
0x2e8: {  	v28 =	vmul.f32 v29, v28;
	_ =	sdelay $0x1  }
0x2e9: {  	v31 =	vmul.f32 v28, v34;
	v30 =	vmul.f32 v28, v37  }
0x2ea: {  	v29 =	vmul.f32 v28, v33;
	v32 =	vmul.f32 v28, v35  }
0x2eb: {  	_ =	sdelay $0x2  }
0x2ec: {  	s4 =	spop (v2sf)  }
0x2ed: {  	s4 =	smul.f32 $7.812500000e-03, s4;
	_ =	sdelay $0x1  }
0x2ee: {  	s8 =	smul.f32 s4, s4;
	s11 =	spop (v2sf)  }
0x2ef: {  	s11 =	smul.f32 $7.812500000e-03, s11;
	_ =	sdelay $0x1  }
0x2f0: {  	s8 =	ssub.f32 s11, s8;
	_ =	sdelay $0x1  }
0x2f1: {  	s8 =	smax.f32 s8, $0.0e+00  }
0x2f2: {  	s8 =	sadd.f32 $9.999999960e-13, s8;
	_ =	sdelay $0x1  }
0x2f3: {  	v33 =	vmov s8  }
0x2f4: {  	v34 =	vshra.s32 v33, $0x1;
	v33 =	vmul.f32 $5.000000000e-01, v33  }
0x2f5: {  	v34 =	vsub.s32 $0x5F3759DF, v34  }
0x2f6: {  	v35 =	vmul.f32 v34, v33;
	_ =	sdelay $0x1  }
0x2f7: {  	v35 =	vmul.f32 v34, v35;
	_ =	sdelay $0x1  }
0x2f8: {  	v35 =	vsub.f32 $1.500000000e+00, v35  }
0x2f9: {  	v31 =	vmul.f32 v31, v14;
	v27 =	vmul.f32 v28, v27  }
0x2fa: {  	v30 =	vmul.f32 v30, v11;
	v34 =	vmul.f32 v34, v35  }
0x2fb: {  	v26 =	vmul.f32 v28, v26;
	v24 =	vmul.f32 v28, v24  }
0x2fc: {  	v25 =	vmul.f32 v28, v25;
	v33 =	vmul.f32 v34, v33  }
0x2fd: {  	v32 =	vmul.f32 v32, v8;
	v29 =	vmul.f32 v29, v10;
	v31 =	vadd.f32 v31, v15  }
0x2fe: {  	v27 =	vmul.f32 v27, v1;
	v30 =	vadd.f32 v30, v13;
	v33 =	vmul.f32 v33, v34  }
0x2ff: {  	v26 =	vmul.f32 v26, v0;
	v24 =	vmul.f32 v24, v6;
	v32 =	vadd.f32 v32, v9  }
0x300: {  	v25 =	vmul.f32 v25, v3;
	v29 =	vadd.f32 v29, v12;
	v33 =	vsub.f32 $1.500000000e+00, v33  }
0x301: {  	v27 =	vadd.f32 v27, v4;
	v26 =	vadd.f32 v26, v2;
	v58 =	vmov s4  }
0x302: {  	[tilespmem:s15+$0xFFFFFF80] =	vst v31;
	v24 =	vadd.f32 v24, v7;
	v17 =	vsub.f32 v17, v58;
	v59 =	vmul.f32 v33, v34  }
0x303: {  	[tilespmem:s15+$0xFFFFFF90] =	vst v30;
	v25 =	vadd.f32 v25, v5;
	v16 =	vsub.f32 v16, v58  }
0x304: {  	[tilespmem:s15+$0xFFFFFFB0] =	vst v32;
	v23 =	vsub.f32 v23, v58;
	v18 =	vsub.f32 v18, v58;
	v17 =	vmul.f32 v59, v17  }
0x305: {  	[tilespmem:s15+$0xFFFFFFA0] =	vst v29;
	v19 =	vsub.f32 v19, v58;
	v20 =	vsub.f32 v20, v58;
	v16 =	vmul.f32 v59, v16  }
0x306: {  	[tilespmem:s15+$0xFFFFFFC0] =	vst v27;
	v21 =	vsub.f32 v21, v58;
	v18 =	vmul.f32 v59, v18;
	v17 =	vmul.f32 v17, v14  }
0x307: {  	[tilespmem:s15+$0xFFFFFFD0] =	vst v26;
	v22 =	vsub.f32 v22, v58;
	v19 =	vmul.f32 v59, v19;
	v16 =	vmul.f32 v16, v11  }
0x308: {  	[tilespmem:s15+$0xFFFFFFE0] =	vst v24;
	v23 =	vmul.f32 v59, v23;
	v18 =	vmul.f32 v18, v10;
	v17 =	vadd.f32 v17, v15  }
0x309: {  	[tilespmem:s15+$0xFFFFFFF0] =	vst v25;
	v21 =	vmul.f32 v59, v21;
	v19 =	vmul.f32 v19, v8;
	v16 =	vadd.f32 v16, v13  }
0x30a: {  	v20 =	vmul.f32 v59, v20;
	v60 =	vmul.f32 v23, v6;
	v18 =	vadd.f32 v18, v12;
	[tilespmem:s15+$0x0] =	vst v17  }
0x30b: {  	v62 =	vmul.f32 v21, v0;
	v19 =	vadd.f32 v19, v9;
	v17 =	vmul.f32 v59, v22;
	[tilespmem:s15+$0x10] =	vst v16  }
0x30c: {  	s0 =	sadd.s32 $0x1, s0;
	v61 =	vadd.f32 v60, v7;
	v16 =	vmul.f32 v20, v1;
	[tilespmem:s15+$0x20] =	vst v18  }
0x30d: {  	p0 =	sne.s32 s0, $0xC;
	v63 =	vadd.f32 v62, v2;
	[tilespmem:s15+$0x30] =	vst v19;
	v17 =	vmul.f32 v17, v3  }
.Ltmp4:
0x30e: {  	s2 =	sshll.u32 s2, $0xE;
	[tilespmem:s15+$0x60] =	vst v61;
	v16 =	vadd.f32 v16, v4;
	(pc) =	sbr.rel @p0 .LBB2_2-.Ltmp4, $4  }
0x30f: {  	s2 =	sadd.s32 s7, s2;
	[tilespmem:s15+$0x50] =	vst v63;
	v17 =	vadd.f32 v17, v5  }
0x310: {  	s2 =	sshrl.u32 s2, $0x3;
	[tilespmem:s15+$0x40] =	vst v16  }
0x311: {  	s2 =	sadd.s32 s5, s2;
	[tilespmem:s15+$0x70] =	vst v17  }
0x312: {  	[hbm4b:s2+s6] =	stream.linear.scatter [tilespmem:s23], [sflag:$0x8], $0x4000, $0x38;
	[tilespmem:$0x11A00] =	vst v63  }
0x313: {  	_ =	swait.ge [sflag:s22], $0x4000  }
0x314: {  	[sflag:s22] =	ssyncset.done $0x0  }
0x315: {  	s0 =	simm.s32 $0x1980;
	[sflag:s22] =	ssyncadd.s32 $0xFFFFC000  }
0x316: {  	v24 =	vld [tilespmem:s0+$0xFFFFFF80]  }
0x317: {  	v25 =	vld [tilespmem:s0+$0xFFFFFF90];
	_ =	sdelay $0x1  }
0x318: {  	v26 =	vld [tilespmem:s0+$0xFFFFFFA0];
	_ =	sdelay $0x1  }
0x319: {  	v27 =	vld [tilespmem:s0+$0xFFFFFFB0]  }
0x31a: {  	v16 =	vadd.f32 v25, v24  }
0x31b: {  	v28 =	vld [tilespmem:s0+$0xFFFFFFC0];
	v17 =	vmul.f32 v24, v24;
	v18 =	vmul.f32 v25, v25  }
0x31c: {  	v16 =	vadd.f32 v26, v16  }
0x31d: {  	v29 =	vld [tilespmem:s0+$0xFFFFFFD0];
	v17 =	vadd.f32 v18, v17;
	v18 =	vmul.f32 v26, v26  }
0x31e: {  	v16 =	vadd.f32 v27, v16  }
0x31f: {  	v30 =	vld [tilespmem:s0+$0xFFFFFFE0];
	v19 =	vmul.f32 v27, v27;
	v17 =	vadd.f32 v18, v17  }
0x320: {  	v16 =	vadd.f32 v28, v16  }
0x321: {  	v31 =	vld [tilespmem:s0+$0xFFFFFFF0];
	v18 =	vmul.f32 v28, v28;
	v17 =	vadd.f32 v19, v17  }
0x322: {  	v16 =	vadd.f32 v29, v16  }
0x323: {  	v17 =	vadd.f32 v18, v17;
	v18 =	vmul.f32 v29, v29  }
0x324: {  	v16 =	vadd.f32 v30, v16  }
0x325: {  	v17 =	vadd.f32 v18, v17;
	v18 =	vmul.f32 v30, v30  }
0x326: {  	v16 =	vadd.f32 v31, v16  }
0x327: {  	v17 =	vadd.f32 v18, v17;
	v18 =	vmul.f32 v31, v31  }
0x328: {  	(xrf2) =	vadd.scan.msk.f32 $0xffff, v16  }
0x329: {  	v16 =	vadd.f32 v18, v17;
	_ =	sdelay $0x1  }
0x32a: {  	(xrf2) =	vadd.scan.msk.f32 $0xffff, v16;
	_ =	sdelay $0x6  }
0x32b: {  	v16, _, _ =	vpop (xrf2)  }
0x32c: {  	(v2sf) =	vpush v16, $0xF;
	_ =	sdelay $0x1  }
0x32d: {  	v16, _, _ =	vpop (xrf2)  }
0x32e: {  	(v2sf) =	vpush v16, $0xF  }
0x32f: {  	v17 =	vld [tilespmem:s0+$0x0]  }
0x330: {  	v16 =	vld [tilespmem:s0+$0x10];
	_ =	sdelay $0x1  }
0x331: {  	v18 =	vld [tilespmem:s0+$0x20];
	_ =	sdelay $0x1  }
0x332: {  	v19 =	vld [tilespmem:s0+$0x30]  }
0x333: {  	v22 =	vmul.f32 v17, v17;
	v23 =	vmul.f32 v16, v16;
	v32 =	vadd.f32 v16, v17  }
0x334: {  	v20 =	vld [tilespmem:s0+$0x40]  }
0x335: {  	v22 =	vadd.f32 v23, v22;
	v23 =	vadd.f32 v18, v32  }
0x336: {  	v21 =	vld [tilespmem:s0+$0x50];
	v33 =	vmul.f32 v18, v18  }
0x337: {  	v52 =	vadd.f32 v19, v23  }
0x338: {  	v51 =	vmul.f32 v19, v19;
	v22 =	vadd.f32 v33, v22;
	v23 =	vld [tilespmem:s0+$0x60];
	s2 =	spop (v2sf)  }
0x339: {  	v33 =	vadd.f32 v20, v52;
	s2 =	smul.f32 $7.812500000e-03, s2  }
0x33a: {  	v34 =	vmul.f32 v20, v20;
	v32 =	vadd.f32 v51, v22;
	v22 =	vld [tilespmem:s0+$0x70]  }
0x33b: {  	v33 =	vadd.f32 v21, v33;
	s8 =	spop (v2sf);
	s4 =	smul.f32 s2, s2  }
0x33c: {  	v35 =	vmul.f32 v21, v21;
	v32 =	vadd.f32 v34, v32;
	s8 =	smul.f32 $7.812500000e-03, s8  }
0x33d: {  	v33 =	vadd.f32 v23, v33  }
0x33e: {  	v54 =	vmul.f32 v23, v23;
	v32 =	vadd.f32 v35, v32;
	s4 =	ssub.f32 s8, s4  }
0x33f: {  	v33 =	vadd.f32 v22, v33  }
0x340: {  	v55 =	vmul.f32 v22, v22;
	v32 =	vadd.f32 v54, v32;
	s4 =	smax.f32 s4, $0.0e+00  }
0x341: {  	(xrf2) =	vadd.scan.msk.f32 $0xffff, v33;
	s4 =	sadd.f32 $9.999999960e-13, s4  }
0x342: {  	v32 =	vadd.f32 v55, v32  }
0x343: {  	v36 =	vmov s4  }
0x344: {  	(xrf2) =	vadd.scan.msk.f32 $0xffff, v32;
	v53 =	vshra.s32 v36, $0x1;
	v36 =	vmul.f32 $5.000000000e-01, v36  }
0x345: {  	v34 =	vsub.s32 $0x5F3759DF, v53  }
0x346: {  	v37 =	vmul.f32 v34, v36;
	_ =	sdelay $0x1  }
0x347: {  	v37 =	vmul.f32 v34, v37;
	_ =	sdelay $0x1  }
0x348: {  	v59 =	vmov s2;
	v56 =	vsub.f32 $1.500000000e+00, v37  }
0x349: {  	v62 =	vsub.f32 v26, v59;
	v26 =	vsub.f32 v29, v59;
	v29, _, _ =	vpop (xrf2)  }
0x34a: {  	(v2sf) =	vpush v29, $0xF;
	v57 =	vmul.f32 v34, v56;
	_ =	sdelay $0x1  }
0x34b: {  	v29, _, _ =	vpop (xrf2);
	v58 =	vmul.f32 v57, v36  }
0x34c: {  	(v2sf) =	vpush v29, $0xF  }
0x34d: {  	v33 =	vmul.f32 v58, v57;
	_ =	sdelay $0x1  }
0x34e: {  	v60 =	vsub.f32 v24, v59;
	v24 =	vsub.f32 $1.500000000e+00, v33  }
0x34f: {  	v61 =	vsub.f32 v25, v59  }
0x350: {  	v63 =	vsub.f32 v27, v59;
	v27 =	vsub.f32 v28, v59;
	v28 =	vmul.f32 v24, v57;
	_ =	sdelay $0x1  }
0x351: {  	v24 =	vsub.f32 v30, v59;
	v32 =	vmul.f32 v28, v60;
	v30 =	vmul.f32 v28, v61  }
0x352: {  	s2 =	simm.s32 $0x1980;
	v25 =	vsub.f32 v31, v59;
	s4 =	simm.s32 $0x0;
	v29 =	vmul.f32 v28, v62;
	v31 =	vmul.f32 v28, v63  }
.LBB2_12:
0x353: {  	s4 =	sadd.s32 $0x2, s4;
	v32 =	vmul.f32 v32, v14;
	v27 =	vmul.f32 v28, v27;
	s0 =	sadd.s32 $0x100, s0  }
0x354: {  	v30 =	vmul.f32 v30, v11;
	p0 =	slt.u32 s4, $0x7E;
	v31 =	vmul.f32 v31, v8  }
0x355: {  	v29 =	vmul.f32 v29, v10;
	v32 =	vadd.f32 v32, v15;
	v27 =	vmul.f32 v27, v1  }
0x356: {  	v26 =	vmul.f32 v28, v26;
	v30 =	vadd.f32 v30, v13;
	v31 =	vadd.f32 v31, v9;
	s8 =	spop (v2sf)  }
0x357: {  	v29 =	vadd.f32 v29, v12;
	[tilespmem:s2+$0xFFFFFF80] =	vst v32;
	v27 =	vadd.f32 v27, v4;
	v32 =	vmul.f32 v28, v24;
	s8 =	smul.f32 $7.812500000e-03, s8  }
0x358: {  	v28 =	vmul.f32 v28, v25;
	v24 =	vld [tilespmem:s0+$0xFFFFFF80];
	[tilespmem:s2+$0xFFFFFF90] =	vst v30;
	v30 =	vmul.f32 v26, v0  }
0x359: {  	v26 =	vld [tilespmem:s0+$0xFFFFFF90];
	[tilespmem:s2+$0xFFFFFFB0] =	vst v31;
	v31 =	vmul.f32 v32, v6;
	s11 =	smul.f32 s8, s8;
	v32 =	vmov s8;
	s8 =	spop (v2sf)  }
0x35a: {  	v25 =	vld [tilespmem:s0+$0xFFFFFFB0];
	[tilespmem:s2+$0xFFFFFFA0] =	vst v29;
	v29 =	vadd.f32 v30, v2;
	v30 =	vmul.f32 v28, v3;
	s8 =	smul.f32 $7.812500000e-03, s8;
	v17 =	vsub.f32 v17, v32  }
0x35b: {  	v23 =	vsub.f32 v23, v32;
	[tilespmem:s2+$0xFFFFFFC0] =	vst v27;
	v28 =	vadd.f32 v31, v7  }
0x35c: {  	v16 =	vsub.f32 v16, v32;
	v18 =	vsub.f32 v18, v32;
	v27 =	vld [tilespmem:s0+$0xFFFFFFA0];
	[tilespmem:s2+$0xFFFFFFD0] =	vst v29;
	s8 =	ssub.f32 s8, s11  }
0x35d: {  	v19 =	vsub.f32 v19, v32;
	v20 =	vsub.f32 v20, v32;
	[tilespmem:s2+$0xFFFFFFE0] =	vst v28  }
0x35e: {  	v21 =	vsub.f32 v21, v32;
	v31 =	vmul.f32 v24, v24;
	v33 =	vadd.f32 v26, v24;
	s8 =	smax.f32 s8, $0.0e+00  }
0x35f: {  	v22 =	vsub.f32 v22, v32;
	v30 =	vadd.f32 v30, v5;
	v34 =	vmul.f32 v26, v26;
	v28 =	vld [tilespmem:s0+$0xFFFFFFC0];
	s8 =	sadd.f32 $9.999999960e-13, s8;
	_ =	sdelay $0x1  }
0x360: {  	v31 =	vadd.f32 v34, v31;
	v29 =	vld [tilespmem:s0+$0xFFFFFFD0];
	v32 =	vadd.f32 v27, v33;
	[tilespmem:s2+$0xFFFFFFF0] =	vst v30;
	v30 =	vmov s8  }
0x361: {  	v33 =	vmul.f32 v27, v27;
	v34 =	vshra.s32 v30, $0x1;
	v35 =	vmul.f32 $5.000000000e-01, v30  }
0x362: {  	v36 =	vmul.f32 v25, v25;
	v32 =	vadd.f32 v25, v32;
	v34 =	vsub.s32 $0x5F3759DF, v34  }
0x363: {  	v33 =	vadd.f32 v33, v31;
	v30 =	vld [tilespmem:s0+$0xFFFFFFE0];
	v37 =	vmul.f32 v34, v35  }
0x364: {  	v32 =	vadd.f32 v28, v32  }
0x365: {  	v33 =	vadd.f32 v36, v33;
	v36 =	vmul.f32 v28, v28;
	v31 =	vld [tilespmem:s0+$0xFFFFFFF0];
	v37 =	vmul.f32 v34, v37  }
0x366: {  	v32 =	vadd.f32 v29, v32  }
0x367: {  	v33 =	vadd.f32 v36, v33;
	v36 =	vmul.f32 v29, v29;
	v37 =	vsub.f32 $1.500000000e+00, v37  }
0x368: {  	v32 =	vadd.f32 v30, v32  }
0x369: {  	v33 =	vadd.f32 v36, v33;
	v36 =	vmul.f32 v30, v30;
	v34 =	vmul.f32 v34, v37  }
0x36a: {  	v32 =	vadd.f32 v31, v32  }
0x36b: {  	v33 =	vadd.f32 v36, v33;
	v36 =	vmul.f32 v31, v31;
	v35 =	vmul.f32 v34, v35  }
0x36c: {  	(xrf2) =	vadd.scan.msk.f32 $0xffff, v32  }
0x36d: {  	v32 =	vadd.f32 v36, v33;
	v33 =	vmul.f32 v35, v34;
	_ =	sdelay $0x1  }
0x36e: {  	(xrf2) =	vadd.scan.msk.f32 $0xffff, v32;
	v32 =	vsub.f32 $1.500000000e+00, v33;
	_ =	sdelay $0x1  }
0x36f: {  	v32 =	vmul.f32 v32, v34;
	_ =	sdelay $0x1  }
0x370: {  	v17 =	vmul.f32 v32, v17;
	v23 =	vmul.f32 v32, v23  }
0x371: {  	v16 =	vmul.f32 v32, v16;
	v18 =	vmul.f32 v32, v18  }
0x372: {  	v19 =	vmul.f32 v32, v19;
	v17 =	vmul.f32 v17, v14  }
0x373: {  	v16 =	vmul.f32 v16, v11;
	v18 =	vmul.f32 v18, v10;
	v33, _, _ =	vpop (xrf2)  }
0x374: {  	v19 =	vmul.f32 v19, v8;
	(v2sf) =	vpush v33, $0xF;
	v17 =	vadd.f32 v17, v15  }
0x375: {  	v20 =	vmul.f32 v32, v20;
	v16 =	vadd.f32 v16, v13;
	v18 =	vadd.f32 v18, v12  }
0x376: {  	v21 =	vmul.f32 v32, v21;
	v22 =	vmul.f32 v32, v22;
	v19 =	vadd.f32 v19, v9;
	v33, _, _ =	vpop (xrf2);
	[tilespmem:s2+$0x0] =	vst v17  }
0x377: {  	v20 =	vmul.f32 v20, v1;
	v23 =	vmul.f32 v23, v6;
	v17 =	vld [tilespmem:s0+$0x0];
	(v2sf) =	vpush v33, $0xF;
	[tilespmem:s2+$0x10] =	vst v16  }
0x378: {  	v21 =	vmul.f32 v21, v0;
	v22 =	vmul.f32 v22, v3;
	[tilespmem:s2+$0x20] =	vst v18  }
0x379: {  	v20 =	vadd.f32 v20, v4;
	v16 =	vld [tilespmem:s0+$0x10];
	[tilespmem:s2+$0x30] =	vst v19;
	v19 =	vadd.f32 v23, v7  }
0x37a: {  	v21 =	vadd.f32 v21, v2;
	v22 =	vadd.f32 v22, v5;
	v18 =	vld [tilespmem:s0+$0x20]  }
0x37b: {  	[tilespmem:s2+$0x60] =	vst v19  }
0x37c: {  	v19 =	vld [tilespmem:s0+$0x30];
	[tilespmem:s2+$0x40] =	vst v20  }
0x37d: {  	v23 =	vmul.f32 v17, v17;
	[tilespmem:s2+$0x70] =	vst v22  }
0x37e: {  	v20 =	vld [tilespmem:s0+$0x40];
	v22 =	vadd.f32 v16, v17;
	v32 =	vmul.f32 v16, v16;
	[tilespmem:s2+$0x50] =	vst v21;
	s2 =	smov.u32 s0  }
0x37f: {  	v33 =	vmul.f32 v18, v18  }
0x380: {  	v21 =	vld [tilespmem:s0+$0x50];
	v23 =	vadd.f32 v32, v23;
	v22 =	vadd.f32 v18, v22  }
0x381: {  	v32 =	vmul.f32 v19, v19  }
0x382: {  	v33 =	vadd.f32 v33, v23;
	v22 =	vadd.f32 v19, v22  }
0x383: {  	v23 =	vld [tilespmem:s0+$0x60];
	v34 =	vmul.f32 v20, v20;
	s8 =	spop (v2sf)  }
0x384: {  	s8 =	smul.f32 $7.812500000e-03, s8;
	v32 =	vadd.f32 v32, v33;
	v33 =	vadd.f32 v20, v22  }
0x385: {  	v22 =	vld [tilespmem:s0+$0x70];
	v35 =	vmul.f32 v21, v21  }
0x386: {  	s11 =	smul.f32 s8, s8;
	v36 =	vmov s8;
	v32 =	vadd.f32 v34, v32;
	v33 =	vadd.f32 v21, v33;
	s8 =	spop (v2sf)  }
0x387: {  	s8 =	smul.f32 $7.812500000e-03, s8;
	v34 =	vsub.f32 v24, v36;
	v37 =	vsub.f32 v26, v36  }
0x388: {  	v24 =	vadd.f32 v35, v32;
	v26 =	vadd.f32 v23, v33;
	v32 =	vmul.f32 v23, v23  }
0x389: {  	v33 =	vsub.f32 v27, v36;
	v35 =	vsub.f32 v25, v36;
	s8 =	ssub.f32 s8, s11  }
0x38a: {  	v25 =	vadd.f32 v32, v24;
	v32 =	vadd.f32 v22, v26;
	v38 =	vmul.f32 v22, v22  }
0x38b: {  	v27 =	vsub.f32 v28, v36;
	v26 =	vsub.f32 v29, v36;
	s8 =	smax.f32 s8, $0.0e+00  }
0x38c: {  	v24 =	vsub.f32 v30, v36;
	s8 =	sadd.f32 $9.999999960e-13, s8;
	v28 =	vadd.f32 v38, v25;
	(xrf2) =	vadd.scan.msk.f32 $0xffff, v32  }
0x38d: {  	v25 =	vsub.f32 v31, v36  }
0x38e: {  	v29 =	vmov s8  }
0x38f: {  	v30 =	vshra.s32 v29, $0x1;
	v29 =	vmul.f32 $5.000000000e-01, v29;
	(xrf2) =	vadd.scan.msk.f32 $0xffff, v28  }
0x390: {  	v28 =	vsub.s32 $0x5F3759DF, v30  }
0x391: {  	v30 =	vmul.f32 v28, v29;
	_ =	sdelay $0x1  }
0x392: {  	v30 =	vmul.f32 v28, v30;
	_ =	sdelay $0x1  }
0x393: {  	v30 =	vsub.f32 $1.500000000e+00, v30  }
0x394: {  	v31, _, _ =	vpop (xrf2)  }
0x395: {  	v28 =	vmul.f32 v28, v30;
	(v2sf) =	vpush v31, $0xF;
	_ =	sdelay $0x1  }
0x396: {  	v29 =	vmul.f32 v28, v29;
	v30, _, _ =	vpop (xrf2)  }
0x397: {  	(v2sf) =	vpush v30, $0xF  }
0x398: {  	v29 =	vmul.f32 v29, v28;
	_ =	sdelay $0x1  }
0x399: {  	v29 =	vsub.f32 $1.500000000e+00, v29  }
.Ltmp5:
0x39a: {  	(pc) =	sbr.rel @p0 .LBB2_12-.Ltmp5, $3  }
0x39b: {  	v28 =	vmul.f32 v29, v28;
	_ =	sdelay $0x1  }
0x39c: {  	v32 =	vmul.f32 v28, v34;
	v30 =	vmul.f32 v28, v37  }
0x39d: {  	v29 =	vmul.f32 v28, v33;
	v31 =	vmul.f32 v28, v35  }
0x39e: {  	_ =	sdelay $0x2  }
0x39f: {  	s0 =	spop (v2sf)  }
0x3a0: {  	s0 =	smul.f32 $7.812500000e-03, s0;
	_ =	sdelay $0x1  }
0x3a1: {  	s4 =	smul.f32 s0, s0;
	s8 =	spop (v2sf)  }
0x3a2: {  	s8 =	smul.f32 $7.812500000e-03, s8;
	_ =	sdelay $0x1  }
0x3a3: {  	s4 =	ssub.f32 s8, s4;
	_ =	sdelay $0x1  }
0x3a4: {  	s4 =	smax.f32 s4, $0.0e+00  }
0x3a5: {  	s4 =	sadd.f32 $9.999999960e-13, s4;
	_ =	sdelay $0x1  }
0x3a6: {  	v33 =	vmov s4  }
0x3a7: {  	v34 =	vshra.s32 v33, $0x1;
	v33 =	vmul.f32 $5.000000000e-01, v33  }
0x3a8: {  	v34 =	vsub.s32 $0x5F3759DF, v34  }
0x3a9: {  	v35 =	vmul.f32 v34, v33;
	_ =	sdelay $0x1  }
0x3aa: {  	v35 =	vmul.f32 v34, v35;
	_ =	sdelay $0x1  }
0x3ab: {  	v35 =	vsub.f32 $1.500000000e+00, v35  }
0x3ac: {  	v32 =	vmul.f32 v32, v14;
	v27 =	vmul.f32 v28, v27  }
0x3ad: {  	v30 =	vmul.f32 v30, v11;
	v34 =	vmul.f32 v34, v35  }
0x3ae: {  	v26 =	vmul.f32 v28, v26;
	v24 =	vmul.f32 v28, v24  }
0x3af: {  	v25 =	vmul.f32 v28, v25;
	v33 =	vmul.f32 v34, v33  }
0x3b0: {  	v31 =	vmul.f32 v31, v8;
	v29 =	vmul.f32 v29, v10;
	v32 =	vadd.f32 v32, v15  }
0x3b1: {  	v27 =	vmul.f32 v27, v1;
	v30 =	vadd.f32 v30, v13;
	v33 =	vmul.f32 v33, v34  }
0x3b2: {  	v26 =	vmul.f32 v26, v0;
	v24 =	vmul.f32 v24, v6;
	v31 =	vadd.f32 v31, v9  }
0x3b3: {  	v25 =	vmul.f32 v25, v3;
	v29 =	vadd.f32 v29, v12;
	v33 =	vsub.f32 $1.500000000e+00, v33  }
0x3b4: {  	v27 =	vadd.f32 v27, v4;
	v26 =	vadd.f32 v26, v2;
	v28 =	vmov s0  }
0x3b5: {  	[tilespmem:s2+$0xFFFFFF80] =	vst v32;
	v24 =	vadd.f32 v24, v7;
	v17 =	vsub.f32 v17, v28;
	v46 =	vmul.f32 v33, v34  }
0x3b6: {  	[tilespmem:s2+$0xFFFFFF90] =	vst v30;
	v25 =	vadd.f32 v25, v5;
	v16 =	vsub.f32 v16, v28  }
0x3b7: {  	[tilespmem:s2+$0xFFFFFFB0] =	vst v31;
	v23 =	vsub.f32 v23, v28;
	v18 =	vsub.f32 v18, v28;
	v17 =	vmul.f32 v46, v17  }
0x3b8: {  	[tilespmem:s2+$0xFFFFFFA0] =	vst v29;
	v19 =	vsub.f32 v19, v28;
	v20 =	vsub.f32 v20, v28;
	v16 =	vmul.f32 v46, v16  }
0x3b9: {  	[tilespmem:s2+$0xFFFFFFC0] =	vst v27;
	v21 =	vsub.f32 v21, v28;
	v18 =	vmul.f32 v46, v18;
	v17 =	vmul.f32 v17, v14  }
0x3ba: {  	[tilespmem:s2+$0xFFFFFFD0] =	vst v26;
	v22 =	vsub.f32 v22, v28;
	v19 =	vmul.f32 v46, v19;
	v16 =	vmul.f32 v16, v11  }
0x3bb: {  	[tilespmem:s2+$0xFFFFFFE0] =	vst v24;
	v23 =	vmul.f32 v46, v23;
	v18 =	vmul.f32 v18, v10;
	v17 =	vadd.f32 v17, v15  }
0x3bc: {  	[tilespmem:s2+$0xFFFFFFF0] =	vst v25;
	v20 =	vmul.f32 v46, v20;
	v19 =	vmul.f32 v19, v8;
	v16 =	vadd.f32 v16, v13  }
0x3bd: {  	v18 =	vadd.f32 v18, v12;
	[tilespmem:s2+$0x0] =	vst v17;
	v17 =	vmul.f32 v46, v22;
	v22 =	vmul.f32 v23, v6  }
0x3be: {  	v21 =	vmul.f32 v46, v21;
	v19 =	vadd.f32 v19, v9;
	[tilespmem:s2+$0x10] =	vst v16;
	v16 =	vmul.f32 v20, v1  }
0x3bf: {  	[tilespmem:s2+$0x20] =	vst v18;
	v17 =	vmul.f32 v17, v3;
	v18 =	vadd.f32 v22, v7  }
0x3c0: {  	v20 =	vmul.f32 v21, v0;
	[tilespmem:s2+$0x30] =	vst v19;
	v16 =	vadd.f32 v16, v4  }
0x3c1: {  	v17 =	vadd.f32 v17, v5;
	[tilespmem:s2+$0x60] =	vst v18  }
0x3c2: {  	v18 =	vadd.f32 v20, v2;
	[tilespmem:s2+$0x40] =	vst v16  }
0x3c3: {  	[tilespmem:s2+$0x70] =	vst v17  }
0x3c4: {  	s12 =	rddreg [dreg:$0x7];
	[tilespmem:s2+$0x50] =	vst v18  }
0x3c5: {  	[hbm4b:s12+s6] =	stream.linear.scatter [tilespmem:s18], [sflag:$0x5], $0x4000, $0x38;
	[tilespmem:$0x11A00] =	vst v63  }
0x3c6: {  	_ =	swait.ge [sflag:s24], $0x4000  }
0x3c7: {  	[sflag:s24] =	ssyncset.done $0x0  }
0x3c8: {  	s0 =	simm.s32 $0x5980;
	[sflag:s24] =	ssyncadd.s32 $0xFFFFC000  }
0x3c9: {  	v24 =	vld [tilespmem:s0+$0xFFFFFF80]  }
0x3ca: {  	v25 =	vld [tilespmem:s0+$0xFFFFFF90];
	_ =	sdelay $0x1  }
0x3cb: {  	v26 =	vld [tilespmem:s0+$0xFFFFFFA0];
	_ =	sdelay $0x1  }
0x3cc: {  	v27 =	vld [tilespmem:s0+$0xFFFFFFB0]  }
0x3cd: {  	v16 =	vadd.f32 v25, v24  }
0x3ce: {  	v28 =	vld [tilespmem:s0+$0xFFFFFFC0];
	v17 =	vmul.f32 v24, v24;
	v18 =	vmul.f32 v25, v25  }
0x3cf: {  	v16 =	vadd.f32 v26, v16  }
0x3d0: {  	v29 =	vld [tilespmem:s0+$0xFFFFFFD0];
	v17 =	vadd.f32 v18, v17;
	v18 =	vmul.f32 v26, v26  }
0x3d1: {  	v16 =	vadd.f32 v27, v16  }
0x3d2: {  	v30 =	vld [tilespmem:s0+$0xFFFFFFE0];
	v19 =	vmul.f32 v27, v27;
	v17 =	vadd.f32 v18, v17  }
0x3d3: {  	v16 =	vadd.f32 v28, v16  }
0x3d4: {  	v31 =	vld [tilespmem:s0+$0xFFFFFFF0];
	v18 =	vmul.f32 v28, v28;
	v17 =	vadd.f32 v19, v17  }
0x3d5: {  	v16 =	vadd.f32 v29, v16  }
0x3d6: {  	v17 =	vadd.f32 v18, v17;
	v18 =	vmul.f32 v29, v29  }
0x3d7: {  	v16 =	vadd.f32 v30, v16  }
0x3d8: {  	v17 =	vadd.f32 v18, v17;
	v18 =	vmul.f32 v30, v30  }
0x3d9: {  	v16 =	vadd.f32 v31, v16  }
0x3da: {  	v17 =	vadd.f32 v18, v17;
	v18 =	vmul.f32 v31, v31  }
0x3db: {  	(xrf2) =	vadd.scan.msk.f32 $0xffff, v16  }
0x3dc: {  	v16 =	vadd.f32 v18, v17;
	_ =	sdelay $0x1  }
0x3dd: {  	(xrf2) =	vadd.scan.msk.f32 $0xffff, v16;
	_ =	sdelay $0x6  }
0x3de: {  	v16, _, _ =	vpop (xrf2)  }
0x3df: {  	(v2sf) =	vpush v16, $0xF;
	_ =	sdelay $0x1  }
0x3e0: {  	v16, _, _ =	vpop (xrf2)  }
0x3e1: {  	(v2sf) =	vpush v16, $0xF  }
0x3e2: {  	v17 =	vld [tilespmem:s0+$0x0]  }
0x3e3: {  	v16 =	vld [tilespmem:s0+$0x10];
	_ =	sdelay $0x1  }
0x3e4: {  	v18 =	vld [tilespmem:s0+$0x20];
	_ =	sdelay $0x1  }
0x3e5: {  	v19 =	vld [tilespmem:s0+$0x30]  }
0x3e6: {  	v22 =	vmul.f32 v17, v17;
	v23 =	vmul.f32 v16, v16;
	v47 =	vadd.f32 v16, v17  }
0x3e7: {  	v20 =	vld [tilespmem:s0+$0x40]  }
0x3e8: {  	v22 =	vadd.f32 v23, v22;
	v23 =	vadd.f32 v18, v47  }
0x3e9: {  	v21 =	vld [tilespmem:s0+$0x50];
	v48 =	vmul.f32 v18, v18  }
0x3ea: {  	v50 =	vadd.f32 v19, v23  }
0x3eb: {  	v49 =	vmul.f32 v19, v19;
	v22 =	vadd.f32 v48, v22;
	v23 =	vld [tilespmem:s0+$0x60];
	s15 =	spop (v2sf)  }
0x3ec: {  	v33 =	vadd.f32 v20, v50;
	s2 =	smul.f32 $7.812500000e-03, s15  }
0x3ed: {  	v51 =	vmul.f32 v20, v20;
	v32 =	vadd.f32 v49, v22;
	v22 =	vld [tilespmem:s0+$0x70]  }
0x3ee: {  	v33 =	vadd.f32 v21, v33;
	s20 =	spop (v2sf);
	s16 =	smul.f32 s2, s2  }
0x3ef: {  	v52 =	vmul.f32 v21, v21;
	v32 =	vadd.f32 v51, v32;
	s8 =	smul.f32 $7.812500000e-03, s20  }
0x3f0: {  	v33 =	vadd.f32 v23, v33  }
0x3f1: {  	v54 =	vmul.f32 v23, v23;
	v32 =	vadd.f32 v52, v32;
	s4 =	ssub.f32 s8, s16  }
0x3f2: {  	v33 =	vadd.f32 v22, v33  }
0x3f3: {  	v55 =	vmul.f32 v22, v22;
	v32 =	vadd.f32 v54, v32;
	s4 =	smax.f32 s4, $0.0e+00  }
0x3f4: {  	(xrf2) =	vadd.scan.msk.f32 $0xffff, v33;
	s4 =	sadd.f32 $9.999999960e-13, s4  }
0x3f5: {  	v32 =	vadd.f32 v55, v32  }
0x3f6: {  	v36 =	vmov s4  }
0x3f7: {  	(xrf2) =	vadd.scan.msk.f32 $0xffff, v32;
	v53 =	vshra.s32 v36, $0x1;
	v36 =	vmul.f32 $5.000000000e-01, v36  }
0x3f8: {  	v34 =	vsub.s32 $0x5F3759DF, v53  }
0x3f9: {  	v37 =	vmul.f32 v34, v36;
	_ =	sdelay $0x1  }
0x3fa: {  	v37 =	vmul.f32 v34, v37;
	_ =	sdelay $0x1  }
0x3fb: {  	v59 =	vmov s2;
	v56 =	vsub.f32 $1.500000000e+00, v37  }
0x3fc: {  	v62 =	vsub.f32 v26, v59;
	v26 =	vsub.f32 v29, v59;
	v29, _, _ =	vpop (xrf2)  }
0x3fd: {  	(v2sf) =	vpush v29, $0xF;
	v57 =	vmul.f32 v34, v56;
	_ =	sdelay $0x1  }
0x3fe: {  	v29, _, _ =	vpop (xrf2);
	v58 =	vmul.f32 v57, v36  }
0x3ff: {  	(v2sf) =	vpush v29, $0xF  }
0x400: {  	v33 =	vmul.f32 v58, v57;
	_ =	sdelay $0x1  }
0x401: {  	v60 =	vsub.f32 v24, v59;
	v24 =	vsub.f32 $1.500000000e+00, v33  }
0x402: {  	v61 =	vsub.f32 v25, v59  }
0x403: {  	v63 =	vsub.f32 v27, v59;
	v27 =	vsub.f32 v28, v59;
	v28 =	vmul.f32 v24, v57  }
0x404: {  	v25 =	vsub.f32 v31, v59  }
0x405: {  	v24 =	vsub.f32 v30, v59;
	v31 =	vmul.f32 v28, v60;
	v30 =	vmul.f32 v28, v61  }
0x406: {  	s2 =	simm.s32 $0x5980;
	s4 =	simm.s32 $0x0;
	v29 =	vmul.f32 v28, v62;
	v32 =	vmul.f32 v28, v63  }
.LBB2_14:
0x407: {  	s4 =	sadd.s32 $0x2, s4;
	v31 =	vmul.f32 v31, v14;
	v27 =	vmul.f32 v28, v27;
	s0 =	sadd.s32 $0x100, s0  }
0x408: {  	v30 =	vmul.f32 v30, v11;
	p0 =	slt.u32 s4, $0x7E;
	v32 =	vmul.f32 v32, v8  }
0x409: {  	v29 =	vmul.f32 v29, v10;
	v31 =	vadd.f32 v31, v15;
	v27 =	vmul.f32 v27, v1  }
0x40a: {  	v26 =	vmul.f32 v28, v26;
	v30 =	vadd.f32 v30, v13;
	v32 =	vadd.f32 v32, v9;
	s8 =	spop (v2sf)  }
0x40b: {  	v29 =	vadd.f32 v29, v12;
	[tilespmem:s2+$0xFFFFFF80] =	vst v31;
	v27 =	vadd.f32 v27, v4;
	v31 =	vmul.f32 v28, v24;
	s8 =	smul.f32 $7.812500000e-03, s8  }
0x40c: {  	v28 =	vmul.f32 v28, v25;
	v24 =	vld [tilespmem:s0+$0xFFFFFF80];
	[tilespmem:s2+$0xFFFFFF90] =	vst v30;
	v30 =	vmul.f32 v26, v0  }
0x40d: {  	v26 =	vld [tilespmem:s0+$0xFFFFFF90];
	[tilespmem:s2+$0xFFFFFFB0] =	vst v32;
	v31 =	vmul.f32 v31, v6;
	s11 =	smul.f32 s8, s8;
	v32 =	vmov s8;
	s8 =	spop (v2sf)  }
0x40e: {  	v25 =	vld [tilespmem:s0+$0xFFFFFFB0];
	[tilespmem:s2+$0xFFFFFFA0] =	vst v29;
	v29 =	vadd.f32 v30, v2;
	v30 =	vmul.f32 v28, v3;
	s8 =	smul.f32 $7.812500000e-03, s8;
	v17 =	vsub.f32 v17, v32  }
0x40f: {  	v23 =	vsub.f32 v23, v32;
	[tilespmem:s2+$0xFFFFFFC0] =	vst v27;
	v28 =	vadd.f32 v31, v7  }
0x410: {  	v16 =	vsub.f32 v16, v32;
	v18 =	vsub.f32 v18, v32;
	v27 =	vld [tilespmem:s0+$0xFFFFFFA0];
	[tilespmem:s2+$0xFFFFFFD0] =	vst v29;
	s8 =	ssub.f32 s8, s11  }
0x411: {  	v19 =	vsub.f32 v19, v32;
	v20 =	vsub.f32 v20, v32;
	[tilespmem:s2+$0xFFFFFFE0] =	vst v28  }
0x412: {  	v21 =	vsub.f32 v21, v32;
	v31 =	vmul.f32 v24, v24;
	v33 =	vadd.f32 v26, v24;
	s8 =	smax.f32 s8, $0.0e+00  }
0x413: {  	v22 =	vsub.f32 v22, v32;
	v30 =	vadd.f32 v30, v5;
	v34 =	vmul.f32 v26, v26;
	v28 =	vld [tilespmem:s0+$0xFFFFFFC0];
	s8 =	sadd.f32 $9.999999960e-13, s8;
	_ =	sdelay $0x1  }
0x414: {  	v31 =	vadd.f32 v34, v31;
	v29 =	vld [tilespmem:s0+$0xFFFFFFD0];
	v32 =	vadd.f32 v27, v33;
	[tilespmem:s2+$0xFFFFFFF0] =	vst v30;
	v30 =	vmov s8  }
0x415: {  	v33 =	vmul.f32 v27, v27;
	v34 =	vshra.s32 v30, $0x1;
	v35 =	vmul.f32 $5.000000000e-01, v30  }
0x416: {  	v36 =	vmul.f32 v25, v25;
	v32 =	vadd.f32 v25, v32;
	v34 =	vsub.s32 $0x5F3759DF, v34  }
0x417: {  	v33 =	vadd.f32 v33, v31;
	v30 =	vld [tilespmem:s0+$0xFFFFFFE0];
	v37 =	vmul.f32 v34, v35  }
0x418: {  	v32 =	vadd.f32 v28, v32  }
0x419: {  	v33 =	vadd.f32 v36, v33;
	v36 =	vmul.f32 v28, v28;
	v31 =	vld [tilespmem:s0+$0xFFFFFFF0];
	v37 =	vmul.f32 v34, v37  }
0x41a: {  	v32 =	vadd.f32 v29, v32  }
0x41b: {  	v33 =	vadd.f32 v36, v33;
	v36 =	vmul.f32 v29, v29;
	v37 =	vsub.f32 $1.500000000e+00, v37  }
0x41c: {  	v32 =	vadd.f32 v30, v32  }
0x41d: {  	v33 =	vadd.f32 v36, v33;
	v36 =	vmul.f32 v30, v30;
	v34 =	vmul.f32 v34, v37  }
0x41e: {  	v32 =	vadd.f32 v31, v32  }
0x41f: {  	v33 =	vadd.f32 v36, v33;
	v36 =	vmul.f32 v31, v31;
	v35 =	vmul.f32 v34, v35  }
0x420: {  	(xrf2) =	vadd.scan.msk.f32 $0xffff, v32  }
0x421: {  	v32 =	vadd.f32 v36, v33;
	v33 =	vmul.f32 v35, v34;
	_ =	sdelay $0x1  }
0x422: {  	(xrf2) =	vadd.scan.msk.f32 $0xffff, v32;
	v32 =	vsub.f32 $1.500000000e+00, v33;
	_ =	sdelay $0x1  }
0x423: {  	v32 =	vmul.f32 v32, v34;
	_ =	sdelay $0x1  }
0x424: {  	v17 =	vmul.f32 v32, v17;
	v23 =	vmul.f32 v32, v23  }
0x425: {  	v16 =	vmul.f32 v32, v16;
	v18 =	vmul.f32 v32, v18  }
0x426: {  	v19 =	vmul.f32 v32, v19;
	v17 =	vmul.f32 v17, v14  }
0x427: {  	v16 =	vmul.f32 v16, v11;
	v18 =	vmul.f32 v18, v10;
	v33, _, _ =	vpop (xrf2)  }
0x428: {  	v19 =	vmul.f32 v19, v8;
	(v2sf) =	vpush v33, $0xF;
	v17 =	vadd.f32 v17, v15  }
0x429: {  	v20 =	vmul.f32 v32, v20;
	v16 =	vadd.f32 v16, v13;
	v18 =	vadd.f32 v18, v12  }
0x42a: {  	v21 =	vmul.f32 v32, v21;
	v22 =	vmul.f32 v32, v22;
	v19 =	vadd.f32 v19, v9;
	v33, _, _ =	vpop (xrf2);
	[tilespmem:s2+$0x0] =	vst v17  }
0x42b: {  	v20 =	vmul.f32 v20, v1;
	v23 =	vmul.f32 v23, v6;
	v17 =	vld [tilespmem:s0+$0x0];
	(v2sf) =	vpush v33, $0xF;
	[tilespmem:s2+$0x10] =	vst v16  }
0x42c: {  	v21 =	vmul.f32 v21, v0;
	v22 =	vmul.f32 v22, v3;
	[tilespmem:s2+$0x20] =	vst v18  }
0x42d: {  	v20 =	vadd.f32 v20, v4;
	v16 =	vld [tilespmem:s0+$0x10];
	[tilespmem:s2+$0x30] =	vst v19;
	v19 =	vadd.f32 v23, v7  }
0x42e: {  	v21 =	vadd.f32 v21, v2;
	v22 =	vadd.f32 v22, v5;
	v18 =	vld [tilespmem:s0+$0x20]  }
0x42f: {  	[tilespmem:s2+$0x60] =	vst v19  }
0x430: {  	v19 =	vld [tilespmem:s0+$0x30];
	[tilespmem:s2+$0x40] =	vst v20  }
0x431: {  	v23 =	vmul.f32 v17, v17;
	[tilespmem:s2+$0x70] =	vst v22  }
0x432: {  	v20 =	vld [tilespmem:s0+$0x40];
	v22 =	vadd.f32 v16, v17;
	v32 =	vmul.f32 v16, v16;
	[tilespmem:s2+$0x50] =	vst v21;
	s2 =	smov.u32 s0  }
0x433: {  	v33 =	vmul.f32 v18, v18  }
0x434: {  	v21 =	vld [tilespmem:s0+$0x50];
	v23 =	vadd.f32 v32, v23;
	v22 =	vadd.f32 v18, v22  }
0x435: {  	v32 =	vmul.f32 v19, v19  }
0x436: {  	v33 =	vadd.f32 v33, v23;
	v22 =	vadd.f32 v19, v22  }
0x437: {  	v23 =	vld [tilespmem:s0+$0x60];
	v34 =	vmul.f32 v20, v20;
	s8 =	spop (v2sf)  }
0x438: {  	s8 =	smul.f32 $7.812500000e-03, s8;
	v32 =	vadd.f32 v32, v33;
	v33 =	vadd.f32 v20, v22  }
0x439: {  	v22 =	vld [tilespmem:s0+$0x70];
	v35 =	vmul.f32 v21, v21  }
0x43a: {  	s11 =	smul.f32 s8, s8;
	v36 =	vmov s8;
	v32 =	vadd.f32 v34, v32;
	v33 =	vadd.f32 v21, v33;
	s8 =	spop (v2sf)  }
0x43b: {  	s8 =	smul.f32 $7.812500000e-03, s8;
	v34 =	vsub.f32 v24, v36;
	v37 =	vsub.f32 v26, v36  }
0x43c: {  	v24 =	vadd.f32 v35, v32;
	v26 =	vadd.f32 v23, v33;
	v32 =	vmul.f32 v23, v23  }
0x43d: {  	v33 =	vsub.f32 v27, v36;
	v35 =	vsub.f32 v25, v36;
	s8 =	ssub.f32 s8, s11  }
0x43e: {  	v25 =	vadd.f32 v32, v24;
	v32 =	vadd.f32 v22, v26;
	v38 =	vmul.f32 v22, v22  }
0x43f: {  	v27 =	vsub.f32 v28, v36;
	v26 =	vsub.f32 v29, v36;
	s8 =	smax.f32 s8, $0.0e+00  }
0x440: {  	v24 =	vsub.f32 v30, v36;
	s8 =	sadd.f32 $9.999999960e-13, s8;
	v28 =	vadd.f32 v38, v25;
	(xrf2) =	vadd.scan.msk.f32 $0xffff, v32  }
0x441: {  	v25 =	vsub.f32 v31, v36  }
0x442: {  	v29 =	vmov s8  }
0x443: {  	v30 =	vshra.s32 v29, $0x1;
	v29 =	vmul.f32 $5.000000000e-01, v29;
	(xrf2) =	vadd.scan.msk.f32 $0xffff, v28  }
0x444: {  	v28 =	vsub.s32 $0x5F3759DF, v30  }
0x445: {  	v30 =	vmul.f32 v28, v29;
	_ =	sdelay $0x1  }
0x446: {  	v30 =	vmul.f32 v28, v30;
	_ =	sdelay $0x1  }
0x447: {  	v30 =	vsub.f32 $1.500000000e+00, v30  }
0x448: {  	v31, _, _ =	vpop (xrf2)  }
0x449: {  	v28 =	vmul.f32 v28, v30;
	(v2sf) =	vpush v31, $0xF;
	_ =	sdelay $0x1  }
0x44a: {  	v29 =	vmul.f32 v28, v29;
	v30, _, _ =	vpop (xrf2)  }
0x44b: {  	(v2sf) =	vpush v30, $0xF  }
0x44c: {  	v29 =	vmul.f32 v29, v28;
	_ =	sdelay $0x1  }
0x44d: {  	v29 =	vsub.f32 $1.500000000e+00, v29  }
.Ltmp6:
0x44e: {  	(pc) =	sbr.rel @p0 .LBB2_14-.Ltmp6, $3  }
0x44f: {  	v28 =	vmul.f32 v29, v28;
	_ =	sdelay $0x1  }
0x450: {  	v31 =	vmul.f32 v28, v34;
	v30 =	vmul.f32 v28, v37  }
0x451: {  	v29 =	vmul.f32 v28, v33;
	v32 =	vmul.f32 v28, v35  }
0x452: {  	_ =	sdelay $0x2  }
0x453: {  	s0 =	spop (v2sf)  }
0x454: {  	s0 =	smul.f32 $7.812500000e-03, s0;
	_ =	sdelay $0x1  }
0x455: {  	s4 =	smul.f32 s0, s0;
	s8 =	spop (v2sf)  }
0x456: {  	s8 =	smul.f32 $7.812500000e-03, s8;
	_ =	sdelay $0x1  }
0x457: {  	s4 =	ssub.f32 s8, s4;
	_ =	sdelay $0x1  }
0x458: {  	s4 =	smax.f32 s4, $0.0e+00  }
0x459: {  	s4 =	sadd.f32 $9.999999960e-13, s4;
	_ =	sdelay $0x1  }
0x45a: {  	v33 =	vmov s4  }
0x45b: {  	v34 =	vshra.s32 v33, $0x1;
	v33 =	vmul.f32 $5.000000000e-01, v33  }
0x45c: {  	v34 =	vsub.s32 $0x5F3759DF, v34  }
0x45d: {  	v35 =	vmul.f32 v34, v33;
	_ =	sdelay $0x1  }
0x45e: {  	v35 =	vmul.f32 v34, v35;
	_ =	sdelay $0x1  }
0x45f: {  	v35 =	vsub.f32 $1.500000000e+00, v35  }
0x460: {  	v31 =	vmul.f32 v31, v14;
	v27 =	vmul.f32 v28, v27  }
0x461: {  	v30 =	vmul.f32 v30, v11;
	v34 =	vmul.f32 v34, v35  }
0x462: {  	v26 =	vmul.f32 v28, v26;
	v24 =	vmul.f32 v28, v24  }
0x463: {  	v25 =	vmul.f32 v28, v25;
	v33 =	vmul.f32 v34, v33  }
0x464: {  	v32 =	vmul.f32 v32, v8;
	v29 =	vmul.f32 v29, v10;
	v31 =	vadd.f32 v31, v15  }
0x465: {  	v27 =	vmul.f32 v27, v1;
	v30 =	vadd.f32 v30, v13;
	v33 =	vmul.f32 v33, v34  }
0x466: {  	v26 =	vmul.f32 v26, v0;
	v24 =	vmul.f32 v24, v6;
	v32 =	vadd.f32 v32, v9  }
0x467: {  	v25 =	vmul.f32 v25, v3;
	v29 =	vadd.f32 v29, v12;
	v33 =	vsub.f32 $1.500000000e+00, v33  }
0x468: {  	v27 =	vadd.f32 v27, v4;
	v26 =	vadd.f32 v26, v2;
	v49 =	vmov s0  }
0x469: {  	[tilespmem:s2+$0xFFFFFF80] =	vst v31;
	v24 =	vadd.f32 v24, v7;
	v17 =	vsub.f32 v17, v49;
	v50 =	vmul.f32 v33, v34  }
0x46a: {  	[tilespmem:s2+$0xFFFFFF90] =	vst v30;
	v25 =	vadd.f32 v25, v5;
	v16 =	vsub.f32 v16, v49  }
0x46b: {  	[tilespmem:s2+$0xFFFFFFB0] =	vst v32;
	v23 =	vsub.f32 v23, v49;
	v18 =	vsub.f32 v18, v49;
	v17 =	vmul.f32 v50, v17  }
0x46c: {  	[tilespmem:s2+$0xFFFFFFA0] =	vst v29;
	v19 =	vsub.f32 v19, v49;
	v20 =	vsub.f32 v20, v49;
	v16 =	vmul.f32 v50, v16  }
0x46d: {  	[tilespmem:s2+$0xFFFFFFC0] =	vst v27;
	v21 =	vsub.f32 v21, v49;
	v18 =	vmul.f32 v50, v18;
	v51 =	vmul.f32 v17, v14  }
0x46e: {  	[tilespmem:s2+$0xFFFFFFD0] =	vst v26;
	v52 =	vsub.f32 v22, v49;
	v19 =	vmul.f32 v50, v19;
	v53 =	vmul.f32 v16, v11  }
0x46f: {  	[tilespmem:s2+$0xFFFFFFE0] =	vst v24;
	v54 =	vmul.f32 v50, v23;
	v55 =	vmul.f32 v18, v10;
	v14 =	vadd.f32 v51, v15  }
0x470: {  	[tilespmem:s2+$0xFFFFFFF0] =	vst v25;
	v57 =	vmul.f32 v50, v20;
	v56 =	vmul.f32 v19, v8;
	v11 =	vadd.f32 v53, v13  }
0x471: {  	v58 =	vmul.f32 v50, v52;
	v59 =	vmul.f32 v54, v6;
	v10 =	vadd.f32 v55, v12;
	[tilespmem:s2+$0x0] =	vst v14  }
0x472: {  	v60 =	vmul.f32 v50, v21;
	v61 =	vmul.f32 v57, v1;
	v8 =	vadd.f32 v56, v9;
	[tilespmem:s2+$0x10] =	vst v11  }
0x473: {  	v62 =	vmul.f32 v58, v3;
	v6 =	vadd.f32 v59, v7;
	[tilespmem:s2+$0x20] =	vst v10  }
0x474: {  	v63 =	vmul.f32 v60, v0;
	v1 =	vadd.f32 v61, v4;
	[tilespmem:s2+$0x30] =	vst v8  }
0x475: {  	v3 =	vadd.f32 v62, v5;
	[tilespmem:s2+$0x60] =	vst v6  }
0x476: {  	v0 =	vadd.f32 v63, v2;
	[tilespmem:s2+$0x40] =	vst v1  }
0x477: {  	[tilespmem:s2+$0x70] =	vst v3  }
0x478: {  	s20 =	rddreg [dreg:$0x8];
	[tilespmem:s2+$0x50] =	vst v0  }
0x479: {  	[hbm4b:s20+s6] =	stream.linear.scatter [tilespmem:s19], [sflag:$0x6], $0x4000, $0x38;
	[tilespmem:$0x11A00] =	vst v63  }
0x47a: {  	_ =	swait.ge [sflag:s30], $0x4000  }
0x47b: {  	[sflag:s30] =	ssyncset.done $0x0  }
0x47c: {  	[sflag:s30] =	ssyncadd.s32 $0xFFFFC000  }
0x47d: {  	_ =	swait.ge [sflag:s31], $0x4000  }
0x47e: {  	[sflag:s31] =	ssyncset.done $0x0  }
0x47f: {  	s3 =	sadd.s32 $0x1, s3;
	[sflag:s31] =	ssyncadd.s32 $0xFFFFC000  }
0x480: {  	p0 =	sne.s32 s3, s13;
	_ =	swait.ge [sflag:s25], $0x4000  }
.Ltmp7:
0x481: {  	[sflag:s25] =	ssyncset.done $0x0;
	(pc) =	sbr.rel @p0 .LBB2_1-.Ltmp7, $4  }
0x482: {  	[sflag:s25] =	ssyncadd.s32 $0xFFFFC000  }
0x483: {  	_ =	swait.ge [sflag:s28], $0x4000  }
0x484: {  	[sflag:s28] =	ssyncset.done $0x0  }
0x485: {  	[sflag:s28] =	ssyncadd.s32 $0xFFFFC000  }
0x486: {  	_ =	sfence.sel $0x180000  }
0x487: {  	[bflag:$0x0] =	sbarrier.arrive $0xFFFF  }
0x488: {  	_ =	strace $0x90000047  }
0x489: {  	s0 =	stileid.u32;
	[bflag:$0x2] =	sbarrier.arrive $0xFFFF  }
0x48a: {  	p0 =	sne.s32 s0, $0x0;
	s0 =	rddreg [dreg:$0x5]  }
0x48b: {  	s0 =	sadd.s32 @!p0 $0x100000, s0  }
0x48c: {  	[sflag:s0] =	ssyncadd.tile.s32 @!p0 $0x1;
	_ =	shalt  }
.Lfunc_end2:
_tile_overlayer_lowered:
.L_overlay_start_2:
0x48d: {  	(tag) =	ssettag $0x2  }
0x48e: {  	s0 =	rddreg [dreg:$0x0];
	s2 =	stileid.u32  }
0x48f: {  	s1 =	rddreg [dreg:$0x1];
	p0 =	sne.s32 s2, $0x0  }
0x490: {  	s3 =	rddreg [dreg:$0x2];
	[bflag:$0x3] =	sbarrier.arrive $0xFFFF;
	s2 =	simm.s32 @!p0 $0x1C09  }
0x491: {  	[timem:s3], [sflag:s2] =	dma.local @!p0 [hbm:s0], s1  }
0x492: {  	s0 =	simm.s32 @!p0 $0x9  }
0x493: {  	_ =	swait.ge @!p0 [sflag:s0], s1  }
0x494: {  	s1 =	ssub.s32 @!p0 $0x0, s1;
	[sflag:s0] =	ssyncset.done @!p0 $0x0  }
0x495: {  	[sflag:s0] =	ssyncadd.s32 @!p0 s1  }
0x496: {  	[bflag:$0x3] =	sbarrier.arrive $0xFFFF  }
0x497: {  	_ =	shalt  }

</sc_bundles>
